<compile_context>
chip_gen: v7x
topology: tpu7x:2x2x1
jax: 0.10.2.dev20260603
libtpu: 0.0.44.dev20260713+nightly
codegen_flags: <defaults>
</compile_context>

<pallas_src>
import functools

import jax
import jax.numpy as jnp
from jax import lax
from jax.experimental import pallas as pl
from jax.experimental.pallas import tpu as pltpu

_N = 5000
_ROWS = 40
_LANE = 128
_NPAD = _ROWS * _LANE
_DH = 256
_NSEL = 15
_THR = 0.2
_IOU = 0.5
_HUMAN = 0


def _body(sx0, sy0, sx1, sy1, sar, ssc, shu, spe,
          ox0, oy0, ox1, oy1, osc,
          out, keep, selh, selo):
    lane = lax.broadcasted_iota(jnp.int32, (1, _LANE), 1)

    def ext(ref, r, c):
        row = ref[pl.ds(r, 1), :]
        z = jnp.zeros_like(row)
        return jnp.sum(jnp.where(lane == c, row, z))

    def put(ref, r, c, val):
        row = ref[pl.ds(r, 1), :]
        ref[pl.ds(r, 1), :] = jnp.where(lane == c, val, row)

    keep[...] = jnp.zeros((_ROWS, _LANE), jnp.float32)
    selh[...] = jnp.zeros((8, _LANE), jnp.int32)
    selo[...] = jnp.zeros((8, _LANE), jnp.int32)

    def cond(c):
        return c[3] == 1

    def body(c):
        t, nh, no, _ = c
        r = lax.shift_right_logical(t, 7)
        cl = jnp.bitwise_and(t, _LANE - 1)
        act = ext(ssc, r, cl) >= _THR
        tx0 = ext(sx0, r, cl)
        ty0 = ext(sy0, r, cl)
        tx1 = ext(sx1, r, cl)
        ty1 = ext(sy1, r, cl)
        ta = ext(sar, r, cl)

        def rowstep(k, s):
            jx0 = sx0[pl.ds(k, 1), :]
            jy0 = sy0[pl.ds(k, 1), :]
            jx1 = sx1[pl.ds(k, 1), :]
            jy1 = sy1[pl.ds(k, 1), :]
            ja = sar[pl.ds(k, 1), :]
            kb = keep[pl.ds(k, 1), :]
            w = jnp.maximum(jnp.minimum(jx1, tx1) - jnp.maximum(jx0, tx0), 0.0)
            h = jnp.maximum(jnp.minimum(jy1, ty1) - jnp.maximum(jy0, ty0), 0.0)
            inter = w * h
            iou = inter / (ta + ja - inter + 1e-9)
            jidx = lane + k * _LANE
            hit = (iou > _IOU) & (kb > 0.5) & (jidx < t)
            return s + jnp.sum(jnp.where(hit, 1.0, 0.0))

        supp = lax.fori_loop(0, r + 1, rowstep, jnp.float32(0.0))
        kept = act & (supp < 0.5)

        @pl.when(kept)
        def _():
            put(keep, r, cl, 1.0)

        ish = ext(shu, r, cl) > 0.5
        pt = ext(spe, r, cl)
        takeh = kept & ish & (nh < _NSEL)
        takeo = kept & (~ish) & (no < _NSEL)

        @pl.when(takeh)
        def _():
            put(selh, 0, nh, pt)

        @pl.when(takeo)
        def _():
            put(selo, 0, no, pt)

        nh2 = nh + jnp.where(takeh, 1, 0)
        no2 = no + jnp.where(takeo, 1, 0)
        t2 = t + 1
        go = jnp.where(
            act & (t2 < _NPAD) & ((nh2 < _NSEL) | (no2 < _NSEL)), 1, 0)
        return (t2, nh2, no2, go)

    _, nh, no, _ = lax.while_loop(
        cond, body,
        (jnp.int32(0), jnp.int32(0), jnp.int32(0), jnp.int32(1)))

    def mk_fill(sel, cnt_valid):
        def fill(o, cnt):
            row = sel[pl.ds(0, 1), :].astype(jnp.float32)
            present = jnp.sum(jnp.where(
                (row == o) & (lane < cnt_valid), 1.0, 0.0)) > 0.5
            take = (~present) & (cnt < _NSEL - cnt_valid)

            @pl.when(take)
            def _():
                put(sel, 0, cnt_valid + cnt, o)

            return cnt + jnp.where(take, 1, 0)
        return fill

    lax.fori_loop(0, 2 * _NSEL, mk_fill(selh, nh), jnp.int32(0))
    lax.fori_loop(0, 2 * _NSEL, mk_fill(selo, no), jnp.int32(0))

    for s in range(2 * _NSEL):
        if s < _NSEL:
            oi = ext(selh, 0, s)
        else:
            oi = ext(selo, 0, s - _NSEL)
        r = lax.shift_right_logical(oi, 7)
        cl = jnp.bitwise_and(oi, _LANE - 1)
        sc = ext(osc, r, cl)
        sig = 1.0 / (1.0 + jnp.exp(-sc))
        vals = (jnp.where(lane == 0, oi.astype(jnp.float32), 0.0)
                + jnp.where(lane == 1, sig, 0.0)
                + jnp.where(lane == 2, ext(ox0, r, cl), 0.0)
                + jnp.where(lane == 3, ext(oy0, r, cl), 0.0)
                + jnp.where(lane == 4, ext(ox1, r, cl), 0.0)
                + jnp.where(lane == 5, ext(oy1, r, cl), 0.0))
        out[pl.ds(s, 1), :] = vals


def _nms_call(*args):
    f32 = jnp.float32
    return pl.pallas_call(
        _body,
        out_shape=jax.ShapeDtypeStruct((2 * _NSEL, _LANE), f32),
        scratch_shapes=[
            pltpu.VMEM((_ROWS, _LANE), f32),
            pltpu.VMEM((8, _LANE), jnp.int32),
            pltpu.VMEM((8, _LANE), jnp.int32),
        ],
    )(*args)


def kernel(boxes, scores, hidden_states, labels):
    f32, i32 = jnp.float32, jnp.int32
    mc = jnp.max(boxes)
    ob = boxes + (labels.astype(f32) * (mc + 1.0))[:, None]
    order = jnp.argsort(-scores)
    sb = ob[order]

    def pad2(x, v):
        return jnp.concatenate(
            [x, jnp.full((_NPAD - _N,), v, x.dtype)]).reshape(_ROWS, _LANE)

    sx0 = pad2(sb[:, 0], 0.0)
    sy0 = pad2(sb[:, 1], 0.0)
    sx1 = pad2(sb[:, 2], 0.0)
    sy1 = pad2(sb[:, 3], 0.0)
    sar = pad2((sb[:, 2] - sb[:, 0]) * (sb[:, 3] - sb[:, 1]), 0.0)
    ssc = pad2(scores[order], -1.0)
    shu = pad2((labels[order] == _HUMAN).astype(i32), 0)
    spe = pad2(order.astype(i32), 0)
    ox0 = pad2(boxes[:, 0], 0.0)
    oy0 = pad2(boxes[:, 1], 0.0)
    ox1 = pad2(boxes[:, 2], 0.0)
    oy1 = pad2(boxes[:, 3], 0.0)
    osc = pad2(scores, 0.0)

    res = _nms_call(sx0, sy0, sx1, sy1, sar, ssc, shu, spe,
                    ox0, oy0, ox1, oy1, osc)
    idx = res[:, 0].astype(i32)
    sig = res[:, 1]
    bx = res[:, 2:6]
    return jnp.concatenate([hidden_states[idx] * sig[:, None], bx], axis=1)

# --- scband reference (transcript-rebuilt; emitter-appended) ---
"""Pipeline reference for scband-upt-32744830664881 (READ-ONLY COPY).

The authoritative reference and input builder live on the scoring server;
editing this copy changes nothing except your own understanding.
"""

import jax, jax.numpy as jnp
import numpy as np

HUMAN_IDX = 0
BOX_SCORE_THRESH = 0.2
NMS_IOU_THRESH = 0.5
MAX_INSTANCES = 15
N = 5000
D_HIDDEN = 256
IMG = 800.0

def box_iou(a, b):
    area_a = (a[:, 2] - a[:, 0]) * (a[:, 3] - a[:, 1])
    area_b = (b[:, 2] - b[:, 0]) * (b[:, 3] - b[:, 1])
    lt = jnp.maximum(a[:, None, :2], b[None, :, :2])
    rb = jnp.minimum(a[:, None, 2:], b[None, :, 2:])
    wh = jnp.clip(rb - lt, 0.0, None)
    inter = wh[..., 0] * wh[..., 1]
    return inter / (area_a[:, None] + area_b[None, :] - inter + 1e-9)

def nms_keep(boxes, scores, iou_thresh):
    n = boxes.shape[0]
    order = jnp.argsort(-scores)
    b = boxes[order]
    iou = box_iou(b, b)
    idxs = jnp.arange(n)
    def body(i, keep):
        supp = jnp.any((iou[i] > iou_thresh) & keep & (idxs < i))
        return keep.at[i].set(jnp.logical_not(supp))
    keep_sorted = jax.lax.fori_loop(0, n, body, jnp.zeros(n, dtype=bool))
    return jnp.zeros(n, dtype=bool).at[order].set(keep_sorted)

def batched_nms_keep(boxes, scores, labels, iou_thresh):
    # torchvision batched_nms trick: offset boxes per class so different classes never overlap
    max_coord = jnp.max(boxes)
    offsets = labels.astype(boxes.dtype) * (max_coord + 1.0)
    return nms_keep(boxes + offsets[:, None], scores, iou_thresh)

def select_indices(keep, scores, labels):
    valid = keep & (scores >= BOX_SCORE_THRESH)
    is_human = labels == HUMAN_IDX
    hum = jnp.where(valid & is_human, scores, -jnp.inf)
    obj = jnp.where(valid & (~is_human), scores, -jnp.inf)
    _, hidx = jax.lax.top_k(hum, MAX_INSTANCES)
    _, oidx = jax.lax.top_k(obj, MAX_INSTANCES)
    return jnp.concatenate([hidx, oidx])

def setup_inputs(seed: int = 0):
    key = jax.random.key(seed)
    k1, k2, k3, k4, k5 = jax.random.split(key, 5)
    cxcy = jax.random.uniform(k1, (N, 2), jnp.float32, 0.0, IMG)
    wh = jax.random.uniform(k2, (N, 2), jnp.float32, 20.0, 200.0)
    boxes = jnp.concatenate([cxcy - wh / 2.0, cxcy + wh / 2.0], axis=1)
    boxes = jnp.clip(boxes, 0.0, IMG)
    scores = jax.random.uniform(k3, (N,), jnp.float32)
    labels = jax.random.randint(k4, (N,), 0, 80)
    hidden_states = jax.random.normal(k5, (N, D_HIDDEN), jnp.float32)
    return {"boxes": boxes, "scores": scores, "hidden_states": hidden_states, "labels": labels}

def reference(boxes, scores, hidden_states, labels):
    keep = batched_nms_keep(boxes, scores, labels, NMS_IOU_THRESH)
    idx = select_indices(keep, scores, labels)
    sel_sc = scores[idx]
    sel_hs = hidden_states[idx]
    sel_bx = boxes[idx]
    out = jnp.concatenate([sel_hs * jax.nn.sigmoid(sel_sc)[:, None], sel_bx], axis=1)
    return out

if __name__ == "__main__":
    import jax
    _d = setup_inputs()
    print(jax.jit(kernel)(*tuple(_d.values())))

</pallas_src>

<mosaic_0001>
module attributes {stable_mosaic.version = 14 : i64} {
  func.func @_body(%arg0: memref<40x128xf32, #tpu.memory_space<vmem>>, %arg1: memref<40x128xf32, #tpu.memory_space<vmem>>, %arg2: memref<40x128xf32, #tpu.memory_space<vmem>>, %arg3: memref<40x128xf32, #tpu.memory_space<vmem>>, %arg4: memref<40x128xf32, #tpu.memory_space<vmem>>, %arg5: memref<40x128xf32, #tpu.memory_space<vmem>>, %arg6: memref<40x128xi32, #tpu.memory_space<vmem>>, %arg7: memref<40x128xi32, #tpu.memory_space<vmem>>, %arg8: memref<40x128xf32, #tpu.memory_space<vmem>>, %arg9: memref<40x128xf32, #tpu.memory_space<vmem>>, %arg10: memref<40x128xf32, #tpu.memory_space<vmem>>, %arg11: memref<40x128xf32, #tpu.memory_space<vmem>>, %arg12: memref<40x128xf32, #tpu.memory_space<vmem>>, %arg13: memref<30x128xf32, #tpu.memory_space<vmem>>, %arg14: memref<40x128xf32, #tpu.memory_space<vmem>>, %arg15: memref<8x128xi32, #tpu.memory_space<vmem>>, %arg16: memref<8x128xi32, #tpu.memory_space<vmem>>) attributes {dimension_semantics = [], scalar_prefetch = 0 : i64, scratch_operands = 3 : i64, tpu.core_type = #tpu.core_type<tc>} {
    %iota3A = tpu.iota {dimensions = array<i32: 1>} : vector<1x128xi32>
    %broadcast_in_dim3A = arith.constant 0.000000e+00 : f32
    %broadcast_in_dim3A_0 = vector.broadcast %broadcast_in_dim3A : f32 to vector<40x128xf32>
    %swap3A = arith.constant 0 : index
    %swap3A_1 = arith.constant 0 : index
    %swap3A_2 = vector.load %arg14[%swap3A, %swap3A_1] : memref<40x128xf32, #tpu.memory_space<vmem>>, vector<40x128xf32>
    tpu.vector_store %arg14[%swap3A, %swap3A_1], %broadcast_in_dim3A_0 {strides = array<i32>} : memref<40x128xf32, #tpu.memory_space<vmem>>, vector<40x128xf32>,
    %broadcast_in_dim3A_3 = arith.constant 0 : i32
    %broadcast_in_dim3A_4 = vector.broadcast %broadcast_in_dim3A_3 : i32 to vector<8x128xi32>
    %swap3A_5 = arith.constant 0 : index
    %swap3A_6 = arith.constant 0 : index
    %swap3A_7 = vector.load %arg15[%swap3A_5, %swap3A_6] : memref<8x128xi32, #tpu.memory_space<vmem>>, vector<8x128xi32>
    tpu.vector_store %arg15[%swap3A_5, %swap3A_6], %broadcast_in_dim3A_4 {strides = array<i32>} : memref<8x128xi32, #tpu.memory_space<vmem>>, vector<8x128xi32>,
    %broadcast_in_dim3A_8 = arith.constant 0 : i32
    %broadcast_in_dim3A_9 = vector.broadcast %broadcast_in_dim3A_8 : i32 to vector<8x128xi32>
    %swap3A_10 = arith.constant 0 : index
    %swap3A_11 = arith.constant 0 : index
    %swap3A_12 = vector.load %arg16[%swap3A_10, %swap3A_11] : memref<8x128xi32, #tpu.memory_space<vmem>>, vector<8x128xi32>
    tpu.vector_store %arg16[%swap3A_10, %swap3A_11], %broadcast_in_dim3A_9 {strides = array<i32>} : memref<8x128xi32, #tpu.memory_space<vmem>>, vector<8x128xi32>,
    %while3A = arith.constant 0 : i32
    %while3A_13 = arith.constant 0 : i32
    %while3A_14 = arith.constant 0 : i32
    %while3A_15 = arith.constant 1 : i32
    %while3A_16:4 = scf.while (%while3A_4248 = %while3A, %while3A_4249 = %while3A_13, %while3A_4250 = %while3A_14, %while3A_4251 = %while3A_15) : (i32, i32, i32, i32) -> (i32, i32, i32, i32) {
      %eq3A_4252 = arith.constant 1 : i32
      %eq3A_4253 = arith.cmpi eq, %while3A_4251, %eq3A_4252 : i32
      scf.condition(%eq3A_4253) %while3A_4248, %while3A_4249, %while3A_4250, %while3A_4251 : i32, i32, i32, i32
    } do {
    ^bb0(%while3A_4248: i32, %while3A_4249: i32, %while3A_4250: i32, %while3A_4251: i32):
      %shift_right_logical3A_4252 = arith.constant 7 : i32
      %shift_right_logical3A_4253 = arith.shrui %while3A_4248, %shift_right_logical3A_4252 : i32
      %and3A_4254 = arith.constant 127 : i32
      %and3A_4255 = arith.andi %while3A_4248, %and3A_4254 : i32
      %get3A_4256 = arith.index_cast %shift_right_logical3A_4253 : i32 to index
      %get3A_4257 = arith.constant 0 : index
      %get3A_4258 = vector.load %arg5[%get3A_4256, %get3A_4257] : memref<40x128xf32, #tpu.memory_space<vmem>>, vector<1x128xf32>
      %broadcast_in_dim3A_4259 = arith.constant 0.000000e+00 : f32
      %broadcast_in_dim3A_4260 = vector.broadcast %broadcast_in_dim3A_4259 : f32 to vector<1x128xf32>
      %eq3A_4261 = vector.broadcast %and3A_4255 : i32 to vector<1x128xi32>
      %eq3A_4262 = arith.cmpi eq, %iota3A, %eq3A_4261 : vector<1x128xi32>
      %select_n3A_4263 = arith.select %eq3A_4262, %get3A_4258, %broadcast_in_dim3A_4260 : vector<1x128xi1>, vector<1x128xf32>
      %reduce_sum3A_4264 = vector.shape_cast %select_n3A_4263 : vector<1x128xf32> to vector<1x1x128xf32>
      %reduce_sum3A_4265 = arith.constant dense<0.000000e+00> : vector<1xf32>
      %reduce_sum3A_4266 = vector.multi_reduction <add>, %reduce_sum3A_4264, %reduce_sum3A_4265 [1, 2] : vector<1x1x128xf32> to vector<1xf32>
      %reduce_sum3A_4267 = vector.shape_cast %reduce_sum3A_4266 : vector<1xf32> to vector<1x1x1xf32>
      %reduce_sum3A_4268 = vector.extract %reduce_sum3A_4267[0, 0, 0] : f32 from vector<1x1x1xf32>
      %ge3A = arith.constant 2.000000e-01 : f32
      %ge3A_4269 = arith.cmpf oge, %reduce_sum3A_4268, %ge3A : f32
      %get3A_4270 = arith.index_cast %shift_right_logical3A_4253 : i32 to index
      %get3A_4271 = arith.constant 0 : index
      %get3A_4272 = vector.load %arg0[%get3A_4270, %get3A_4271] : memref<40x128xf32, #tpu.memory_space<vmem>>, vector<1x128xf32>
      %broadcast_in_dim3A_4273 = arith.constant 0.000000e+00 : f32
      %broadcast_in_dim3A_4274 = vector.broadcast %broadcast_in_dim3A_4273 : f32 to vector<1x128xf32>
      %eq3A_4275 = vector.broadcast %and3A_4255 : i32 to vector<1x128xi32>
      %eq3A_4276 = arith.cmpi eq, %iota3A, %eq3A_4275 : vector<1x128xi32>
      %select_n3A_4277 = arith.select %eq3A_4276, %get3A_4272, %broadcast_in_dim3A_4274 : vector<1x128xi1>, vector<1x128xf32>
      %reduce_sum3A_4278 = vector.shape_cast %select_n3A_4277 : vector<1x128xf32> to vector<1x1x128xf32>
      %reduce_sum3A_4279 = arith.constant dense<0.000000e+00> : vector<1xf32>
      %reduce_sum3A_4280 = vector.multi_reduction <add>, %reduce_sum3A_4278, %reduce_sum3A_4279 [1, 2] : vector<1x1x128xf32> to vector<1xf32>
      %reduce_sum3A_4281 = vector.shape_cast %reduce_sum3A_4280 : vector<1xf32> to vector<1x1x1xf32>
      %reduce_sum3A_4282 = vector.extract %reduce_sum3A_4281[0, 0, 0] : f32 from vector<1x1x1xf32>
      %get3A_4283 = arith.index_cast %shift_right_logical3A_4253 : i32 to index
      %get3A_4284 = arith.constant 0 : index
      %get3A_4285 = vector.load %arg1[%get3A_4283, %get3A_4284] : memref<40x128xf32, #tpu.memory_space<vmem>>, vector<1x128xf32>
      %broadcast_in_dim3A_4286 = arith.constant 0.000000e+00 : f32
      %broadcast_in_dim3A_4287 = vector.broadcast %broadcast_in_dim3A_4286 : f32 to vector<1x128xf32>
      %eq3A_4288 = vector.broadcast %and3A_4255 : i32 to vector<1x128xi32>
      %eq3A_4289 = arith.cmpi eq, %iota3A, %eq3A_4288 : vector<1x128xi32>
      %select_n3A_4290 = arith.select %eq3A_4289, %get3A_4285, %broadcast_in_dim3A_4287 : vector<1x128xi1>, vector<1x128xf32>
      %reduce_sum3A_4291 = vector.shape_cast %select_n3A_4290 : vector<1x128xf32> to vector<1x1x128xf32>
      %reduce_sum3A_4292 = arith.constant dense<0.000000e+00> : vector<1xf32>
      %reduce_sum3A_4293 = vector.multi_reduction <add>, %reduce_sum3A_4291, %reduce_sum3A_4292 [1, 2] : vector<1x1x128xf32> to vector<1xf32>
      %reduce_sum3A_4294 = vector.shape_cast %reduce_sum3A_4293 : vector<1xf32> to vector<1x1x1xf32>
      %reduce_sum3A_4295 = vector.extract %reduce_sum3A_4294[0, 0, 0] : f32 from vector<1x1x1xf32>
      %get3A_4296 = arith.index_cast %shift_right_logical3A_4253 : i32 to index
      %get3A_4297 = arith.constant 0 : index
      %get3A_4298 = vector.load %arg2[%get3A_4296, %get3A_4297] : memref<40x128xf32, #tpu.memory_space<vmem>>, vector<1x128xf32>
      %broadcast_in_dim3A_4299 = arith.constant 0.000000e+00 : f32
      %broadcast_in_dim3A_4300 = vector.broadcast %broadcast_in_dim3A_4299 : f32 to vector<1x128xf32>
      %eq3A_4301 = vector.broadcast %and3A_4255 : i32 to vector<1x128xi32>
      %eq3A_4302 = arith.cmpi eq, %iota3A, %eq3A_4301 : vector<1x128xi32>
      %select_n3A_4303 = arith.select %eq3A_4302, %get3A_4298, %broadcast_in_dim3A_4300 : vector<1x128xi1>, vector<1x128xf32>
      %reduce_sum3A_4304 = vector.shape_cast %select_n3A_4303 : vector<1x128xf32> to vector<1x1x128xf32>
      %reduce_sum3A_4305 = arith.constant dense<0.000000e+00> : vector<1xf32>
      %reduce_sum3A_4306 = vector.multi_reduction <add>, %reduce_sum3A_4304, %reduce_sum3A_4305 [1, 2] : vector<1x1x128xf32> to vector<1xf32>
      %reduce_sum3A_4307 = vector.shape_cast %reduce_sum3A_4306 : vector<1xf32> to vector<1x1x1xf32>
      %reduce_sum3A_4308 = vector.extract %reduce_sum3A_4307[0, 0, 0] : f32 from vector<1x1x1xf32>
      %get3A_4309 = arith.index_cast %shift_right_logical3A_4253 : i32 to index
      %get3A_4310 = arith.constant 0 : index
      %get3A_4311 = vector.load %arg3[%get3A_4309, %get3A_4310] : memref<40x128xf32, #tpu.memory_space<vmem>>, vector<1x128xf32>
      %broadcast_in_dim3A_4312 = arith.constant 0.000000e+00 : f32
      %broadcast_in_dim3A_4313 = vector.broadcast %broadcast_in_dim3A_4312 : f32 to vector<1x128xf32>
      %eq3A_4314 = vector.broadcast %and3A_4255 : i32 to vector<1x128xi32>
      %eq3A_4315 = arith.cmpi eq, %iota3A, %eq3A_4314 : vector<1x128xi32>
      %select_n3A_4316 = arith.select %eq3A_4315, %get3A_4311, %broadcast_in_dim3A_4313 : vector<1x128xi1>, vector<1x128xf32>
      %reduce_sum3A_4317 = vector.shape_cast %select_n3A_4316 : vector<1x128xf32> to vector<1x1x128xf32>
      %reduce_sum3A_4318 = arith.constant dense<0.000000e+00> : vector<1xf32>
      %reduce_sum3A_4319 = vector.multi_reduction <add>, %reduce_sum3A_4317, %reduce_sum3A_4318 [1, 2] : vector<1x1x128xf32> to vector<1xf32>
      %reduce_sum3A_4320 = vector.shape_cast %reduce_sum3A_4319 : vector<1xf32> to vector<1x1x1xf32>
      %reduce_sum3A_4321 = vector.extract %reduce_sum3A_4320[0, 0, 0] : f32 from vector<1x1x1xf32>
      %get3A_4322 = arith.index_cast %shift_right_logical3A_4253 : i32 to index
      %get3A_4323 = arith.constant 0 : index
      %get3A_4324 = vector.load %arg4[%get3A_4322, %get3A_4323] : memref<40x128xf32, #tpu.memory_space<vmem>>, vector<1x128xf32>
      %broadcast_in_dim3A_4325 = arith.constant 0.000000e+00 : f32
      %broadcast_in_dim3A_4326 = vector.broadcast %broadcast_in_dim3A_4325 : f32 to vector<1x128xf32>
      %eq3A_4327 = vector.broadcast %and3A_4255 : i32 to vector<1x128xi32>
      %eq3A_4328 = arith.cmpi eq, %iota3A, %eq3A_4327 : vector<1x128xi32>
      %select_n3A_4329 = arith.select %eq3A_4328, %get3A_4324, %broadcast_in_dim3A_4326 : vector<1x128xi1>, vector<1x128xf32>
      %reduce_sum3A_4330 = vector.shape_cast %select_n3A_4329 : vector<1x128xf32> to vector<1x1x128xf32>
      %reduce_sum3A_4331 = arith.constant dense<0.000000e+00> : vector<1xf32>
      %reduce_sum3A_4332 = vector.multi_reduction <add>, %reduce_sum3A_4330, %reduce_sum3A_4331 [1, 2] : vector<1x1x128xf32> to vector<1xf32>
      %reduce_sum3A_4333 = vector.shape_cast %reduce_sum3A_4332 : vector<1xf32> to vector<1x1x1xf32>
      %reduce_sum3A_4334 = vector.extract %reduce_sum3A_4333[0, 0, 0] : f32 from vector<1x1x1xf32>
      %add3A_4335 = arith.constant 1 : i32
      %add3A_4336 = arith.addi %shift_right_logical3A_4253, %add3A_4335 : i32
      %while3A_4337 = arith.constant 0 : i32
      %while3A_4338 = arith.constant 0.000000e+00 : f32
      %while3A_4339 = arith.subi %add3A_4336, %while3A_4337 : i32
      %while3A_4340 = arith.addi %while3A_4337, %while3A_4339 : i32
      %while3A_4341 = arith.constant 1 : i32
      %while3A_4342 = arith.divsi %while3A_4339, %while3A_4341 : i32
      %while3A_4343 = arith.muli %while3A_4342, %while3A_4341 : i32
      %while3A_4344 = arith.addi %while3A_4337, %while3A_4343 : i32
      %while3A_4345 = arith.constant 1 : i32
      %while3A_4346 = scf.for %while3A_4417 = %while3A_4337 to %while3A_4344 step %while3A_4345 iter_args(%while3A_4418 = %while3A_4338) -> (f32)  : i32 {
        %get3A_4419 = arith.index_cast %while3A_4417 : i32 to index
        %get3A_4420 = arith.constant 0 : index
        %get3A_4421 = vector.load %arg0[%get3A_4419, %get3A_4420] : memref<40x128xf32, #tpu.memory_space<vmem>>, vector<1x128xf32>
        %get3A_4422 = arith.index_cast %while3A_4417 : i32 to index
        %get3A_4423 = arith.constant 0 : index
        %get3A_4424 = vector.load %arg1[%get3A_4422, %get3A_4423] : memref<40x128xf32, #tpu.memory_space<vmem>>, vector<1x128xf32>
        %get3A_4425 = arith.index_cast %while3A_4417 : i32 to index
        %get3A_4426 = arith.constant 0 : index
        %get3A_4427 = vector.load %arg2[%get3A_4425, %get3A_4426] : memref<40x128xf32, #tpu.memory_space<vmem>>, vector<1x128xf32>
        %get3A_4428 = arith.index_cast %while3A_4417 : i32 to index
        %get3A_4429 = arith.constant 0 : index
        %get3A_4430 = vector.load %arg3[%get3A_4428, %get3A_4429] : memref<40x128xf32, #tpu.memory_space<vmem>>, vector<1x128xf32>
        %get3A_4431 = arith.index_cast %while3A_4417 : i32 to index
        %get3A_4432 = arith.constant 0 : index
        %get3A_4433 = vector.load %arg4[%get3A_4431, %get3A_4432] : memref<40x128xf32, #tpu.memory_space<vmem>>, vector<1x128xf32>
        %get3A_4434 = arith.index_cast %while3A_4417 : i32 to index
        %get3A_4435 = arith.constant 0 : index
        %get3A_4436 = vector.load %arg14[%get3A_4434, %get3A_4435] : memref<40x128xf32, #tpu.memory_space<vmem>>, vector<1x128xf32>
        %min3A = vector.broadcast %reduce_sum3A_4308 : f32 to vector<1x128xf32>
        %min3A_4437 = arith.minimumf %get3A_4427, %min3A : vector<1x128xf32>
        %max3A = vector.broadcast %reduce_sum3A_4282 : f32 to vector<1x128xf32>
        %max3A_4438 = arith.maximumf %get3A_4421, %max3A : vector<1x128xf32>
        %sub3A = arith.subf %min3A_4437, %max3A_4438 : vector<1x128xf32>
        %max3A_4439 = arith.constant 0.000000e+00 : f32
        %max3A_4440 = vector.broadcast %max3A_4439 : f32 to vector<1x128xf32>
        %max3A_4441 = arith.maximumf %sub3A, %max3A_4440 : vector<1x128xf32>
        %min3A_4442 = vector.broadcast %reduce_sum3A_4321 : f32 to vector<1x128xf32>
        %min3A_4443 = arith.minimumf %get3A_4430, %min3A_4442 : vector<1x128xf32>
        %max3A_4444 = vector.broadcast %reduce_sum3A_4295 : f32 to vector<1x128xf32>
        %max3A_4445 = arith.maximumf %get3A_4424, %max3A_4444 : vector<1x128xf32>
        %sub3A_4446 = arith.subf %min3A_4443, %max3A_4445 : vector<1x128xf32>
        %max3A_4447 = arith.constant 0.000000e+00 : f32
        %max3A_4448 = vector.broadcast %max3A_4447 : f32 to vector<1x128xf32>
        %max3A_4449 = arith.maximumf %sub3A_4446, %max3A_4448 : vector<1x128xf32>
        %mul3A = arith.mulf %max3A_4441, %max3A_4449 : vector<1x128xf32>
        %add3A_4450 = vector.broadcast %reduce_sum3A_4334 : f32 to vector<1x128xf32>
        %add3A_4451 = arith.addf %add3A_4450, %get3A_4433 : vector<1x128xf32>
        %sub3A_4452 = arith.subf %add3A_4451, %mul3A : vector<1x128xf32>
        %add3A_4453 = arith.constant 9.99999971E-10 : f32
        %add3A_4454 = vector.broadcast %add3A_4453 : f32 to vector<1x128xf32>
        %add3A_4455 = arith.addf %sub3A_4452, %add3A_4454 : vector<1x128xf32>
        %div3A_4456 = arith.divf %mul3A, %add3A_4455 : vector<1x128xf32>
        %mul3A_4457 = arith.constant 128 : i32
        %mul3A_4458 = arith.muli %while3A_4417, %mul3A_4457 : i32
        %add3A_4459 = vector.broadcast %mul3A_4458 : i32 to vector<1x128xi32>
        %add3A_4460 = arith.addi %iota3A, %add3A_4459 : vector<1x128xi32>
        %gt3A_4461 = arith.constant 5.000000e-01 : f32
        %gt3A_4462 = vector.broadcast %gt3A_4461 : f32 to vector<1x128xf32>
        %gt3A_4463 = arith.cmpf ogt, %div3A_4456, %gt3A_4462 : vector<1x128xf32>
        %gt3A_4464 = arith.constant 5.000000e-01 : f32
        %gt3A_4465 = vector.broadcast %gt3A_4464 : f32 to vector<1x128xf32>
        %gt3A_4466 = arith.cmpf ogt, %get3A_4436, %gt3A_4465 : vector<1x128xf32>
        %and3A_4467 = arith.andi %gt3A_4463, %gt3A_4466 : vector<1x128xi1>
        %lt3A_4468 = vector.broadcast %while3A_4248 : i32 to vector<1x128xi32>
        %lt3A_4469 = arith.cmpi slt, %add3A_4460, %lt3A_4468 : vector<1x128xi32>
        %and3A_4470 = arith.andi %and3A_4467, %lt3A_4469 : vector<1x128xi1>
        %jit3A_4471 = arith.constant 1.000000e+00 : f32
        %jit3A_4472 = arith.constant 0.000000e+00 : f32
        %broadcast_in_dim3A_4473 = vector.broadcast %jit3A_4471 : f32 to vector<1x128xf32>
        %broadcast_in_dim3A_4474 = vector.broadcast %jit3A_4472 : f32 to vector<1x128xf32>
        %select_n3A_4475 = arith.select %and3A_4470, %broadcast_in_dim3A_4473, %broadcast_in_dim3A_4474 : vector<1x128xi1>, vector<1x128xf32>
        %reduce_sum3A_4476 = vector.shape_cast %select_n3A_4475 : vector<1x128xf32> to vector<1x1x128xf32>
        %reduce_sum3A_4477 = arith.constant dense<0.000000e+00> : vector<1xf32>
        %reduce_sum3A_4478 = vector.multi_reduction <add>, %reduce_sum3A_4476, %reduce_sum3A_4477 [1, 2] : vector<1x1x128xf32> to vector<1xf32>
        %reduce_sum3A_4479 = vector.shape_cast %reduce_sum3A_4478 : vector<1xf32> to vector<1x1x1xf32>
        %reduce_sum3A_4480 = vector.extract %reduce_sum3A_4479[0, 0, 0] : f32 from vector<1x1x1xf32>
        %add3A_4481 = arith.addf %while3A_4418, %reduce_sum3A_4480 : f32
        scf.yield %add3A_4481 : f32
      }
      %while3A_4347 = arith.constant 1 : i32
      %while3A_4348 = scf.for %while3A_4417 = %while3A_4344 to %while3A_4340 step %while3A_4347 iter_args(%while3A_4418 = %while3A_4346) -> (f32)  : i32 {
        %get3A_4419 = arith.index_cast %while3A_4417 : i32 to index
        %get3A_4420 = arith.constant 0 : index
        %get3A_4421 = vector.load %arg0[%get3A_4419, %get3A_4420] : memref<40x128xf32, #tpu.memory_space<vmem>>, vector<1x128xf32>
        %get3A_4422 = arith.index_cast %while3A_4417 : i32 to index
        %get3A_4423 = arith.constant 0 : index
        %get3A_4424 = vector.load %arg1[%get3A_4422, %get3A_4423] : memref<40x128xf32, #tpu.memory_space<vmem>>, vector<1x128xf32>
        %get3A_4425 = arith.index_cast %while3A_4417 : i32 to index
        %get3A_4426 = arith.constant 0 : index
        %get3A_4427 = vector.load %arg2[%get3A_4425, %get3A_4426] : memref<40x128xf32, #tpu.memory_space<vmem>>, vector<1x128xf32>
        %get3A_4428 = arith.index_cast %while3A_4417 : i32 to index
        %get3A_4429 = arith.constant 0 : index
        %get3A_4430 = vector.load %arg3[%get3A_4428, %get3A_4429] : memref<40x128xf32, #tpu.memory_space<vmem>>, vector<1x128xf32>
        %get3A_4431 = arith.index_cast %while3A_4417 : i32 to index
        %get3A_4432 = arith.constant 0 : index
        %get3A_4433 = vector.load %arg4[%get3A_4431, %get3A_4432] : memref<40x128xf32, #tpu.memory_space<vmem>>, vector<1x128xf32>
        %get3A_4434 = arith.index_cast %while3A_4417 : i32 to index
        %get3A_4435 = arith.constant 0 : index
        %get3A_4436 = vector.load %arg14[%get3A_4434, %get3A_4435] : memref<40x128xf32, #tpu.memory_space<vmem>>, vector<1x128xf32>
        %min3A = vector.broadcast %reduce_sum3A_4308 : f32 to vector<1x128xf32>
        %min3A_4437 = arith.minimumf %get3A_4427, %min3A : vector<1x128xf32>
        %max3A = vector.broadcast %reduce_sum3A_4282 : f32 to vector<1x128xf32>
        %max3A_4438 = arith.maximumf %get3A_4421, %max3A : vector<1x128xf32>
        %sub3A = arith.subf %min3A_4437, %max3A_4438 : vector<1x128xf32>
        %max3A_4439 = arith.constant 0.000000e+00 : f32
        %max3A_4440 = vector.broadcast %max3A_4439 : f32 to vector<1x128xf32>
        %max3A_4441 = arith.maximumf %sub3A, %max3A_4440 : vector<1x128xf32>
        %min3A_4442 = vector.broadcast %reduce_sum3A_4321 : f32 to vector<1x128xf32>
        %min3A_4443 = arith.minimumf %get3A_4430, %min3A_4442 : vector<1x128xf32>
        %max3A_4444 = vector.broadcast %reduce_sum3A_4295 : f32 to vector<1x128xf32>
        %max3A_4445 = arith.maximumf %get3A_4424, %max3A_4444 : vector<1x128xf32>
        %sub3A_4446 = arith.subf %min3A_4443, %max3A_4445 : vector<1x128xf32>
        %max3A_4447 = arith.constant 0.000000e+00 : f32
        %max3A_4448 = vector.broadcast %max3A_4447 : f32 to vector<1x128xf32>
        %max3A_4449 = arith.maximumf %sub3A_4446, %max3A_4448 : vector<1x128xf32>
        %mul3A = arith.mulf %max3A_4441, %max3A_4449 : vector<1x128xf32>
        %add3A_4450 = vector.broadcast %reduce_sum3A_4334 : f32 to vector<1x128xf32>
        %add3A_4451 = arith.addf %add3A_4450, %get3A_4433 : vector<1x128xf32>
        %sub3A_4452 = arith.subf %add3A_4451, %mul3A : vector<1x128xf32>
        %add3A_4453 = arith.constant 9.99999971E-10 : f32
        %add3A_4454 = vector.broadcast %add3A_4453 : f32 to vector<1x128xf32>
        %add3A_4455 = arith.addf %sub3A_4452, %add3A_4454 : vector<1x128xf32>
        %div3A_4456 = arith.divf %mul3A, %add3A_4455 : vector<1x128xf32>
        %mul3A_4457 = arith.constant 128 : i32
        %mul3A_4458 = arith.muli %while3A_4417, %mul3A_4457 : i32
        %add3A_4459 = vector.broadcast %mul3A_4458 : i32 to vector<1x128xi32>
        %add3A_4460 = arith.addi %iota3A, %add3A_4459 : vector<1x128xi32>
        %gt3A_4461 = arith.constant 5.000000e-01 : f32
        %gt3A_4462 = vector.broadcast %gt3A_4461 : f32 to vector<1x128xf32>
        %gt3A_4463 = arith.cmpf ogt, %div3A_4456, %gt3A_4462 : vector<1x128xf32>
        %gt3A_4464 = arith.constant 5.000000e-01 : f32
        %gt3A_4465 = vector.broadcast %gt3A_4464 : f32 to vector<1x128xf32>
        %gt3A_4466 = arith.cmpf ogt, %get3A_4436, %gt3A_4465 : vector<1x128xf32>
        %and3A_4467 = arith.andi %gt3A_4463, %gt3A_4466 : vector<1x128xi1>
        %lt3A_4468 = vector.broadcast %while3A_4248 : i32 to vector<1x128xi32>
        %lt3A_4469 = arith.cmpi slt, %add3A_4460, %lt3A_4468 : vector<1x128xi32>
        %and3A_4470 = arith.andi %and3A_4467, %lt3A_4469 : vector<1x128xi1>
        %jit3A_4471 = arith.constant 1.000000e+00 : f32
        %jit3A_4472 = arith.constant 0.000000e+00 : f32
        %broadcast_in_dim3A_4473 = vector.broadcast %jit3A_4471 : f32 to vector<1x128xf32>
        %broadcast_in_dim3A_4474 = vector.broadcast %jit3A_4472 : f32 to vector<1x128xf32>
        %select_n3A_4475 = arith.select %and3A_4470, %broadcast_in_dim3A_4473, %broadcast_in_dim3A_4474 : vector<1x128xi1>, vector<1x128xf32>
        %reduce_sum3A_4476 = vector.shape_cast %select_n3A_4475 : vector<1x128xf32> to vector<1x1x128xf32>
        %reduce_sum3A_4477 = arith.constant dense<0.000000e+00> : vector<1xf32>
        %reduce_sum3A_4478 = vector.multi_reduction <add>, %reduce_sum3A_4476, %reduce_sum3A_4477 [1, 2] : vector<1x1x128xf32> to vector<1xf32>
        %reduce_sum3A_4479 = vector.shape_cast %reduce_sum3A_4478 : vector<1xf32> to vector<1x1x1xf32>
        %reduce_sum3A_4480 = vector.extract %reduce_sum3A_4479[0, 0, 0] : f32 from vector<1x1x1xf32>
        %add3A_4481 = arith.addf %while3A_4418, %reduce_sum3A_4480 : f32
        scf.yield %add3A_4481 : f32
      }
      %lt3A = arith.constant 5.000000e-01 : f32
      %lt3A_4349 = arith.cmpf olt, %while3A_4348, %lt3A : f32
      %and3A_4350 = arith.andi %ge3A_4269, %lt3A_4349 : i1
      %convert_element_type3A_4351 = arith.extui %and3A_4350 : i1 to i32
      %cond3A = arith.constant 0 : i32
      %cond3A_4352 = arith.cmpi ne, %convert_element_type3A_4351, %cond3A : i32
      scf.if %cond3A_4352 {
        %get3A_4417 = arith.index_cast %shift_right_logical3A_4253 : i32 to index
        %get3A_4418 = arith.constant 0 : index
        %get3A_4419 = vector.load %arg14[%get3A_4417, %get3A_4418] : memref<40x128xf32, #tpu.memory_space<vmem>>, vector<1x128xf32>
        %eq3A_4420 = vector.broadcast %and3A_4255 : i32 to vector<1x128xi32>
        %eq3A_4421 = arith.cmpi eq, %iota3A, %eq3A_4420 : vector<1x128xi32>
        %jit3A_4422 = arith.constant 1.000000e+00 : f32
        %broadcast_in_dim3A_4423 = vector.broadcast %jit3A_4422 : f32 to vector<1x128xf32>
        %select_n3A_4424 = arith.select %eq3A_4421, %broadcast_in_dim3A_4423, %get3A_4419 : vector<1x128xi1>, vector<1x128xf32>
        %swap3A_4425 = arith.index_cast %shift_right_logical3A_4253 : i32 to index
        %swap3A_4426 = arith.constant 0 : index
        %swap3A_4427 = vector.load %arg14[%swap3A_4425, %swap3A_4426] : memref<40x128xf32, #tpu.memory_space<vmem>>, vector<1x128xf32>
        tpu.vector_store %arg14[%swap3A_4425, %swap3A_4426], %select_n3A_4424 {strides = array<i32>} : memref<40x128xf32, #tpu.memory_space<vmem>>, vector<1x128xf32>,
      } else {
      }
      %get3A_4353 = arith.index_cast %shift_right_logical3A_4253 : i32 to index
      %get3A_4354 = arith.constant 0 : index
      %get3A_4355 = vector.load %arg6[%get3A_4353, %get3A_4354] : memref<40x128xi32, #tpu.memory_space<vmem>>, vector<1x128xi32>
      %broadcast_in_dim3A_4356 = arith.constant 0 : i32
      %broadcast_in_dim3A_4357 = vector.broadcast %broadcast_in_dim3A_4356 : i32 to vector<1x128xi32>
      %eq3A_4358 = vector.broadcast %and3A_4255 : i32 to vector<1x128xi32>
      %eq3A_4359 = arith.cmpi eq, %iota3A, %eq3A_4358 : vector<1x128xi32>
      %select_n3A_4360 = arith.select %eq3A_4359, %get3A_4355, %broadcast_in_dim3A_4357 : vector<1x128xi1>, vector<1x128xi32>
      %reduce_sum3A_4361 = vector.shape_cast %select_n3A_4360 : vector<1x128xi32> to vector<1x1x128xi32>
      %reduce_sum3A_4362 = arith.constant dense<0> : vector<1xi32>
      %reduce_sum3A_4363 = vector.multi_reduction <add>, %reduce_sum3A_4361, %reduce_sum3A_4362 [1, 2] : vector<1x1x128xi32> to vector<1xi32>
      %reduce_sum3A_4364 = vector.shape_cast %reduce_sum3A_4363 : vector<1xi32> to vector<1x1x1xi32>
      %reduce_sum3A_4365 = vector.extract %reduce_sum3A_4364[0, 0, 0] : i32 from vector<1x1x1xi32>
      %convert_element_type3A_4366 = arith.sitofp %reduce_sum3A_4365 : i32 to f32
      %gt3A = arith.constant 5.000000e-01 : f32
      %gt3A_4367 = arith.cmpf ogt, %convert_element_type3A_4366, %gt3A : f32
      %get3A_4368 = arith.index_cast %shift_right_logical3A_4253 : i32 to index
      %get3A_4369 = arith.constant 0 : index
      %get3A_4370 = vector.load %arg7[%get3A_4368, %get3A_4369] : memref<40x128xi32, #tpu.memory_space<vmem>>, vector<1x128xi32>
      %broadcast_in_dim3A_4371 = arith.constant 0 : i32
      %broadcast_in_dim3A_4372 = vector.broadcast %broadcast_in_dim3A_4371 : i32 to vector<1x128xi32>
      %eq3A_4373 = vector.broadcast %and3A_4255 : i32 to vector<1x128xi32>
      %eq3A_4374 = arith.cmpi eq, %iota3A, %eq3A_4373 : vector<1x128xi32>
      %select_n3A_4375 = arith.select %eq3A_4374, %get3A_4370, %broadcast_in_dim3A_4372 : vector<1x128xi1>, vector<1x128xi32>
      %reduce_sum3A_4376 = vector.shape_cast %select_n3A_4375 : vector<1x128xi32> to vector<1x1x128xi32>
      %reduce_sum3A_4377 = arith.constant dense<0> : vector<1xi32>
      %reduce_sum3A_4378 = vector.multi_reduction <add>, %reduce_sum3A_4376, %reduce_sum3A_4377 [1, 2] : vector<1x1x128xi32> to vector<1xi32>
      %reduce_sum3A_4379 = vector.shape_cast %reduce_sum3A_4378 : vector<1xi32> to vector<1x1x1xi32>
      %reduce_sum3A_4380 = vector.extract %reduce_sum3A_4379[0, 0, 0] : i32 from vector<1x1x1xi32>
      %and3A_4381 = arith.andi %and3A_4350, %gt3A_4367 : i1
      %lt3A_4382 = arith.constant 15 : i32
      %lt3A_4383 = arith.cmpi slt, %while3A_4249, %lt3A_4382 : i32
      %and3A_4384 = arith.andi %and3A_4381, %lt3A_4383 : i1
      %not3A = arith.constant true
      %not3A_4385 = arith.xori %gt3A_4367, %not3A : i1
      %and3A_4386 = arith.andi %and3A_4350, %not3A_4385 : i1
      %lt3A_4387 = arith.constant 15 : i32
      %lt3A_4388 = arith.cmpi slt, %while3A_4250, %lt3A_4387 : i32
      %and3A_4389 = arith.andi %and3A_4386, %lt3A_4388 : i1
      %convert_element_type3A_4390 = arith.extui %and3A_4384 : i1 to i32
      %cond3A_4391 = arith.constant 0 : i32
      %cond3A_4392 = arith.cmpi ne, %convert_element_type3A_4390, %cond3A_4391 : i32
      scf.if %cond3A_4392 {
        %get3A_4417 = arith.constant 0 : index
        %get3A_4418 = arith.constant 0 : index
        %get3A_4419 = vector.load %arg15[%get3A_4417, %get3A_4418] : memref<8x128xi32, #tpu.memory_space<vmem>>, vector<1x128xi32>
        %eq3A_4420 = vector.broadcast %while3A_4249 : i32 to vector<1x128xi32>
        %eq3A_4421 = arith.cmpi eq, %iota3A, %eq3A_4420 : vector<1x128xi32>
        %broadcast_in_dim3A_4422 = vector.broadcast %reduce_sum3A_4380 : i32 to vector<1x128xi32>
        %select_n3A_4423 = arith.select %eq3A_4421, %broadcast_in_dim3A_4422, %get3A_4419 : vector<1x128xi1>, vector<1x128xi32>
        %swap3A_4424 = arith.constant 0 : index
        %swap3A_4425 = arith.constant 0 : index
        %swap3A_4426 = vector.load %arg15[%swap3A_4424, %swap3A_4425] : memref<8x128xi32, #tpu.memory_space<vmem>>, vector<1x128xi32>
        tpu.vector_store %arg15[%swap3A_4424, %swap3A_4425], %select_n3A_4423 {strides = array<i32>} : memref<8x128xi32, #tpu.memory_space<vmem>>, vector<1x128xi32>,
      } else {
      }
      %convert_element_type3A_4393 = arith.extui %and3A_4389 : i1 to i32
      %cond3A_4394 = arith.constant 0 : i32
      %cond3A_4395 = arith.cmpi ne, %convert_element_type3A_4393, %cond3A_4394 : i32
      scf.if %cond3A_4395 {
        %get3A_4417 = arith.constant 0 : index
        %get3A_4418 = arith.constant 0 : index
        %get3A_4419 = vector.load %arg16[%get3A_4417, %get3A_4418] : memref<8x128xi32, #tpu.memory_space<vmem>>, vector<1x128xi32>
        %eq3A_4420 = vector.broadcast %while3A_4250 : i32 to vector<1x128xi32>
        %eq3A_4421 = arith.cmpi eq, %iota3A, %eq3A_4420 : vector<1x128xi32>
        %broadcast_in_dim3A_4422 = vector.broadcast %reduce_sum3A_4380 : i32 to vector<1x128xi32>
        %select_n3A_4423 = arith.select %eq3A_4421, %broadcast_in_dim3A_4422, %get3A_4419 : vector<1x128xi1>, vector<1x128xi32>
        %swap3A_4424 = arith.constant 0 : index
        %swap3A_4425 = arith.constant 0 : index
        %swap3A_4426 = vector.load %arg16[%swap3A_4424, %swap3A_4425] : memref<8x128xi32, #tpu.memory_space<vmem>>, vector<1x128xi32>
        tpu.vector_store %arg16[%swap3A_4424, %swap3A_4425], %select_n3A_4423 {strides = array<i32>} : memref<8x128xi32, #tpu.memory_space<vmem>>, vector<1x128xi32>,
      } else {
      }
      %jit3A_4396 = arith.constant 1 : i32
      %jit3A_4397 = arith.constant 0 : i32
      %select_n3A_4398 = arith.select %and3A_4384, %jit3A_4396, %jit3A_4397 : i32
      %add3A_4399 = arith.addi %while3A_4249, %select_n3A_4398 : i32
      %jit3A_4400 = arith.constant 1 : i32
      %jit3A_4401 = arith.constant 0 : i32
      %select_n3A_4402 = arith.select %and3A_4389, %jit3A_4400, %jit3A_4401 : i32
      %add3A_4403 = arith.addi %while3A_4250, %select_n3A_4402 : i32
      %add3A_4404 = arith.constant 1 : i32
      %add3A_4405 = arith.addi %while3A_4248, %add3A_4404 : i32
      %lt3A_4406 = arith.constant 5120 : i32
      %lt3A_4407 = arith.cmpi slt, %add3A_4405, %lt3A_4406 : i32
      %and3A_4408 = arith.andi %ge3A_4269, %lt3A_4407 : i1
      %lt3A_4409 = arith.constant 15 : i32
      %lt3A_4410 = arith.cmpi slt, %add3A_4399, %lt3A_4409 : i32
      %lt3A_4411 = arith.constant 15 : i32
      %lt3A_4412 = arith.cmpi slt, %add3A_4403, %lt3A_4411 : i32
      %or3A = arith.ori %lt3A_4410, %lt3A_4412 : i1
      %and3A_4413 = arith.andi %and3A_4408, %or3A : i1
      %jit3A_4414 = arith.constant 1 : i32
      %jit3A_4415 = arith.constant 0 : i32
      %select_n3A_4416 = arith.select %and3A_4413, %jit3A_4414, %jit3A_4415 : i32
      scf.yield %add3A_4405, %add3A_4399, %add3A_4403, %select_n3A_4416 : i32, i32, i32, i32
    }
    %scan3A = arith.constant 0 : i32
    %scan3A_17 = arith.constant 0 : i32
    %scan3A_18 = arith.constant 30 : i32
    %scan3A_19 = arith.addi %scan3A_17, %scan3A_18 : i32
    %scan3A_20 = arith.constant 1 : i32
    %scan3A_21 = scf.for %scan3A_4248 = %scan3A_17 to %scan3A_19 step %scan3A_20 iter_args(%scan3A_4249 = %scan3A) -> (i32)  : i32 {
      %get3A_4250 = arith.constant 0 : index
      %get3A_4251 = arith.constant 0 : index
      %get3A_4252 = vector.load %arg15[%get3A_4250, %get3A_4251] : memref<8x128xi32, #tpu.memory_space<vmem>>, vector<1x128xi32>
      %convert_element_type3A_4253 = arith.sitofp %get3A_4252 : vector<1x128xi32> to vector<1x128xf32>
      %convert_element_type3A_4254 = arith.sitofp %scan3A_4248 : i32 to f32
      %eq3A_4255 = vector.broadcast %convert_element_type3A_4254 : f32 to vector<1x128xf32>
      %eq3A_4256 = arith.cmpf oeq, %convert_element_type3A_4253, %eq3A_4255 : vector<1x128xf32>
      %lt3A = vector.broadcast %while3A_16#1 : i32 to vector<1x128xi32>
      %lt3A_4257 = arith.cmpi slt, %iota3A, %lt3A : vector<1x128xi32>
      %and3A_4258 = arith.andi %eq3A_4256, %lt3A_4257 : vector<1x128xi1>
      %jit3A_4259 = arith.constant 1.000000e+00 : f32
      %jit3A_4260 = arith.constant 0.000000e+00 : f32
      %broadcast_in_dim3A_4261 = vector.broadcast %jit3A_4259 : f32 to vector<1x128xf32>
      %broadcast_in_dim3A_4262 = vector.broadcast %jit3A_4260 : f32 to vector<1x128xf32>
      %select_n3A_4263 = arith.select %and3A_4258, %broadcast_in_dim3A_4261, %broadcast_in_dim3A_4262 : vector<1x128xi1>, vector<1x128xf32>
      %reduce_sum3A_4264 = vector.shape_cast %select_n3A_4263 : vector<1x128xf32> to vector<1x1x128xf32>
      %reduce_sum3A_4265 = arith.constant dense<0.000000e+00> : vector<1xf32>
      %reduce_sum3A_4266 = vector.multi_reduction <add>, %reduce_sum3A_4264, %reduce_sum3A_4265 [1, 2] : vector<1x1x128xf32> to vector<1xf32>
      %reduce_sum3A_4267 = vector.shape_cast %reduce_sum3A_4266 : vector<1xf32> to vector<1x1x1xf32>
      %reduce_sum3A_4268 = vector.extract %reduce_sum3A_4267[0, 0, 0] : f32 from vector<1x1x1xf32>
      %gt3A = arith.constant 5.000000e-01 : f32
      %gt3A_4269 = arith.cmpf ogt, %reduce_sum3A_4268, %gt3A : f32
      %not3A = arith.constant true
      %not3A_4270 = arith.xori %gt3A_4269, %not3A : i1
      %sub3A = arith.constant 15 : i32
      %sub3A_4271 = arith.subi %sub3A, %while3A_16#1 : i32
      %lt3A_4272 = arith.cmpi slt, %scan3A_4249, %sub3A_4271 : i32
      %and3A_4273 = arith.andi %not3A_4270, %lt3A_4272 : i1
      %convert_element_type3A_4274 = arith.extui %and3A_4273 : i1 to i32
      %cond3A = arith.constant 0 : i32
      %cond3A_4275 = arith.cmpi ne, %convert_element_type3A_4274, %cond3A : i32
      scf.if %cond3A_4275 {
        %add3A_4280 = arith.addi %while3A_16#1, %scan3A_4249 : i32
        %get3A_4281 = arith.constant 0 : index
        %get3A_4282 = arith.constant 0 : index
        %get3A_4283 = vector.load %arg15[%get3A_4281, %get3A_4282] : memref<8x128xi32, #tpu.memory_space<vmem>>, vector<1x128xi32>
        %eq3A_4284 = vector.broadcast %add3A_4280 : i32 to vector<1x128xi32>
        %eq3A_4285 = arith.cmpi eq, %iota3A, %eq3A_4284 : vector<1x128xi32>
        %broadcast_in_dim3A_4286 = vector.broadcast %scan3A_4248 : i32 to vector<1x128xi32>
        %select_n3A_4287 = arith.select %eq3A_4285, %broadcast_in_dim3A_4286, %get3A_4283 : vector<1x128xi1>, vector<1x128xi32>
        %swap3A_4288 = arith.constant 0 : index
        %swap3A_4289 = arith.constant 0 : index
        %swap3A_4290 = vector.load %arg15[%swap3A_4288, %swap3A_4289] : memref<8x128xi32, #tpu.memory_space<vmem>>, vector<1x128xi32>
        tpu.vector_store %arg15[%swap3A_4288, %swap3A_4289], %select_n3A_4287 {strides = array<i32>} : memref<8x128xi32, #tpu.memory_space<vmem>>, vector<1x128xi32>,
      } else {
      }
      %jit3A_4276 = arith.constant 1 : i32
      %jit3A_4277 = arith.constant 0 : i32
      %select_n3A_4278 = arith.select %and3A_4273, %jit3A_4276, %jit3A_4277 : i32
      %add3A_4279 = arith.addi %scan3A_4249, %select_n3A_4278 : i32
      scf.yield %add3A_4279 : i32
    }
    %scan3A_22 = arith.constant 30 : i32
    %scan3A_23 = arith.constant 0 : i32
    %scan3A_24 = arith.constant 0 : i32
    %scan3A_25 = arith.constant 30 : i32
    %scan3A_26 = arith.addi %scan3A_24, %scan3A_25 : i32
    %scan3A_27 = arith.constant 1 : i32
    %scan3A_28 = scf.for %scan3A_4248 = %scan3A_24 to %scan3A_26 step %scan3A_27 iter_args(%scan3A_4249 = %scan3A_23) -> (i32)  : i32 {
      %get3A_4250 = arith.constant 0 : index
      %get3A_4251 = arith.constant 0 : index
      %get3A_4252 = vector.load %arg16[%get3A_4250, %get3A_4251] : memref<8x128xi32, #tpu.memory_space<vmem>>, vector<1x128xi32>
      %convert_element_type3A_4253 = arith.sitofp %get3A_4252 : vector<1x128xi32> to vector<1x128xf32>
      %convert_element_type3A_4254 = arith.sitofp %scan3A_4248 : i32 to f32
      %eq3A_4255 = vector.broadcast %convert_element_type3A_4254 : f32 to vector<1x128xf32>
      %eq3A_4256 = arith.cmpf oeq, %convert_element_type3A_4253, %eq3A_4255 : vector<1x128xf32>
      %lt3A = vector.broadcast %while3A_16#2 : i32 to vector<1x128xi32>
      %lt3A_4257 = arith.cmpi slt, %iota3A, %lt3A : vector<1x128xi32>
      %and3A_4258 = arith.andi %eq3A_4256, %lt3A_4257 : vector<1x128xi1>
      %jit3A_4259 = arith.constant 1.000000e+00 : f32
      %jit3A_4260 = arith.constant 0.000000e+00 : f32
      %broadcast_in_dim3A_4261 = vector.broadcast %jit3A_4259 : f32 to vector<1x128xf32>
      %broadcast_in_dim3A_4262 = vector.broadcast %jit3A_4260 : f32 to vector<1x128xf32>
      %select_n3A_4263 = arith.select %and3A_4258, %broadcast_in_dim3A_4261, %broadcast_in_dim3A_4262 : vector<1x128xi1>, vector<1x128xf32>
      %reduce_sum3A_4264 = vector.shape_cast %select_n3A_4263 : vector<1x128xf32> to vector<1x1x128xf32>
      %reduce_sum3A_4265 = arith.constant dense<0.000000e+00> : vector<1xf32>
      %reduce_sum3A_4266 = vector.multi_reduction <add>, %reduce_sum3A_4264, %reduce_sum3A_4265 [1, 2] : vector<1x1x128xf32> to vector<1xf32>
      %reduce_sum3A_4267 = vector.shape_cast %reduce_sum3A_4266 : vector<1xf32> to vector<1x1x1xf32>
      %reduce_sum3A_4268 = vector.extract %reduce_sum3A_4267[0, 0, 0] : f32 from vector<1x1x1xf32>
      %gt3A = arith.constant 5.000000e-01 : f32
      %gt3A_4269 = arith.cmpf ogt, %reduce_sum3A_4268, %gt3A : f32
      %not3A = arith.constant true
      %not3A_4270 = arith.xori %gt3A_4269, %not3A : i1
      %sub3A = arith.constant 15 : i32
      %sub3A_4271 = arith.subi %sub3A, %while3A_16#2 : i32
      %lt3A_4272 = arith.cmpi slt, %scan3A_4249, %sub3A_4271 : i32
      %and3A_4273 = arith.andi %not3A_4270, %lt3A_4272 : i1
      %convert_element_type3A_4274 = arith.extui %and3A_4273 : i1 to i32
      %cond3A = arith.constant 0 : i32
      %cond3A_4275 = arith.cmpi ne, %convert_element_type3A_4274, %cond3A : i32
      scf.if %cond3A_4275 {
        %add3A_4280 = arith.addi %while3A_16#2, %scan3A_4249 : i32
        %get3A_4281 = arith.constant 0 : index
        %get3A_4282 = arith.constant 0 : index
        %get3A_4283 = vector.load %arg16[%get3A_4281, %get3A_4282] : memref<8x128xi32, #tpu.memory_space<vmem>>, vector<1x128xi32>
        %eq3A_4284 = vector.broadcast %add3A_4280 : i32 to vector<1x128xi32>
        %eq3A_4285 = arith.cmpi eq, %iota3A, %eq3A_4284 : vector<1x128xi32>
        %broadcast_in_dim3A_4286 = vector.broadcast %scan3A_4248 : i32 to vector<1x128xi32>
        %select_n3A_4287 = arith.select %eq3A_4285, %broadcast_in_dim3A_4286, %get3A_4283 : vector<1x128xi1>, vector<1x128xi32>
        %swap3A_4288 = arith.constant 0 : index
        %swap3A_4289 = arith.constant 0 : index
        %swap3A_4290 = vector.load %arg16[%swap3A_4288, %swap3A_4289] : memref<8x128xi32, #tpu.memory_space<vmem>>, vector<1x128xi32>
        tpu.vector_store %arg16[%swap3A_4288, %swap3A_4289], %select_n3A_4287 {strides = array<i32>} : memref<8x128xi32, #tpu.memory_space<vmem>>, vector<1x128xi32>,
      } else {
      }
      %jit3A_4276 = arith.constant 1 : i32
      %jit3A_4277 = arith.constant 0 : i32
      %select_n3A_4278 = arith.select %and3A_4273, %jit3A_4276, %jit3A_4277 : i32
      %add3A_4279 = arith.addi %scan3A_4249, %select_n3A_4278 : i32
      scf.yield %add3A_4279 : i32
    }
    %scan3A_29 = arith.constant 30 : i32
    %get3A = arith.constant 0 : index
    %get3A_30 = arith.constant 0 : index
    %get3A_31 = vector.load %arg15[%get3A, %get3A_30] : memref<8x128xi32, #tpu.memory_space<vmem>>, vector<1x128xi32>
    %broadcast_in_dim3A_32 = arith.constant 0 : i32
    %broadcast_in_dim3A_33 = vector.broadcast %broadcast_in_dim3A_32 : i32 to vector<1x128xi32>
    %eq3A = arith.constant 0 : i32
    %eq3A_34 = vector.broadcast %eq3A : i32 to vector<1x128xi32>
    %eq3A_35 = arith.cmpi eq, %iota3A, %eq3A_34 : vector<1x128xi32>
    %select_n3A = arith.select %eq3A_35, %get3A_31, %broadcast_in_dim3A_33 : vector<1x128xi1>, vector<1x128xi32>
    %reduce_sum3A = vector.shape_cast %select_n3A : vector<1x128xi32> to vector<1x1x128xi32>
    %reduce_sum3A_36 = arith.constant dense<0> : vector<1xi32>
    %reduce_sum3A_37 = vector.multi_reduction <add>, %reduce_sum3A, %reduce_sum3A_36 [1, 2] : vector<1x1x128xi32> to vector<1xi32>
    %reduce_sum3A_38 = vector.shape_cast %reduce_sum3A_37 : vector<1xi32> to vector<1x1x1xi32>
    %reduce_sum3A_39 = vector.extract %reduce_sum3A_38[0, 0, 0] : i32 from vector<1x1x1xi32>
    %shift_right_logical3A = arith.constant 7 : i32
    %shift_right_logical3A_40 = arith.shrui %reduce_sum3A_39, %shift_right_logical3A : i32
    %and3A = arith.constant 127 : i32
    %and3A_41 = arith.andi %reduce_sum3A_39, %and3A : i32
    %get3A_42 = arith.index_cast %shift_right_logical3A_40 : i32 to index
    %get3A_43 = arith.constant 0 : index
    %get3A_44 = vector.load %arg12[%get3A_42, %get3A_43] : memref<40x128xf32, #tpu.memory_space<vmem>>, vector<1x128xf32>
    %broadcast_in_dim3A_45 = arith.constant 0.000000e+00 : f32
    %broadcast_in_dim3A_46 = vector.broadcast %broadcast_in_dim3A_45 : f32 to vector<1x128xf32>
    %eq3A_47 = vector.broadcast %and3A_41 : i32 to vector<1x128xi32>
    %eq3A_48 = arith.cmpi eq, %iota3A, %eq3A_47 : vector<1x128xi32>
    %select_n3A_49 = arith.select %eq3A_48, %get3A_44, %broadcast_in_dim3A_46 : vector<1x128xi1>, vector<1x128xf32>
    %reduce_sum3A_50 = vector.shape_cast %select_n3A_49 : vector<1x128xf32> to vector<1x1x128xf32>
    %reduce_sum3A_51 = arith.constant dense<0.000000e+00> : vector<1xf32>
    %reduce_sum3A_52 = vector.multi_reduction <add>, %reduce_sum3A_50, %reduce_sum3A_51 [1, 2] : vector<1x1x128xf32> to vector<1xf32>
    %reduce_sum3A_53 = vector.shape_cast %reduce_sum3A_52 : vector<1xf32> to vector<1x1x1xf32>
    %reduce_sum3A_54 = vector.extract %reduce_sum3A_53[0, 0, 0] : f32 from vector<1x1x1xf32>
    %neg3A = arith.constant 0.000000e+00 : f32
    %neg3A_55 = arith.subf %neg3A, %reduce_sum3A_54 : f32
    %exp3A = math.exp %neg3A_55 : f32
    %add3A = arith.constant 1.000000e+00 : f32
    %add3A_56 = arith.addf %add3A, %exp3A : f32
    %div3A = arith.constant 1.000000e+00 : f32
    %div3A_57 = arith.divf %div3A, %add3A_56 : f32
    %eq3A_58 = arith.constant 0 : i32
    %eq3A_59 = vector.broadcast %eq3A_58 : i32 to vector<1x128xi32>
    %eq3A_60 = arith.cmpi eq, %iota3A, %eq3A_59 : vector<1x128xi32>
    %convert_element_type3A = arith.sitofp %reduce_sum3A_39 : i32 to f32
    %jit3A = arith.constant 0.000000e+00 : f32
    %broadcast_in_dim3A_61 = vector.broadcast %convert_element_type3A : f32 to vector<1x128xf32>
    %broadcast_in_dim3A_62 = vector.broadcast %jit3A : f32 to vector<1x128xf32>
    %select_n3A_63 = arith.select %eq3A_60, %broadcast_in_dim3A_61, %broadcast_in_dim3A_62 : vector<1x128xi1>, vector<1x128xf32>
    %eq3A_64 = arith.constant 1 : i32
    %eq3A_65 = vector.broadcast %eq3A_64 : i32 to vector<1x128xi32>
    %eq3A_66 = arith.cmpi eq, %iota3A, %eq3A_65 : vector<1x128xi32>
    %jit3A_67 = arith.constant 0.000000e+00 : f32
    %broadcast_in_dim3A_68 = vector.broadcast %div3A_57 : f32 to vector<1x128xf32>
    %broadcast_in_dim3A_69 = vector.broadcast %jit3A_67 : f32 to vector<1x128xf32>
    %select_n3A_70 = arith.select %eq3A_66, %broadcast_in_dim3A_68, %broadcast_in_dim3A_69 : vector<1x128xi1>, vector<1x128xf32>
    %add3A_71 = arith.addf %select_n3A_63, %select_n3A_70 : vector<1x128xf32>
    %eq3A_72 = arith.constant 2 : i32
    %eq3A_73 = vector.broadcast %eq3A_72 : i32 to vector<1x128xi32>
    %eq3A_74 = arith.cmpi eq, %iota3A, %eq3A_73 : vector<1x128xi32>
    %get3A_75 = arith.index_cast %shift_right_logical3A_40 : i32 to index
    %get3A_76 = arith.constant 0 : index
    %get3A_77 = vector.load %arg8[%get3A_75, %get3A_76] : memref<40x128xf32, #tpu.memory_space<vmem>>, vector<1x128xf32>
    %broadcast_in_dim3A_78 = arith.constant 0.000000e+00 : f32
    %broadcast_in_dim3A_79 = vector.broadcast %broadcast_in_dim3A_78 : f32 to vector<1x128xf32>
    %eq3A_80 = vector.broadcast %and3A_41 : i32 to vector<1x128xi32>
    %eq3A_81 = arith.cmpi eq, %iota3A, %eq3A_80 : vector<1x128xi32>
    %select_n3A_82 = arith.select %eq3A_81, %get3A_77, %broadcast_in_dim3A_79 : vector<1x128xi1>, vector<1x128xf32>
    %reduce_sum3A_83 = vector.shape_cast %select_n3A_82 : vector<1x128xf32> to vector<1x1x128xf32>
    %reduce_sum3A_84 = arith.constant dense<0.000000e+00> : vector<1xf32>
    %reduce_sum3A_85 = vector.multi_reduction <add>, %reduce_sum3A_83, %reduce_sum3A_84 [1, 2] : vector<1x1x128xf32> to vector<1xf32>
    %reduce_sum3A_86 = vector.shape_cast %reduce_sum3A_85 : vector<1xf32> to vector<1x1x1xf32>
    %reduce_sum3A_87 = vector.extract %reduce_sum3A_86[0, 0, 0] : f32 from vector<1x1x1xf32>
    %jit3A_88 = arith.constant 0.000000e+00 : f32
    %broadcast_in_dim3A_89 = vector.broadcast %reduce_sum3A_87 : f32 to vector<1x128xf32>
    %broadcast_in_dim3A_90 = vector.broadcast %jit3A_88 : f32 to vector<1x128xf32>
    %select_n3A_91 = arith.select %eq3A_74, %broadcast_in_dim3A_89, %broadcast_in_dim3A_90 : vector<1x128xi1>, vector<1x128xf32>
    %add3A_92 = arith.addf %add3A_71, %select_n3A_91 : vector<1x128xf32>
    %eq3A_93 = arith.constant 3 : i32
    %eq3A_94 = vector.broadcast %eq3A_93 : i32 to vector<1x128xi32>
    %eq3A_95 = arith.cmpi eq, %iota3A, %eq3A_94 : vector<1x128xi32>
    %get3A_96 = arith.index_cast %shift_right_logical3A_40 : i32 to index
    %get3A_97 = arith.constant 0 : index
    %get3A_98 = vector.load %arg9[%get3A_96, %get3A_97] : memref<40x128xf32, #tpu.memory_space<vmem>>, vector<1x128xf32>
    %broadcast_in_dim3A_99 = arith.constant 0.000000e+00 : f32
    %broadcast_in_dim3A_100 = vector.broadcast %broadcast_in_dim3A_99 : f32 to vector<1x128xf32>
    %eq3A_101 = vector.broadcast %and3A_41 : i32 to vector<1x128xi32>
    %eq3A_102 = arith.cmpi eq, %iota3A, %eq3A_101 : vector<1x128xi32>
    %select_n3A_103 = arith.select %eq3A_102, %get3A_98, %broadcast_in_dim3A_100 : vector<1x128xi1>, vector<1x128xf32>
    %reduce_sum3A_104 = vector.shape_cast %select_n3A_103 : vector<1x128xf32> to vector<1x1x128xf32>
    %reduce_sum3A_105 = arith.constant dense<0.000000e+00> : vector<1xf32>
    %reduce_sum3A_106 = vector.multi_reduction <add>, %reduce_sum3A_104, %reduce_sum3A_105 [1, 2] : vector<1x1x128xf32> to vector<1xf32>
    %reduce_sum3A_107 = vector.shape_cast %reduce_sum3A_106 : vector<1xf32> to vector<1x1x1xf32>
    %reduce_sum3A_108 = vector.extract %reduce_sum3A_107[0, 0, 0] : f32 from vector<1x1x1xf32>
    %jit3A_109 = arith.constant 0.000000e+00 : f32
    %broadcast_in_dim3A_110 = vector.broadcast %reduce_sum3A_108 : f32 to vector<1x128xf32>
    %broadcast_in_dim3A_111 = vector.broadcast %jit3A_109 : f32 to vector<1x128xf32>
    %select_n3A_112 = arith.select %eq3A_95, %broadcast_in_dim3A_110, %broadcast_in_dim3A_111 : vector<1x128xi1>, vector<1x128xf32>
    %add3A_113 = arith.addf %add3A_92, %select_n3A_112 : vector<1x128xf32>
    %eq3A_114 = arith.constant 4 : i32
    %eq3A_115 = vector.broadcast %eq3A_114 : i32 to vector<1x128xi32>
    %eq3A_116 = arith.cmpi eq, %iota3A, %eq3A_115 : vector<1x128xi32>
    %get3A_117 = arith.index_cast %shift_right_logical3A_40 : i32 to index
    %get3A_118 = arith.constant 0 : index
    %get3A_119 = vector.load %arg10[%get3A_117, %get3A_118] : memref<40x128xf32, #tpu.memory_space<vmem>>, vector<1x128xf32>
    %broadcast_in_dim3A_120 = arith.constant 0.000000e+00 : f32
    %broadcast_in_dim3A_121 = vector.broadcast %broadcast_in_dim3A_120 : f32 to vector<1x128xf32>
    %eq3A_122 = vector.broadcast %and3A_41 : i32 to vector<1x128xi32>
    %eq3A_123 = arith.cmpi eq, %iota3A, %eq3A_122 : vector<1x128xi32>
    %select_n3A_124 = arith.select %eq3A_123, %get3A_119, %broadcast_in_dim3A_121 : vector<1x128xi1>, vector<1x128xf32>
    %reduce_sum3A_125 = vector.shape_cast %select_n3A_124 : vector<1x128xf32> to vector<1x1x128xf32>
    %reduce_sum3A_126 = arith.constant dense<0.000000e+00> : vector<1xf32>
    %reduce_sum3A_127 = vector.multi_reduction <add>, %reduce_sum3A_125, %reduce_sum3A_126 [1, 2] : vector<1x1x128xf32> to vector<1xf32>
    %reduce_sum3A_128 = vector.shape_cast %reduce_sum3A_127 : vector<1xf32> to vector<1x1x1xf32>
    %reduce_sum3A_129 = vector.extract %reduce_sum3A_128[0, 0, 0] : f32 from vector<1x1x1xf32>
    %jit3A_130 = arith.constant 0.000000e+00 : f32
    %broadcast_in_dim3A_131 = vector.broadcast %reduce_sum3A_129 : f32 to vector<1x128xf32>
    %broadcast_in_dim3A_132 = vector.broadcast %jit3A_130 : f32 to vector<1x128xf32>
    %select_n3A_133 = arith.select %eq3A_116, %broadcast_in_dim3A_131, %broadcast_in_dim3A_132 : vector<1x128xi1>, vector<1x128xf32>
    %add3A_134 = arith.addf %add3A_113, %select_n3A_133 : vector<1x128xf32>
    %eq3A_135 = arith.constant 5 : i32
    %eq3A_136 = vector.broadcast %eq3A_135 : i32 to vector<1x128xi32>
    %eq3A_137 = arith.cmpi eq, %iota3A, %eq3A_136 : vector<1x128xi32>
    %get3A_138 = arith.index_cast %shift_right_logical3A_40 : i32 to index
    %get3A_139 = arith.constant 0 : index
    %get3A_140 = vector.load %arg11[%get3A_138, %get3A_139] : memref<40x128xf32, #tpu.memory_space<vmem>>, vector<1x128xf32>
    %broadcast_in_dim3A_141 = arith.constant 0.000000e+00 : f32
    %broadcast_in_dim3A_142 = vector.broadcast %broadcast_in_dim3A_141 : f32 to vector<1x128xf32>
    %eq3A_143 = vector.broadcast %and3A_41 : i32 to vector<1x128xi32>
    %eq3A_144 = arith.cmpi eq, %iota3A, %eq3A_143 : vector<1x128xi32>
    %select_n3A_145 = arith.select %eq3A_144, %get3A_140, %broadcast_in_dim3A_142 : vector<1x128xi1>, vector<1x128xf32>
    %reduce_sum3A_146 = vector.shape_cast %select_n3A_145 : vector<1x128xf32> to vector<1x1x128xf32>
    %reduce_sum3A_147 = arith.constant dense<0.000000e+00> : vector<1xf32>
    %reduce_sum3A_148 = vector.multi_reduction <add>, %reduce_sum3A_146, %reduce_sum3A_147 [1, 2] : vector<1x1x128xf32> to vector<1xf32>
    %reduce_sum3A_149 = vector.shape_cast %reduce_sum3A_148 : vector<1xf32> to vector<1x1x1xf32>
    %reduce_sum3A_150 = vector.extract %reduce_sum3A_149[0, 0, 0] : f32 from vector<1x1x1xf32>
    %jit3A_151 = arith.constant 0.000000e+00 : f32
    %broadcast_in_dim3A_152 = vector.broadcast %reduce_sum3A_150 : f32 to vector<1x128xf32>
    %broadcast_in_dim3A_153 = vector.broadcast %jit3A_151 : f32 to vector<1x128xf32>
    %select_n3A_154 = arith.select %eq3A_137, %broadcast_in_dim3A_152, %broadcast_in_dim3A_153 : vector<1x128xi1>, vector<1x128xf32>
    %add3A_155 = arith.addf %add3A_134, %select_n3A_154 : vector<1x128xf32>
    %swap3A_156 = arith.constant 0 : index
    %swap3A_157 = arith.constant 0 : index
    %swap3A_158 = vector.load %arg13[%swap3A_156, %swap3A_157] : memref<30x128xf32, #tpu.memory_space<vmem>>, vector<1x128xf32>
    tpu.vector_store %arg13[%swap3A_156, %swap3A_157], %add3A_155 {strides = array<i32>} : memref<30x128xf32, #tpu.memory_space<vmem>>, vector<1x128xf32>,
    %get3A_159 = arith.constant 0 : index
    %get3A_160 = arith.constant 0 : index
    %get3A_161 = vector.load %arg15[%get3A_159, %get3A_160] : memref<8x128xi32, #tpu.memory_space<vmem>>, vector<1x128xi32>
    %broadcast_in_dim3A_162 = arith.constant 0 : i32
    %broadcast_in_dim3A_163 = vector.broadcast %broadcast_in_dim3A_162 : i32 to vector<1x128xi32>
    %eq3A_164 = arith.constant 1 : i32
    %eq3A_165 = vector.broadcast %eq3A_164 : i32 to vector<1x128xi32>
    %eq3A_166 = arith.cmpi eq, %iota3A, %eq3A_165 : vector<1x128xi32>
    %select_n3A_167 = arith.select %eq3A_166, %get3A_161, %broadcast_in_dim3A_163 : vector<1x128xi1>, vector<1x128xi32>
    %reduce_sum3A_168 = vector.shape_cast %select_n3A_167 : vector<1x128xi32> to vector<1x1x128xi32>
    %reduce_sum3A_169 = arith.constant dense<0> : vector<1xi32>
    %reduce_sum3A_170 = vector.multi_reduction <add>, %reduce_sum3A_168, %reduce_sum3A_169 [1, 2] : vector<1x1x128xi32> to vector<1xi32>
    %reduce_sum3A_171 = vector.shape_cast %reduce_sum3A_170 : vector<1xi32> to vector<1x1x1xi32>
    %reduce_sum3A_172 = vector.extract %reduce_sum3A_171[0, 0, 0] : i32 from vector<1x1x1xi32>
    %shift_right_logical3A_173 = arith.constant 7 : i32
    %shift_right_logical3A_174 = arith.shrui %reduce_sum3A_172, %shift_right_logical3A_173 : i32
    %and3A_175 = arith.constant 127 : i32
    %and3A_176 = arith.andi %reduce_sum3A_172, %and3A_175 : i32
    %get3A_177 = arith.index_cast %shift_right_logical3A_174 : i32 to index
    %get3A_178 = arith.constant 0 : index
    %get3A_179 = vector.load %arg12[%get3A_177, %get3A_178] : memref<40x128xf32, #tpu.memory_space<vmem>>, vector<1x128xf32>
    %broadcast_in_dim3A_180 = arith.constant 0.000000e+00 : f32
    %broadcast_in_dim3A_181 = vector.broadcast %broadcast_in_dim3A_180 : f32 to vector<1x128xf32>
    %eq3A_182 = vector.broadcast %and3A_176 : i32 to vector<1x128xi32>
    %eq3A_183 = arith.cmpi eq, %iota3A, %eq3A_182 : vector<1x128xi32>
    %select_n3A_184 = arith.select %eq3A_183, %get3A_179, %broadcast_in_dim3A_181 : vector<1x128xi1>, vector<1x128xf32>
    %reduce_sum3A_185 = vector.shape_cast %select_n3A_184 : vector<1x128xf32> to vector<1x1x128xf32>
    %reduce_sum3A_186 = arith.constant dense<0.000000e+00> : vector<1xf32>
    %reduce_sum3A_187 = vector.multi_reduction <add>, %reduce_sum3A_185, %reduce_sum3A_186 [1, 2] : vector<1x1x128xf32> to vector<1xf32>
    %reduce_sum3A_188 = vector.shape_cast %reduce_sum3A_187 : vector<1xf32> to vector<1x1x1xf32>
    %reduce_sum3A_189 = vector.extract %reduce_sum3A_188[0, 0, 0] : f32 from vector<1x1x1xf32>
    %neg3A_190 = arith.constant 0.000000e+00 : f32
    %neg3A_191 = arith.subf %neg3A_190, %reduce_sum3A_189 : f32
    %exp3A_192 = math.exp %neg3A_191 : f32
    %add3A_193 = arith.constant 1.000000e+00 : f32
    %add3A_194 = arith.addf %add3A_193, %exp3A_192 : f32
    %div3A_195 = arith.constant 1.000000e+00 : f32
    %div3A_196 = arith.divf %div3A_195, %add3A_194 : f32
    %eq3A_197 = arith.constant 0 : i32
    %eq3A_198 = vector.broadcast %eq3A_197 : i32 to vector<1x128xi32>
    %eq3A_199 = arith.cmpi eq, %iota3A, %eq3A_198 : vector<1x128xi32>
    %convert_element_type3A_200 = arith.sitofp %reduce_sum3A_172 : i32 to f32
    %jit3A_201 = arith.constant 0.000000e+00 : f32
    %broadcast_in_dim3A_202 = vector.broadcast %convert_element_type3A_200 : f32 to vector<1x128xf32>
    %broadcast_in_dim3A_203 = vector.broadcast %jit3A_201 : f32 to vector<1x128xf32>
    %select_n3A_204 = arith.select %eq3A_199, %broadcast_in_dim3A_202, %broadcast_in_dim3A_203 : vector<1x128xi1>, vector<1x128xf32>
    %eq3A_205 = arith.constant 1 : i32
    %eq3A_206 = vector.broadcast %eq3A_205 : i32 to vector<1x128xi32>
    %eq3A_207 = arith.cmpi eq, %iota3A, %eq3A_206 : vector<1x128xi32>
    %jit3A_208 = arith.constant 0.000000e+00 : f32
    %broadcast_in_dim3A_209 = vector.broadcast %div3A_196 : f32 to vector<1x128xf32>
    %broadcast_in_dim3A_210 = vector.broadcast %jit3A_208 : f32 to vector<1x128xf32>
    %select_n3A_211 = arith.select %eq3A_207, %broadcast_in_dim3A_209, %broadcast_in_dim3A_210 : vector<1x128xi1>, vector<1x128xf32>
    %add3A_212 = arith.addf %select_n3A_204, %select_n3A_211 : vector<1x128xf32>
    %eq3A_213 = arith.constant 2 : i32
    %eq3A_214 = vector.broadcast %eq3A_213 : i32 to vector<1x128xi32>
    %eq3A_215 = arith.cmpi eq, %iota3A, %eq3A_214 : vector<1x128xi32>
    %get3A_216 = arith.index_cast %shift_right_logical3A_174 : i32 to index
    %get3A_217 = arith.constant 0 : index
    %get3A_218 = vector.load %arg8[%get3A_216, %get3A_217] : memref<40x128xf32, #tpu.memory_space<vmem>>, vector<1x128xf32>
    %broadcast_in_dim3A_219 = arith.constant 0.000000e+00 : f32
    %broadcast_in_dim3A_220 = vector.broadcast %broadcast_in_dim3A_219 : f32 to vector<1x128xf32>
    %eq3A_221 = vector.broadcast %and3A_176 : i32 to vector<1x128xi32>
    %eq3A_222 = arith.cmpi eq, %iota3A, %eq3A_221 : vector<1x128xi32>
    %select_n3A_223 = arith.select %eq3A_222, %get3A_218, %broadcast_in_dim3A_220 : vector<1x128xi1>, vector<1x128xf32>
    %reduce_sum3A_224 = vector.shape_cast %select_n3A_223 : vector<1x128xf32> to vector<1x1x128xf32>
    %reduce_sum3A_225 = arith.constant dense<0.000000e+00> : vector<1xf32>
    %reduce_sum3A_226 = vector.multi_reduction <add>, %reduce_sum3A_224, %reduce_sum3A_225 [1, 2] : vector<1x1x128xf32> to vector<1xf32>
    %reduce_sum3A_227 = vector.shape_cast %reduce_sum3A_226 : vector<1xf32> to vector<1x1x1xf32>
    %reduce_sum3A_228 = vector.extract %reduce_sum3A_227[0, 0, 0] : f32 from vector<1x1x1xf32>
    %jit3A_229 = arith.constant 0.000000e+00 : f32
    %broadcast_in_dim3A_230 = vector.broadcast %reduce_sum3A_228 : f32 to vector<1x128xf32>
    %broadcast_in_dim3A_231 = vector.broadcast %jit3A_229 : f32 to vector<1x128xf32>
    %select_n3A_232 = arith.select %eq3A_215, %broadcast_in_dim3A_230, %broadcast_in_dim3A_231 : vector<1x128xi1>, vector<1x128xf32>
    %add3A_233 = arith.addf %add3A_212, %select_n3A_232 : vector<1x128xf32>
    %eq3A_234 = arith.constant 3 : i32
    %eq3A_235 = vector.broadcast %eq3A_234 : i32 to vector<1x128xi32>
    %eq3A_236 = arith.cmpi eq, %iota3A, %eq3A_235 : vector<1x128xi32>
    %get3A_237 = arith.index_cast %shift_right_logical3A_174 : i32 to index
    %get3A_238 = arith.constant 0 : index
    %get3A_239 = vector.load %arg9[%get3A_237, %get3A_238] : memref<40x128xf32, #tpu.memory_space<vmem>>, vector<1x128xf32>
    %broadcast_in_dim3A_240 = arith.constant 0.000000e+00 : f32
    %broadcast_in_dim3A_241 = vector.broadcast %broadcast_in_dim3A_240 : f32 to vector<1x128xf32>
    %eq3A_242 = vector.broadcast %and3A_176 : i32 to vector<1x128xi32>
    %eq3A_243 = arith.cmpi eq, %iota3A, %eq3A_242 : vector<1x128xi32>
    %select_n3A_244 = arith.select %eq3A_243, %get3A_239, %broadcast_in_dim3A_241 : vector<1x128xi1>, vector<1x128xf32>
    %reduce_sum3A_245 = vector.shape_cast %select_n3A_244 : vector<1x128xf32> to vector<1x1x128xf32>
    %reduce_sum3A_246 = arith.constant dense<0.000000e+00> : vector<1xf32>
    %reduce_sum3A_247 = vector.multi_reduction <add>, %reduce_sum3A_245, %reduce_sum3A_246 [1, 2] : vector<1x1x128xf32> to vector<1xf32>
    %reduce_sum3A_248 = vector.shape_cast %reduce_sum3A_247 : vector<1xf32> to vector<1x1x1xf32>
    %reduce_sum3A_249 = vector.extract %reduce_sum3A_248[0, 0, 0] : f32 from vector<1x1x1xf32>
    %jit3A_250 = arith.constant 0.000000e+00 : f32
    %broadcast_in_dim3A_251 = vector.broadcast %reduce_sum3A_249 : f32 to vector<1x128xf32>
    %broadcast_in_dim3A_252 = vector.broadcast %jit3A_250 : f32 to vector<1x128xf32>
    %select_n3A_253 = arith.select %eq3A_236, %broadcast_in_dim3A_251, %broadcast_in_dim3A_252 : vector<1x128xi1>, vector<1x128xf32>
    %add3A_254 = arith.addf %add3A_233, %select_n3A_253 : vector<1x128xf32>
    %eq3A_255 = arith.constant 4 : i32
    %eq3A_256 = vector.broadcast %eq3A_255 : i32 to vector<1x128xi32>
    %eq3A_257 = arith.cmpi eq, %iota3A, %eq3A_256 : vector<1x128xi32>
    %get3A_258 = arith.index_cast %shift_right_logical3A_174 : i32 to index
    %get3A_259 = arith.constant 0 : index
    %get3A_260 = vector.load %arg10[%get3A_258, %get3A_259] : memref<40x128xf32, #tpu.memory_space<vmem>>, vector<1x128xf32>
    %broadcast_in_dim3A_261 = arith.constant 0.000000e+00 : f32
    %broadcast_in_dim3A_262 = vector.broadcast %broadcast_in_dim3A_261 : f32 to vector<1x128xf32>
    %eq3A_263 = vector.broadcast %and3A_176 : i32 to vector<1x128xi32>
    %eq3A_264 = arith.cmpi eq, %iota3A, %eq3A_263 : vector<1x128xi32>
    %select_n3A_265 = arith.select %eq3A_264, %get3A_260, %broadcast_in_dim3A_262 : vector<1x128xi1>, vector<1x128xf32>
    %reduce_sum3A_266 = vector.shape_cast %select_n3A_265 : vector<1x128xf32> to vector<1x1x128xf32>
    %reduce_sum3A_267 = arith.constant dense<0.000000e+00> : vector<1xf32>
    %reduce_sum3A_268 = vector.multi_reduction <add>, %reduce_sum3A_266, %reduce_sum3A_267 [1, 2] : vector<1x1x128xf32> to vector<1xf32>
    %reduce_sum3A_269 = vector.shape_cast %reduce_sum3A_268 : vector<1xf32> to vector<1x1x1xf32>
    %reduce_sum3A_270 = vector.extract %reduce_sum3A_269[0, 0, 0] : f32 from vector<1x1x1xf32>
    %jit3A_271 = arith.constant 0.000000e+00 : f32
    %broadcast_in_dim3A_272 = vector.broadcast %reduce_sum3A_270 : f32 to vector<1x128xf32>
    %broadcast_in_dim3A_273 = vector.broadcast %jit3A_271 : f32 to vector<1x128xf32>
    %select_n3A_274 = arith.select %eq3A_257, %broadcast_in_dim3A_272, %broadcast_in_dim3A_273 : vector<1x128xi1>, vector<1x128xf32>
    %add3A_275 = arith.addf %add3A_254, %select_n3A_274 : vector<1x128xf32>
    %eq3A_276 = arith.constant 5 : i32
    %eq3A_277 = vector.broadcast %eq3A_276 : i32 to vector<1x128xi32>
    %eq3A_278 = arith.cmpi eq, %iota3A, %eq3A_277 : vector<1x128xi32>
    %get3A_279 = arith.index_cast %shift_right_logical3A_174 : i32 to index
    %get3A_280 = arith.constant 0 : index
    %get3A_281 = vector.load %arg11[%get3A_279, %get3A_280] : memref<40x128xf32, #tpu.memory_space<vmem>>, vector<1x128xf32>
    %broadcast_in_dim3A_282 = arith.constant 0.000000e+00 : f32
    %broadcast_in_dim3A_283 = vector.broadcast %broadcast_in_dim3A_282 : f32 to vector<1x128xf32>
    %eq3A_284 = vector.broadcast %and3A_176 : i32 to vector<1x128xi32>
    %eq3A_285 = arith.cmpi eq, %iota3A, %eq3A_284 : vector<1x128xi32>
    %select_n3A_286 = arith.select %eq3A_285, %get3A_281, %broadcast_in_dim3A_283 : vector<1x128xi1>, vector<1x128xf32>
    %reduce_sum3A_287 = vector.shape_cast %select_n3A_286 : vector<1x128xf32> to vector<1x1x128xf32>
    %reduce_sum3A_288 = arith.constant dense<0.000000e+00> : vector<1xf32>
    %reduce_sum3A_289 = vector.multi_reduction <add>, %reduce_sum3A_287, %reduce_sum3A_288 [1, 2] : vector<1x1x128xf32> to vector<1xf32>
    %reduce_sum3A_290 = vector.shape_cast %reduce_sum3A_289 : vector<1xf32> to vector<1x1x1xf32>
    %reduce_sum3A_291 = vector.extract %reduce_sum3A_290[0, 0, 0] : f32 from vector<1x1x1xf32>
    %jit3A_292 = arith.constant 0.000000e+00 : f32
    %broadcast_in_dim3A_293 = vector.broadcast %reduce_sum3A_291 : f32 to vector<1x128xf32>
    %broadcast_in_dim3A_294 = vector.broadcast %jit3A_292 : f32 to vector<1x128xf32>
    %select_n3A_295 = arith.select %eq3A_278, %broadcast_in_dim3A_293, %broadcast_in_dim3A_294 : vector<1x128xi1>, vector<1x128xf32>
    %add3A_296 = arith.addf %add3A_275, %select_n3A_295 : vector<1x128xf32>
    %swap3A_297 = arith.constant 1 : index
    %swap3A_298 = arith.constant 0 : index
    %swap3A_299 = vector.load %arg13[%swap3A_297, %swap3A_298] : memref<30x128xf32, #tpu.memory_space<vmem>>, vector<1x128xf32>
    tpu.vector_store %arg13[%swap3A_297, %swap3A_298], %add3A_296 {strides = array<i32>} : memref<30x128xf32, #tpu.memory_space<vmem>>, vector<1x128xf32>,
    %get3A_300 = arith.constant 0 : index
    %get3A_301 = arith.constant 0 : index
    %get3A_302 = vector.load %arg15[%get3A_300, %get3A_301] : memref<8x128xi32, #tpu.memory_space<vmem>>, vector<1x128xi32>
    %broadcast_in_dim3A_303 = arith.constant 0 : i32
    %broadcast_in_dim3A_304 = vector.broadcast %broadcast_in_dim3A_303 : i32 to vector<1x128xi32>
    %eq3A_305 = arith.constant 2 : i32
    %eq3A_306 = vector.broadcast %eq3A_305 : i32 to vector<1x128xi32>
    %eq3A_307 = arith.cmpi eq, %iota3A, %eq3A_306 : vector<1x128xi32>
    %select_n3A_308 = arith.select %eq3A_307, %get3A_302, %broadcast_in_dim3A_304 : vector<1x128xi1>, vector<1x128xi32>
    %reduce_sum3A_309 = vector.shape_cast %select_n3A_308 : vector<1x128xi32> to vector<1x1x128xi32>
    %reduce_sum3A_310 = arith.constant dense<0> : vector<1xi32>
    %reduce_sum3A_311 = vector.multi_reduction <add>, %reduce_sum3A_309, %reduce_sum3A_310 [1, 2] : vector<1x1x128xi32> to vector<1xi32>
    %reduce_sum3A_312 = vector.shape_cast %reduce_sum3A_311 : vector<1xi32> to vector<1x1x1xi32>
    %reduce_sum3A_313 = vector.extract %reduce_sum3A_312[0, 0, 0] : i32 from vector<1x1x1xi32>
    %shift_right_logical3A_314 = arith.constant 7 : i32
    %shift_right_logical3A_315 = arith.shrui %reduce_sum3A_313, %shift_right_logical3A_314 : i32
    %and3A_316 = arith.constant 127 : i32
    %and3A_317 = arith.andi %reduce_sum3A_313, %and3A_316 : i32
    %get3A_318 = arith.index_cast %shift_right_logical3A_315 : i32 to index
    %get3A_319 = arith.constant 0 : index
    %get3A_320 = vector.load %arg12[%get3A_318, %get3A_319] : memref<40x128xf32, #tpu.memory_space<vmem>>, vector<1x128xf32>
    %broadcast_in_dim3A_321 = arith.constant 0.000000e+00 : f32
    %broadcast_in_dim3A_322 = vector.broadcast %broadcast_in_dim3A_321 : f32 to vector<1x128xf32>
    %eq3A_323 = vector.broadcast %and3A_317 : i32 to vector<1x128xi32>
    %eq3A_324 = arith.cmpi eq, %iota3A, %eq3A_323 : vector<1x128xi32>
    %select_n3A_325 = arith.select %eq3A_324, %get3A_320, %broadcast_in_dim3A_322 : vector<1x128xi1>, vector<1x128xf32>
    %reduce_sum3A_326 = vector.shape_cast %select_n3A_325 : vector<1x128xf32> to vector<1x1x128xf32>
    %reduce_sum3A_327 = arith.constant dense<0.000000e+00> : vector<1xf32>
    %reduce_sum3A_328 = vector.multi_reduction <add>, %reduce_sum3A_326, %reduce_sum3A_327 [1, 2] : vector<1x1x128xf32> to vector<1xf32>
    %reduce_sum3A_329 = vector.shape_cast %reduce_sum3A_328 : vector<1xf32> to vector<1x1x1xf32>
    %reduce_sum3A_330 = vector.extract %reduce_sum3A_329[0, 0, 0] : f32 from vector<1x1x1xf32>
    %neg3A_331 = arith.constant 0.000000e+00 : f32
    %neg3A_332 = arith.subf %neg3A_331, %reduce_sum3A_330 : f32
    %exp3A_333 = math.exp %neg3A_332 : f32
    %add3A_334 = arith.constant 1.000000e+00 : f32
    %add3A_335 = arith.addf %add3A_334, %exp3A_333 : f32
    %div3A_336 = arith.constant 1.000000e+00 : f32
    %div3A_337 = arith.divf %div3A_336, %add3A_335 : f32
    %eq3A_338 = arith.constant 0 : i32
    %eq3A_339 = vector.broadcast %eq3A_338 : i32 to vector<1x128xi32>
    %eq3A_340 = arith.cmpi eq, %iota3A, %eq3A_339 : vector<1x128xi32>
    %convert_element_type3A_341 = arith.sitofp %reduce_sum3A_313 : i32 to f32
    %jit3A_342 = arith.constant 0.000000e+00 : f32
    %broadcast_in_dim3A_343 = vector.broadcast %convert_element_type3A_341 : f32 to vector<1x128xf32>
    %broadcast_in_dim3A_344 = vector.broadcast %jit3A_342 : f32 to vector<1x128xf32>
    %select_n3A_345 = arith.select %eq3A_340, %broadcast_in_dim3A_343, %broadcast_in_dim3A_344 : vector<1x128xi1>, vector<1x128xf32>
    %eq3A_346 = arith.constant 1 : i32
    %eq3A_347 = vector.broadcast %eq3A_346 : i32 to vector<1x128xi32>
    %eq3A_348 = arith.cmpi eq, %iota3A, %eq3A_347 : vector<1x128xi32>
    %jit3A_349 = arith.constant 0.000000e+00 : f32
    %broadcast_in_dim3A_350 = vector.broadcast %div3A_337 : f32 to vector<1x128xf32>
    %broadcast_in_dim3A_351 = vector.broadcast %jit3A_349 : f32 to vector<1x128xf32>
    %select_n3A_352 = arith.select %eq3A_348, %broadcast_in_dim3A_350, %broadcast_in_dim3A_351 : vector<1x128xi1>, vector<1x128xf32>
    %add3A_353 = arith.addf %select_n3A_345, %select_n3A_352 : vector<1x128xf32>
    %eq3A_354 = arith.constant 2 : i32
    %eq3A_355 = vector.broadcast %eq3A_354 : i32 to vector<1x128xi32>
    %eq3A_356 = arith.cmpi eq, %iota3A, %eq3A_355 : vector<1x128xi32>
    %get3A_357 = arith.index_cast %shift_right_logical3A_315 : i32 to index
    %get3A_358 = arith.constant 0 : index
    %get3A_359 = vector.load %arg8[%get3A_357, %get3A_358] : memref<40x128xf32, #tpu.memory_space<vmem>>, vector<1x128xf32>
    %broadcast_in_dim3A_360 = arith.constant 0.000000e+00 : f32
    %broadcast_in_dim3A_361 = vector.broadcast %broadcast_in_dim3A_360 : f32 to vector<1x128xf32>
    %eq3A_362 = vector.broadcast %and3A_317 : i32 to vector<1x128xi32>
    %eq3A_363 = arith.cmpi eq, %iota3A, %eq3A_362 : vector<1x128xi32>
    %select_n3A_364 = arith.select %eq3A_363, %get3A_359, %broadcast_in_dim3A_361 : vector<1x128xi1>, vector<1x128xf32>
    %reduce_sum3A_365 = vector.shape_cast %select_n3A_364 : vector<1x128xf32> to vector<1x1x128xf32>
    %reduce_sum3A_366 = arith.constant dense<0.000000e+00> : vector<1xf32>
    %reduce_sum3A_367 = vector.multi_reduction <add>, %reduce_sum3A_365, %reduce_sum3A_366 [1, 2] : vector<1x1x128xf32> to vector<1xf32>
    %reduce_sum3A_368 = vector.shape_cast %reduce_sum3A_367 : vector<1xf32> to vector<1x1x1xf32>
    %reduce_sum3A_369 = vector.extract %reduce_sum3A_368[0, 0, 0] : f32 from vector<1x1x1xf32>
    %jit3A_370 = arith.constant 0.000000e+00 : f32
    %broadcast_in_dim3A_371 = vector.broadcast %reduce_sum3A_369 : f32 to vector<1x128xf32>
    %broadcast_in_dim3A_372 = vector.broadcast %jit3A_370 : f32 to vector<1x128xf32>
    %select_n3A_373 = arith.select %eq3A_356, %broadcast_in_dim3A_371, %broadcast_in_dim3A_372 : vector<1x128xi1>, vector<1x128xf32>
    %add3A_374 = arith.addf %add3A_353, %select_n3A_373 : vector<1x128xf32>
    %eq3A_375 = arith.constant 3 : i32
    %eq3A_376 = vector.broadcast %eq3A_375 : i32 to vector<1x128xi32>
    %eq3A_377 = arith.cmpi eq, %iota3A, %eq3A_376 : vector<1x128xi32>
    %get3A_378 = arith.index_cast %shift_right_logical3A_315 : i32 to index
    %get3A_379 = arith.constant 0 : index
    %get3A_380 = vector.load %arg9[%get3A_378, %get3A_379] : memref<40x128xf32, #tpu.memory_space<vmem>>, vector<1x128xf32>
    %broadcast_in_dim3A_381 = arith.constant 0.000000e+00 : f32
    %broadcast_in_dim3A_382 = vector.broadcast %broadcast_in_dim3A_381 : f32 to vector<1x128xf32>
    %eq3A_383 = vector.broadcast %and3A_317 : i32 to vector<1x128xi32>
    %eq3A_384 = arith.cmpi eq, %iota3A, %eq3A_383 : vector<1x128xi32>
    %select_n3A_385 = arith.select %eq3A_384, %get3A_380, %broadcast_in_dim3A_382 : vector<1x128xi1>, vector<1x128xf32>
    %reduce_sum3A_386 = vector.shape_cast %select_n3A_385 : vector<1x128xf32> to vector<1x1x128xf32>
    %reduce_sum3A_387 = arith.constant dense<0.000000e+00> : vector<1xf32>
    %reduce_sum3A_388 = vector.multi_reduction <add>, %reduce_sum3A_386, %reduce_sum3A_387 [1, 2] : vector<1x1x128xf32> to vector<1xf32>
    %reduce_sum3A_389 = vector.shape_cast %reduce_sum3A_388 : vector<1xf32> to vector<1x1x1xf32>
    %reduce_sum3A_390 = vector.extract %reduce_sum3A_389[0, 0, 0] : f32 from vector<1x1x1xf32>
    %jit3A_391 = arith.constant 0.000000e+00 : f32
    %broadcast_in_dim3A_392 = vector.broadcast %reduce_sum3A_390 : f32 to vector<1x128xf32>
    %broadcast_in_dim3A_393 = vector.broadcast %jit3A_391 : f32 to vector<1x128xf32>
    %select_n3A_394 = arith.select %eq3A_377, %broadcast_in_dim3A_392, %broadcast_in_dim3A_393 : vector<1x128xi1>, vector<1x128xf32>
    %add3A_395 = arith.addf %add3A_374, %select_n3A_394 : vector<1x128xf32>
    %eq3A_396 = arith.constant 4 : i32
    %eq3A_397 = vector.broadcast %eq3A_396 : i32 to vector<1x128xi32>
    %eq3A_398 = arith.cmpi eq, %iota3A, %eq3A_397 : vector<1x128xi32>
    %get3A_399 = arith.index_cast %shift_right_logical3A_315 : i32 to index
    %get3A_400 = arith.constant 0 : index
    %get3A_401 = vector.load %arg10[%get3A_399, %get3A_400] : memref<40x128xf32, #tpu.memory_space<vmem>>, vector<1x128xf32>
    %broadcast_in_dim3A_402 = arith.constant 0.000000e+00 : f32
    %broadcast_in_dim3A_403 = vector.broadcast %broadcast_in_dim3A_402 : f32 to vector<1x128xf32>
    %eq3A_404 = vector.broadcast %and3A_317 : i32 to vector<1x128xi32>
    %eq3A_405 = arith.cmpi eq, %iota3A, %eq3A_404 : vector<1x128xi32>
    %select_n3A_406 = arith.select %eq3A_405, %get3A_401, %broadcast_in_dim3A_403 : vector<1x128xi1>, vector<1x128xf32>
    %reduce_sum3A_407 = vector.shape_cast %select_n3A_406 : vector<1x128xf32> to vector<1x1x128xf32>
    %reduce_sum3A_408 = arith.constant dense<0.000000e+00> : vector<1xf32>
    %reduce_sum3A_409 = vector.multi_reduction <add>, %reduce_sum3A_407, %reduce_sum3A_408 [1, 2] : vector<1x1x128xf32> to vector<1xf32>
    %reduce_sum3A_410 = vector.shape_cast %reduce_sum3A_409 : vector<1xf32> to vector<1x1x1xf32>
    %reduce_sum3A_411 = vector.extract %reduce_sum3A_410[0, 0, 0] : f32 from vector<1x1x1xf32>
    %jit3A_412 = arith.constant 0.000000e+00 : f32
    %broadcast_in_dim3A_413 = vector.broadcast %reduce_sum3A_411 : f32 to vector<1x128xf32>
    %broadcast_in_dim3A_414 = vector.broadcast %jit3A_412 : f32 to vector<1x128xf32>
    %select_n3A_415 = arith.select %eq3A_398, %broadcast_in_dim3A_413, %broadcast_in_dim3A_414 : vector<1x128xi1>, vector<1x128xf32>
    %add3A_416 = arith.addf %add3A_395, %select_n3A_415 : vector<1x128xf32>
    %eq3A_417 = arith.constant 5 : i32
    %eq3A_418 = vector.broadcast %eq3A_417 : i32 to vector<1x128xi32>
    %eq3A_419 = arith.cmpi eq, %iota3A, %eq3A_418 : vector<1x128xi32>
    %get3A_420 = arith.index_cast %shift_right_logical3A_315 : i32 to index
    %get3A_421 = arith.constant 0 : index
    %get3A_422 = vector.load %arg11[%get3A_420, %get3A_421] : memref<40x128xf32, #tpu.memory_space<vmem>>, vector<1x128xf32>
    %broadcast_in_dim3A_423 = arith.constant 0.000000e+00 : f32
    %broadcast_in_dim3A_424 = vector.broadcast %broadcast_in_dim3A_423 : f32 to vector<1x128xf32>
    %eq3A_425 = vector.broadcast %and3A_317 : i32 to vector<1x128xi32>
    %eq3A_426 = arith.cmpi eq, %iota3A, %eq3A_425 : vector<1x128xi32>
    %select_n3A_427 = arith.select %eq3A_426, %get3A_422, %broadcast_in_dim3A_424 : vector<1x128xi1>, vector<1x128xf32>
    %reduce_sum3A_428 = vector.shape_cast %select_n3A_427 : vector<1x128xf32> to vector<1x1x128xf32>
    %reduce_sum3A_429 = arith.constant dense<0.000000e+00> : vector<1xf32>
    %reduce_sum3A_430 = vector.multi_reduction <add>, %reduce_sum3A_428, %reduce_sum3A_429 [1, 2] : vector<1x1x128xf32> to vector<1xf32>
    %reduce_sum3A_431 = vector.shape_cast %reduce_sum3A_430 : vector<1xf32> to vector<1x1x1xf32>
    %reduce_sum3A_432 = vector.extract %reduce_sum3A_431[0, 0, 0] : f32 from vector<1x1x1xf32>
    %jit3A_433 = arith.constant 0.000000e+00 : f32
    %broadcast_in_dim3A_434 = vector.broadcast %reduce_sum3A_432 : f32 to vector<1x128xf32>
    %broadcast_in_dim3A_435 = vector.broadcast %jit3A_433 : f32 to vector<1x128xf32>
    %select_n3A_436 = arith.select %eq3A_419, %broadcast_in_dim3A_434, %broadcast_in_dim3A_435 : vector<1x128xi1>, vector<1x128xf32>
    %add3A_437 = arith.addf %add3A_416, %select_n3A_436 : vector<1x128xf32>
    %swap3A_438 = arith.constant 2 : index
    %swap3A_439 = arith.constant 0 : index
    %swap3A_440 = vector.load %arg13[%swap3A_438, %swap3A_439] : memref<30x128xf32, #tpu.memory_space<vmem>>, vector<1x128xf32>
    tpu.vector_store %arg13[%swap3A_438, %swap3A_439], %add3A_437 {strides = array<i32>} : memref<30x128xf32, #tpu.memory_space<vmem>>, vector<1x128xf32>,
    %get3A_441 = arith.constant 0 : index
    %get3A_442 = arith.constant 0 : index
    %get3A_443 = vector.load %arg15[%get3A_441, %get3A_442] : memref<8x128xi32, #tpu.memory_space<vmem>>, vector<1x128xi32>
    %broadcast_in_dim3A_444 = arith.constant 0 : i32
    %broadcast_in_dim3A_445 = vector.broadcast %broadcast_in_dim3A_444 : i32 to vector<1x128xi32>
    %eq3A_446 = arith.constant 3 : i32
    %eq3A_447 = vector.broadcast %eq3A_446 : i32 to vector<1x128xi32>
    %eq3A_448 = arith.cmpi eq, %iota3A, %eq3A_447 : vector<1x128xi32>
    %select_n3A_449 = arith.select %eq3A_448, %get3A_443, %broadcast_in_dim3A_445 : vector<1x128xi1>, vector<1x128xi32>
    %reduce_sum3A_450 = vector.shape_cast %select_n3A_449 : vector<1x128xi32> to vector<1x1x128xi32>
    %reduce_sum3A_451 = arith.constant dense<0> : vector<1xi32>
    %reduce_sum3A_452 = vector.multi_reduction <add>, %reduce_sum3A_450, %reduce_sum3A_451 [1, 2] : vector<1x1x128xi32> to vector<1xi32>
    %reduce_sum3A_453 = vector.shape_cast %reduce_sum3A_452 : vector<1xi32> to vector<1x1x1xi32>
    %reduce_sum3A_454 = vector.extract %reduce_sum3A_453[0, 0, 0] : i32 from vector<1x1x1xi32>
    %shift_right_logical3A_455 = arith.constant 7 : i32
    %shift_right_logical3A_456 = arith.shrui %reduce_sum3A_454, %shift_right_logical3A_455 : i32
    %and3A_457 = arith.constant 127 : i32
    %and3A_458 = arith.andi %reduce_sum3A_454, %and3A_457 : i32
    %get3A_459 = arith.index_cast %shift_right_logical3A_456 : i32 to index
    %get3A_460 = arith.constant 0 : index
    %get3A_461 = vector.load %arg12[%get3A_459, %get3A_460] : memref<40x128xf32, #tpu.memory_space<vmem>>, vector<1x128xf32>
    %broadcast_in_dim3A_462 = arith.constant 0.000000e+00 : f32
    %broadcast_in_dim3A_463 = vector.broadcast %broadcast_in_dim3A_462 : f32 to vector<1x128xf32>
    %eq3A_464 = vector.broadcast %and3A_458 : i32 to vector<1x128xi32>
    %eq3A_465 = arith.cmpi eq, %iota3A, %eq3A_464 : vector<1x128xi32>
    %select_n3A_466 = arith.select %eq3A_465, %get3A_461, %broadcast_in_dim3A_463 : vector<1x128xi1>, vector<1x128xf32>
    %reduce_sum3A_467 = vector.shape_cast %select_n3A_466 : vector<1x128xf32> to vector<1x1x128xf32>
    %reduce_sum3A_468 = arith.constant dense<0.000000e+00> : vector<1xf32>
    %reduce_sum3A_469 = vector.multi_reduction <add>, %reduce_sum3A_467, %reduce_sum3A_468 [1, 2] : vector<1x1x128xf32> to vector<1xf32>
    %reduce_sum3A_470 = vector.shape_cast %reduce_sum3A_469 : vector<1xf32> to vector<1x1x1xf32>
    %reduce_sum3A_471 = vector.extract %reduce_sum3A_470[0, 0, 0] : f32 from vector<1x1x1xf32>
    %neg3A_472 = arith.constant 0.000000e+00 : f32
    %neg3A_473 = arith.subf %neg3A_472, %reduce_sum3A_471 : f32
    %exp3A_474 = math.exp %neg3A_473 : f32
    %add3A_475 = arith.constant 1.000000e+00 : f32
    %add3A_476 = arith.addf %add3A_475, %exp3A_474 : f32
    %div3A_477 = arith.constant 1.000000e+00 : f32
    %div3A_478 = arith.divf %div3A_477, %add3A_476 : f32
    %eq3A_479 = arith.constant 0 : i32
    %eq3A_480 = vector.broadcast %eq3A_479 : i32 to vector<1x128xi32>
    %eq3A_481 = arith.cmpi eq, %iota3A, %eq3A_480 : vector<1x128xi32>
    %convert_element_type3A_482 = arith.sitofp %reduce_sum3A_454 : i32 to f32
    %jit3A_483 = arith.constant 0.000000e+00 : f32
    %broadcast_in_dim3A_484 = vector.broadcast %convert_element_type3A_482 : f32 to vector<1x128xf32>
    %broadcast_in_dim3A_485 = vector.broadcast %jit3A_483 : f32 to vector<1x128xf32>
    %select_n3A_486 = arith.select %eq3A_481, %broadcast_in_dim3A_484, %broadcast_in_dim3A_485 : vector<1x128xi1>, vector<1x128xf32>
    %eq3A_487 = arith.constant 1 : i32
    %eq3A_488 = vector.broadcast %eq3A_487 : i32 to vector<1x128xi32>
    %eq3A_489 = arith.cmpi eq, %iota3A, %eq3A_488 : vector<1x128xi32>
    %jit3A_490 = arith.constant 0.000000e+00 : f32
    %broadcast_in_dim3A_491 = vector.broadcast %div3A_478 : f32 to vector<1x128xf32>
    %broadcast_in_dim3A_492 = vector.broadcast %jit3A_490 : f32 to vector<1x128xf32>
    %select_n3A_493 = arith.select %eq3A_489, %broadcast_in_dim3A_491, %broadcast_in_dim3A_492 : vector<1x128xi1>, vector<1x128xf32>
    %add3A_494 = arith.addf %select_n3A_486, %select_n3A_493 : vector<1x128xf32>
    %eq3A_495 = arith.constant 2 : i32
    %eq3A_496 = vector.broadcast %eq3A_495 : i32 to vector<1x128xi32>
    %eq3A_497 = arith.cmpi eq, %iota3A, %eq3A_496 : vector<1x128xi32>
    %get3A_498 = arith.index_cast %shift_right_logical3A_456 : i32 to index
    %get3A_499 = arith.constant 0 : index
    %get3A_500 = vector.load %arg8[%get3A_498, %get3A_499] : memref<40x128xf32, #tpu.memory_space<vmem>>, vector<1x128xf32>
    %broadcast_in_dim3A_501 = arith.constant 0.000000e+00 : f32
    %broadcast_in_dim3A_502 = vector.broadcast %broadcast_in_dim3A_501 : f32 to vector<1x128xf32>
    %eq3A_503 = vector.broadcast %and3A_458 : i32 to vector<1x128xi32>
    %eq3A_504 = arith.cmpi eq, %iota3A, %eq3A_503 : vector<1x128xi32>
    %select_n3A_505 = arith.select %eq3A_504, %get3A_500, %broadcast_in_dim3A_502 : vector<1x128xi1>, vector<1x128xf32>
    %reduce_sum3A_506 = vector.shape_cast %select_n3A_505 : vector<1x128xf32> to vector<1x1x128xf32>
    %reduce_sum3A_507 = arith.constant dense<0.000000e+00> : vector<1xf32>
    %reduce_sum3A_508 = vector.multi_reduction <add>, %reduce_sum3A_506, %reduce_sum3A_507 [1, 2] : vector<1x1x128xf32> to vector<1xf32>
    %reduce_sum3A_509 = vector.shape_cast %reduce_sum3A_508 : vector<1xf32> to vector<1x1x1xf32>
    %reduce_sum3A_510 = vector.extract %reduce_sum3A_509[0, 0, 0] : f32 from vector<1x1x1xf32>
    %jit3A_511 = arith.constant 0.000000e+00 : f32
    %broadcast_in_dim3A_512 = vector.broadcast %reduce_sum3A_510 : f32 to vector<1x128xf32>
    %broadcast_in_dim3A_513 = vector.broadcast %jit3A_511 : f32 to vector<1x128xf32>
    %select_n3A_514 = arith.select %eq3A_497, %broadcast_in_dim3A_512, %broadcast_in_dim3A_513 : vector<1x128xi1>, vector<1x128xf32>
    %add3A_515 = arith.addf %add3A_494, %select_n3A_514 : vector<1x128xf32>
    %eq3A_516 = arith.constant 3 : i32
    %eq3A_517 = vector.broadcast %eq3A_516 : i32 to vector<1x128xi32>
    %eq3A_518 = arith.cmpi eq, %iota3A, %eq3A_517 : vector<1x128xi32>
    %get3A_519 = arith.index_cast %shift_right_logical3A_456 : i32 to index
    %get3A_520 = arith.constant 0 : index
    %get3A_521 = vector.load %arg9[%get3A_519, %get3A_520] : memref<40x128xf32, #tpu.memory_space<vmem>>, vector<1x128xf32>
    %broadcast_in_dim3A_522 = arith.constant 0.000000e+00 : f32
    %broadcast_in_dim3A_523 = vector.broadcast %broadcast_in_dim3A_522 : f32 to vector<1x128xf32>
    %eq3A_524 = vector.broadcast %and3A_458 : i32 to vector<1x128xi32>
    %eq3A_525 = arith.cmpi eq, %iota3A, %eq3A_524 : vector<1x128xi32>
    %select_n3A_526 = arith.select %eq3A_525, %get3A_521, %broadcast_in_dim3A_523 : vector<1x128xi1>, vector<1x128xf32>
    %reduce_sum3A_527 = vector.shape_cast %select_n3A_526 : vector<1x128xf32> to vector<1x1x128xf32>
    %reduce_sum3A_528 = arith.constant dense<0.000000e+00> : vector<1xf32>
    %reduce_sum3A_529 = vector.multi_reduction <add>, %reduce_sum3A_527, %reduce_sum3A_528 [1, 2] : vector<1x1x128xf32> to vector<1xf32>
    %reduce_sum3A_530 = vector.shape_cast %reduce_sum3A_529 : vector<1xf32> to vector<1x1x1xf32>
    %reduce_sum3A_531 = vector.extract %reduce_sum3A_530[0, 0, 0] : f32 from vector<1x1x1xf32>
    %jit3A_532 = arith.constant 0.000000e+00 : f32
    %broadcast_in_dim3A_533 = vector.broadcast %reduce_sum3A_531 : f32 to vector<1x128xf32>
    %broadcast_in_dim3A_534 = vector.broadcast %jit3A_532 : f32 to vector<1x128xf32>
    %select_n3A_535 = arith.select %eq3A_518, %broadcast_in_dim3A_533, %broadcast_in_dim3A_534 : vector<1x128xi1>, vector<1x128xf32>
    %add3A_536 = arith.addf %add3A_515, %select_n3A_535 : vector<1x128xf32>
    %eq3A_537 = arith.constant 4 : i32
    %eq3A_538 = vector.broadcast %eq3A_537 : i32 to vector<1x128xi32>
    %eq3A_539 = arith.cmpi eq, %iota3A, %eq3A_538 : vector<1x128xi32>
    %get3A_540 = arith.index_cast %shift_right_logical3A_456 : i32 to index
    %get3A_541 = arith.constant 0 : index
    %get3A_542 = vector.load %arg10[%get3A_540, %get3A_541] : memref<40x128xf32, #tpu.memory_space<vmem>>, vector<1x128xf32>
    %broadcast_in_dim3A_543 = arith.constant 0.000000e+00 : f32
    %broadcast_in_dim3A_544 = vector.broadcast %broadcast_in_dim3A_543 : f32 to vector<1x128xf32>
    %eq3A_545 = vector.broadcast %and3A_458 : i32 to vector<1x128xi32>
    %eq3A_546 = arith.cmpi eq, %iota3A, %eq3A_545 : vector<1x128xi32>
    %select_n3A_547 = arith.select %eq3A_546, %get3A_542, %broadcast_in_dim3A_544 : vector<1x128xi1>, vector<1x128xf32>
    %reduce_sum3A_548 = vector.shape_cast %select_n3A_547 : vector<1x128xf32> to vector<1x1x128xf32>
    %reduce_sum3A_549 = arith.constant dense<0.000000e+00> : vector<1xf32>
    %reduce_sum3A_550 = vector.multi_reduction <add>, %reduce_sum3A_548, %reduce_sum3A_549 [1, 2] : vector<1x1x128xf32> to vector<1xf32>
    %reduce_sum3A_551 = vector.shape_cast %reduce_sum3A_550 : vector<1xf32> to vector<1x1x1xf32>
    %reduce_sum3A_552 = vector.extract %reduce_sum3A_551[0, 0, 0] : f32 from vector<1x1x1xf32>
    %jit3A_553 = arith.constant 0.000000e+00 : f32
    %broadcast_in_dim3A_554 = vector.broadcast %reduce_sum3A_552 : f32 to vector<1x128xf32>
    %broadcast_in_dim3A_555 = vector.broadcast %jit3A_553 : f32 to vector<1x128xf32>
    %select_n3A_556 = arith.select %eq3A_539, %broadcast_in_dim3A_554, %broadcast_in_dim3A_555 : vector<1x128xi1>, vector<1x128xf32>
    %add3A_557 = arith.addf %add3A_536, %select_n3A_556 : vector<1x128xf32>
    %eq3A_558 = arith.constant 5 : i32
    %eq3A_559 = vector.broadcast %eq3A_558 : i32 to vector<1x128xi32>
    %eq3A_560 = arith.cmpi eq, %iota3A, %eq3A_559 : vector<1x128xi32>
    %get3A_561 = arith.index_cast %shift_right_logical3A_456 : i32 to index
    %get3A_562 = arith.constant 0 : index
    %get3A_563 = vector.load %arg11[%get3A_561, %get3A_562] : memref<40x128xf32, #tpu.memory_space<vmem>>, vector<1x128xf32>
    %broadcast_in_dim3A_564 = arith.constant 0.000000e+00 : f32
    %broadcast_in_dim3A_565 = vector.broadcast %broadcast_in_dim3A_564 : f32 to vector<1x128xf32>
    %eq3A_566 = vector.broadcast %and3A_458 : i32 to vector<1x128xi32>
    %eq3A_567 = arith.cmpi eq, %iota3A, %eq3A_566 : vector<1x128xi32>
    %select_n3A_568 = arith.select %eq3A_567, %get3A_563, %broadcast_in_dim3A_565 : vector<1x128xi1>, vector<1x128xf32>
    %reduce_sum3A_569 = vector.shape_cast %select_n3A_568 : vector<1x128xf32> to vector<1x1x128xf32>
    %reduce_sum3A_570 = arith.constant dense<0.000000e+00> : vector<1xf32>
    %reduce_sum3A_571 = vector.multi_reduction <add>, %reduce_sum3A_569, %reduce_sum3A_570 [1, 2] : vector<1x1x128xf32> to vector<1xf32>
    %reduce_sum3A_572 = vector.shape_cast %reduce_sum3A_571 : vector<1xf32> to vector<1x1x1xf32>
    %reduce_sum3A_573 = vector.extract %reduce_sum3A_572[0, 0, 0] : f32 from vector<1x1x1xf32>
    %jit3A_574 = arith.constant 0.000000e+00 : f32
    %broadcast_in_dim3A_575 = vector.broadcast %reduce_sum3A_573 : f32 to vector<1x128xf32>
    %broadcast_in_dim3A_576 = vector.broadcast %jit3A_574 : f32 to vector<1x128xf32>
    %select_n3A_577 = arith.select %eq3A_560, %broadcast_in_dim3A_575, %broadcast_in_dim3A_576 : vector<1x128xi1>, vector<1x128xf32>
    %add3A_578 = arith.addf %add3A_557, %select_n3A_577 : vector<1x128xf32>
    %swap3A_579 = arith.constant 3 : index
    %swap3A_580 = arith.constant 0 : index
    %swap3A_581 = vector.load %arg13[%swap3A_579, %swap3A_580] : memref<30x128xf32, #tpu.memory_space<vmem>>, vector<1x128xf32>
    tpu.vector_store %arg13[%swap3A_579, %swap3A_580], %add3A_578 {strides = array<i32>} : memref<30x128xf32, #tpu.memory_space<vmem>>, vector<1x128xf32>,
    %get3A_582 = arith.constant 0 : index
    %get3A_583 = arith.constant 0 : index
    %get3A_584 = vector.load %arg15[%get3A_582, %get3A_583] : memref<8x128xi32, #tpu.memory_space<vmem>>, vector<1x128xi32>
    %broadcast_in_dim3A_585 = arith.constant 0 : i32
    %broadcast_in_dim3A_586 = vector.broadcast %broadcast_in_dim3A_585 : i32 to vector<1x128xi32>
    %eq3A_587 = arith.constant 4 : i32
    %eq3A_588 = vector.broadcast %eq3A_587 : i32 to vector<1x128xi32>
    %eq3A_589 = arith.cmpi eq, %iota3A, %eq3A_588 : vector<1x128xi32>
    %select_n3A_590 = arith.select %eq3A_589, %get3A_584, %broadcast_in_dim3A_586 : vector<1x128xi1>, vector<1x128xi32>
    %reduce_sum3A_591 = vector.shape_cast %select_n3A_590 : vector<1x128xi32> to vector<1x1x128xi32>
    %reduce_sum3A_592 = arith.constant dense<0> : vector<1xi32>
    %reduce_sum3A_593 = vector.multi_reduction <add>, %reduce_sum3A_591, %reduce_sum3A_592 [1, 2] : vector<1x1x128xi32> to vector<1xi32>
    %reduce_sum3A_594 = vector.shape_cast %reduce_sum3A_593 : vector<1xi32> to vector<1x1x1xi32>
    %reduce_sum3A_595 = vector.extract %reduce_sum3A_594[0, 0, 0] : i32 from vector<1x1x1xi32>
    %shift_right_logical3A_596 = arith.constant 7 : i32
    %shift_right_logical3A_597 = arith.shrui %reduce_sum3A_595, %shift_right_logical3A_596 : i32
    %and3A_598 = arith.constant 127 : i32
    %and3A_599 = arith.andi %reduce_sum3A_595, %and3A_598 : i32
    %get3A_600 = arith.index_cast %shift_right_logical3A_597 : i32 to index
    %get3A_601 = arith.constant 0 : index
    %get3A_602 = vector.load %arg12[%get3A_600, %get3A_601] : memref<40x128xf32, #tpu.memory_space<vmem>>, vector<1x128xf32>
    %broadcast_in_dim3A_603 = arith.constant 0.000000e+00 : f32
    %broadcast_in_dim3A_604 = vector.broadcast %broadcast_in_dim3A_603 : f32 to vector<1x128xf32>
    %eq3A_605 = vector.broadcast %and3A_599 : i32 to vector<1x128xi32>
    %eq3A_606 = arith.cmpi eq, %iota3A, %eq3A_605 : vector<1x128xi32>
    %select_n3A_607 = arith.select %eq3A_606, %get3A_602, %broadcast_in_dim3A_604 : vector<1x128xi1>, vector<1x128xf32>
    %reduce_sum3A_608 = vector.shape_cast %select_n3A_607 : vector<1x128xf32> to vector<1x1x128xf32>
    %reduce_sum3A_609 = arith.constant dense<0.000000e+00> : vector<1xf32>
    %reduce_sum3A_610 = vector.multi_reduction <add>, %reduce_sum3A_608, %reduce_sum3A_609 [1, 2] : vector<1x1x128xf32> to vector<1xf32>
    %reduce_sum3A_611 = vector.shape_cast %reduce_sum3A_610 : vector<1xf32> to vector<1x1x1xf32>
    %reduce_sum3A_612 = vector.extract %reduce_sum3A_611[0, 0, 0] : f32 from vector<1x1x1xf32>
    %neg3A_613 = arith.constant 0.000000e+00 : f32
    %neg3A_614 = arith.subf %neg3A_613, %reduce_sum3A_612 : f32
    %exp3A_615 = math.exp %neg3A_614 : f32
    %add3A_616 = arith.constant 1.000000e+00 : f32
    %add3A_617 = arith.addf %add3A_616, %exp3A_615 : f32
    %div3A_618 = arith.constant 1.000000e+00 : f32
    %div3A_619 = arith.divf %div3A_618, %add3A_617 : f32
    %eq3A_620 = arith.constant 0 : i32
    %eq3A_621 = vector.broadcast %eq3A_620 : i32 to vector<1x128xi32>
    %eq3A_622 = arith.cmpi eq, %iota3A, %eq3A_621 : vector<1x128xi32>
    %convert_element_type3A_623 = arith.sitofp %reduce_sum3A_595 : i32 to f32
    %jit3A_624 = arith.constant 0.000000e+00 : f32
    %broadcast_in_dim3A_625 = vector.broadcast %convert_element_type3A_623 : f32 to vector<1x128xf32>
    %broadcast_in_dim3A_626 = vector.broadcast %jit3A_624 : f32 to vector<1x128xf32>
    %select_n3A_627 = arith.select %eq3A_622, %broadcast_in_dim3A_625, %broadcast_in_dim3A_626 : vector<1x128xi1>, vector<1x128xf32>
    %eq3A_628 = arith.constant 1 : i32
    %eq3A_629 = vector.broadcast %eq3A_628 : i32 to vector<1x128xi32>
    %eq3A_630 = arith.cmpi eq, %iota3A, %eq3A_629 : vector<1x128xi32>
    %jit3A_631 = arith.constant 0.000000e+00 : f32
    %broadcast_in_dim3A_632 = vector.broadcast %div3A_619 : f32 to vector<1x128xf32>
    %broadcast_in_dim3A_633 = vector.broadcast %jit3A_631 : f32 to vector<1x128xf32>
    %select_n3A_634 = arith.select %eq3A_630, %broadcast_in_dim3A_632, %broadcast_in_dim3A_633 : vector<1x128xi1>, vector<1x128xf32>
    %add3A_635 = arith.addf %select_n3A_627, %select_n3A_634 : vector<1x128xf32>
    %eq3A_636 = arith.constant 2 : i32
    %eq3A_637 = vector.broadcast %eq3A_636 : i32 to vector<1x128xi32>
    %eq3A_638 = arith.cmpi eq, %iota3A, %eq3A_637 : vector<1x128xi32>
    %get3A_639 = arith.index_cast %shift_right_logical3A_597 : i32 to index
    %get3A_640 = arith.constant 0 : index
    %get3A_641 = vector.load %arg8[%get3A_639, %get3A_640] : memref<40x128xf32, #tpu.memory_space<vmem>>, vector<1x128xf32>
    %broadcast_in_dim3A_642 = arith.constant 0.000000e+00 : f32
    %broadcast_in_dim3A_643 = vector.broadcast %broadcast_in_dim3A_642 : f32 to vector<1x128xf32>
    %eq3A_644 = vector.broadcast %and3A_599 : i32 to vector<1x128xi32>
    %eq3A_645 = arith.cmpi eq, %iota3A, %eq3A_644 : vector<1x128xi32>
    %select_n3A_646 = arith.select %eq3A_645, %get3A_641, %broadcast_in_dim3A_643 : vector<1x128xi1>, vector<1x128xf32>
    %reduce_sum3A_647 = vector.shape_cast %select_n3A_646 : vector<1x128xf32> to vector<1x1x128xf32>
    %reduce_sum3A_648 = arith.constant dense<0.000000e+00> : vector<1xf32>
    %reduce_sum3A_649 = vector.multi_reduction <add>, %reduce_sum3A_647, %reduce_sum3A_648 [1, 2] : vector<1x1x128xf32> to vector<1xf32>
    %reduce_sum3A_650 = vector.shape_cast %reduce_sum3A_649 : vector<1xf32> to vector<1x1x1xf32>
    %reduce_sum3A_651 = vector.extract %reduce_sum3A_650[0, 0, 0] : f32 from vector<1x1x1xf32>
    %jit3A_652 = arith.constant 0.000000e+00 : f32
    %broadcast_in_dim3A_653 = vector.broadcast %reduce_sum3A_651 : f32 to vector<1x128xf32>
    %broadcast_in_dim3A_654 = vector.broadcast %jit3A_652 : f32 to vector<1x128xf32>
    %select_n3A_655 = arith.select %eq3A_638, %broadcast_in_dim3A_653, %broadcast_in_dim3A_654 : vector<1x128xi1>, vector<1x128xf32>
    %add3A_656 = arith.addf %add3A_635, %select_n3A_655 : vector<1x128xf32>
    %eq3A_657 = arith.constant 3 : i32
    %eq3A_658 = vector.broadcast %eq3A_657 : i32 to vector<1x128xi32>
    %eq3A_659 = arith.cmpi eq, %iota3A, %eq3A_658 : vector<1x128xi32>
    %get3A_660 = arith.index_cast %shift_right_logical3A_597 : i32 to index
    %get3A_661 = arith.constant 0 : index
    %get3A_662 = vector.load %arg9[%get3A_660, %get3A_661] : memref<40x128xf32, #tpu.memory_space<vmem>>, vector<1x128xf32>
    %broadcast_in_dim3A_663 = arith.constant 0.000000e+00 : f32
    %broadcast_in_dim3A_664 = vector.broadcast %broadcast_in_dim3A_663 : f32 to vector<1x128xf32>
    %eq3A_665 = vector.broadcast %and3A_599 : i32 to vector<1x128xi32>
    %eq3A_666 = arith.cmpi eq, %iota3A, %eq3A_665 : vector<1x128xi32>
    %select_n3A_667 = arith.select %eq3A_666, %get3A_662, %broadcast_in_dim3A_664 : vector<1x128xi1>, vector<1x128xf32>
    %reduce_sum3A_668 = vector.shape_cast %select_n3A_667 : vector<1x128xf32> to vector<1x1x128xf32>
    %reduce_sum3A_669 = arith.constant dense<0.000000e+00> : vector<1xf32>
    %reduce_sum3A_670 = vector.multi_reduction <add>, %reduce_sum3A_668, %reduce_sum3A_669 [1, 2] : vector<1x1x128xf32> to vector<1xf32>
    %reduce_sum3A_671 = vector.shape_cast %reduce_sum3A_670 : vector<1xf32> to vector<1x1x1xf32>
    %reduce_sum3A_672 = vector.extract %reduce_sum3A_671[0, 0, 0] : f32 from vector<1x1x1xf32>
    %jit3A_673 = arith.constant 0.000000e+00 : f32
    %broadcast_in_dim3A_674 = vector.broadcast %reduce_sum3A_672 : f32 to vector<1x128xf32>
    %broadcast_in_dim3A_675 = vector.broadcast %jit3A_673 : f32 to vector<1x128xf32>
    %select_n3A_676 = arith.select %eq3A_659, %broadcast_in_dim3A_674, %broadcast_in_dim3A_675 : vector<1x128xi1>, vector<1x128xf32>
    %add3A_677 = arith.addf %add3A_656, %select_n3A_676 : vector<1x128xf32>
    %eq3A_678 = arith.constant 4 : i32
    %eq3A_679 = vector.broadcast %eq3A_678 : i32 to vector<1x128xi32>
    %eq3A_680 = arith.cmpi eq, %iota3A, %eq3A_679 : vector<1x128xi32>
    %get3A_681 = arith.index_cast %shift_right_logical3A_597 : i32 to index
    %get3A_682 = arith.constant 0 : index
    %get3A_683 = vector.load %arg10[%get3A_681, %get3A_682] : memref<40x128xf32, #tpu.memory_space<vmem>>, vector<1x128xf32>
    %broadcast_in_dim3A_684 = arith.constant 0.000000e+00 : f32
    %broadcast_in_dim3A_685 = vector.broadcast %broadcast_in_dim3A_684 : f32 to vector<1x128xf32>
    %eq3A_686 = vector.broadcast %and3A_599 : i32 to vector<1x128xi32>
    %eq3A_687 = arith.cmpi eq, %iota3A, %eq3A_686 : vector<1x128xi32>
    %select_n3A_688 = arith.select %eq3A_687, %get3A_683, %broadcast_in_dim3A_685 : vector<1x128xi1>, vector<1x128xf32>
    %reduce_sum3A_689 = vector.shape_cast %select_n3A_688 : vector<1x128xf32> to vector<1x1x128xf32>
    %reduce_sum3A_690 = arith.constant dense<0.000000e+00> : vector<1xf32>
    %reduce_sum3A_691 = vector.multi_reduction <add>, %reduce_sum3A_689, %reduce_sum3A_690 [1, 2] : vector<1x1x128xf32> to vector<1xf32>
    %reduce_sum3A_692 = vector.shape_cast %reduce_sum3A_691 : vector<1xf32> to vector<1x1x1xf32>
    %reduce_sum3A_693 = vector.extract %reduce_sum3A_692[0, 0, 0] : f32 from vector<1x1x1xf32>
    %jit3A_694 = arith.constant 0.000000e+00 : f32
    %broadcast_in_dim3A_695 = vector.broadcast %reduce_sum3A_693 : f32 to vector<1x128xf32>
    %broadcast_in_dim3A_696 = vector.broadcast %jit3A_694 : f32 to vector<1x128xf32>
    %select_n3A_697 = arith.select %eq3A_680, %broadcast_in_dim3A_695, %broadcast_in_dim3A_696 : vector<1x128xi1>, vector<1x128xf32>
    %add3A_698 = arith.addf %add3A_677, %select_n3A_697 : vector<1x128xf32>
    %eq3A_699 = arith.constant 5 : i32
    %eq3A_700 = vector.broadcast %eq3A_699 : i32 to vector<1x128xi32>
    %eq3A_701 = arith.cmpi eq, %iota3A, %eq3A_700 : vector<1x128xi32>
    %get3A_702 = arith.index_cast %shift_right_logical3A_597 : i32 to index
    %get3A_703 = arith.constant 0 : index
    %get3A_704 = vector.load %arg11[%get3A_702, %get3A_703] : memref<40x128xf32, #tpu.memory_space<vmem>>, vector<1x128xf32>
    %broadcast_in_dim3A_705 = arith.constant 0.000000e+00 : f32
    %broadcast_in_dim3A_706 = vector.broadcast %broadcast_in_dim3A_705 : f32 to vector<1x128xf32>
    %eq3A_707 = vector.broadcast %and3A_599 : i32 to vector<1x128xi32>
    %eq3A_708 = arith.cmpi eq, %iota3A, %eq3A_707 : vector<1x128xi32>
    %select_n3A_709 = arith.select %eq3A_708, %get3A_704, %broadcast_in_dim3A_706 : vector<1x128xi1>, vector<1x128xf32>
    %reduce_sum3A_710 = vector.shape_cast %select_n3A_709 : vector<1x128xf32> to vector<1x1x128xf32>
    %reduce_sum3A_711 = arith.constant dense<0.000000e+00> : vector<1xf32>
    %reduce_sum3A_712 = vector.multi_reduction <add>, %reduce_sum3A_710, %reduce_sum3A_711 [1, 2] : vector<1x1x128xf32> to vector<1xf32>
    %reduce_sum3A_713 = vector.shape_cast %reduce_sum3A_712 : vector<1xf32> to vector<1x1x1xf32>
    %reduce_sum3A_714 = vector.extract %reduce_sum3A_713[0, 0, 0] : f32 from vector<1x1x1xf32>
    %jit3A_715 = arith.constant 0.000000e+00 : f32
    %broadcast_in_dim3A_716 = vector.broadcast %reduce_sum3A_714 : f32 to vector<1x128xf32>
    %broadcast_in_dim3A_717 = vector.broadcast %jit3A_715 : f32 to vector<1x128xf32>
    %select_n3A_718 = arith.select %eq3A_701, %broadcast_in_dim3A_716, %broadcast_in_dim3A_717 : vector<1x128xi1>, vector<1x128xf32>
    %add3A_719 = arith.addf %add3A_698, %select_n3A_718 : vector<1x128xf32>
    %swap3A_720 = arith.constant 4 : index
    %swap3A_721 = arith.constant 0 : index
    %swap3A_722 = vector.load %arg13[%swap3A_720, %swap3A_721] : memref<30x128xf32, #tpu.memory_space<vmem>>, vector<1x128xf32>
    tpu.vector_store %arg13[%swap3A_720, %swap3A_721], %add3A_719 {strides = array<i32>} : memref<30x128xf32, #tpu.memory_space<vmem>>, vector<1x128xf32>,
    %get3A_723 = arith.constant 0 : index
    %get3A_724 = arith.constant 0 : index
    %get3A_725 = vector.load %arg15[%get3A_723, %get3A_724] : memref<8x128xi32, #tpu.memory_space<vmem>>, vector<1x128xi32>
    %broadcast_in_dim3A_726 = arith.constant 0 : i32
    %broadcast_in_dim3A_727 = vector.broadcast %broadcast_in_dim3A_726 : i32 to vector<1x128xi32>
    %eq3A_728 = arith.constant 5 : i32
    %eq3A_729 = vector.broadcast %eq3A_728 : i32 to vector<1x128xi32>
    %eq3A_730 = arith.cmpi eq, %iota3A, %eq3A_729 : vector<1x128xi32>
    %select_n3A_731 = arith.select %eq3A_730, %get3A_725, %broadcast_in_dim3A_727 : vector<1x128xi1>, vector<1x128xi32>
    %reduce_sum3A_732 = vector.shape_cast %select_n3A_731 : vector<1x128xi32> to vector<1x1x128xi32>
    %reduce_sum3A_733 = arith.constant dense<0> : vector<1xi32>
    %reduce_sum3A_734 = vector.multi_reduction <add>, %reduce_sum3A_732, %reduce_sum3A_733 [1, 2] : vector<1x1x128xi32> to vector<1xi32>
    %reduce_sum3A_735 = vector.shape_cast %reduce_sum3A_734 : vector<1xi32> to vector<1x1x1xi32>
    %reduce_sum3A_736 = vector.extract %reduce_sum3A_735[0, 0, 0] : i32 from vector<1x1x1xi32>
    %shift_right_logical3A_737 = arith.constant 7 : i32
    %shift_right_logical3A_738 = arith.shrui %reduce_sum3A_736, %shift_right_logical3A_737 : i32
    %and3A_739 = arith.constant 127 : i32
    %and3A_740 = arith.andi %reduce_sum3A_736, %and3A_739 : i32
    %get3A_741 = arith.index_cast %shift_right_logical3A_738 : i32 to index
    %get3A_742 = arith.constant 0 : index
    %get3A_743 = vector.load %arg12[%get3A_741, %get3A_742] : memref<40x128xf32, #tpu.memory_space<vmem>>, vector<1x128xf32>
    %broadcast_in_dim3A_744 = arith.constant 0.000000e+00 : f32
    %broadcast_in_dim3A_745 = vector.broadcast %broadcast_in_dim3A_744 : f32 to vector<1x128xf32>
    %eq3A_746 = vector.broadcast %and3A_740 : i32 to vector<1x128xi32>
    %eq3A_747 = arith.cmpi eq, %iota3A, %eq3A_746 : vector<1x128xi32>
    %select_n3A_748 = arith.select %eq3A_747, %get3A_743, %broadcast_in_dim3A_745 : vector<1x128xi1>, vector<1x128xf32>
    %reduce_sum3A_749 = vector.shape_cast %select_n3A_748 : vector<1x128xf32> to vector<1x1x128xf32>
    %reduce_sum3A_750 = arith.constant dense<0.000000e+00> : vector<1xf32>
    %reduce_sum3A_751 = vector.multi_reduction <add>, %reduce_sum3A_749, %reduce_sum3A_750 [1, 2] : vector<1x1x128xf32> to vector<1xf32>
    %reduce_sum3A_752 = vector.shape_cast %reduce_sum3A_751 : vector<1xf32> to vector<1x1x1xf32>
    %reduce_sum3A_753 = vector.extract %reduce_sum3A_752[0, 0, 0] : f32 from vector<1x1x1xf32>
    %neg3A_754 = arith.constant 0.000000e+00 : f32
    %neg3A_755 = arith.subf %neg3A_754, %reduce_sum3A_753 : f32
    %exp3A_756 = math.exp %neg3A_755 : f32
    %add3A_757 = arith.constant 1.000000e+00 : f32
    %add3A_758 = arith.addf %add3A_757, %exp3A_756 : f32
    %div3A_759 = arith.constant 1.000000e+00 : f32
    %div3A_760 = arith.divf %div3A_759, %add3A_758 : f32
    %eq3A_761 = arith.constant 0 : i32
    %eq3A_762 = vector.broadcast %eq3A_761 : i32 to vector<1x128xi32>
    %eq3A_763 = arith.cmpi eq, %iota3A, %eq3A_762 : vector<1x128xi32>
    %convert_element_type3A_764 = arith.sitofp %reduce_sum3A_736 : i32 to f32
    %jit3A_765 = arith.constant 0.000000e+00 : f32
    %broadcast_in_dim3A_766 = vector.broadcast %convert_element_type3A_764 : f32 to vector<1x128xf32>
    %broadcast_in_dim3A_767 = vector.broadcast %jit3A_765 : f32 to vector<1x128xf32>
    %select_n3A_768 = arith.select %eq3A_763, %broadcast_in_dim3A_766, %broadcast_in_dim3A_767 : vector<1x128xi1>, vector<1x128xf32>
    %eq3A_769 = arith.constant 1 : i32
    %eq3A_770 = vector.broadcast %eq3A_769 : i32 to vector<1x128xi32>
    %eq3A_771 = arith.cmpi eq, %iota3A, %eq3A_770 : vector<1x128xi32>
    %jit3A_772 = arith.constant 0.000000e+00 : f32
    %broadcast_in_dim3A_773 = vector.broadcast %div3A_760 : f32 to vector<1x128xf32>
    %broadcast_in_dim3A_774 = vector.broadcast %jit3A_772 : f32 to vector<1x128xf32>
    %select_n3A_775 = arith.select %eq3A_771, %broadcast_in_dim3A_773, %broadcast_in_dim3A_774 : vector<1x128xi1>, vector<1x128xf32>
    %add3A_776 = arith.addf %select_n3A_768, %select_n3A_775 : vector<1x128xf32>
    %eq3A_777 = arith.constant 2 : i32
    %eq3A_778 = vector.broadcast %eq3A_777 : i32 to vector<1x128xi32>
    %eq3A_779 = arith.cmpi eq, %iota3A, %eq3A_778 : vector<1x128xi32>
    %get3A_780 = arith.index_cast %shift_right_logical3A_738 : i32 to index
    %get3A_781 = arith.constant 0 : index
    %get3A_782 = vector.load %arg8[%get3A_780, %get3A_781] : memref<40x128xf32, #tpu.memory_space<vmem>>, vector<1x128xf32>
    %broadcast_in_dim3A_783 = arith.constant 0.000000e+00 : f32
    %broadcast_in_dim3A_784 = vector.broadcast %broadcast_in_dim3A_783 : f32 to vector<1x128xf32>
    %eq3A_785 = vector.broadcast %and3A_740 : i32 to vector<1x128xi32>
    %eq3A_786 = arith.cmpi eq, %iota3A, %eq3A_785 : vector<1x128xi32>
    %select_n3A_787 = arith.select %eq3A_786, %get3A_782, %broadcast_in_dim3A_784 : vector<1x128xi1>, vector<1x128xf32>
    %reduce_sum3A_788 = vector.shape_cast %select_n3A_787 : vector<1x128xf32> to vector<1x1x128xf32>
    %reduce_sum3A_789 = arith.constant dense<0.000000e+00> : vector<1xf32>
    %reduce_sum3A_790 = vector.multi_reduction <add>, %reduce_sum3A_788, %reduce_sum3A_789 [1, 2] : vector<1x1x128xf32> to vector<1xf32>
    %reduce_sum3A_791 = vector.shape_cast %reduce_sum3A_790 : vector<1xf32> to vector<1x1x1xf32>
    %reduce_sum3A_792 = vector.extract %reduce_sum3A_791[0, 0, 0] : f32 from vector<1x1x1xf32>
    %jit3A_793 = arith.constant 0.000000e+00 : f32
    %broadcast_in_dim3A_794 = vector.broadcast %reduce_sum3A_792 : f32 to vector<1x128xf32>
    %broadcast_in_dim3A_795 = vector.broadcast %jit3A_793 : f32 to vector<1x128xf32>
    %select_n3A_796 = arith.select %eq3A_779, %broadcast_in_dim3A_794, %broadcast_in_dim3A_795 : vector<1x128xi1>, vector<1x128xf32>
    %add3A_797 = arith.addf %add3A_776, %select_n3A_796 : vector<1x128xf32>
    %eq3A_798 = arith.constant 3 : i32
    %eq3A_799 = vector.broadcast %eq3A_798 : i32 to vector<1x128xi32>
    %eq3A_800 = arith.cmpi eq, %iota3A, %eq3A_799 : vector<1x128xi32>
    %get3A_801 = arith.index_cast %shift_right_logical3A_738 : i32 to index
    %get3A_802 = arith.constant 0 : index
    %get3A_803 = vector.load %arg9[%get3A_801, %get3A_802] : memref<40x128xf32, #tpu.memory_space<vmem>>, vector<1x128xf32>
    %broadcast_in_dim3A_804 = arith.constant 0.000000e+00 : f32
    %broadcast_in_dim3A_805 = vector.broadcast %broadcast_in_dim3A_804 : f32 to vector<1x128xf32>
    %eq3A_806 = vector.broadcast %and3A_740 : i32 to vector<1x128xi32>
    %eq3A_807 = arith.cmpi eq, %iota3A, %eq3A_806 : vector<1x128xi32>
    %select_n3A_808 = arith.select %eq3A_807, %get3A_803, %broadcast_in_dim3A_805 : vector<1x128xi1>, vector<1x128xf32>
    %reduce_sum3A_809 = vector.shape_cast %select_n3A_808 : vector<1x128xf32> to vector<1x1x128xf32>
    %reduce_sum3A_810 = arith.constant dense<0.000000e+00> : vector<1xf32>
    %reduce_sum3A_811 = vector.multi_reduction <add>, %reduce_sum3A_809, %reduce_sum3A_810 [1, 2] : vector<1x1x128xf32> to vector<1xf32>
    %reduce_sum3A_812 = vector.shape_cast %reduce_sum3A_811 : vector<1xf32> to vector<1x1x1xf32>
    %reduce_sum3A_813 = vector.extract %reduce_sum3A_812[0, 0, 0] : f32 from vector<1x1x1xf32>
    %jit3A_814 = arith.constant 0.000000e+00 : f32
    %broadcast_in_dim3A_815 = vector.broadcast %reduce_sum3A_813 : f32 to vector<1x128xf32>
    %broadcast_in_dim3A_816 = vector.broadcast %jit3A_814 : f32 to vector<1x128xf32>
    %select_n3A_817 = arith.select %eq3A_800, %broadcast_in_dim3A_815, %broadcast_in_dim3A_816 : vector<1x128xi1>, vector<1x128xf32>
    %add3A_818 = arith.addf %add3A_797, %select_n3A_817 : vector<1x128xf32>
    %eq3A_819 = arith.constant 4 : i32
    %eq3A_820 = vector.broadcast %eq3A_819 : i32 to vector<1x128xi32>
    %eq3A_821 = arith.cmpi eq, %iota3A, %eq3A_820 : vector<1x128xi32>
    %get3A_822 = arith.index_cast %shift_right_logical3A_738 : i32 to index
    %get3A_823 = arith.constant 0 : index
    %get3A_824 = vector.load %arg10[%get3A_822, %get3A_823] : memref<40x128xf32, #tpu.memory_space<vmem>>, vector<1x128xf32>
    %broadcast_in_dim3A_825 = arith.constant 0.000000e+00 : f32
    %broadcast_in_dim3A_826 = vector.broadcast %broadcast_in_dim3A_825 : f32 to vector<1x128xf32>
    %eq3A_827 = vector.broadcast %and3A_740 : i32 to vector<1x128xi32>
    %eq3A_828 = arith.cmpi eq, %iota3A, %eq3A_827 : vector<1x128xi32>
    %select_n3A_829 = arith.select %eq3A_828, %get3A_824, %broadcast_in_dim3A_826 : vector<1x128xi1>, vector<1x128xf32>
    %reduce_sum3A_830 = vector.shape_cast %select_n3A_829 : vector<1x128xf32> to vector<1x1x128xf32>
    %reduce_sum3A_831 = arith.constant dense<0.000000e+00> : vector<1xf32>
    %reduce_sum3A_832 = vector.multi_reduction <add>, %reduce_sum3A_830, %reduce_sum3A_831 [1, 2] : vector<1x1x128xf32> to vector<1xf32>
    %reduce_sum3A_833 = vector.shape_cast %reduce_sum3A_832 : vector<1xf32> to vector<1x1x1xf32>
    %reduce_sum3A_834 = vector.extract %reduce_sum3A_833[0, 0, 0] : f32 from vector<1x1x1xf32>
    %jit3A_835 = arith.constant 0.000000e+00 : f32
    %broadcast_in_dim3A_836 = vector.broadcast %reduce_sum3A_834 : f32 to vector<1x128xf32>
    %broadcast_in_dim3A_837 = vector.broadcast %jit3A_835 : f32 to vector<1x128xf32>
    %select_n3A_838 = arith.select %eq3A_821, %broadcast_in_dim3A_836, %broadcast_in_dim3A_837 : vector<1x128xi1>, vector<1x128xf32>
    %add3A_839 = arith.addf %add3A_818, %select_n3A_838 : vector<1x128xf32>
    %eq3A_840 = arith.constant 5 : i32
    %eq3A_841 = vector.broadcast %eq3A_840 : i32 to vector<1x128xi32>
    %eq3A_842 = arith.cmpi eq, %iota3A, %eq3A_841 : vector<1x128xi32>
    %get3A_843 = arith.index_cast %shift_right_logical3A_738 : i32 to index
    %get3A_844 = arith.constant 0 : index
    %get3A_845 = vector.load %arg11[%get3A_843, %get3A_844] : memref<40x128xf32, #tpu.memory_space<vmem>>, vector<1x128xf32>
    %broadcast_in_dim3A_846 = arith.constant 0.000000e+00 : f32
    %broadcast_in_dim3A_847 = vector.broadcast %broadcast_in_dim3A_846 : f32 to vector<1x128xf32>
    %eq3A_848 = vector.broadcast %and3A_740 : i32 to vector<1x128xi32>
    %eq3A_849 = arith.cmpi eq, %iota3A, %eq3A_848 : vector<1x128xi32>
    %select_n3A_850 = arith.select %eq3A_849, %get3A_845, %broadcast_in_dim3A_847 : vector<1x128xi1>, vector<1x128xf32>
    %reduce_sum3A_851 = vector.shape_cast %select_n3A_850 : vector<1x128xf32> to vector<1x1x128xf32>
    %reduce_sum3A_852 = arith.constant dense<0.000000e+00> : vector<1xf32>
    %reduce_sum3A_853 = vector.multi_reduction <add>, %reduce_sum3A_851, %reduce_sum3A_852 [1, 2] : vector<1x1x128xf32> to vector<1xf32>
    %reduce_sum3A_854 = vector.shape_cast %reduce_sum3A_853 : vector<1xf32> to vector<1x1x1xf32>
    %reduce_sum3A_855 = vector.extract %reduce_sum3A_854[0, 0, 0] : f32 from vector<1x1x1xf32>
    %jit3A_856 = arith.constant 0.000000e+00 : f32
    %broadcast_in_dim3A_857 = vector.broadcast %reduce_sum3A_855 : f32 to vector<1x128xf32>
    %broadcast_in_dim3A_858 = vector.broadcast %jit3A_856 : f32 to vector<1x128xf32>
    %select_n3A_859 = arith.select %eq3A_842, %broadcast_in_dim3A_857, %broadcast_in_dim3A_858 : vector<1x128xi1>, vector<1x128xf32>
    %add3A_860 = arith.addf %add3A_839, %select_n3A_859 : vector<1x128xf32>
    %swap3A_861 = arith.constant 5 : index
    %swap3A_862 = arith.constant 0 : index
    %swap3A_863 = vector.load %arg13[%swap3A_861, %swap3A_862] : memref<30x128xf32, #tpu.memory_space<vmem>>, vector<1x128xf32>
    tpu.vector_store %arg13[%swap3A_861, %swap3A_862], %add3A_860 {strides = array<i32>} : memref<30x128xf32, #tpu.memory_space<vmem>>, vector<1x128xf32>,
    %get3A_864 = arith.constant 0 : index
    %get3A_865 = arith.constant 0 : index
    %get3A_866 = vector.load %arg15[%get3A_864, %get3A_865] : memref<8x128xi32, #tpu.memory_space<vmem>>, vector<1x128xi32>
    %broadcast_in_dim3A_867 = arith.constant 0 : i32
    %broadcast_in_dim3A_868 = vector.broadcast %broadcast_in_dim3A_867 : i32 to vector<1x128xi32>
    %eq3A_869 = arith.constant 6 : i32
    %eq3A_870 = vector.broadcast %eq3A_869 : i32 to vector<1x128xi32>
    %eq3A_871 = arith.cmpi eq, %iota3A, %eq3A_870 : vector<1x128xi32>
    %select_n3A_872 = arith.select %eq3A_871, %get3A_866, %broadcast_in_dim3A_868 : vector<1x128xi1>, vector<1x128xi32>
    %reduce_sum3A_873 = vector.shape_cast %select_n3A_872 : vector<1x128xi32> to vector<1x1x128xi32>
    %reduce_sum3A_874 = arith.constant dense<0> : vector<1xi32>
    %reduce_sum3A_875 = vector.multi_reduction <add>, %reduce_sum3A_873, %reduce_sum3A_874 [1, 2] : vector<1x1x128xi32> to vector<1xi32>
    %reduce_sum3A_876 = vector.shape_cast %reduce_sum3A_875 : vector<1xi32> to vector<1x1x1xi32>
    %reduce_sum3A_877 = vector.extract %reduce_sum3A_876[0, 0, 0] : i32 from vector<1x1x1xi32>
    %shift_right_logical3A_878 = arith.constant 7 : i32
    %shift_right_logical3A_879 = arith.shrui %reduce_sum3A_877, %shift_right_logical3A_878 : i32
    %and3A_880 = arith.constant 127 : i32
    %and3A_881 = arith.andi %reduce_sum3A_877, %and3A_880 : i32
    %get3A_882 = arith.index_cast %shift_right_logical3A_879 : i32 to index
    %get3A_883 = arith.constant 0 : index
    %get3A_884 = vector.load %arg12[%get3A_882, %get3A_883] : memref<40x128xf32, #tpu.memory_space<vmem>>, vector<1x128xf32>
    %broadcast_in_dim3A_885 = arith.constant 0.000000e+00 : f32
    %broadcast_in_dim3A_886 = vector.broadcast %broadcast_in_dim3A_885 : f32 to vector<1x128xf32>
    %eq3A_887 = vector.broadcast %and3A_881 : i32 to vector<1x128xi32>
    %eq3A_888 = arith.cmpi eq, %iota3A, %eq3A_887 : vector<1x128xi32>
    %select_n3A_889 = arith.select %eq3A_888, %get3A_884, %broadcast_in_dim3A_886 : vector<1x128xi1>, vector<1x128xf32>
    %reduce_sum3A_890 = vector.shape_cast %select_n3A_889 : vector<1x128xf32> to vector<1x1x128xf32>
    %reduce_sum3A_891 = arith.constant dense<0.000000e+00> : vector<1xf32>
    %reduce_sum3A_892 = vector.multi_reduction <add>, %reduce_sum3A_890, %reduce_sum3A_891 [1, 2] : vector<1x1x128xf32> to vector<1xf32>
    %reduce_sum3A_893 = vector.shape_cast %reduce_sum3A_892 : vector<1xf32> to vector<1x1x1xf32>
    %reduce_sum3A_894 = vector.extract %reduce_sum3A_893[0, 0, 0] : f32 from vector<1x1x1xf32>
    %neg3A_895 = arith.constant 0.000000e+00 : f32
    %neg3A_896 = arith.subf %neg3A_895, %reduce_sum3A_894 : f32
    %exp3A_897 = math.exp %neg3A_896 : f32
    %add3A_898 = arith.constant 1.000000e+00 : f32
    %add3A_899 = arith.addf %add3A_898, %exp3A_897 : f32
    %div3A_900 = arith.constant 1.000000e+00 : f32
    %div3A_901 = arith.divf %div3A_900, %add3A_899 : f32
    %eq3A_902 = arith.constant 0 : i32
    %eq3A_903 = vector.broadcast %eq3A_902 : i32 to vector<1x128xi32>
    %eq3A_904 = arith.cmpi eq, %iota3A, %eq3A_903 : vector<1x128xi32>
    %convert_element_type3A_905 = arith.sitofp %reduce_sum3A_877 : i32 to f32
    %jit3A_906 = arith.constant 0.000000e+00 : f32
    %broadcast_in_dim3A_907 = vector.broadcast %convert_element_type3A_905 : f32 to vector<1x128xf32>
    %broadcast_in_dim3A_908 = vector.broadcast %jit3A_906 : f32 to vector<1x128xf32>
    %select_n3A_909 = arith.select %eq3A_904, %broadcast_in_dim3A_907, %broadcast_in_dim3A_908 : vector<1x128xi1>, vector<1x128xf32>
    %eq3A_910 = arith.constant 1 : i32
    %eq3A_911 = vector.broadcast %eq3A_910 : i32 to vector<1x128xi32>
    %eq3A_912 = arith.cmpi eq, %iota3A, %eq3A_911 : vector<1x128xi32>
    %jit3A_913 = arith.constant 0.000000e+00 : f32
    %broadcast_in_dim3A_914 = vector.broadcast %div3A_901 : f32 to vector<1x128xf32>
    %broadcast_in_dim3A_915 = vector.broadcast %jit3A_913 : f32 to vector<1x128xf32>
    %select_n3A_916 = arith.select %eq3A_912, %broadcast_in_dim3A_914, %broadcast_in_dim3A_915 : vector<1x128xi1>, vector<1x128xf32>
    %add3A_917 = arith.addf %select_n3A_909, %select_n3A_916 : vector<1x128xf32>
    %eq3A_918 = arith.constant 2 : i32
    %eq3A_919 = vector.broadcast %eq3A_918 : i32 to vector<1x128xi32>
    %eq3A_920 = arith.cmpi eq, %iota3A, %eq3A_919 : vector<1x128xi32>
    %get3A_921 = arith.index_cast %shift_right_logical3A_879 : i32 to index
    %get3A_922 = arith.constant 0 : index
    %get3A_923 = vector.load %arg8[%get3A_921, %get3A_922] : memref<40x128xf32, #tpu.memory_space<vmem>>, vector<1x128xf32>
    %broadcast_in_dim3A_924 = arith.constant 0.000000e+00 : f32
    %broadcast_in_dim3A_925 = vector.broadcast %broadcast_in_dim3A_924 : f32 to vector<1x128xf32>
    %eq3A_926 = vector.broadcast %and3A_881 : i32 to vector<1x128xi32>
    %eq3A_927 = arith.cmpi eq, %iota3A, %eq3A_926 : vector<1x128xi32>
    %select_n3A_928 = arith.select %eq3A_927, %get3A_923, %broadcast_in_dim3A_925 : vector<1x128xi1>, vector<1x128xf32>
    %reduce_sum3A_929 = vector.shape_cast %select_n3A_928 : vector<1x128xf32> to vector<1x1x128xf32>
    %reduce_sum3A_930 = arith.constant dense<0.000000e+00> : vector<1xf32>
    %reduce_sum3A_931 = vector.multi_reduction <add>, %reduce_sum3A_929, %reduce_sum3A_930 [1, 2] : vector<1x1x128xf32> to vector<1xf32>
    %reduce_sum3A_932 = vector.shape_cast %reduce_sum3A_931 : vector<1xf32> to vector<1x1x1xf32>
    %reduce_sum3A_933 = vector.extract %reduce_sum3A_932[0, 0, 0] : f32 from vector<1x1x1xf32>
    %jit3A_934 = arith.constant 0.000000e+00 : f32
    %broadcast_in_dim3A_935 = vector.broadcast %reduce_sum3A_933 : f32 to vector<1x128xf32>
    %broadcast_in_dim3A_936 = vector.broadcast %jit3A_934 : f32 to vector<1x128xf32>
    %select_n3A_937 = arith.select %eq3A_920, %broadcast_in_dim3A_935, %broadcast_in_dim3A_936 : vector<1x128xi1>, vector<1x128xf32>
    %add3A_938 = arith.addf %add3A_917, %select_n3A_937 : vector<1x128xf32>
    %eq3A_939 = arith.constant 3 : i32
    %eq3A_940 = vector.broadcast %eq3A_939 : i32 to vector<1x128xi32>
    %eq3A_941 = arith.cmpi eq, %iota3A, %eq3A_940 : vector<1x128xi32>
    %get3A_942 = arith.index_cast %shift_right_logical3A_879 : i32 to index
    %get3A_943 = arith.constant 0 : index
    %get3A_944 = vector.load %arg9[%get3A_942, %get3A_943] : memref<40x128xf32, #tpu.memory_space<vmem>>, vector<1x128xf32>
    %broadcast_in_dim3A_945 = arith.constant 0.000000e+00 : f32
    %broadcast_in_dim3A_946 = vector.broadcast %broadcast_in_dim3A_945 : f32 to vector<1x128xf32>
    %eq3A_947 = vector.broadcast %and3A_881 : i32 to vector<1x128xi32>
    %eq3A_948 = arith.cmpi eq, %iota3A, %eq3A_947 : vector<1x128xi32>
    %select_n3A_949 = arith.select %eq3A_948, %get3A_944, %broadcast_in_dim3A_946 : vector<1x128xi1>, vector<1x128xf32>
    %reduce_sum3A_950 = vector.shape_cast %select_n3A_949 : vector<1x128xf32> to vector<1x1x128xf32>
    %reduce_sum3A_951 = arith.constant dense<0.000000e+00> : vector<1xf32>
    %reduce_sum3A_952 = vector.multi_reduction <add>, %reduce_sum3A_950, %reduce_sum3A_951 [1, 2] : vector<1x1x128xf32> to vector<1xf32>
    %reduce_sum3A_953 = vector.shape_cast %reduce_sum3A_952 : vector<1xf32> to vector<1x1x1xf32>
    %reduce_sum3A_954 = vector.extract %reduce_sum3A_953[0, 0, 0] : f32 from vector<1x1x1xf32>
    %jit3A_955 = arith.constant 0.000000e+00 : f32
    %broadcast_in_dim3A_956 = vector.broadcast %reduce_sum3A_954 : f32 to vector<1x128xf32>
    %broadcast_in_dim3A_957 = vector.broadcast %jit3A_955 : f32 to vector<1x128xf32>
    %select_n3A_958 = arith.select %eq3A_941, %broadcast_in_dim3A_956, %broadcast_in_dim3A_957 : vector<1x128xi1>, vector<1x128xf32>
    %add3A_959 = arith.addf %add3A_938, %select_n3A_958 : vector<1x128xf32>
    %eq3A_960 = arith.constant 4 : i32
    %eq3A_961 = vector.broadcast %eq3A_960 : i32 to vector<1x128xi32>
    %eq3A_962 = arith.cmpi eq, %iota3A, %eq3A_961 : vector<1x128xi32>
    %get3A_963 = arith.index_cast %shift_right_logical3A_879 : i32 to index
    %get3A_964 = arith.constant 0 : index
    %get3A_965 = vector.load %arg10[%get3A_963, %get3A_964] : memref<40x128xf32, #tpu.memory_space<vmem>>, vector<1x128xf32>
    %broadcast_in_dim3A_966 = arith.constant 0.000000e+00 : f32
    %broadcast_in_dim3A_967 = vector.broadcast %broadcast_in_dim3A_966 : f32 to vector<1x128xf32>
    %eq3A_968 = vector.broadcast %and3A_881 : i32 to vector<1x128xi32>
    %eq3A_969 = arith.cmpi eq, %iota3A, %eq3A_968 : vector<1x128xi32>
    %select_n3A_970 = arith.select %eq3A_969, %get3A_965, %broadcast_in_dim3A_967 : vector<1x128xi1>, vector<1x128xf32>
    %reduce_sum3A_971 = vector.shape_cast %select_n3A_970 : vector<1x128xf32> to vector<1x1x128xf32>
    %reduce_sum3A_972 = arith.constant dense<0.000000e+00> : vector<1xf32>
    %reduce_sum3A_973 = vector.multi_reduction <add>, %reduce_sum3A_971, %reduce_sum3A_972 [1, 2] : vector<1x1x128xf32> to vector<1xf32>
    %reduce_sum3A_974 = vector.shape_cast %reduce_sum3A_973 : vector<1xf32> to vector<1x1x1xf32>
    %reduce_sum3A_975 = vector.extract %reduce_sum3A_974[0, 0, 0] : f32 from vector<1x1x1xf32>
    %jit3A_976 = arith.constant 0.000000e+00 : f32
    %broadcast_in_dim3A_977 = vector.broadcast %reduce_sum3A_975 : f32 to vector<1x128xf32>
    %broadcast_in_dim3A_978 = vector.broadcast %jit3A_976 : f32 to vector<1x128xf32>
    %select_n3A_979 = arith.select %eq3A_962, %broadcast_in_dim3A_977, %broadcast_in_dim3A_978 : vector<1x128xi1>, vector<1x128xf32>
    %add3A_980 = arith.addf %add3A_959, %select_n3A_979 : vector<1x128xf32>
    %eq3A_981 = arith.constant 5 : i32
    %eq3A_982 = vector.broadcast %eq3A_981 : i32 to vector<1x128xi32>
    %eq3A_983 = arith.cmpi eq, %iota3A, %eq3A_982 : vector<1x128xi32>
    %get3A_984 = arith.index_cast %shift_right_logical3A_879 : i32 to index
    %get3A_985 = arith.constant 0 : index
    %get3A_986 = vector.load %arg11[%get3A_984, %get3A_985] : memref<40x128xf32, #tpu.memory_space<vmem>>, vector<1x128xf32>
    %broadcast_in_dim3A_987 = arith.constant 0.000000e+00 : f32
    %broadcast_in_dim3A_988 = vector.broadcast %broadcast_in_dim3A_987 : f32 to vector<1x128xf32>
    %eq3A_989 = vector.broadcast %and3A_881 : i32 to vector<1x128xi32>
    %eq3A_990 = arith.cmpi eq, %iota3A, %eq3A_989 : vector<1x128xi32>
    %select_n3A_991 = arith.select %eq3A_990, %get3A_986, %broadcast_in_dim3A_988 : vector<1x128xi1>, vector<1x128xf32>
    %reduce_sum3A_992 = vector.shape_cast %select_n3A_991 : vector<1x128xf32> to vector<1x1x128xf32>
    %reduce_sum3A_993 = arith.constant dense<0.000000e+00> : vector<1xf32>
    %reduce_sum3A_994 = vector.multi_reduction <add>, %reduce_sum3A_992, %reduce_sum3A_993 [1, 2] : vector<1x1x128xf32> to vector<1xf32>
    %reduce_sum3A_995 = vector.shape_cast %reduce_sum3A_994 : vector<1xf32> to vector<1x1x1xf32>
    %reduce_sum3A_996 = vector.extract %reduce_sum3A_995[0, 0, 0] : f32 from vector<1x1x1xf32>
    %jit3A_997 = arith.constant 0.000000e+00 : f32
    %broadcast_in_dim3A_998 = vector.broadcast %reduce_sum3A_996 : f32 to vector<1x128xf32>
    %broadcast_in_dim3A_999 = vector.broadcast %jit3A_997 : f32 to vector<1x128xf32>
    %select_n3A_1000 = arith.select %eq3A_983, %broadcast_in_dim3A_998, %broadcast_in_dim3A_999 : vector<1x128xi1>, vector<1x128xf32>
    %add3A_1001 = arith.addf %add3A_980, %select_n3A_1000 : vector<1x128xf32>
    %swap3A_1002 = arith.constant 6 : index
    %swap3A_1003 = arith.constant 0 : index
    %swap3A_1004 = vector.load %arg13[%swap3A_1002, %swap3A_1003] : memref<30x128xf32, #tpu.memory_space<vmem>>, vector<1x128xf32>
    tpu.vector_store %arg13[%swap3A_1002, %swap3A_1003], %add3A_1001 {strides = array<i32>} : memref<30x128xf32, #tpu.memory_space<vmem>>, vector<1x128xf32>,
    %get3A_1005 = arith.constant 0 : index
    %get3A_1006 = arith.constant 0 : index
    %get3A_1007 = vector.load %arg15[%get3A_1005, %get3A_1006] : memref<8x128xi32, #tpu.memory_space<vmem>>, vector<1x128xi32>
    %broadcast_in_dim3A_1008 = arith.constant 0 : i32
    %broadcast_in_dim3A_1009 = vector.broadcast %broadcast_in_dim3A_1008 : i32 to vector<1x128xi32>
    %eq3A_1010 = arith.constant 7 : i32
    %eq3A_1011 = vector.broadcast %eq3A_1010 : i32 to vector<1x128xi32>
    %eq3A_1012 = arith.cmpi eq, %iota3A, %eq3A_1011 : vector<1x128xi32>
    %select_n3A_1013 = arith.select %eq3A_1012, %get3A_1007, %broadcast_in_dim3A_1009 : vector<1x128xi1>, vector<1x128xi32>
    %reduce_sum3A_1014 = vector.shape_cast %select_n3A_1013 : vector<1x128xi32> to vector<1x1x128xi32>
    %reduce_sum3A_1015 = arith.constant dense<0> : vector<1xi32>
    %reduce_sum3A_1016 = vector.multi_reduction <add>, %reduce_sum3A_1014, %reduce_sum3A_1015 [1, 2] : vector<1x1x128xi32> to vector<1xi32>
    %reduce_sum3A_1017 = vector.shape_cast %reduce_sum3A_1016 : vector<1xi32> to vector<1x1x1xi32>
    %reduce_sum3A_1018 = vector.extract %reduce_sum3A_1017[0, 0, 0] : i32 from vector<1x1x1xi32>
    %shift_right_logical3A_1019 = arith.constant 7 : i32
    %shift_right_logical3A_1020 = arith.shrui %reduce_sum3A_1018, %shift_right_logical3A_1019 : i32
    %and3A_1021 = arith.constant 127 : i32
    %and3A_1022 = arith.andi %reduce_sum3A_1018, %and3A_1021 : i32
    %get3A_1023 = arith.index_cast %shift_right_logical3A_1020 : i32 to index
    %get3A_1024 = arith.constant 0 : index
    %get3A_1025 = vector.load %arg12[%get3A_1023, %get3A_1024] : memref<40x128xf32, #tpu.memory_space<vmem>>, vector<1x128xf32>
    %broadcast_in_dim3A_1026 = arith.constant 0.000000e+00 : f32
    %broadcast_in_dim3A_1027 = vector.broadcast %broadcast_in_dim3A_1026 : f32 to vector<1x128xf32>
    %eq3A_1028 = vector.broadcast %and3A_1022 : i32 to vector<1x128xi32>
    %eq3A_1029 = arith.cmpi eq, %iota3A, %eq3A_1028 : vector<1x128xi32>
    %select_n3A_1030 = arith.select %eq3A_1029, %get3A_1025, %broadcast_in_dim3A_1027 : vector<1x128xi1>, vector<1x128xf32>
    %reduce_sum3A_1031 = vector.shape_cast %select_n3A_1030 : vector<1x128xf32> to vector<1x1x128xf32>
    %reduce_sum3A_1032 = arith.constant dense<0.000000e+00> : vector<1xf32>
    %reduce_sum3A_1033 = vector.multi_reduction <add>, %reduce_sum3A_1031, %reduce_sum3A_1032 [1, 2] : vector<1x1x128xf32> to vector<1xf32>
    %reduce_sum3A_1034 = vector.shape_cast %reduce_sum3A_1033 : vector<1xf32> to vector<1x1x1xf32>
    %reduce_sum3A_1035 = vector.extract %reduce_sum3A_1034[0, 0, 0] : f32 from vector<1x1x1xf32>
    %neg3A_1036 = arith.constant 0.000000e+00 : f32
    %neg3A_1037 = arith.subf %neg3A_1036, %reduce_sum3A_1035 : f32
    %exp3A_1038 = math.exp %neg3A_1037 : f32
    %add3A_1039 = arith.constant 1.000000e+00 : f32
    %add3A_1040 = arith.addf %add3A_1039, %exp3A_1038 : f32
    %div3A_1041 = arith.constant 1.000000e+00 : f32
    %div3A_1042 = arith.divf %div3A_1041, %add3A_1040 : f32
    %eq3A_1043 = arith.constant 0 : i32
    %eq3A_1044 = vector.broadcast %eq3A_1043 : i32 to vector<1x128xi32>
    %eq3A_1045 = arith.cmpi eq, %iota3A, %eq3A_1044 : vector<1x128xi32>
    %convert_element_type3A_1046 = arith.sitofp %reduce_sum3A_1018 : i32 to f32
    %jit3A_1047 = arith.constant 0.000000e+00 : f32
    %broadcast_in_dim3A_1048 = vector.broadcast %convert_element_type3A_1046 : f32 to vector<1x128xf32>
    %broadcast_in_dim3A_1049 = vector.broadcast %jit3A_1047 : f32 to vector<1x128xf32>
    %select_n3A_1050 = arith.select %eq3A_1045, %broadcast_in_dim3A_1048, %broadcast_in_dim3A_1049 : vector<1x128xi1>, vector<1x128xf32>
    %eq3A_1051 = arith.constant 1 : i32
    %eq3A_1052 = vector.broadcast %eq3A_1051 : i32 to vector<1x128xi32>
    %eq3A_1053 = arith.cmpi eq, %iota3A, %eq3A_1052 : vector<1x128xi32>
    %jit3A_1054 = arith.constant 0.000000e+00 : f32
    %broadcast_in_dim3A_1055 = vector.broadcast %div3A_1042 : f32 to vector<1x128xf32>
    %broadcast_in_dim3A_1056 = vector.broadcast %jit3A_1054 : f32 to vector<1x128xf32>
    %select_n3A_1057 = arith.select %eq3A_1053, %broadcast_in_dim3A_1055, %broadcast_in_dim3A_1056 : vector<1x128xi1>, vector<1x128xf32>
    %add3A_1058 = arith.addf %select_n3A_1050, %select_n3A_1057 : vector<1x128xf32>
    %eq3A_1059 = arith.constant 2 : i32
    %eq3A_1060 = vector.broadcast %eq3A_1059 : i32 to vector<1x128xi32>
    %eq3A_1061 = arith.cmpi eq, %iota3A, %eq3A_1060 : vector<1x128xi32>
    %get3A_1062 = arith.index_cast %shift_right_logical3A_1020 : i32 to index
    %get3A_1063 = arith.constant 0 : index
    %get3A_1064 = vector.load %arg8[%get3A_1062, %get3A_1063] : memref<40x128xf32, #tpu.memory_space<vmem>>, vector<1x128xf32>
    %broadcast_in_dim3A_1065 = arith.constant 0.000000e+00 : f32
    %broadcast_in_dim3A_1066 = vector.broadcast %broadcast_in_dim3A_1065 : f32 to vector<1x128xf32>
    %eq3A_1067 = vector.broadcast %and3A_1022 : i32 to vector<1x128xi32>
    %eq3A_1068 = arith.cmpi eq, %iota3A, %eq3A_1067 : vector<1x128xi32>
    %select_n3A_1069 = arith.select %eq3A_1068, %get3A_1064, %broadcast_in_dim3A_1066 : vector<1x128xi1>, vector<1x128xf32>
    %reduce_sum3A_1070 = vector.shape_cast %select_n3A_1069 : vector<1x128xf32> to vector<1x1x128xf32>
    %reduce_sum3A_1071 = arith.constant dense<0.000000e+00> : vector<1xf32>
    %reduce_sum3A_1072 = vector.multi_reduction <add>, %reduce_sum3A_1070, %reduce_sum3A_1071 [1, 2] : vector<1x1x128xf32> to vector<1xf32>
    %reduce_sum3A_1073 = vector.shape_cast %reduce_sum3A_1072 : vector<1xf32> to vector<1x1x1xf32>
    %reduce_sum3A_1074 = vector.extract %reduce_sum3A_1073[0, 0, 0] : f32 from vector<1x1x1xf32>
    %jit3A_1075 = arith.constant 0.000000e+00 : f32
    %broadcast_in_dim3A_1076 = vector.broadcast %reduce_sum3A_1074 : f32 to vector<1x128xf32>
    %broadcast_in_dim3A_1077 = vector.broadcast %jit3A_1075 : f32 to vector<1x128xf32>
    %select_n3A_1078 = arith.select %eq3A_1061, %broadcast_in_dim3A_1076, %broadcast_in_dim3A_1077 : vector<1x128xi1>, vector<1x128xf32>
    %add3A_1079 = arith.addf %add3A_1058, %select_n3A_1078 : vector<1x128xf32>
    %eq3A_1080 = arith.constant 3 : i32
    %eq3A_1081 = vector.broadcast %eq3A_1080 : i32 to vector<1x128xi32>
    %eq3A_1082 = arith.cmpi eq, %iota3A, %eq3A_1081 : vector<1x128xi32>
    %get3A_1083 = arith.index_cast %shift_right_logical3A_1020 : i32 to index
    %get3A_1084 = arith.constant 0 : index
    %get3A_1085 = vector.load %arg9[%get3A_1083, %get3A_1084] : memref<40x128xf32, #tpu.memory_space<vmem>>, vector<1x128xf32>
    %broadcast_in_dim3A_1086 = arith.constant 0.000000e+00 : f32
    %broadcast_in_dim3A_1087 = vector.broadcast %broadcast_in_dim3A_1086 : f32 to vector<1x128xf32>
    %eq3A_1088 = vector.broadcast %and3A_1022 : i32 to vector<1x128xi32>
    %eq3A_1089 = arith.cmpi eq, %iota3A, %eq3A_1088 : vector<1x128xi32>
    %select_n3A_1090 = arith.select %eq3A_1089, %get3A_1085, %broadcast_in_dim3A_1087 : vector<1x128xi1>, vector<1x128xf32>
    %reduce_sum3A_1091 = vector.shape_cast %select_n3A_1090 : vector<1x128xf32> to vector<1x1x128xf32>
    %reduce_sum3A_1092 = arith.constant dense<0.000000e+00> : vector<1xf32>
    %reduce_sum3A_1093 = vector.multi_reduction <add>, %reduce_sum3A_1091, %reduce_sum3A_1092 [1, 2] : vector<1x1x128xf32> to vector<1xf32>
    %reduce_sum3A_1094 = vector.shape_cast %reduce_sum3A_1093 : vector<1xf32> to vector<1x1x1xf32>
    %reduce_sum3A_1095 = vector.extract %reduce_sum3A_1094[0, 0, 0] : f32 from vector<1x1x1xf32>
    %jit3A_1096 = arith.constant 0.000000e+00 : f32
    %broadcast_in_dim3A_1097 = vector.broadcast %reduce_sum3A_1095 : f32 to vector<1x128xf32>
    %broadcast_in_dim3A_1098 = vector.broadcast %jit3A_1096 : f32 to vector<1x128xf32>
    %select_n3A_1099 = arith.select %eq3A_1082, %broadcast_in_dim3A_1097, %broadcast_in_dim3A_1098 : vector<1x128xi1>, vector<1x128xf32>
    %add3A_1100 = arith.addf %add3A_1079, %select_n3A_1099 : vector<1x128xf32>
    %eq3A_1101 = arith.constant 4 : i32
    %eq3A_1102 = vector.broadcast %eq3A_1101 : i32 to vector<1x128xi32>
    %eq3A_1103 = arith.cmpi eq, %iota3A, %eq3A_1102 : vector<1x128xi32>
    %get3A_1104 = arith.index_cast %shift_right_logical3A_1020 : i32 to index
    %get3A_1105 = arith.constant 0 : index
    %get3A_1106 = vector.load %arg10[%get3A_1104, %get3A_1105] : memref<40x128xf32, #tpu.memory_space<vmem>>, vector<1x128xf32>
    %broadcast_in_dim3A_1107 = arith.constant 0.000000e+00 : f32
    %broadcast_in_dim3A_1108 = vector.broadcast %broadcast_in_dim3A_1107 : f32 to vector<1x128xf32>
    %eq3A_1109 = vector.broadcast %and3A_1022 : i32 to vector<1x128xi32>
    %eq3A_1110 = arith.cmpi eq, %iota3A, %eq3A_1109 : vector<1x128xi32>
    %select_n3A_1111 = arith.select %eq3A_1110, %get3A_1106, %broadcast_in_dim3A_1108 : vector<1x128xi1>, vector<1x128xf32>
    %reduce_sum3A_1112 = vector.shape_cast %select_n3A_1111 : vector<1x128xf32> to vector<1x1x128xf32>
    %reduce_sum3A_1113 = arith.constant dense<0.000000e+00> : vector<1xf32>
    %reduce_sum3A_1114 = vector.multi_reduction <add>, %reduce_sum3A_1112, %reduce_sum3A_1113 [1, 2] : vector<1x1x128xf32> to vector<1xf32>
    %reduce_sum3A_1115 = vector.shape_cast %reduce_sum3A_1114 : vector<1xf32> to vector<1x1x1xf32>
    %reduce_sum3A_1116 = vector.extract %reduce_sum3A_1115[0, 0, 0] : f32 from vector<1x1x1xf32>
    %jit3A_1117 = arith.constant 0.000000e+00 : f32
    %broadcast_in_dim3A_1118 = vector.broadcast %reduce_sum3A_1116 : f32 to vector<1x128xf32>
    %broadcast_in_dim3A_1119 = vector.broadcast %jit3A_1117 : f32 to vector<1x128xf32>
    %select_n3A_1120 = arith.select %eq3A_1103, %broadcast_in_dim3A_1118, %broadcast_in_dim3A_1119 : vector<1x128xi1>, vector<1x128xf32>
    %add3A_1121 = arith.addf %add3A_1100, %select_n3A_1120 : vector<1x128xf32>
    %eq3A_1122 = arith.constant 5 : i32
    %eq3A_1123 = vector.broadcast %eq3A_1122 : i32 to vector<1x128xi32>
    %eq3A_1124 = arith.cmpi eq, %iota3A, %eq3A_1123 : vector<1x128xi32>
    %get3A_1125 = arith.index_cast %shift_right_logical3A_1020 : i32 to index
    %get3A_1126 = arith.constant 0 : index
    %get3A_1127 = vector.load %arg11[%get3A_1125, %get3A_1126] : memref<40x128xf32, #tpu.memory_space<vmem>>, vector<1x128xf32>
    %broadcast_in_dim3A_1128 = arith.constant 0.000000e+00 : f32
    %broadcast_in_dim3A_1129 = vector.broadcast %broadcast_in_dim3A_1128 : f32 to vector<1x128xf32>
    %eq3A_1130 = vector.broadcast %and3A_1022 : i32 to vector<1x128xi32>
    %eq3A_1131 = arith.cmpi eq, %iota3A, %eq3A_1130 : vector<1x128xi32>
    %select_n3A_1132 = arith.select %eq3A_1131, %get3A_1127, %broadcast_in_dim3A_1129 : vector<1x128xi1>, vector<1x128xf32>
    %reduce_sum3A_1133 = vector.shape_cast %select_n3A_1132 : vector<1x128xf32> to vector<1x1x128xf32>
    %reduce_sum3A_1134 = arith.constant dense<0.000000e+00> : vector<1xf32>
    %reduce_sum3A_1135 = vector.multi_reduction <add>, %reduce_sum3A_1133, %reduce_sum3A_1134 [1, 2] : vector<1x1x128xf32> to vector<1xf32>
    %reduce_sum3A_1136 = vector.shape_cast %reduce_sum3A_1135 : vector<1xf32> to vector<1x1x1xf32>
    %reduce_sum3A_1137 = vector.extract %reduce_sum3A_1136[0, 0, 0] : f32 from vector<1x1x1xf32>
    %jit3A_1138 = arith.constant 0.000000e+00 : f32
    %broadcast_in_dim3A_1139 = vector.broadcast %reduce_sum3A_1137 : f32 to vector<1x128xf32>
    %broadcast_in_dim3A_1140 = vector.broadcast %jit3A_1138 : f32 to vector<1x128xf32>
    %select_n3A_1141 = arith.select %eq3A_1124, %broadcast_in_dim3A_1139, %broadcast_in_dim3A_1140 : vector<1x128xi1>, vector<1x128xf32>
    %add3A_1142 = arith.addf %add3A_1121, %select_n3A_1141 : vector<1x128xf32>
    %swap3A_1143 = arith.constant 7 : index
    %swap3A_1144 = arith.constant 0 : index
    %swap3A_1145 = vector.load %arg13[%swap3A_1143, %swap3A_1144] : memref<30x128xf32, #tpu.memory_space<vmem>>, vector<1x128xf32>
    tpu.vector_store %arg13[%swap3A_1143, %swap3A_1144], %add3A_1142 {strides = array<i32>} : memref<30x128xf32, #tpu.memory_space<vmem>>, vector<1x128xf32>,
    %get3A_1146 = arith.constant 0 : index
    %get3A_1147 = arith.constant 0 : index
    %get3A_1148 = vector.load %arg15[%get3A_1146, %get3A_1147] : memref<8x128xi32, #tpu.memory_space<vmem>>, vector<1x128xi32>
    %broadcast_in_dim3A_1149 = arith.constant 0 : i32
    %broadcast_in_dim3A_1150 = vector.broadcast %broadcast_in_dim3A_1149 : i32 to vector<1x128xi32>
    %eq3A_1151 = arith.constant 8 : i32
    %eq3A_1152 = vector.broadcast %eq3A_1151 : i32 to vector<1x128xi32>
    %eq3A_1153 = arith.cmpi eq, %iota3A, %eq3A_1152 : vector<1x128xi32>
    %select_n3A_1154 = arith.select %eq3A_1153, %get3A_1148, %broadcast_in_dim3A_1150 : vector<1x128xi1>, vector<1x128xi32>
    %reduce_sum3A_1155 = vector.shape_cast %select_n3A_1154 : vector<1x128xi32> to vector<1x1x128xi32>
    %reduce_sum3A_1156 = arith.constant dense<0> : vector<1xi32>
    %reduce_sum3A_1157 = vector.multi_reduction <add>, %reduce_sum3A_1155, %reduce_sum3A_1156 [1, 2] : vector<1x1x128xi32> to vector<1xi32>
    %reduce_sum3A_1158 = vector.shape_cast %reduce_sum3A_1157 : vector<1xi32> to vector<1x1x1xi32>
    %reduce_sum3A_1159 = vector.extract %reduce_sum3A_1158[0, 0, 0] : i32 from vector<1x1x1xi32>
    %shift_right_logical3A_1160 = arith.constant 7 : i32
    %shift_right_logical3A_1161 = arith.shrui %reduce_sum3A_1159, %shift_right_logical3A_1160 : i32
    %and3A_1162 = arith.constant 127 : i32
    %and3A_1163 = arith.andi %reduce_sum3A_1159, %and3A_1162 : i32
    %get3A_1164 = arith.index_cast %shift_right_logical3A_1161 : i32 to index
    %get3A_1165 = arith.constant 0 : index
    %get3A_1166 = vector.load %arg12[%get3A_1164, %get3A_1165] : memref<40x128xf32, #tpu.memory_space<vmem>>, vector<1x128xf32>
    %broadcast_in_dim3A_1167 = arith.constant 0.000000e+00 : f32
    %broadcast_in_dim3A_1168 = vector.broadcast %broadcast_in_dim3A_1167 : f32 to vector<1x128xf32>
    %eq3A_1169 = vector.broadcast %and3A_1163 : i32 to vector<1x128xi32>
    %eq3A_1170 = arith.cmpi eq, %iota3A, %eq3A_1169 : vector<1x128xi32>
    %select_n3A_1171 = arith.select %eq3A_1170, %get3A_1166, %broadcast_in_dim3A_1168 : vector<1x128xi1>, vector<1x128xf32>
    %reduce_sum3A_1172 = vector.shape_cast %select_n3A_1171 : vector<1x128xf32> to vector<1x1x128xf32>
    %reduce_sum3A_1173 = arith.constant dense<0.000000e+00> : vector<1xf32>
    %reduce_sum3A_1174 = vector.multi_reduction <add>, %reduce_sum3A_1172, %reduce_sum3A_1173 [1, 2] : vector<1x1x128xf32> to vector<1xf32>
    %reduce_sum3A_1175 = vector.shape_cast %reduce_sum3A_1174 : vector<1xf32> to vector<1x1x1xf32>
    %reduce_sum3A_1176 = vector.extract %reduce_sum3A_1175[0, 0, 0] : f32 from vector<1x1x1xf32>
    %neg3A_1177 = arith.constant 0.000000e+00 : f32
    %neg3A_1178 = arith.subf %neg3A_1177, %reduce_sum3A_1176 : f32
    %exp3A_1179 = math.exp %neg3A_1178 : f32
    %add3A_1180 = arith.constant 1.000000e+00 : f32
    %add3A_1181 = arith.addf %add3A_1180, %exp3A_1179 : f32
    %div3A_1182 = arith.constant 1.000000e+00 : f32
    %div3A_1183 = arith.divf %div3A_1182, %add3A_1181 : f32
    %eq3A_1184 = arith.constant 0 : i32
    %eq3A_1185 = vector.broadcast %eq3A_1184 : i32 to vector<1x128xi32>
    %eq3A_1186 = arith.cmpi eq, %iota3A, %eq3A_1185 : vector<1x128xi32>
    %convert_element_type3A_1187 = arith.sitofp %reduce_sum3A_1159 : i32 to f32
    %jit3A_1188 = arith.constant 0.000000e+00 : f32
    %broadcast_in_dim3A_1189 = vector.broadcast %convert_element_type3A_1187 : f32 to vector<1x128xf32>
    %broadcast_in_dim3A_1190 = vector.broadcast %jit3A_1188 : f32 to vector<1x128xf32>
    %select_n3A_1191 = arith.select %eq3A_1186, %broadcast_in_dim3A_1189, %broadcast_in_dim3A_1190 : vector<1x128xi1>, vector<1x128xf32>
    %eq3A_1192 = arith.constant 1 : i32
    %eq3A_1193 = vector.broadcast %eq3A_1192 : i32 to vector<1x128xi32>
    %eq3A_1194 = arith.cmpi eq, %iota3A, %eq3A_1193 : vector<1x128xi32>
    %jit3A_1195 = arith.constant 0.000000e+00 : f32
    %broadcast_in_dim3A_1196 = vector.broadcast %div3A_1183 : f32 to vector<1x128xf32>
    %broadcast_in_dim3A_1197 = vector.broadcast %jit3A_1195 : f32 to vector<1x128xf32>
    %select_n3A_1198 = arith.select %eq3A_1194, %broadcast_in_dim3A_1196, %broadcast_in_dim3A_1197 : vector<1x128xi1>, vector<1x128xf32>
    %add3A_1199 = arith.addf %select_n3A_1191, %select_n3A_1198 : vector<1x128xf32>
    %eq3A_1200 = arith.constant 2 : i32
    %eq3A_1201 = vector.broadcast %eq3A_1200 : i32 to vector<1x128xi32>
    %eq3A_1202 = arith.cmpi eq, %iota3A, %eq3A_1201 : vector<1x128xi32>
    %get3A_1203 = arith.index_cast %shift_right_logical3A_1161 : i32 to index
    %get3A_1204 = arith.constant 0 : index
    %get3A_1205 = vector.load %arg8[%get3A_1203, %get3A_1204] : memref<40x128xf32, #tpu.memory_space<vmem>>, vector<1x128xf32>
    %broadcast_in_dim3A_1206 = arith.constant 0.000000e+00 : f32
    %broadcast_in_dim3A_1207 = vector.broadcast %broadcast_in_dim3A_1206 : f32 to vector<1x128xf32>
    %eq3A_1208 = vector.broadcast %and3A_1163 : i32 to vector<1x128xi32>
    %eq3A_1209 = arith.cmpi eq, %iota3A, %eq3A_1208 : vector<1x128xi32>
    %select_n3A_1210 = arith.select %eq3A_1209, %get3A_1205, %broadcast_in_dim3A_1207 : vector<1x128xi1>, vector<1x128xf32>
    %reduce_sum3A_1211 = vector.shape_cast %select_n3A_1210 : vector<1x128xf32> to vector<1x1x128xf32>
    %reduce_sum3A_1212 = arith.constant dense<0.000000e+00> : vector<1xf32>
    %reduce_sum3A_1213 = vector.multi_reduction <add>, %reduce_sum3A_1211, %reduce_sum3A_1212 [1, 2] : vector<1x1x128xf32> to vector<1xf32>
    %reduce_sum3A_1214 = vector.shape_cast %reduce_sum3A_1213 : vector<1xf32> to vector<1x1x1xf32>
    %reduce_sum3A_1215 = vector.extract %reduce_sum3A_1214[0, 0, 0] : f32 from vector<1x1x1xf32>
    %jit3A_1216 = arith.constant 0.000000e+00 : f32
    %broadcast_in_dim3A_1217 = vector.broadcast %reduce_sum3A_1215 : f32 to vector<1x128xf32>
    %broadcast_in_dim3A_1218 = vector.broadcast %jit3A_1216 : f32 to vector<1x128xf32>
    %select_n3A_1219 = arith.select %eq3A_1202, %broadcast_in_dim3A_1217, %broadcast_in_dim3A_1218 : vector<1x128xi1>, vector<1x128xf32>
    %add3A_1220 = arith.addf %add3A_1199, %select_n3A_1219 : vector<1x128xf32>
    %eq3A_1221 = arith.constant 3 : i32
    %eq3A_1222 = vector.broadcast %eq3A_1221 : i32 to vector<1x128xi32>
    %eq3A_1223 = arith.cmpi eq, %iota3A, %eq3A_1222 : vector<1x128xi32>
    %get3A_1224 = arith.index_cast %shift_right_logical3A_1161 : i32 to index
    %get3A_1225 = arith.constant 0 : index
    %get3A_1226 = vector.load %arg9[%get3A_1224, %get3A_1225] : memref<40x128xf32, #tpu.memory_space<vmem>>, vector<1x128xf32>
    %broadcast_in_dim3A_1227 = arith.constant 0.000000e+00 : f32
    %broadcast_in_dim3A_1228 = vector.broadcast %broadcast_in_dim3A_1227 : f32 to vector<1x128xf32>
    %eq3A_1229 = vector.broadcast %and3A_1163 : i32 to vector<1x128xi32>
    %eq3A_1230 = arith.cmpi eq, %iota3A, %eq3A_1229 : vector<1x128xi32>
    %select_n3A_1231 = arith.select %eq3A_1230, %get3A_1226, %broadcast_in_dim3A_1228 : vector<1x128xi1>, vector<1x128xf32>
    %reduce_sum3A_1232 = vector.shape_cast %select_n3A_1231 : vector<1x128xf32> to vector<1x1x128xf32>
    %reduce_sum3A_1233 = arith.constant dense<0.000000e+00> : vector<1xf32>
    %reduce_sum3A_1234 = vector.multi_reduction <add>, %reduce_sum3A_1232, %reduce_sum3A_1233 [1, 2] : vector<1x1x128xf32> to vector<1xf32>
    %reduce_sum3A_1235 = vector.shape_cast %reduce_sum3A_1234 : vector<1xf32> to vector<1x1x1xf32>
    %reduce_sum3A_1236 = vector.extract %reduce_sum3A_1235[0, 0, 0] : f32 from vector<1x1x1xf32>
    %jit3A_1237 = arith.constant 0.000000e+00 : f32
    %broadcast_in_dim3A_1238 = vector.broadcast %reduce_sum3A_1236 : f32 to vector<1x128xf32>
    %broadcast_in_dim3A_1239 = vector.broadcast %jit3A_1237 : f32 to vector<1x128xf32>
    %select_n3A_1240 = arith.select %eq3A_1223, %broadcast_in_dim3A_1238, %broadcast_in_dim3A_1239 : vector<1x128xi1>, vector<1x128xf32>
    %add3A_1241 = arith.addf %add3A_1220, %select_n3A_1240 : vector<1x128xf32>
    %eq3A_1242 = arith.constant 4 : i32
    %eq3A_1243 = vector.broadcast %eq3A_1242 : i32 to vector<1x128xi32>
    %eq3A_1244 = arith.cmpi eq, %iota3A, %eq3A_1243 : vector<1x128xi32>
    %get3A_1245 = arith.index_cast %shift_right_logical3A_1161 : i32 to index
    %get3A_1246 = arith.constant 0 : index
    %get3A_1247 = vector.load %arg10[%get3A_1245, %get3A_1246] : memref<40x128xf32, #tpu.memory_space<vmem>>, vector<1x128xf32>
    %broadcast_in_dim3A_1248 = arith.constant 0.000000e+00 : f32
    %broadcast_in_dim3A_1249 = vector.broadcast %broadcast_in_dim3A_1248 : f32 to vector<1x128xf32>
    %eq3A_1250 = vector.broadcast %and3A_1163 : i32 to vector<1x128xi32>
    %eq3A_1251 = arith.cmpi eq, %iota3A, %eq3A_1250 : vector<1x128xi32>
    %select_n3A_1252 = arith.select %eq3A_1251, %get3A_1247, %broadcast_in_dim3A_1249 : vector<1x128xi1>, vector<1x128xf32>
    %reduce_sum3A_1253 = vector.shape_cast %select_n3A_1252 : vector<1x128xf32> to vector<1x1x128xf32>
    %reduce_sum3A_1254 = arith.constant dense<0.000000e+00> : vector<1xf32>
    %reduce_sum3A_1255 = vector.multi_reduction <add>, %reduce_sum3A_1253, %reduce_sum3A_1254 [1, 2] : vector<1x1x128xf32> to vector<1xf32>
    %reduce_sum3A_1256 = vector.shape_cast %reduce_sum3A_1255 : vector<1xf32> to vector<1x1x1xf32>
    %reduce_sum3A_1257 = vector.extract %reduce_sum3A_1256[0, 0, 0] : f32 from vector<1x1x1xf32>
    %jit3A_1258 = arith.constant 0.000000e+00 : f32
    %broadcast_in_dim3A_1259 = vector.broadcast %reduce_sum3A_1257 : f32 to vector<1x128xf32>
    %broadcast_in_dim3A_1260 = vector.broadcast %jit3A_1258 : f32 to vector<1x128xf32>
    %select_n3A_1261 = arith.select %eq3A_1244, %broadcast_in_dim3A_1259, %broadcast_in_dim3A_1260 : vector<1x128xi1>, vector<1x128xf32>
    %add3A_1262 = arith.addf %add3A_1241, %select_n3A_1261 : vector<1x128xf32>
    %eq3A_1263 = arith.constant 5 : i32
    %eq3A_1264 = vector.broadcast %eq3A_1263 : i32 to vector<1x128xi32>
    %eq3A_1265 = arith.cmpi eq, %iota3A, %eq3A_1264 : vector<1x128xi32>
    %get3A_1266 = arith.index_cast %shift_right_logical3A_1161 : i32 to index
    %get3A_1267 = arith.constant 0 : index
    %get3A_1268 = vector.load %arg11[%get3A_1266, %get3A_1267] : memref<40x128xf32, #tpu.memory_space<vmem>>, vector<1x128xf32>
    %broadcast_in_dim3A_1269 = arith.constant 0.000000e+00 : f32
    %broadcast_in_dim3A_1270 = vector.broadcast %broadcast_in_dim3A_1269 : f32 to vector<1x128xf32>
    %eq3A_1271 = vector.broadcast %and3A_1163 : i32 to vector<1x128xi32>
    %eq3A_1272 = arith.cmpi eq, %iota3A, %eq3A_1271 : vector<1x128xi32>
    %select_n3A_1273 = arith.select %eq3A_1272, %get3A_1268, %broadcast_in_dim3A_1270 : vector<1x128xi1>, vector<1x128xf32>
    %reduce_sum3A_1274 = vector.shape_cast %select_n3A_1273 : vector<1x128xf32> to vector<1x1x128xf32>
    %reduce_sum3A_1275 = arith.constant dense<0.000000e+00> : vector<1xf32>
    %reduce_sum3A_1276 = vector.multi_reduction <add>, %reduce_sum3A_1274, %reduce_sum3A_1275 [1, 2] : vector<1x1x128xf32> to vector<1xf32>
    %reduce_sum3A_1277 = vector.shape_cast %reduce_sum3A_1276 : vector<1xf32> to vector<1x1x1xf32>
    %reduce_sum3A_1278 = vector.extract %reduce_sum3A_1277[0, 0, 0] : f32 from vector<1x1x1xf32>
    %jit3A_1279 = arith.constant 0.000000e+00 : f32
    %broadcast_in_dim3A_1280 = vector.broadcast %reduce_sum3A_1278 : f32 to vector<1x128xf32>
    %broadcast_in_dim3A_1281 = vector.broadcast %jit3A_1279 : f32 to vector<1x128xf32>
    %select_n3A_1282 = arith.select %eq3A_1265, %broadcast_in_dim3A_1280, %broadcast_in_dim3A_1281 : vector<1x128xi1>, vector<1x128xf32>
    %add3A_1283 = arith.addf %add3A_1262, %select_n3A_1282 : vector<1x128xf32>
    %swap3A_1284 = arith.constant 8 : index
    %swap3A_1285 = arith.constant 0 : index
    %swap3A_1286 = vector.load %arg13[%swap3A_1284, %swap3A_1285] : memref<30x128xf32, #tpu.memory_space<vmem>>, vector<1x128xf32>
    tpu.vector_store %arg13[%swap3A_1284, %swap3A_1285], %add3A_1283 {strides = array<i32>} : memref<30x128xf32, #tpu.memory_space<vmem>>, vector<1x128xf32>,
    %get3A_1287 = arith.constant 0 : index
    %get3A_1288 = arith.constant 0 : index
    %get3A_1289 = vector.load %arg15[%get3A_1287, %get3A_1288] : memref<8x128xi32, #tpu.memory_space<vmem>>, vector<1x128xi32>
    %broadcast_in_dim3A_1290 = arith.constant 0 : i32
    %broadcast_in_dim3A_1291 = vector.broadcast %broadcast_in_dim3A_1290 : i32 to vector<1x128xi32>
    %eq3A_1292 = arith.constant 9 : i32
    %eq3A_1293 = vector.broadcast %eq3A_1292 : i32 to vector<1x128xi32>
    %eq3A_1294 = arith.cmpi eq, %iota3A, %eq3A_1293 : vector<1x128xi32>
    %select_n3A_1295 = arith.select %eq3A_1294, %get3A_1289, %broadcast_in_dim3A_1291 : vector<1x128xi1>, vector<1x128xi32>
    %reduce_sum3A_1296 = vector.shape_cast %select_n3A_1295 : vector<1x128xi32> to vector<1x1x128xi32>
    %reduce_sum3A_1297 = arith.constant dense<0> : vector<1xi32>
    %reduce_sum3A_1298 = vector.multi_reduction <add>, %reduce_sum3A_1296, %reduce_sum3A_1297 [1, 2] : vector<1x1x128xi32> to vector<1xi32>
    %reduce_sum3A_1299 = vector.shape_cast %reduce_sum3A_1298 : vector<1xi32> to vector<1x1x1xi32>
    %reduce_sum3A_1300 = vector.extract %reduce_sum3A_1299[0, 0, 0] : i32 from vector<1x1x1xi32>
    %shift_right_logical3A_1301 = arith.constant 7 : i32
    %shift_right_logical3A_1302 = arith.shrui %reduce_sum3A_1300, %shift_right_logical3A_1301 : i32
    %and3A_1303 = arith.constant 127 : i32
    %and3A_1304 = arith.andi %reduce_sum3A_1300, %and3A_1303 : i32
    %get3A_1305 = arith.index_cast %shift_right_logical3A_1302 : i32 to index
    %get3A_1306 = arith.constant 0 : index
    %get3A_1307 = vector.load %arg12[%get3A_1305, %get3A_1306] : memref<40x128xf32, #tpu.memory_space<vmem>>, vector<1x128xf32>
    %broadcast_in_dim3A_1308 = arith.constant 0.000000e+00 : f32
    %broadcast_in_dim3A_1309 = vector.broadcast %broadcast_in_dim3A_1308 : f32 to vector<1x128xf32>
    %eq3A_1310 = vector.broadcast %and3A_1304 : i32 to vector<1x128xi32>
    %eq3A_1311 = arith.cmpi eq, %iota3A, %eq3A_1310 : vector<1x128xi32>
    %select_n3A_1312 = arith.select %eq3A_1311, %get3A_1307, %broadcast_in_dim3A_1309 : vector<1x128xi1>, vector<1x128xf32>
    %reduce_sum3A_1313 = vector.shape_cast %select_n3A_1312 : vector<1x128xf32> to vector<1x1x128xf32>
    %reduce_sum3A_1314 = arith.constant dense<0.000000e+00> : vector<1xf32>
    %reduce_sum3A_1315 = vector.multi_reduction <add>, %reduce_sum3A_1313, %reduce_sum3A_1314 [1, 2] : vector<1x1x128xf32> to vector<1xf32>
    %reduce_sum3A_1316 = vector.shape_cast %reduce_sum3A_1315 : vector<1xf32> to vector<1x1x1xf32>
    %reduce_sum3A_1317 = vector.extract %reduce_sum3A_1316[0, 0, 0] : f32 from vector<1x1x1xf32>
    %neg3A_1318 = arith.constant 0.000000e+00 : f32
    %neg3A_1319 = arith.subf %neg3A_1318, %reduce_sum3A_1317 : f32
    %exp3A_1320 = math.exp %neg3A_1319 : f32
    %add3A_1321 = arith.constant 1.000000e+00 : f32
    %add3A_1322 = arith.addf %add3A_1321, %exp3A_1320 : f32
    %div3A_1323 = arith.constant 1.000000e+00 : f32
    %div3A_1324 = arith.divf %div3A_1323, %add3A_1322 : f32
    %eq3A_1325 = arith.constant 0 : i32
    %eq3A_1326 = vector.broadcast %eq3A_1325 : i32 to vector<1x128xi32>
    %eq3A_1327 = arith.cmpi eq, %iota3A, %eq3A_1326 : vector<1x128xi32>
    %convert_element_type3A_1328 = arith.sitofp %reduce_sum3A_1300 : i32 to f32
    %jit3A_1329 = arith.constant 0.000000e+00 : f32
    %broadcast_in_dim3A_1330 = vector.broadcast %convert_element_type3A_1328 : f32 to vector<1x128xf32>
    %broadcast_in_dim3A_1331 = vector.broadcast %jit3A_1329 : f32 to vector<1x128xf32>
    %select_n3A_1332 = arith.select %eq3A_1327, %broadcast_in_dim3A_1330, %broadcast_in_dim3A_1331 : vector<1x128xi1>, vector<1x128xf32>
    %eq3A_1333 = arith.constant 1 : i32
    %eq3A_1334 = vector.broadcast %eq3A_1333 : i32 to vector<1x128xi32>
    %eq3A_1335 = arith.cmpi eq, %iota3A, %eq3A_1334 : vector<1x128xi32>
    %jit3A_1336 = arith.constant 0.000000e+00 : f32
    %broadcast_in_dim3A_1337 = vector.broadcast %div3A_1324 : f32 to vector<1x128xf32>
    %broadcast_in_dim3A_1338 = vector.broadcast %jit3A_1336 : f32 to vector<1x128xf32>
    %select_n3A_1339 = arith.select %eq3A_1335, %broadcast_in_dim3A_1337, %broadcast_in_dim3A_1338 : vector<1x128xi1>, vector<1x128xf32>
    %add3A_1340 = arith.addf %select_n3A_1332, %select_n3A_1339 : vector<1x128xf32>
    %eq3A_1341 = arith.constant 2 : i32
    %eq3A_1342 = vector.broadcast %eq3A_1341 : i32 to vector<1x128xi32>
    %eq3A_1343 = arith.cmpi eq, %iota3A, %eq3A_1342 : vector<1x128xi32>
    %get3A_1344 = arith.index_cast %shift_right_logical3A_1302 : i32 to index
    %get3A_1345 = arith.constant 0 : index
    %get3A_1346 = vector.load %arg8[%get3A_1344, %get3A_1345] : memref<40x128xf32, #tpu.memory_space<vmem>>, vector<1x128xf32>
    %broadcast_in_dim3A_1347 = arith.constant 0.000000e+00 : f32
    %broadcast_in_dim3A_1348 = vector.broadcast %broadcast_in_dim3A_1347 : f32 to vector<1x128xf32>
    %eq3A_1349 = vector.broadcast %and3A_1304 : i32 to vector<1x128xi32>
    %eq3A_1350 = arith.cmpi eq, %iota3A, %eq3A_1349 : vector<1x128xi32>
    %select_n3A_1351 = arith.select %eq3A_1350, %get3A_1346, %broadcast_in_dim3A_1348 : vector<1x128xi1>, vector<1x128xf32>
    %reduce_sum3A_1352 = vector.shape_cast %select_n3A_1351 : vector<1x128xf32> to vector<1x1x128xf32>
    %reduce_sum3A_1353 = arith.constant dense<0.000000e+00> : vector<1xf32>
    %reduce_sum3A_1354 = vector.multi_reduction <add>, %reduce_sum3A_1352, %reduce_sum3A_1353 [1, 2] : vector<1x1x128xf32> to vector<1xf32>
    %reduce_sum3A_1355 = vector.shape_cast %reduce_sum3A_1354 : vector<1xf32> to vector<1x1x1xf32>
    %reduce_sum3A_1356 = vector.extract %reduce_sum3A_1355[0, 0, 0] : f32 from vector<1x1x1xf32>
    %jit3A_1357 = arith.constant 0.000000e+00 : f32
    %broadcast_in_dim3A_1358 = vector.broadcast %reduce_sum3A_1356 : f32 to vector<1x128xf32>
    %broadcast_in_dim3A_1359 = vector.broadcast %jit3A_1357 : f32 to vector<1x128xf32>
    %select_n3A_1360 = arith.select %eq3A_1343, %broadcast_in_dim3A_1358, %broadcast_in_dim3A_1359 : vector<1x128xi1>, vector<1x128xf32>
    %add3A_1361 = arith.addf %add3A_1340, %select_n3A_1360 : vector<1x128xf32>
    %eq3A_1362 = arith.constant 3 : i32
    %eq3A_1363 = vector.broadcast %eq3A_1362 : i32 to vector<1x128xi32>
    %eq3A_1364 = arith.cmpi eq, %iota3A, %eq3A_1363 : vector<1x128xi32>
    %get3A_1365 = arith.index_cast %shift_right_logical3A_1302 : i32 to index
    %get3A_1366 = arith.constant 0 : index
    %get3A_1367 = vector.load %arg9[%get3A_1365, %get3A_1366] : memref<40x128xf32, #tpu.memory_space<vmem>>, vector<1x128xf32>
    %broadcast_in_dim3A_1368 = arith.constant 0.000000e+00 : f32
    %broadcast_in_dim3A_1369 = vector.broadcast %broadcast_in_dim3A_1368 : f32 to vector<1x128xf32>
    %eq3A_1370 = vector.broadcast %and3A_1304 : i32 to vector<1x128xi32>
    %eq3A_1371 = arith.cmpi eq, %iota3A, %eq3A_1370 : vector<1x128xi32>
    %select_n3A_1372 = arith.select %eq3A_1371, %get3A_1367, %broadcast_in_dim3A_1369 : vector<1x128xi1>, vector<1x128xf32>
    %reduce_sum3A_1373 = vector.shape_cast %select_n3A_1372 : vector<1x128xf32> to vector<1x1x128xf32>
    %reduce_sum3A_1374 = arith.constant dense<0.000000e+00> : vector<1xf32>
    %reduce_sum3A_1375 = vector.multi_reduction <add>, %reduce_sum3A_1373, %reduce_sum3A_1374 [1, 2] : vector<1x1x128xf32> to vector<1xf32>
    %reduce_sum3A_1376 = vector.shape_cast %reduce_sum3A_1375 : vector<1xf32> to vector<1x1x1xf32>
    %reduce_sum3A_1377 = vector.extract %reduce_sum3A_1376[0, 0, 0] : f32 from vector<1x1x1xf32>
    %jit3A_1378 = arith.constant 0.000000e+00 : f32
    %broadcast_in_dim3A_1379 = vector.broadcast %reduce_sum3A_1377 : f32 to vector<1x128xf32>
    %broadcast_in_dim3A_1380 = vector.broadcast %jit3A_1378 : f32 to vector<1x128xf32>
    %select_n3A_1381 = arith.select %eq3A_1364, %broadcast_in_dim3A_1379, %broadcast_in_dim3A_1380 : vector<1x128xi1>, vector<1x128xf32>
    %add3A_1382 = arith.addf %add3A_1361, %select_n3A_1381 : vector<1x128xf32>
    %eq3A_1383 = arith.constant 4 : i32
    %eq3A_1384 = vector.broadcast %eq3A_1383 : i32 to vector<1x128xi32>
    %eq3A_1385 = arith.cmpi eq, %iota3A, %eq3A_1384 : vector<1x128xi32>
    %get3A_1386 = arith.index_cast %shift_right_logical3A_1302 : i32 to index
    %get3A_1387 = arith.constant 0 : index
    %get3A_1388 = vector.load %arg10[%get3A_1386, %get3A_1387] : memref<40x128xf32, #tpu.memory_space<vmem>>, vector<1x128xf32>
    %broadcast_in_dim3A_1389 = arith.constant 0.000000e+00 : f32
    %broadcast_in_dim3A_1390 = vector.broadcast %broadcast_in_dim3A_1389 : f32 to vector<1x128xf32>
    %eq3A_1391 = vector.broadcast %and3A_1304 : i32 to vector<1x128xi32>
    %eq3A_1392 = arith.cmpi eq, %iota3A, %eq3A_1391 : vector<1x128xi32>
    %select_n3A_1393 = arith.select %eq3A_1392, %get3A_1388, %broadcast_in_dim3A_1390 : vector<1x128xi1>, vector<1x128xf32>
    %reduce_sum3A_1394 = vector.shape_cast %select_n3A_1393 : vector<1x128xf32> to vector<1x1x128xf32>
    %reduce_sum3A_1395 = arith.constant dense<0.000000e+00> : vector<1xf32>
    %reduce_sum3A_1396 = vector.multi_reduction <add>, %reduce_sum3A_1394, %reduce_sum3A_1395 [1, 2] : vector<1x1x128xf32> to vector<1xf32>
    %reduce_sum3A_1397 = vector.shape_cast %reduce_sum3A_1396 : vector<1xf32> to vector<1x1x1xf32>
    %reduce_sum3A_1398 = vector.extract %reduce_sum3A_1397[0, 0, 0] : f32 from vector<1x1x1xf32>
    %jit3A_1399 = arith.constant 0.000000e+00 : f32
    %broadcast_in_dim3A_1400 = vector.broadcast %reduce_sum3A_1398 : f32 to vector<1x128xf32>
    %broadcast_in_dim3A_1401 = vector.broadcast %jit3A_1399 : f32 to vector<1x128xf32>
    %select_n3A_1402 = arith.select %eq3A_1385, %broadcast_in_dim3A_1400, %broadcast_in_dim3A_1401 : vector<1x128xi1>, vector<1x128xf32>
    %add3A_1403 = arith.addf %add3A_1382, %select_n3A_1402 : vector<1x128xf32>
    %eq3A_1404 = arith.constant 5 : i32
    %eq3A_1405 = vector.broadcast %eq3A_1404 : i32 to vector<1x128xi32>
    %eq3A_1406 = arith.cmpi eq, %iota3A, %eq3A_1405 : vector<1x128xi32>
    %get3A_1407 = arith.index_cast %shift_right_logical3A_1302 : i32 to index
    %get3A_1408 = arith.constant 0 : index
    %get3A_1409 = vector.load %arg11[%get3A_1407, %get3A_1408] : memref<40x128xf32, #tpu.memory_space<vmem>>, vector<1x128xf32>
    %broadcast_in_dim3A_1410 = arith.constant 0.000000e+00 : f32
    %broadcast_in_dim3A_1411 = vector.broadcast %broadcast_in_dim3A_1410 : f32 to vector<1x128xf32>
    %eq3A_1412 = vector.broadcast %and3A_1304 : i32 to vector<1x128xi32>
    %eq3A_1413 = arith.cmpi eq, %iota3A, %eq3A_1412 : vector<1x128xi32>
    %select_n3A_1414 = arith.select %eq3A_1413, %get3A_1409, %broadcast_in_dim3A_1411 : vector<1x128xi1>, vector<1x128xf32>
    %reduce_sum3A_1415 = vector.shape_cast %select_n3A_1414 : vector<1x128xf32> to vector<1x1x128xf32>
    %reduce_sum3A_1416 = arith.constant dense<0.000000e+00> : vector<1xf32>
    %reduce_sum3A_1417 = vector.multi_reduction <add>, %reduce_sum3A_1415, %reduce_sum3A_1416 [1, 2] : vector<1x1x128xf32> to vector<1xf32>
    %reduce_sum3A_1418 = vector.shape_cast %reduce_sum3A_1417 : vector<1xf32> to vector<1x1x1xf32>
    %reduce_sum3A_1419 = vector.extract %reduce_sum3A_1418[0, 0, 0] : f32 from vector<1x1x1xf32>
    %jit3A_1420 = arith.constant 0.000000e+00 : f32
    %broadcast_in_dim3A_1421 = vector.broadcast %reduce_sum3A_1419 : f32 to vector<1x128xf32>
    %broadcast_in_dim3A_1422 = vector.broadcast %jit3A_1420 : f32 to vector<1x128xf32>
    %select_n3A_1423 = arith.select %eq3A_1406, %broadcast_in_dim3A_1421, %broadcast_in_dim3A_1422 : vector<1x128xi1>, vector<1x128xf32>
    %add3A_1424 = arith.addf %add3A_1403, %select_n3A_1423 : vector<1x128xf32>
    %swap3A_1425 = arith.constant 9 : index
    %swap3A_1426 = arith.constant 0 : index
    %swap3A_1427 = vector.load %arg13[%swap3A_1425, %swap3A_1426] : memref<30x128xf32, #tpu.memory_space<vmem>>, vector<1x128xf32>
    tpu.vector_store %arg13[%swap3A_1425, %swap3A_1426], %add3A_1424 {strides = array<i32>} : memref<30x128xf32, #tpu.memory_space<vmem>>, vector<1x128xf32>,
    %get3A_1428 = arith.constant 0 : index
    %get3A_1429 = arith.constant 0 : index
    %get3A_1430 = vector.load %arg15[%get3A_1428, %get3A_1429] : memref<8x128xi32, #tpu.memory_space<vmem>>, vector<1x128xi32>
    %broadcast_in_dim3A_1431 = arith.constant 0 : i32
    %broadcast_in_dim3A_1432 = vector.broadcast %broadcast_in_dim3A_1431 : i32 to vector<1x128xi32>
    %eq3A_1433 = arith.constant 10 : i32
    %eq3A_1434 = vector.broadcast %eq3A_1433 : i32 to vector<1x128xi32>
    %eq3A_1435 = arith.cmpi eq, %iota3A, %eq3A_1434 : vector<1x128xi32>
    %select_n3A_1436 = arith.select %eq3A_1435, %get3A_1430, %broadcast_in_dim3A_1432 : vector<1x128xi1>, vector<1x128xi32>
    %reduce_sum3A_1437 = vector.shape_cast %select_n3A_1436 : vector<1x128xi32> to vector<1x1x128xi32>
    %reduce_sum3A_1438 = arith.constant dense<0> : vector<1xi32>
    %reduce_sum3A_1439 = vector.multi_reduction <add>, %reduce_sum3A_1437, %reduce_sum3A_1438 [1, 2] : vector<1x1x128xi32> to vector<1xi32>
    %reduce_sum3A_1440 = vector.shape_cast %reduce_sum3A_1439 : vector<1xi32> to vector<1x1x1xi32>
    %reduce_sum3A_1441 = vector.extract %reduce_sum3A_1440[0, 0, 0] : i32 from vector<1x1x1xi32>
    %shift_right_logical3A_1442 = arith.constant 7 : i32
    %shift_right_logical3A_1443 = arith.shrui %reduce_sum3A_1441, %shift_right_logical3A_1442 : i32
    %and3A_1444 = arith.constant 127 : i32
    %and3A_1445 = arith.andi %reduce_sum3A_1441, %and3A_1444 : i32
    %get3A_1446 = arith.index_cast %shift_right_logical3A_1443 : i32 to index
    %get3A_1447 = arith.constant 0 : index
    %get3A_1448 = vector.load %arg12[%get3A_1446, %get3A_1447] : memref<40x128xf32, #tpu.memory_space<vmem>>, vector<1x128xf32>
    %broadcast_in_dim3A_1449 = arith.constant 0.000000e+00 : f32
    %broadcast_in_dim3A_1450 = vector.broadcast %broadcast_in_dim3A_1449 : f32 to vector<1x128xf32>
    %eq3A_1451 = vector.broadcast %and3A_1445 : i32 to vector<1x128xi32>
    %eq3A_1452 = arith.cmpi eq, %iota3A, %eq3A_1451 : vector<1x128xi32>
    %select_n3A_1453 = arith.select %eq3A_1452, %get3A_1448, %broadcast_in_dim3A_1450 : vector<1x128xi1>, vector<1x128xf32>
    %reduce_sum3A_1454 = vector.shape_cast %select_n3A_1453 : vector<1x128xf32> to vector<1x1x128xf32>
    %reduce_sum3A_1455 = arith.constant dense<0.000000e+00> : vector<1xf32>
    %reduce_sum3A_1456 = vector.multi_reduction <add>, %reduce_sum3A_1454, %reduce_sum3A_1455 [1, 2] : vector<1x1x128xf32> to vector<1xf32>
    %reduce_sum3A_1457 = vector.shape_cast %reduce_sum3A_1456 : vector<1xf32> to vector<1x1x1xf32>
    %reduce_sum3A_1458 = vector.extract %reduce_sum3A_1457[0, 0, 0] : f32 from vector<1x1x1xf32>
    %neg3A_1459 = arith.constant 0.000000e+00 : f32
    %neg3A_1460 = arith.subf %neg3A_1459, %reduce_sum3A_1458 : f32
    %exp3A_1461 = math.exp %neg3A_1460 : f32
    %add3A_1462 = arith.constant 1.000000e+00 : f32
    %add3A_1463 = arith.addf %add3A_1462, %exp3A_1461 : f32
    %div3A_1464 = arith.constant 1.000000e+00 : f32
    %div3A_1465 = arith.divf %div3A_1464, %add3A_1463 : f32
    %eq3A_1466 = arith.constant 0 : i32
    %eq3A_1467 = vector.broadcast %eq3A_1466 : i32 to vector<1x128xi32>
    %eq3A_1468 = arith.cmpi eq, %iota3A, %eq3A_1467 : vector<1x128xi32>
    %convert_element_type3A_1469 = arith.sitofp %reduce_sum3A_1441 : i32 to f32
    %jit3A_1470 = arith.constant 0.000000e+00 : f32
    %broadcast_in_dim3A_1471 = vector.broadcast %convert_element_type3A_1469 : f32 to vector<1x128xf32>
    %broadcast_in_dim3A_1472 = vector.broadcast %jit3A_1470 : f32 to vector<1x128xf32>
    %select_n3A_1473 = arith.select %eq3A_1468, %broadcast_in_dim3A_1471, %broadcast_in_dim3A_1472 : vector<1x128xi1>, vector<1x128xf32>
    %eq3A_1474 = arith.constant 1 : i32
    %eq3A_1475 = vector.broadcast %eq3A_1474 : i32 to vector<1x128xi32>
    %eq3A_1476 = arith.cmpi eq, %iota3A, %eq3A_1475 : vector<1x128xi32>
    %jit3A_1477 = arith.constant 0.000000e+00 : f32
    %broadcast_in_dim3A_1478 = vector.broadcast %div3A_1465 : f32 to vector<1x128xf32>
    %broadcast_in_dim3A_1479 = vector.broadcast %jit3A_1477 : f32 to vector<1x128xf32>
    %select_n3A_1480 = arith.select %eq3A_1476, %broadcast_in_dim3A_1478, %broadcast_in_dim3A_1479 : vector<1x128xi1>, vector<1x128xf32>
    %add3A_1481 = arith.addf %select_n3A_1473, %select_n3A_1480 : vector<1x128xf32>
    %eq3A_1482 = arith.constant 2 : i32
    %eq3A_1483 = vector.broadcast %eq3A_1482 : i32 to vector<1x128xi32>
    %eq3A_1484 = arith.cmpi eq, %iota3A, %eq3A_1483 : vector<1x128xi32>
    %get3A_1485 = arith.index_cast %shift_right_logical3A_1443 : i32 to index
    %get3A_1486 = arith.constant 0 : index
    %get3A_1487 = vector.load %arg8[%get3A_1485, %get3A_1486] : memref<40x128xf32, #tpu.memory_space<vmem>>, vector<1x128xf32>
    %broadcast_in_dim3A_1488 = arith.constant 0.000000e+00 : f32
    %broadcast_in_dim3A_1489 = vector.broadcast %broadcast_in_dim3A_1488 : f32 to vector<1x128xf32>
    %eq3A_1490 = vector.broadcast %and3A_1445 : i32 to vector<1x128xi32>
    %eq3A_1491 = arith.cmpi eq, %iota3A, %eq3A_1490 : vector<1x128xi32>
    %select_n3A_1492 = arith.select %eq3A_1491, %get3A_1487, %broadcast_in_dim3A_1489 : vector<1x128xi1>, vector<1x128xf32>
    %reduce_sum3A_1493 = vector.shape_cast %select_n3A_1492 : vector<1x128xf32> to vector<1x1x128xf32>
    %reduce_sum3A_1494 = arith.constant dense<0.000000e+00> : vector<1xf32>
    %reduce_sum3A_1495 = vector.multi_reduction <add>, %reduce_sum3A_1493, %reduce_sum3A_1494 [1, 2] : vector<1x1x128xf32> to vector<1xf32>
    %reduce_sum3A_1496 = vector.shape_cast %reduce_sum3A_1495 : vector<1xf32> to vector<1x1x1xf32>
    %reduce_sum3A_1497 = vector.extract %reduce_sum3A_1496[0, 0, 0] : f32 from vector<1x1x1xf32>
    %jit3A_1498 = arith.constant 0.000000e+00 : f32
    %broadcast_in_dim3A_1499 = vector.broadcast %reduce_sum3A_1497 : f32 to vector<1x128xf32>
    %broadcast_in_dim3A_1500 = vector.broadcast %jit3A_1498 : f32 to vector<1x128xf32>
    %select_n3A_1501 = arith.select %eq3A_1484, %broadcast_in_dim3A_1499, %broadcast_in_dim3A_1500 : vector<1x128xi1>, vector<1x128xf32>
    %add3A_1502 = arith.addf %add3A_1481, %select_n3A_1501 : vector<1x128xf32>
    %eq3A_1503 = arith.constant 3 : i32
    %eq3A_1504 = vector.broadcast %eq3A_1503 : i32 to vector<1x128xi32>
    %eq3A_1505 = arith.cmpi eq, %iota3A, %eq3A_1504 : vector<1x128xi32>
    %get3A_1506 = arith.index_cast %shift_right_logical3A_1443 : i32 to index
    %get3A_1507 = arith.constant 0 : index
    %get3A_1508 = vector.load %arg9[%get3A_1506, %get3A_1507] : memref<40x128xf32, #tpu.memory_space<vmem>>, vector<1x128xf32>
    %broadcast_in_dim3A_1509 = arith.constant 0.000000e+00 : f32
    %broadcast_in_dim3A_1510 = vector.broadcast %broadcast_in_dim3A_1509 : f32 to vector<1x128xf32>
    %eq3A_1511 = vector.broadcast %and3A_1445 : i32 to vector<1x128xi32>
    %eq3A_1512 = arith.cmpi eq, %iota3A, %eq3A_1511 : vector<1x128xi32>
    %select_n3A_1513 = arith.select %eq3A_1512, %get3A_1508, %broadcast_in_dim3A_1510 : vector<1x128xi1>, vector<1x128xf32>
    %reduce_sum3A_1514 = vector.shape_cast %select_n3A_1513 : vector<1x128xf32> to vector<1x1x128xf32>
    %reduce_sum3A_1515 = arith.constant dense<0.000000e+00> : vector<1xf32>
    %reduce_sum3A_1516 = vector.multi_reduction <add>, %reduce_sum3A_1514, %reduce_sum3A_1515 [1, 2] : vector<1x1x128xf32> to vector<1xf32>
    %reduce_sum3A_1517 = vector.shape_cast %reduce_sum3A_1516 : vector<1xf32> to vector<1x1x1xf32>
    %reduce_sum3A_1518 = vector.extract %reduce_sum3A_1517[0, 0, 0] : f32 from vector<1x1x1xf32>
    %jit3A_1519 = arith.constant 0.000000e+00 : f32
    %broadcast_in_dim3A_1520 = vector.broadcast %reduce_sum3A_1518 : f32 to vector<1x128xf32>
    %broadcast_in_dim3A_1521 = vector.broadcast %jit3A_1519 : f32 to vector<1x128xf32>
    %select_n3A_1522 = arith.select %eq3A_1505, %broadcast_in_dim3A_1520, %broadcast_in_dim3A_1521 : vector<1x128xi1>, vector<1x128xf32>
    %add3A_1523 = arith.addf %add3A_1502, %select_n3A_1522 : vector<1x128xf32>
    %eq3A_1524 = arith.constant 4 : i32
    %eq3A_1525 = vector.broadcast %eq3A_1524 : i32 to vector<1x128xi32>
    %eq3A_1526 = arith.cmpi eq, %iota3A, %eq3A_1525 : vector<1x128xi32>
    %get3A_1527 = arith.index_cast %shift_right_logical3A_1443 : i32 to index
    %get3A_1528 = arith.constant 0 : index
    %get3A_1529 = vector.load %arg10[%get3A_1527, %get3A_1528] : memref<40x128xf32, #tpu.memory_space<vmem>>, vector<1x128xf32>
    %broadcast_in_dim3A_1530 = arith.constant 0.000000e+00 : f32
    %broadcast_in_dim3A_1531 = vector.broadcast %broadcast_in_dim3A_1530 : f32 to vector<1x128xf32>
    %eq3A_1532 = vector.broadcast %and3A_1445 : i32 to vector<1x128xi32>
    %eq3A_1533 = arith.cmpi eq, %iota3A, %eq3A_1532 : vector<1x128xi32>
    %select_n3A_1534 = arith.select %eq3A_1533, %get3A_1529, %broadcast_in_dim3A_1531 : vector<1x128xi1>, vector<1x128xf32>
    %reduce_sum3A_1535 = vector.shape_cast %select_n3A_1534 : vector<1x128xf32> to vector<1x1x128xf32>
    %reduce_sum3A_1536 = arith.constant dense<0.000000e+00> : vector<1xf32>
    %reduce_sum3A_1537 = vector.multi_reduction <add>, %reduce_sum3A_1535, %reduce_sum3A_1536 [1, 2] : vector<1x1x128xf32> to vector<1xf32>
    %reduce_sum3A_1538 = vector.shape_cast %reduce_sum3A_1537 : vector<1xf32> to vector<1x1x1xf32>
    %reduce_sum3A_1539 = vector.extract %reduce_sum3A_1538[0, 0, 0] : f32 from vector<1x1x1xf32>
    %jit3A_1540 = arith.constant 0.000000e+00 : f32
    %broadcast_in_dim3A_1541 = vector.broadcast %reduce_sum3A_1539 : f32 to vector<1x128xf32>
    %broadcast_in_dim3A_1542 = vector.broadcast %jit3A_1540 : f32 to vector<1x128xf32>
    %select_n3A_1543 = arith.select %eq3A_1526, %broadcast_in_dim3A_1541, %broadcast_in_dim3A_1542 : vector<1x128xi1>, vector<1x128xf32>
    %add3A_1544 = arith.addf %add3A_1523, %select_n3A_1543 : vector<1x128xf32>
    %eq3A_1545 = arith.constant 5 : i32
    %eq3A_1546 = vector.broadcast %eq3A_1545 : i32 to vector<1x128xi32>
    %eq3A_1547 = arith.cmpi eq, %iota3A, %eq3A_1546 : vector<1x128xi32>
    %get3A_1548 = arith.index_cast %shift_right_logical3A_1443 : i32 to index
    %get3A_1549 = arith.constant 0 : index
    %get3A_1550 = vector.load %arg11[%get3A_1548, %get3A_1549] : memref<40x128xf32, #tpu.memory_space<vmem>>, vector<1x128xf32>
    %broadcast_in_dim3A_1551 = arith.constant 0.000000e+00 : f32
    %broadcast_in_dim3A_1552 = vector.broadcast %broadcast_in_dim3A_1551 : f32 to vector<1x128xf32>
    %eq3A_1553 = vector.broadcast %and3A_1445 : i32 to vector<1x128xi32>
    %eq3A_1554 = arith.cmpi eq, %iota3A, %eq3A_1553 : vector<1x128xi32>
    %select_n3A_1555 = arith.select %eq3A_1554, %get3A_1550, %broadcast_in_dim3A_1552 : vector<1x128xi1>, vector<1x128xf32>
    %reduce_sum3A_1556 = vector.shape_cast %select_n3A_1555 : vector<1x128xf32> to vector<1x1x128xf32>
    %reduce_sum3A_1557 = arith.constant dense<0.000000e+00> : vector<1xf32>
    %reduce_sum3A_1558 = vector.multi_reduction <add>, %reduce_sum3A_1556, %reduce_sum3A_1557 [1, 2] : vector<1x1x128xf32> to vector<1xf32>
    %reduce_sum3A_1559 = vector.shape_cast %reduce_sum3A_1558 : vector<1xf32> to vector<1x1x1xf32>
    %reduce_sum3A_1560 = vector.extract %reduce_sum3A_1559[0, 0, 0] : f32 from vector<1x1x1xf32>
    %jit3A_1561 = arith.constant 0.000000e+00 : f32
    %broadcast_in_dim3A_1562 = vector.broadcast %reduce_sum3A_1560 : f32 to vector<1x128xf32>
    %broadcast_in_dim3A_1563 = vector.broadcast %jit3A_1561 : f32 to vector<1x128xf32>
    %select_n3A_1564 = arith.select %eq3A_1547, %broadcast_in_dim3A_1562, %broadcast_in_dim3A_1563 : vector<1x128xi1>, vector<1x128xf32>
    %add3A_1565 = arith.addf %add3A_1544, %select_n3A_1564 : vector<1x128xf32>
    %swap3A_1566 = arith.constant 10 : index
    %swap3A_1567 = arith.constant 0 : index
    %swap3A_1568 = vector.load %arg13[%swap3A_1566, %swap3A_1567] : memref<30x128xf32, #tpu.memory_space<vmem>>, vector<1x128xf32>
    tpu.vector_store %arg13[%swap3A_1566, %swap3A_1567], %add3A_1565 {strides = array<i32>} : memref<30x128xf32, #tpu.memory_space<vmem>>, vector<1x128xf32>,
    %get3A_1569 = arith.constant 0 : index
    %get3A_1570 = arith.constant 0 : index
    %get3A_1571 = vector.load %arg15[%get3A_1569, %get3A_1570] : memref<8x128xi32, #tpu.memory_space<vmem>>, vector<1x128xi32>
    %broadcast_in_dim3A_1572 = arith.constant 0 : i32
    %broadcast_in_dim3A_1573 = vector.broadcast %broadcast_in_dim3A_1572 : i32 to vector<1x128xi32>
    %eq3A_1574 = arith.constant 11 : i32
    %eq3A_1575 = vector.broadcast %eq3A_1574 : i32 to vector<1x128xi32>
    %eq3A_1576 = arith.cmpi eq, %iota3A, %eq3A_1575 : vector<1x128xi32>
    %select_n3A_1577 = arith.select %eq3A_1576, %get3A_1571, %broadcast_in_dim3A_1573 : vector<1x128xi1>, vector<1x128xi32>
    %reduce_sum3A_1578 = vector.shape_cast %select_n3A_1577 : vector<1x128xi32> to vector<1x1x128xi32>
    %reduce_sum3A_1579 = arith.constant dense<0> : vector<1xi32>
    %reduce_sum3A_1580 = vector.multi_reduction <add>, %reduce_sum3A_1578, %reduce_sum3A_1579 [1, 2] : vector<1x1x128xi32> to vector<1xi32>
    %reduce_sum3A_1581 = vector.shape_cast %reduce_sum3A_1580 : vector<1xi32> to vector<1x1x1xi32>
    %reduce_sum3A_1582 = vector.extract %reduce_sum3A_1581[0, 0, 0] : i32 from vector<1x1x1xi32>
    %shift_right_logical3A_1583 = arith.constant 7 : i32
    %shift_right_logical3A_1584 = arith.shrui %reduce_sum3A_1582, %shift_right_logical3A_1583 : i32
    %and3A_1585 = arith.constant 127 : i32
    %and3A_1586 = arith.andi %reduce_sum3A_1582, %and3A_1585 : i32
    %get3A_1587 = arith.index_cast %shift_right_logical3A_1584 : i32 to index
    %get3A_1588 = arith.constant 0 : index
    %get3A_1589 = vector.load %arg12[%get3A_1587, %get3A_1588] : memref<40x128xf32, #tpu.memory_space<vmem>>, vector<1x128xf32>
    %broadcast_in_dim3A_1590 = arith.constant 0.000000e+00 : f32
    %broadcast_in_dim3A_1591 = vector.broadcast %broadcast_in_dim3A_1590 : f32 to vector<1x128xf32>
    %eq3A_1592 = vector.broadcast %and3A_1586 : i32 to vector<1x128xi32>
    %eq3A_1593 = arith.cmpi eq, %iota3A, %eq3A_1592 : vector<1x128xi32>
    %select_n3A_1594 = arith.select %eq3A_1593, %get3A_1589, %broadcast_in_dim3A_1591 : vector<1x128xi1>, vector<1x128xf32>
    %reduce_sum3A_1595 = vector.shape_cast %select_n3A_1594 : vector<1x128xf32> to vector<1x1x128xf32>
    %reduce_sum3A_1596 = arith.constant dense<0.000000e+00> : vector<1xf32>
    %reduce_sum3A_1597 = vector.multi_reduction <add>, %reduce_sum3A_1595, %reduce_sum3A_1596 [1, 2] : vector<1x1x128xf32> to vector<1xf32>
    %reduce_sum3A_1598 = vector.shape_cast %reduce_sum3A_1597 : vector<1xf32> to vector<1x1x1xf32>
    %reduce_sum3A_1599 = vector.extract %reduce_sum3A_1598[0, 0, 0] : f32 from vector<1x1x1xf32>
    %neg3A_1600 = arith.constant 0.000000e+00 : f32
    %neg3A_1601 = arith.subf %neg3A_1600, %reduce_sum3A_1599 : f32
    %exp3A_1602 = math.exp %neg3A_1601 : f32
    %add3A_1603 = arith.constant 1.000000e+00 : f32
    %add3A_1604 = arith.addf %add3A_1603, %exp3A_1602 : f32
    %div3A_1605 = arith.constant 1.000000e+00 : f32
    %div3A_1606 = arith.divf %div3A_1605, %add3A_1604 : f32
    %eq3A_1607 = arith.constant 0 : i32
    %eq3A_1608 = vector.broadcast %eq3A_1607 : i32 to vector<1x128xi32>
    %eq3A_1609 = arith.cmpi eq, %iota3A, %eq3A_1608 : vector<1x128xi32>
    %convert_element_type3A_1610 = arith.sitofp %reduce_sum3A_1582 : i32 to f32
    %jit3A_1611 = arith.constant 0.000000e+00 : f32
    %broadcast_in_dim3A_1612 = vector.broadcast %convert_element_type3A_1610 : f32 to vector<1x128xf32>
    %broadcast_in_dim3A_1613 = vector.broadcast %jit3A_1611 : f32 to vector<1x128xf32>
    %select_n3A_1614 = arith.select %eq3A_1609, %broadcast_in_dim3A_1612, %broadcast_in_dim3A_1613 : vector<1x128xi1>, vector<1x128xf32>
    %eq3A_1615 = arith.constant 1 : i32
    %eq3A_1616 = vector.broadcast %eq3A_1615 : i32 to vector<1x128xi32>
    %eq3A_1617 = arith.cmpi eq, %iota3A, %eq3A_1616 : vector<1x128xi32>
    %jit3A_1618 = arith.constant 0.000000e+00 : f32
    %broadcast_in_dim3A_1619 = vector.broadcast %div3A_1606 : f32 to vector<1x128xf32>
    %broadcast_in_dim3A_1620 = vector.broadcast %jit3A_1618 : f32 to vector<1x128xf32>
    %select_n3A_1621 = arith.select %eq3A_1617, %broadcast_in_dim3A_1619, %broadcast_in_dim3A_1620 : vector<1x128xi1>, vector<1x128xf32>
    %add3A_1622 = arith.addf %select_n3A_1614, %select_n3A_1621 : vector<1x128xf32>
    %eq3A_1623 = arith.constant 2 : i32
    %eq3A_1624 = vector.broadcast %eq3A_1623 : i32 to vector<1x128xi32>
    %eq3A_1625 = arith.cmpi eq, %iota3A, %eq3A_1624 : vector<1x128xi32>
    %get3A_1626 = arith.index_cast %shift_right_logical3A_1584 : i32 to index
    %get3A_1627 = arith.constant 0 : index
    %get3A_1628 = vector.load %arg8[%get3A_1626, %get3A_1627] : memref<40x128xf32, #tpu.memory_space<vmem>>, vector<1x128xf32>
    %broadcast_in_dim3A_1629 = arith.constant 0.000000e+00 : f32
    %broadcast_in_dim3A_1630 = vector.broadcast %broadcast_in_dim3A_1629 : f32 to vector<1x128xf32>
    %eq3A_1631 = vector.broadcast %and3A_1586 : i32 to vector<1x128xi32>
    %eq3A_1632 = arith.cmpi eq, %iota3A, %eq3A_1631 : vector<1x128xi32>
    %select_n3A_1633 = arith.select %eq3A_1632, %get3A_1628, %broadcast_in_dim3A_1630 : vector<1x128xi1>, vector<1x128xf32>
    %reduce_sum3A_1634 = vector.shape_cast %select_n3A_1633 : vector<1x128xf32> to vector<1x1x128xf32>
    %reduce_sum3A_1635 = arith.constant dense<0.000000e+00> : vector<1xf32>
    %reduce_sum3A_1636 = vector.multi_reduction <add>, %reduce_sum3A_1634, %reduce_sum3A_1635 [1, 2] : vector<1x1x128xf32> to vector<1xf32>
    %reduce_sum3A_1637 = vector.shape_cast %reduce_sum3A_1636 : vector<1xf32> to vector<1x1x1xf32>
    %reduce_sum3A_1638 = vector.extract %reduce_sum3A_1637[0, 0, 0] : f32 from vector<1x1x1xf32>
    %jit3A_1639 = arith.constant 0.000000e+00 : f32
    %broadcast_in_dim3A_1640 = vector.broadcast %reduce_sum3A_1638 : f32 to vector<1x128xf32>
    %broadcast_in_dim3A_1641 = vector.broadcast %jit3A_1639 : f32 to vector<1x128xf32>
    %select_n3A_1642 = arith.select %eq3A_1625, %broadcast_in_dim3A_1640, %broadcast_in_dim3A_1641 : vector<1x128xi1>, vector<1x128xf32>
    %add3A_1643 = arith.addf %add3A_1622, %select_n3A_1642 : vector<1x128xf32>
    %eq3A_1644 = arith.constant 3 : i32
    %eq3A_1645 = vector.broadcast %eq3A_1644 : i32 to vector<1x128xi32>
    %eq3A_1646 = arith.cmpi eq, %iota3A, %eq3A_1645 : vector<1x128xi32>
    %get3A_1647 = arith.index_cast %shift_right_logical3A_1584 : i32 to index
    %get3A_1648 = arith.constant 0 : index
    %get3A_1649 = vector.load %arg9[%get3A_1647, %get3A_1648] : memref<40x128xf32, #tpu.memory_space<vmem>>, vector<1x128xf32>
    %broadcast_in_dim3A_1650 = arith.constant 0.000000e+00 : f32
    %broadcast_in_dim3A_1651 = vector.broadcast %broadcast_in_dim3A_1650 : f32 to vector<1x128xf32>
    %eq3A_1652 = vector.broadcast %and3A_1586 : i32 to vector<1x128xi32>
    %eq3A_1653 = arith.cmpi eq, %iota3A, %eq3A_1652 : vector<1x128xi32>
    %select_n3A_1654 = arith.select %eq3A_1653, %get3A_1649, %broadcast_in_dim3A_1651 : vector<1x128xi1>, vector<1x128xf32>
    %reduce_sum3A_1655 = vector.shape_cast %select_n3A_1654 : vector<1x128xf32> to vector<1x1x128xf32>
    %reduce_sum3A_1656 = arith.constant dense<0.000000e+00> : vector<1xf32>
    %reduce_sum3A_1657 = vector.multi_reduction <add>, %reduce_sum3A_1655, %reduce_sum3A_1656 [1, 2] : vector<1x1x128xf32> to vector<1xf32>
    %reduce_sum3A_1658 = vector.shape_cast %reduce_sum3A_1657 : vector<1xf32> to vector<1x1x1xf32>
    %reduce_sum3A_1659 = vector.extract %reduce_sum3A_1658[0, 0, 0] : f32 from vector<1x1x1xf32>
    %jit3A_1660 = arith.constant 0.000000e+00 : f32
    %broadcast_in_dim3A_1661 = vector.broadcast %reduce_sum3A_1659 : f32 to vector<1x128xf32>
    %broadcast_in_dim3A_1662 = vector.broadcast %jit3A_1660 : f32 to vector<1x128xf32>
    %select_n3A_1663 = arith.select %eq3A_1646, %broadcast_in_dim3A_1661, %broadcast_in_dim3A_1662 : vector<1x128xi1>, vector<1x128xf32>
    %add3A_1664 = arith.addf %add3A_1643, %select_n3A_1663 : vector<1x128xf32>
    %eq3A_1665 = arith.constant 4 : i32
    %eq3A_1666 = vector.broadcast %eq3A_1665 : i32 to vector<1x128xi32>
    %eq3A_1667 = arith.cmpi eq, %iota3A, %eq3A_1666 : vector<1x128xi32>
    %get3A_1668 = arith.index_cast %shift_right_logical3A_1584 : i32 to index
    %get3A_1669 = arith.constant 0 : index
    %get3A_1670 = vector.load %arg10[%get3A_1668, %get3A_1669] : memref<40x128xf32, #tpu.memory_space<vmem>>, vector<1x128xf32>
    %broadcast_in_dim3A_1671 = arith.constant 0.000000e+00 : f32
    %broadcast_in_dim3A_1672 = vector.broadcast %broadcast_in_dim3A_1671 : f32 to vector<1x128xf32>
    %eq3A_1673 = vector.broadcast %and3A_1586 : i32 to vector<1x128xi32>
    %eq3A_1674 = arith.cmpi eq, %iota3A, %eq3A_1673 : vector<1x128xi32>
    %select_n3A_1675 = arith.select %eq3A_1674, %get3A_1670, %broadcast_in_dim3A_1672 : vector<1x128xi1>, vector<1x128xf32>
    %reduce_sum3A_1676 = vector.shape_cast %select_n3A_1675 : vector<1x128xf32> to vector<1x1x128xf32>
    %reduce_sum3A_1677 = arith.constant dense<0.000000e+00> : vector<1xf32>
    %reduce_sum3A_1678 = vector.multi_reduction <add>, %reduce_sum3A_1676, %reduce_sum3A_1677 [1, 2] : vector<1x1x128xf32> to vector<1xf32>
    %reduce_sum3A_1679 = vector.shape_cast %reduce_sum3A_1678 : vector<1xf32> to vector<1x1x1xf32>
    %reduce_sum3A_1680 = vector.extract %reduce_sum3A_1679[0, 0, 0] : f32 from vector<1x1x1xf32>
    %jit3A_1681 = arith.constant 0.000000e+00 : f32
    %broadcast_in_dim3A_1682 = vector.broadcast %reduce_sum3A_1680 : f32 to vector<1x128xf32>
    %broadcast_in_dim3A_1683 = vector.broadcast %jit3A_1681 : f32 to vector<1x128xf32>
    %select_n3A_1684 = arith.select %eq3A_1667, %broadcast_in_dim3A_1682, %broadcast_in_dim3A_1683 : vector<1x128xi1>, vector<1x128xf32>
    %add3A_1685 = arith.addf %add3A_1664, %select_n3A_1684 : vector<1x128xf32>
    %eq3A_1686 = arith.constant 5 : i32
    %eq3A_1687 = vector.broadcast %eq3A_1686 : i32 to vector<1x128xi32>
    %eq3A_1688 = arith.cmpi eq, %iota3A, %eq3A_1687 : vector<1x128xi32>
    %get3A_1689 = arith.index_cast %shift_right_logical3A_1584 : i32 to index
    %get3A_1690 = arith.constant 0 : index
    %get3A_1691 = vector.load %arg11[%get3A_1689, %get3A_1690] : memref<40x128xf32, #tpu.memory_space<vmem>>, vector<1x128xf32>
    %broadcast_in_dim3A_1692 = arith.constant 0.000000e+00 : f32
    %broadcast_in_dim3A_1693 = vector.broadcast %broadcast_in_dim3A_1692 : f32 to vector<1x128xf32>
    %eq3A_1694 = vector.broadcast %and3A_1586 : i32 to vector<1x128xi32>
    %eq3A_1695 = arith.cmpi eq, %iota3A, %eq3A_1694 : vector<1x128xi32>
    %select_n3A_1696 = arith.select %eq3A_1695, %get3A_1691, %broadcast_in_dim3A_1693 : vector<1x128xi1>, vector<1x128xf32>
    %reduce_sum3A_1697 = vector.shape_cast %select_n3A_1696 : vector<1x128xf32> to vector<1x1x128xf32>
    %reduce_sum3A_1698 = arith.constant dense<0.000000e+00> : vector<1xf32>
    %reduce_sum3A_1699 = vector.multi_reduction <add>, %reduce_sum3A_1697, %reduce_sum3A_1698 [1, 2] : vector<1x1x128xf32> to vector<1xf32>
    %reduce_sum3A_1700 = vector.shape_cast %reduce_sum3A_1699 : vector<1xf32> to vector<1x1x1xf32>
    %reduce_sum3A_1701 = vector.extract %reduce_sum3A_1700[0, 0, 0] : f32 from vector<1x1x1xf32>
    %jit3A_1702 = arith.constant 0.000000e+00 : f32
    %broadcast_in_dim3A_1703 = vector.broadcast %reduce_sum3A_1701 : f32 to vector<1x128xf32>
    %broadcast_in_dim3A_1704 = vector.broadcast %jit3A_1702 : f32 to vector<1x128xf32>
    %select_n3A_1705 = arith.select %eq3A_1688, %broadcast_in_dim3A_1703, %broadcast_in_dim3A_1704 : vector<1x128xi1>, vector<1x128xf32>
    %add3A_1706 = arith.addf %add3A_1685, %select_n3A_1705 : vector<1x128xf32>
    %swap3A_1707 = arith.constant 11 : index
    %swap3A_1708 = arith.constant 0 : index
    %swap3A_1709 = vector.load %arg13[%swap3A_1707, %swap3A_1708] : memref<30x128xf32, #tpu.memory_space<vmem>>, vector<1x128xf32>
    tpu.vector_store %arg13[%swap3A_1707, %swap3A_1708], %add3A_1706 {strides = array<i32>} : memref<30x128xf32, #tpu.memory_space<vmem>>, vector<1x128xf32>,
    %get3A_1710 = arith.constant 0 : index
    %get3A_1711 = arith.constant 0 : index
    %get3A_1712 = vector.load %arg15[%get3A_1710, %get3A_1711] : memref<8x128xi32, #tpu.memory_space<vmem>>, vector<1x128xi32>
    %broadcast_in_dim3A_1713 = arith.constant 0 : i32
    %broadcast_in_dim3A_1714 = vector.broadcast %broadcast_in_dim3A_1713 : i32 to vector<1x128xi32>
    %eq3A_1715 = arith.constant 12 : i32
    %eq3A_1716 = vector.broadcast %eq3A_1715 : i32 to vector<1x128xi32>
    %eq3A_1717 = arith.cmpi eq, %iota3A, %eq3A_1716 : vector<1x128xi32>
    %select_n3A_1718 = arith.select %eq3A_1717, %get3A_1712, %broadcast_in_dim3A_1714 : vector<1x128xi1>, vector<1x128xi32>
    %reduce_sum3A_1719 = vector.shape_cast %select_n3A_1718 : vector<1x128xi32> to vector<1x1x128xi32>
    %reduce_sum3A_1720 = arith.constant dense<0> : vector<1xi32>
    %reduce_sum3A_1721 = vector.multi_reduction <add>, %reduce_sum3A_1719, %reduce_sum3A_1720 [1, 2] : vector<1x1x128xi32> to vector<1xi32>
    %reduce_sum3A_1722 = vector.shape_cast %reduce_sum3A_1721 : vector<1xi32> to vector<1x1x1xi32>
    %reduce_sum3A_1723 = vector.extract %reduce_sum3A_1722[0, 0, 0] : i32 from vector<1x1x1xi32>
    %shift_right_logical3A_1724 = arith.constant 7 : i32
    %shift_right_logical3A_1725 = arith.shrui %reduce_sum3A_1723, %shift_right_logical3A_1724 : i32
    %and3A_1726 = arith.constant 127 : i32
    %and3A_1727 = arith.andi %reduce_sum3A_1723, %and3A_1726 : i32
    %get3A_1728 = arith.index_cast %shift_right_logical3A_1725 : i32 to index
    %get3A_1729 = arith.constant 0 : index
    %get3A_1730 = vector.load %arg12[%get3A_1728, %get3A_1729] : memref<40x128xf32, #tpu.memory_space<vmem>>, vector<1x128xf32>
    %broadcast_in_dim3A_1731 = arith.constant 0.000000e+00 : f32
    %broadcast_in_dim3A_1732 = vector.broadcast %broadcast_in_dim3A_1731 : f32 to vector<1x128xf32>
    %eq3A_1733 = vector.broadcast %and3A_1727 : i32 to vector<1x128xi32>
    %eq3A_1734 = arith.cmpi eq, %iota3A, %eq3A_1733 : vector<1x128xi32>
    %select_n3A_1735 = arith.select %eq3A_1734, %get3A_1730, %broadcast_in_dim3A_1732 : vector<1x128xi1>, vector<1x128xf32>
    %reduce_sum3A_1736 = vector.shape_cast %select_n3A_1735 : vector<1x128xf32> to vector<1x1x128xf32>
    %reduce_sum3A_1737 = arith.constant dense<0.000000e+00> : vector<1xf32>
    %reduce_sum3A_1738 = vector.multi_reduction <add>, %reduce_sum3A_1736, %reduce_sum3A_1737 [1, 2] : vector<1x1x128xf32> to vector<1xf32>
    %reduce_sum3A_1739 = vector.shape_cast %reduce_sum3A_1738 : vector<1xf32> to vector<1x1x1xf32>
    %reduce_sum3A_1740 = vector.extract %reduce_sum3A_1739[0, 0, 0] : f32 from vector<1x1x1xf32>
    %neg3A_1741 = arith.constant 0.000000e+00 : f32
    %neg3A_1742 = arith.subf %neg3A_1741, %reduce_sum3A_1740 : f32
    %exp3A_1743 = math.exp %neg3A_1742 : f32
    %add3A_1744 = arith.constant 1.000000e+00 : f32
    %add3A_1745 = arith.addf %add3A_1744, %exp3A_1743 : f32
    %div3A_1746 = arith.constant 1.000000e+00 : f32
    %div3A_1747 = arith.divf %div3A_1746, %add3A_1745 : f32
    %eq3A_1748 = arith.constant 0 : i32
    %eq3A_1749 = vector.broadcast %eq3A_1748 : i32 to vector<1x128xi32>
    %eq3A_1750 = arith.cmpi eq, %iota3A, %eq3A_1749 : vector<1x128xi32>
    %convert_element_type3A_1751 = arith.sitofp %reduce_sum3A_1723 : i32 to f32
    %jit3A_1752 = arith.constant 0.000000e+00 : f32
    %broadcast_in_dim3A_1753 = vector.broadcast %convert_element_type3A_1751 : f32 to vector<1x128xf32>
    %broadcast_in_dim3A_1754 = vector.broadcast %jit3A_1752 : f32 to vector<1x128xf32>
    %select_n3A_1755 = arith.select %eq3A_1750, %broadcast_in_dim3A_1753, %broadcast_in_dim3A_1754 : vector<1x128xi1>, vector<1x128xf32>
    %eq3A_1756 = arith.constant 1 : i32
    %eq3A_1757 = vector.broadcast %eq3A_1756 : i32 to vector<1x128xi32>
    %eq3A_1758 = arith.cmpi eq, %iota3A, %eq3A_1757 : vector<1x128xi32>
    %jit3A_1759 = arith.constant 0.000000e+00 : f32
    %broadcast_in_dim3A_1760 = vector.broadcast %div3A_1747 : f32 to vector<1x128xf32>
    %broadcast_in_dim3A_1761 = vector.broadcast %jit3A_1759 : f32 to vector<1x128xf32>
    %select_n3A_1762 = arith.select %eq3A_1758, %broadcast_in_dim3A_1760, %broadcast_in_dim3A_1761 : vector<1x128xi1>, vector<1x128xf32>
    %add3A_1763 = arith.addf %select_n3A_1755, %select_n3A_1762 : vector<1x128xf32>
    %eq3A_1764 = arith.constant 2 : i32
    %eq3A_1765 = vector.broadcast %eq3A_1764 : i32 to vector<1x128xi32>
    %eq3A_1766 = arith.cmpi eq, %iota3A, %eq3A_1765 : vector<1x128xi32>
    %get3A_1767 = arith.index_cast %shift_right_logical3A_1725 : i32 to index
    %get3A_1768 = arith.constant 0 : index
    %get3A_1769 = vector.load %arg8[%get3A_1767, %get3A_1768] : memref<40x128xf32, #tpu.memory_space<vmem>>, vector<1x128xf32>
    %broadcast_in_dim3A_1770 = arith.constant 0.000000e+00 : f32
    %broadcast_in_dim3A_1771 = vector.broadcast %broadcast_in_dim3A_1770 : f32 to vector<1x128xf32>
    %eq3A_1772 = vector.broadcast %and3A_1727 : i32 to vector<1x128xi32>
    %eq3A_1773 = arith.cmpi eq, %iota3A, %eq3A_1772 : vector<1x128xi32>
    %select_n3A_1774 = arith.select %eq3A_1773, %get3A_1769, %broadcast_in_dim3A_1771 : vector<1x128xi1>, vector<1x128xf32>
    %reduce_sum3A_1775 = vector.shape_cast %select_n3A_1774 : vector<1x128xf32> to vector<1x1x128xf32>
    %reduce_sum3A_1776 = arith.constant dense<0.000000e+00> : vector<1xf32>
    %reduce_sum3A_1777 = vector.multi_reduction <add>, %reduce_sum3A_1775, %reduce_sum3A_1776 [1, 2] : vector<1x1x128xf32> to vector<1xf32>
    %reduce_sum3A_1778 = vector.shape_cast %reduce_sum3A_1777 : vector<1xf32> to vector<1x1x1xf32>
    %reduce_sum3A_1779 = vector.extract %reduce_sum3A_1778[0, 0, 0] : f32 from vector<1x1x1xf32>
    %jit3A_1780 = arith.constant 0.000000e+00 : f32
    %broadcast_in_dim3A_1781 = vector.broadcast %reduce_sum3A_1779 : f32 to vector<1x128xf32>
    %broadcast_in_dim3A_1782 = vector.broadcast %jit3A_1780 : f32 to vector<1x128xf32>
    %select_n3A_1783 = arith.select %eq3A_1766, %broadcast_in_dim3A_1781, %broadcast_in_dim3A_1782 : vector<1x128xi1>, vector<1x128xf32>
    %add3A_1784 = arith.addf %add3A_1763, %select_n3A_1783 : vector<1x128xf32>
    %eq3A_1785 = arith.constant 3 : i32
    %eq3A_1786 = vector.broadcast %eq3A_1785 : i32 to vector<1x128xi32>
    %eq3A_1787 = arith.cmpi eq, %iota3A, %eq3A_1786 : vector<1x128xi32>
    %get3A_1788 = arith.index_cast %shift_right_logical3A_1725 : i32 to index
    %get3A_1789 = arith.constant 0 : index
    %get3A_1790 = vector.load %arg9[%get3A_1788, %get3A_1789] : memref<40x128xf32, #tpu.memory_space<vmem>>, vector<1x128xf32>
    %broadcast_in_dim3A_1791 = arith.constant 0.000000e+00 : f32
    %broadcast_in_dim3A_1792 = vector.broadcast %broadcast_in_dim3A_1791 : f32 to vector<1x128xf32>
    %eq3A_1793 = vector.broadcast %and3A_1727 : i32 to vector<1x128xi32>
    %eq3A_1794 = arith.cmpi eq, %iota3A, %eq3A_1793 : vector<1x128xi32>
    %select_n3A_1795 = arith.select %eq3A_1794, %get3A_1790, %broadcast_in_dim3A_1792 : vector<1x128xi1>, vector<1x128xf32>
    %reduce_sum3A_1796 = vector.shape_cast %select_n3A_1795 : vector<1x128xf32> to vector<1x1x128xf32>
    %reduce_sum3A_1797 = arith.constant dense<0.000000e+00> : vector<1xf32>
    %reduce_sum3A_1798 = vector.multi_reduction <add>, %reduce_sum3A_1796, %reduce_sum3A_1797 [1, 2] : vector<1x1x128xf32> to vector<1xf32>
    %reduce_sum3A_1799 = vector.shape_cast %reduce_sum3A_1798 : vector<1xf32> to vector<1x1x1xf32>
    %reduce_sum3A_1800 = vector.extract %reduce_sum3A_1799[0, 0, 0] : f32 from vector<1x1x1xf32>
    %jit3A_1801 = arith.constant 0.000000e+00 : f32
    %broadcast_in_dim3A_1802 = vector.broadcast %reduce_sum3A_1800 : f32 to vector<1x128xf32>
    %broadcast_in_dim3A_1803 = vector.broadcast %jit3A_1801 : f32 to vector<1x128xf32>
    %select_n3A_1804 = arith.select %eq3A_1787, %broadcast_in_dim3A_1802, %broadcast_in_dim3A_1803 : vector<1x128xi1>, vector<1x128xf32>
    %add3A_1805 = arith.addf %add3A_1784, %select_n3A_1804 : vector<1x128xf32>
    %eq3A_1806 = arith.constant 4 : i32
    %eq3A_1807 = vector.broadcast %eq3A_1806 : i32 to vector<1x128xi32>
    %eq3A_1808 = arith.cmpi eq, %iota3A, %eq3A_1807 : vector<1x128xi32>
    %get3A_1809 = arith.index_cast %shift_right_logical3A_1725 : i32 to index
    %get3A_1810 = arith.constant 0 : index
    %get3A_1811 = vector.load %arg10[%get3A_1809, %get3A_1810] : memref<40x128xf32, #tpu.memory_space<vmem>>, vector<1x128xf32>
    %broadcast_in_dim3A_1812 = arith.constant 0.000000e+00 : f32
    %broadcast_in_dim3A_1813 = vector.broadcast %broadcast_in_dim3A_1812 : f32 to vector<1x128xf32>
    %eq3A_1814 = vector.broadcast %and3A_1727 : i32 to vector<1x128xi32>
    %eq3A_1815 = arith.cmpi eq, %iota3A, %eq3A_1814 : vector<1x128xi32>
    %select_n3A_1816 = arith.select %eq3A_1815, %get3A_1811, %broadcast_in_dim3A_1813 : vector<1x128xi1>, vector<1x128xf32>
    %reduce_sum3A_1817 = vector.shape_cast %select_n3A_1816 : vector<1x128xf32> to vector<1x1x128xf32>
    %reduce_sum3A_1818 = arith.constant dense<0.000000e+00> : vector<1xf32>
    %reduce_sum3A_1819 = vector.multi_reduction <add>, %reduce_sum3A_1817, %reduce_sum3A_1818 [1, 2] : vector<1x1x128xf32> to vector<1xf32>
    %reduce_sum3A_1820 = vector.shape_cast %reduce_sum3A_1819 : vector<1xf32> to vector<1x1x1xf32>
    %reduce_sum3A_1821 = vector.extract %reduce_sum3A_1820[0, 0, 0] : f32 from vector<1x1x1xf32>
    %jit3A_1822 = arith.constant 0.000000e+00 : f32
    %broadcast_in_dim3A_1823 = vector.broadcast %reduce_sum3A_1821 : f32 to vector<1x128xf32>
    %broadcast_in_dim3A_1824 = vector.broadcast %jit3A_1822 : f32 to vector<1x128xf32>
    %select_n3A_1825 = arith.select %eq3A_1808, %broadcast_in_dim3A_1823, %broadcast_in_dim3A_1824 : vector<1x128xi1>, vector<1x128xf32>
    %add3A_1826 = arith.addf %add3A_1805, %select_n3A_1825 : vector<1x128xf32>
    %eq3A_1827 = arith.constant 5 : i32
    %eq3A_1828 = vector.broadcast %eq3A_1827 : i32 to vector<1x128xi32>
    %eq3A_1829 = arith.cmpi eq, %iota3A, %eq3A_1828 : vector<1x128xi32>
    %get3A_1830 = arith.index_cast %shift_right_logical3A_1725 : i32 to index
    %get3A_1831 = arith.constant 0 : index
    %get3A_1832 = vector.load %arg11[%get3A_1830, %get3A_1831] : memref<40x128xf32, #tpu.memory_space<vmem>>, vector<1x128xf32>
    %broadcast_in_dim3A_1833 = arith.constant 0.000000e+00 : f32
    %broadcast_in_dim3A_1834 = vector.broadcast %broadcast_in_dim3A_1833 : f32 to vector<1x128xf32>
    %eq3A_1835 = vector.broadcast %and3A_1727 : i32 to vector<1x128xi32>
    %eq3A_1836 = arith.cmpi eq, %iota3A, %eq3A_1835 : vector<1x128xi32>
    %select_n3A_1837 = arith.select %eq3A_1836, %get3A_1832, %broadcast_in_dim3A_1834 : vector<1x128xi1>, vector<1x128xf32>
    %reduce_sum3A_1838 = vector.shape_cast %select_n3A_1837 : vector<1x128xf32> to vector<1x1x128xf32>
    %reduce_sum3A_1839 = arith.constant dense<0.000000e+00> : vector<1xf32>
    %reduce_sum3A_1840 = vector.multi_reduction <add>, %reduce_sum3A_1838, %reduce_sum3A_1839 [1, 2] : vector<1x1x128xf32> to vector<1xf32>
    %reduce_sum3A_1841 = vector.shape_cast %reduce_sum3A_1840 : vector<1xf32> to vector<1x1x1xf32>
    %reduce_sum3A_1842 = vector.extract %reduce_sum3A_1841[0, 0, 0] : f32 from vector<1x1x1xf32>
    %jit3A_1843 = arith.constant 0.000000e+00 : f32
    %broadcast_in_dim3A_1844 = vector.broadcast %reduce_sum3A_1842 : f32 to vector<1x128xf32>
    %broadcast_in_dim3A_1845 = vector.broadcast %jit3A_1843 : f32 to vector<1x128xf32>
    %select_n3A_1846 = arith.select %eq3A_1829, %broadcast_in_dim3A_1844, %broadcast_in_dim3A_1845 : vector<1x128xi1>, vector<1x128xf32>
    %add3A_1847 = arith.addf %add3A_1826, %select_n3A_1846 : vector<1x128xf32>
    %swap3A_1848 = arith.constant 12 : index
    %swap3A_1849 = arith.constant 0 : index
    %swap3A_1850 = vector.load %arg13[%swap3A_1848, %swap3A_1849] : memref<30x128xf32, #tpu.memory_space<vmem>>, vector<1x128xf32>
    tpu.vector_store %arg13[%swap3A_1848, %swap3A_1849], %add3A_1847 {strides = array<i32>} : memref<30x128xf32, #tpu.memory_space<vmem>>, vector<1x128xf32>,
    %get3A_1851 = arith.constant 0 : index
    %get3A_1852 = arith.constant 0 : index
    %get3A_1853 = vector.load %arg15[%get3A_1851, %get3A_1852] : memref<8x128xi32, #tpu.memory_space<vmem>>, vector<1x128xi32>
    %broadcast_in_dim3A_1854 = arith.constant 0 : i32
    %broadcast_in_dim3A_1855 = vector.broadcast %broadcast_in_dim3A_1854 : i32 to vector<1x128xi32>
    %eq3A_1856 = arith.constant 13 : i32
    %eq3A_1857 = vector.broadcast %eq3A_1856 : i32 to vector<1x128xi32>
    %eq3A_1858 = arith.cmpi eq, %iota3A, %eq3A_1857 : vector<1x128xi32>
    %select_n3A_1859 = arith.select %eq3A_1858, %get3A_1853, %broadcast_in_dim3A_1855 : vector<1x128xi1>, vector<1x128xi32>
    %reduce_sum3A_1860 = vector.shape_cast %select_n3A_1859 : vector<1x128xi32> to vector<1x1x128xi32>
    %reduce_sum3A_1861 = arith.constant dense<0> : vector<1xi32>
    %reduce_sum3A_1862 = vector.multi_reduction <add>, %reduce_sum3A_1860, %reduce_sum3A_1861 [1, 2] : vector<1x1x128xi32> to vector<1xi32>
    %reduce_sum3A_1863 = vector.shape_cast %reduce_sum3A_1862 : vector<1xi32> to vector<1x1x1xi32>
    %reduce_sum3A_1864 = vector.extract %reduce_sum3A_1863[0, 0, 0] : i32 from vector<1x1x1xi32>
    %shift_right_logical3A_1865 = arith.constant 7 : i32
    %shift_right_logical3A_1866 = arith.shrui %reduce_sum3A_1864, %shift_right_logical3A_1865 : i32
    %and3A_1867 = arith.constant 127 : i32
    %and3A_1868 = arith.andi %reduce_sum3A_1864, %and3A_1867 : i32
    %get3A_1869 = arith.index_cast %shift_right_logical3A_1866 : i32 to index
    %get3A_1870 = arith.constant 0 : index
    %get3A_1871 = vector.load %arg12[%get3A_1869, %get3A_1870] : memref<40x128xf32, #tpu.memory_space<vmem>>, vector<1x128xf32>
    %broadcast_in_dim3A_1872 = arith.constant 0.000000e+00 : f32
    %broadcast_in_dim3A_1873 = vector.broadcast %broadcast_in_dim3A_1872 : f32 to vector<1x128xf32>
    %eq3A_1874 = vector.broadcast %and3A_1868 : i32 to vector<1x128xi32>
    %eq3A_1875 = arith.cmpi eq, %iota3A, %eq3A_1874 : vector<1x128xi32>
    %select_n3A_1876 = arith.select %eq3A_1875, %get3A_1871, %broadcast_in_dim3A_1873 : vector<1x128xi1>, vector<1x128xf32>
    %reduce_sum3A_1877 = vector.shape_cast %select_n3A_1876 : vector<1x128xf32> to vector<1x1x128xf32>
    %reduce_sum3A_1878 = arith.constant dense<0.000000e+00> : vector<1xf32>
    %reduce_sum3A_1879 = vector.multi_reduction <add>, %reduce_sum3A_1877, %reduce_sum3A_1878 [1, 2] : vector<1x1x128xf32> to vector<1xf32>
    %reduce_sum3A_1880 = vector.shape_cast %reduce_sum3A_1879 : vector<1xf32> to vector<1x1x1xf32>
    %reduce_sum3A_1881 = vector.extract %reduce_sum3A_1880[0, 0, 0] : f32 from vector<1x1x1xf32>
    %neg3A_1882 = arith.constant 0.000000e+00 : f32
    %neg3A_1883 = arith.subf %neg3A_1882, %reduce_sum3A_1881 : f32
    %exp3A_1884 = math.exp %neg3A_1883 : f32
    %add3A_1885 = arith.constant 1.000000e+00 : f32
    %add3A_1886 = arith.addf %add3A_1885, %exp3A_1884 : f32
    %div3A_1887 = arith.constant 1.000000e+00 : f32
    %div3A_1888 = arith.divf %div3A_1887, %add3A_1886 : f32
    %eq3A_1889 = arith.constant 0 : i32
    %eq3A_1890 = vector.broadcast %eq3A_1889 : i32 to vector<1x128xi32>
    %eq3A_1891 = arith.cmpi eq, %iota3A, %eq3A_1890 : vector<1x128xi32>
    %convert_element_type3A_1892 = arith.sitofp %reduce_sum3A_1864 : i32 to f32
    %jit3A_1893 = arith.constant 0.000000e+00 : f32
    %broadcast_in_dim3A_1894 = vector.broadcast %convert_element_type3A_1892 : f32 to vector<1x128xf32>
    %broadcast_in_dim3A_1895 = vector.broadcast %jit3A_1893 : f32 to vector<1x128xf32>
    %select_n3A_1896 = arith.select %eq3A_1891, %broadcast_in_dim3A_1894, %broadcast_in_dim3A_1895 : vector<1x128xi1>, vector<1x128xf32>
    %eq3A_1897 = arith.constant 1 : i32
    %eq3A_1898 = vector.broadcast %eq3A_1897 : i32 to vector<1x128xi32>
    %eq3A_1899 = arith.cmpi eq, %iota3A, %eq3A_1898 : vector<1x128xi32>
    %jit3A_1900 = arith.constant 0.000000e+00 : f32
    %broadcast_in_dim3A_1901 = vector.broadcast %div3A_1888 : f32 to vector<1x128xf32>
    %broadcast_in_dim3A_1902 = vector.broadcast %jit3A_1900 : f32 to vector<1x128xf32>
    %select_n3A_1903 = arith.select %eq3A_1899, %broadcast_in_dim3A_1901, %broadcast_in_dim3A_1902 : vector<1x128xi1>, vector<1x128xf32>
    %add3A_1904 = arith.addf %select_n3A_1896, %select_n3A_1903 : vector<1x128xf32>
    %eq3A_1905 = arith.constant 2 : i32
    %eq3A_1906 = vector.broadcast %eq3A_1905 : i32 to vector<1x128xi32>
    %eq3A_1907 = arith.cmpi eq, %iota3A, %eq3A_1906 : vector<1x128xi32>
    %get3A_1908 = arith.index_cast %shift_right_logical3A_1866 : i32 to index
    %get3A_1909 = arith.constant 0 : index
    %get3A_1910 = vector.load %arg8[%get3A_1908, %get3A_1909] : memref<40x128xf32, #tpu.memory_space<vmem>>, vector<1x128xf32>
    %broadcast_in_dim3A_1911 = arith.constant 0.000000e+00 : f32
    %broadcast_in_dim3A_1912 = vector.broadcast %broadcast_in_dim3A_1911 : f32 to vector<1x128xf32>
    %eq3A_1913 = vector.broadcast %and3A_1868 : i32 to vector<1x128xi32>
    %eq3A_1914 = arith.cmpi eq, %iota3A, %eq3A_1913 : vector<1x128xi32>
    %select_n3A_1915 = arith.select %eq3A_1914, %get3A_1910, %broadcast_in_dim3A_1912 : vector<1x128xi1>, vector<1x128xf32>
    %reduce_sum3A_1916 = vector.shape_cast %select_n3A_1915 : vector<1x128xf32> to vector<1x1x128xf32>
    %reduce_sum3A_1917 = arith.constant dense<0.000000e+00> : vector<1xf32>
    %reduce_sum3A_1918 = vector.multi_reduction <add>, %reduce_sum3A_1916, %reduce_sum3A_1917 [1, 2] : vector<1x1x128xf32> to vector<1xf32>
    %reduce_sum3A_1919 = vector.shape_cast %reduce_sum3A_1918 : vector<1xf32> to vector<1x1x1xf32>
    %reduce_sum3A_1920 = vector.extract %reduce_sum3A_1919[0, 0, 0] : f32 from vector<1x1x1xf32>
    %jit3A_1921 = arith.constant 0.000000e+00 : f32
    %broadcast_in_dim3A_1922 = vector.broadcast %reduce_sum3A_1920 : f32 to vector<1x128xf32>
    %broadcast_in_dim3A_1923 = vector.broadcast %jit3A_1921 : f32 to vector<1x128xf32>
    %select_n3A_1924 = arith.select %eq3A_1907, %broadcast_in_dim3A_1922, %broadcast_in_dim3A_1923 : vector<1x128xi1>, vector<1x128xf32>
    %add3A_1925 = arith.addf %add3A_1904, %select_n3A_1924 : vector<1x128xf32>
    %eq3A_1926 = arith.constant 3 : i32
    %eq3A_1927 = vector.broadcast %eq3A_1926 : i32 to vector<1x128xi32>
    %eq3A_1928 = arith.cmpi eq, %iota3A, %eq3A_1927 : vector<1x128xi32>
    %get3A_1929 = arith.index_cast %shift_right_logical3A_1866 : i32 to index
    %get3A_1930 = arith.constant 0 : index
    %get3A_1931 = vector.load %arg9[%get3A_1929, %get3A_1930] : memref<40x128xf32, #tpu.memory_space<vmem>>, vector<1x128xf32>
    %broadcast_in_dim3A_1932 = arith.constant 0.000000e+00 : f32
    %broadcast_in_dim3A_1933 = vector.broadcast %broadcast_in_dim3A_1932 : f32 to vector<1x128xf32>
    %eq3A_1934 = vector.broadcast %and3A_1868 : i32 to vector<1x128xi32>
    %eq3A_1935 = arith.cmpi eq, %iota3A, %eq3A_1934 : vector<1x128xi32>
    %select_n3A_1936 = arith.select %eq3A_1935, %get3A_1931, %broadcast_in_dim3A_1933 : vector<1x128xi1>, vector<1x128xf32>
    %reduce_sum3A_1937 = vector.shape_cast %select_n3A_1936 : vector<1x128xf32> to vector<1x1x128xf32>
    %reduce_sum3A_1938 = arith.constant dense<0.000000e+00> : vector<1xf32>
    %reduce_sum3A_1939 = vector.multi_reduction <add>, %reduce_sum3A_1937, %reduce_sum3A_1938 [1, 2] : vector<1x1x128xf32> to vector<1xf32>
    %reduce_sum3A_1940 = vector.shape_cast %reduce_sum3A_1939 : vector<1xf32> to vector<1x1x1xf32>
    %reduce_sum3A_1941 = vector.extract %reduce_sum3A_1940[0, 0, 0] : f32 from vector<1x1x1xf32>
    %jit3A_1942 = arith.constant 0.000000e+00 : f32
    %broadcast_in_dim3A_1943 = vector.broadcast %reduce_sum3A_1941 : f32 to vector<1x128xf32>
    %broadcast_in_dim3A_1944 = vector.broadcast %jit3A_1942 : f32 to vector<1x128xf32>
    %select_n3A_1945 = arith.select %eq3A_1928, %broadcast_in_dim3A_1943, %broadcast_in_dim3A_1944 : vector<1x128xi1>, vector<1x128xf32>
    %add3A_1946 = arith.addf %add3A_1925, %select_n3A_1945 : vector<1x128xf32>
    %eq3A_1947 = arith.constant 4 : i32
    %eq3A_1948 = vector.broadcast %eq3A_1947 : i32 to vector<1x128xi32>
    %eq3A_1949 = arith.cmpi eq, %iota3A, %eq3A_1948 : vector<1x128xi32>
    %get3A_1950 = arith.index_cast %shift_right_logical3A_1866 : i32 to index
    %get3A_1951 = arith.constant 0 : index
    %get3A_1952 = vector.load %arg10[%get3A_1950, %get3A_1951] : memref<40x128xf32, #tpu.memory_space<vmem>>, vector<1x128xf32>
    %broadcast_in_dim3A_1953 = arith.constant 0.000000e+00 : f32
    %broadcast_in_dim3A_1954 = vector.broadcast %broadcast_in_dim3A_1953 : f32 to vector<1x128xf32>
    %eq3A_1955 = vector.broadcast %and3A_1868 : i32 to vector<1x128xi32>
    %eq3A_1956 = arith.cmpi eq, %iota3A, %eq3A_1955 : vector<1x128xi32>
    %select_n3A_1957 = arith.select %eq3A_1956, %get3A_1952, %broadcast_in_dim3A_1954 : vector<1x128xi1>, vector<1x128xf32>
    %reduce_sum3A_1958 = vector.shape_cast %select_n3A_1957 : vector<1x128xf32> to vector<1x1x128xf32>
    %reduce_sum3A_1959 = arith.constant dense<0.000000e+00> : vector<1xf32>
    %reduce_sum3A_1960 = vector.multi_reduction <add>, %reduce_sum3A_1958, %reduce_sum3A_1959 [1, 2] : vector<1x1x128xf32> to vector<1xf32>
    %reduce_sum3A_1961 = vector.shape_cast %reduce_sum3A_1960 : vector<1xf32> to vector<1x1x1xf32>
    %reduce_sum3A_1962 = vector.extract %reduce_sum3A_1961[0, 0, 0] : f32 from vector<1x1x1xf32>
    %jit3A_1963 = arith.constant 0.000000e+00 : f32
    %broadcast_in_dim3A_1964 = vector.broadcast %reduce_sum3A_1962 : f32 to vector<1x128xf32>
    %broadcast_in_dim3A_1965 = vector.broadcast %jit3A_1963 : f32 to vector<1x128xf32>
    %select_n3A_1966 = arith.select %eq3A_1949, %broadcast_in_dim3A_1964, %broadcast_in_dim3A_1965 : vector<1x128xi1>, vector<1x128xf32>
    %add3A_1967 = arith.addf %add3A_1946, %select_n3A_1966 : vector<1x128xf32>
    %eq3A_1968 = arith.constant 5 : i32
    %eq3A_1969 = vector.broadcast %eq3A_1968 : i32 to vector<1x128xi32>
    %eq3A_1970 = arith.cmpi eq, %iota3A, %eq3A_1969 : vector<1x128xi32>
    %get3A_1971 = arith.index_cast %shift_right_logical3A_1866 : i32 to index
    %get3A_1972 = arith.constant 0 : index
    %get3A_1973 = vector.load %arg11[%get3A_1971, %get3A_1972] : memref<40x128xf32, #tpu.memory_space<vmem>>, vector<1x128xf32>
    %broadcast_in_dim3A_1974 = arith.constant 0.000000e+00 : f32
    %broadcast_in_dim3A_1975 = vector.broadcast %broadcast_in_dim3A_1974 : f32 to vector<1x128xf32>
    %eq3A_1976 = vector.broadcast %and3A_1868 : i32 to vector<1x128xi32>
    %eq3A_1977 = arith.cmpi eq, %iota3A, %eq3A_1976 : vector<1x128xi32>
    %select_n3A_1978 = arith.select %eq3A_1977, %get3A_1973, %broadcast_in_dim3A_1975 : vector<1x128xi1>, vector<1x128xf32>
    %reduce_sum3A_1979 = vector.shape_cast %select_n3A_1978 : vector<1x128xf32> to vector<1x1x128xf32>
    %reduce_sum3A_1980 = arith.constant dense<0.000000e+00> : vector<1xf32>
    %reduce_sum3A_1981 = vector.multi_reduction <add>, %reduce_sum3A_1979, %reduce_sum3A_1980 [1, 2] : vector<1x1x128xf32> to vector<1xf32>
    %reduce_sum3A_1982 = vector.shape_cast %reduce_sum3A_1981 : vector<1xf32> to vector<1x1x1xf32>
    %reduce_sum3A_1983 = vector.extract %reduce_sum3A_1982[0, 0, 0] : f32 from vector<1x1x1xf32>
    %jit3A_1984 = arith.constant 0.000000e+00 : f32
    %broadcast_in_dim3A_1985 = vector.broadcast %reduce_sum3A_1983 : f32 to vector<1x128xf32>
    %broadcast_in_dim3A_1986 = vector.broadcast %jit3A_1984 : f32 to vector<1x128xf32>
    %select_n3A_1987 = arith.select %eq3A_1970, %broadcast_in_dim3A_1985, %broadcast_in_dim3A_1986 : vector<1x128xi1>, vector<1x128xf32>
    %add3A_1988 = arith.addf %add3A_1967, %select_n3A_1987 : vector<1x128xf32>
    %swap3A_1989 = arith.constant 13 : index
    %swap3A_1990 = arith.constant 0 : index
    %swap3A_1991 = vector.load %arg13[%swap3A_1989, %swap3A_1990] : memref<30x128xf32, #tpu.memory_space<vmem>>, vector<1x128xf32>
    tpu.vector_store %arg13[%swap3A_1989, %swap3A_1990], %add3A_1988 {strides = array<i32>} : memref<30x128xf32, #tpu.memory_space<vmem>>, vector<1x128xf32>,
    %get3A_1992 = arith.constant 0 : index
    %get3A_1993 = arith.constant 0 : index
    %get3A_1994 = vector.load %arg15[%get3A_1992, %get3A_1993] : memref<8x128xi32, #tpu.memory_space<vmem>>, vector<1x128xi32>
    %broadcast_in_dim3A_1995 = arith.constant 0 : i32
    %broadcast_in_dim3A_1996 = vector.broadcast %broadcast_in_dim3A_1995 : i32 to vector<1x128xi32>
    %eq3A_1997 = arith.constant 14 : i32
    %eq3A_1998 = vector.broadcast %eq3A_1997 : i32 to vector<1x128xi32>
    %eq3A_1999 = arith.cmpi eq, %iota3A, %eq3A_1998 : vector<1x128xi32>
    %select_n3A_2000 = arith.select %eq3A_1999, %get3A_1994, %broadcast_in_dim3A_1996 : vector<1x128xi1>, vector<1x128xi32>
    %reduce_sum3A_2001 = vector.shape_cast %select_n3A_2000 : vector<1x128xi32> to vector<1x1x128xi32>
    %reduce_sum3A_2002 = arith.constant dense<0> : vector<1xi32>
    %reduce_sum3A_2003 = vector.multi_reduction <add>, %reduce_sum3A_2001, %reduce_sum3A_2002 [1, 2] : vector<1x1x128xi32> to vector<1xi32>
    %reduce_sum3A_2004 = vector.shape_cast %reduce_sum3A_2003 : vector<1xi32> to vector<1x1x1xi32>
    %reduce_sum3A_2005 = vector.extract %reduce_sum3A_2004[0, 0, 0] : i32 from vector<1x1x1xi32>
    %shift_right_logical3A_2006 = arith.constant 7 : i32
    %shift_right_logical3A_2007 = arith.shrui %reduce_sum3A_2005, %shift_right_logical3A_2006 : i32
    %and3A_2008 = arith.constant 127 : i32
    %and3A_2009 = arith.andi %reduce_sum3A_2005, %and3A_2008 : i32
    %get3A_2010 = arith.index_cast %shift_right_logical3A_2007 : i32 to index
    %get3A_2011 = arith.constant 0 : index
    %get3A_2012 = vector.load %arg12[%get3A_2010, %get3A_2011] : memref<40x128xf32, #tpu.memory_space<vmem>>, vector<1x128xf32>
    %broadcast_in_dim3A_2013 = arith.constant 0.000000e+00 : f32
    %broadcast_in_dim3A_2014 = vector.broadcast %broadcast_in_dim3A_2013 : f32 to vector<1x128xf32>
    %eq3A_2015 = vector.broadcast %and3A_2009 : i32 to vector<1x128xi32>
    %eq3A_2016 = arith.cmpi eq, %iota3A, %eq3A_2015 : vector<1x128xi32>
    %select_n3A_2017 = arith.select %eq3A_2016, %get3A_2012, %broadcast_in_dim3A_2014 : vector<1x128xi1>, vector<1x128xf32>
    %reduce_sum3A_2018 = vector.shape_cast %select_n3A_2017 : vector<1x128xf32> to vector<1x1x128xf32>
    %reduce_sum3A_2019 = arith.constant dense<0.000000e+00> : vector<1xf32>
    %reduce_sum3A_2020 = vector.multi_reduction <add>, %reduce_sum3A_2018, %reduce_sum3A_2019 [1, 2] : vector<1x1x128xf32> to vector<1xf32>
    %reduce_sum3A_2021 = vector.shape_cast %reduce_sum3A_2020 : vector<1xf32> to vector<1x1x1xf32>
    %reduce_sum3A_2022 = vector.extract %reduce_sum3A_2021[0, 0, 0] : f32 from vector<1x1x1xf32>
    %neg3A_2023 = arith.constant 0.000000e+00 : f32
    %neg3A_2024 = arith.subf %neg3A_2023, %reduce_sum3A_2022 : f32
    %exp3A_2025 = math.exp %neg3A_2024 : f32
    %add3A_2026 = arith.constant 1.000000e+00 : f32
    %add3A_2027 = arith.addf %add3A_2026, %exp3A_2025 : f32
    %div3A_2028 = arith.constant 1.000000e+00 : f32
    %div3A_2029 = arith.divf %div3A_2028, %add3A_2027 : f32
    %eq3A_2030 = arith.constant 0 : i32
    %eq3A_2031 = vector.broadcast %eq3A_2030 : i32 to vector<1x128xi32>
    %eq3A_2032 = arith.cmpi eq, %iota3A, %eq3A_2031 : vector<1x128xi32>
    %convert_element_type3A_2033 = arith.sitofp %reduce_sum3A_2005 : i32 to f32
    %jit3A_2034 = arith.constant 0.000000e+00 : f32
    %broadcast_in_dim3A_2035 = vector.broadcast %convert_element_type3A_2033 : f32 to vector<1x128xf32>
    %broadcast_in_dim3A_2036 = vector.broadcast %jit3A_2034 : f32 to vector<1x128xf32>
    %select_n3A_2037 = arith.select %eq3A_2032, %broadcast_in_dim3A_2035, %broadcast_in_dim3A_2036 : vector<1x128xi1>, vector<1x128xf32>
    %eq3A_2038 = arith.constant 1 : i32
    %eq3A_2039 = vector.broadcast %eq3A_2038 : i32 to vector<1x128xi32>
    %eq3A_2040 = arith.cmpi eq, %iota3A, %eq3A_2039 : vector<1x128xi32>
    %jit3A_2041 = arith.constant 0.000000e+00 : f32
    %broadcast_in_dim3A_2042 = vector.broadcast %div3A_2029 : f32 to vector<1x128xf32>
    %broadcast_in_dim3A_2043 = vector.broadcast %jit3A_2041 : f32 to vector<1x128xf32>
    %select_n3A_2044 = arith.select %eq3A_2040, %broadcast_in_dim3A_2042, %broadcast_in_dim3A_2043 : vector<1x128xi1>, vector<1x128xf32>
    %add3A_2045 = arith.addf %select_n3A_2037, %select_n3A_2044 : vector<1x128xf32>
    %eq3A_2046 = arith.constant 2 : i32
    %eq3A_2047 = vector.broadcast %eq3A_2046 : i32 to vector<1x128xi32>
    %eq3A_2048 = arith.cmpi eq, %iota3A, %eq3A_2047 : vector<1x128xi32>
    %get3A_2049 = arith.index_cast %shift_right_logical3A_2007 : i32 to index
    %get3A_2050 = arith.constant 0 : index
    %get3A_2051 = vector.load %arg8[%get3A_2049, %get3A_2050] : memref<40x128xf32, #tpu.memory_space<vmem>>, vector<1x128xf32>
    %broadcast_in_dim3A_2052 = arith.constant 0.000000e+00 : f32
    %broadcast_in_dim3A_2053 = vector.broadcast %broadcast_in_dim3A_2052 : f32 to vector<1x128xf32>
    %eq3A_2054 = vector.broadcast %and3A_2009 : i32 to vector<1x128xi32>
    %eq3A_2055 = arith.cmpi eq, %iota3A, %eq3A_2054 : vector<1x128xi32>
    %select_n3A_2056 = arith.select %eq3A_2055, %get3A_2051, %broadcast_in_dim3A_2053 : vector<1x128xi1>, vector<1x128xf32>
    %reduce_sum3A_2057 = vector.shape_cast %select_n3A_2056 : vector<1x128xf32> to vector<1x1x128xf32>
    %reduce_sum3A_2058 = arith.constant dense<0.000000e+00> : vector<1xf32>
    %reduce_sum3A_2059 = vector.multi_reduction <add>, %reduce_sum3A_2057, %reduce_sum3A_2058 [1, 2] : vector<1x1x128xf32> to vector<1xf32>
    %reduce_sum3A_2060 = vector.shape_cast %reduce_sum3A_2059 : vector<1xf32> to vector<1x1x1xf32>
    %reduce_sum3A_2061 = vector.extract %reduce_sum3A_2060[0, 0, 0] : f32 from vector<1x1x1xf32>
    %jit3A_2062 = arith.constant 0.000000e+00 : f32
    %broadcast_in_dim3A_2063 = vector.broadcast %reduce_sum3A_2061 : f32 to vector<1x128xf32>
    %broadcast_in_dim3A_2064 = vector.broadcast %jit3A_2062 : f32 to vector<1x128xf32>
    %select_n3A_2065 = arith.select %eq3A_2048, %broadcast_in_dim3A_2063, %broadcast_in_dim3A_2064 : vector<1x128xi1>, vector<1x128xf32>
    %add3A_2066 = arith.addf %add3A_2045, %select_n3A_2065 : vector<1x128xf32>
    %eq3A_2067 = arith.constant 3 : i32
    %eq3A_2068 = vector.broadcast %eq3A_2067 : i32 to vector<1x128xi32>
    %eq3A_2069 = arith.cmpi eq, %iota3A, %eq3A_2068 : vector<1x128xi32>
    %get3A_2070 = arith.index_cast %shift_right_logical3A_2007 : i32 to index
    %get3A_2071 = arith.constant 0 : index
    %get3A_2072 = vector.load %arg9[%get3A_2070, %get3A_2071] : memref<40x128xf32, #tpu.memory_space<vmem>>, vector<1x128xf32>
    %broadcast_in_dim3A_2073 = arith.constant 0.000000e+00 : f32
    %broadcast_in_dim3A_2074 = vector.broadcast %broadcast_in_dim3A_2073 : f32 to vector<1x128xf32>
    %eq3A_2075 = vector.broadcast %and3A_2009 : i32 to vector<1x128xi32>
    %eq3A_2076 = arith.cmpi eq, %iota3A, %eq3A_2075 : vector<1x128xi32>
    %select_n3A_2077 = arith.select %eq3A_2076, %get3A_2072, %broadcast_in_dim3A_2074 : vector<1x128xi1>, vector<1x128xf32>
    %reduce_sum3A_2078 = vector.shape_cast %select_n3A_2077 : vector<1x128xf32> to vector<1x1x128xf32>
    %reduce_sum3A_2079 = arith.constant dense<0.000000e+00> : vector<1xf32>
    %reduce_sum3A_2080 = vector.multi_reduction <add>, %reduce_sum3A_2078, %reduce_sum3A_2079 [1, 2] : vector<1x1x128xf32> to vector<1xf32>
    %reduce_sum3A_2081 = vector.shape_cast %reduce_sum3A_2080 : vector<1xf32> to vector<1x1x1xf32>
    %reduce_sum3A_2082 = vector.extract %reduce_sum3A_2081[0, 0, 0] : f32 from vector<1x1x1xf32>
    %jit3A_2083 = arith.constant 0.000000e+00 : f32
    %broadcast_in_dim3A_2084 = vector.broadcast %reduce_sum3A_2082 : f32 to vector<1x128xf32>
    %broadcast_in_dim3A_2085 = vector.broadcast %jit3A_2083 : f32 to vector<1x128xf32>
    %select_n3A_2086 = arith.select %eq3A_2069, %broadcast_in_dim3A_2084, %broadcast_in_dim3A_2085 : vector<1x128xi1>, vector<1x128xf32>
    %add3A_2087 = arith.addf %add3A_2066, %select_n3A_2086 : vector<1x128xf32>
    %eq3A_2088 = arith.constant 4 : i32
    %eq3A_2089 = vector.broadcast %eq3A_2088 : i32 to vector<1x128xi32>
    %eq3A_2090 = arith.cmpi eq, %iota3A, %eq3A_2089 : vector<1x128xi32>
    %get3A_2091 = arith.index_cast %shift_right_logical3A_2007 : i32 to index
    %get3A_2092 = arith.constant 0 : index
    %get3A_2093 = vector.load %arg10[%get3A_2091, %get3A_2092] : memref<40x128xf32, #tpu.memory_space<vmem>>, vector<1x128xf32>
    %broadcast_in_dim3A_2094 = arith.constant 0.000000e+00 : f32
    %broadcast_in_dim3A_2095 = vector.broadcast %broadcast_in_dim3A_2094 : f32 to vector<1x128xf32>
    %eq3A_2096 = vector.broadcast %and3A_2009 : i32 to vector<1x128xi32>
    %eq3A_2097 = arith.cmpi eq, %iota3A, %eq3A_2096 : vector<1x128xi32>
    %select_n3A_2098 = arith.select %eq3A_2097, %get3A_2093, %broadcast_in_dim3A_2095 : vector<1x128xi1>, vector<1x128xf32>
    %reduce_sum3A_2099 = vector.shape_cast %select_n3A_2098 : vector<1x128xf32> to vector<1x1x128xf32>
    %reduce_sum3A_2100 = arith.constant dense<0.000000e+00> : vector<1xf32>
    %reduce_sum3A_2101 = vector.multi_reduction <add>, %reduce_sum3A_2099, %reduce_sum3A_2100 [1, 2] : vector<1x1x128xf32> to vector<1xf32>
    %reduce_sum3A_2102 = vector.shape_cast %reduce_sum3A_2101 : vector<1xf32> to vector<1x1x1xf32>
    %reduce_sum3A_2103 = vector.extract %reduce_sum3A_2102[0, 0, 0] : f32 from vector<1x1x1xf32>
    %jit3A_2104 = arith.constant 0.000000e+00 : f32
    %broadcast_in_dim3A_2105 = vector.broadcast %reduce_sum3A_2103 : f32 to vector<1x128xf32>
    %broadcast_in_dim3A_2106 = vector.broadcast %jit3A_2104 : f32 to vector<1x128xf32>
    %select_n3A_2107 = arith.select %eq3A_2090, %broadcast_in_dim3A_2105, %broadcast_in_dim3A_2106 : vector<1x128xi1>, vector<1x128xf32>
    %add3A_2108 = arith.addf %add3A_2087, %select_n3A_2107 : vector<1x128xf32>
    %eq3A_2109 = arith.constant 5 : i32
    %eq3A_2110 = vector.broadcast %eq3A_2109 : i32 to vector<1x128xi32>
    %eq3A_2111 = arith.cmpi eq, %iota3A, %eq3A_2110 : vector<1x128xi32>
    %get3A_2112 = arith.index_cast %shift_right_logical3A_2007 : i32 to index
    %get3A_2113 = arith.constant 0 : index
    %get3A_2114 = vector.load %arg11[%get3A_2112, %get3A_2113] : memref<40x128xf32, #tpu.memory_space<vmem>>, vector<1x128xf32>
    %broadcast_in_dim3A_2115 = arith.constant 0.000000e+00 : f32
    %broadcast_in_dim3A_2116 = vector.broadcast %broadcast_in_dim3A_2115 : f32 to vector<1x128xf32>
    %eq3A_2117 = vector.broadcast %and3A_2009 : i32 to vector<1x128xi32>
    %eq3A_2118 = arith.cmpi eq, %iota3A, %eq3A_2117 : vector<1x128xi32>
    %select_n3A_2119 = arith.select %eq3A_2118, %get3A_2114, %broadcast_in_dim3A_2116 : vector<1x128xi1>, vector<1x128xf32>
    %reduce_sum3A_2120 = vector.shape_cast %select_n3A_2119 : vector<1x128xf32> to vector<1x1x128xf32>
    %reduce_sum3A_2121 = arith.constant dense<0.000000e+00> : vector<1xf32>
    %reduce_sum3A_2122 = vector.multi_reduction <add>, %reduce_sum3A_2120, %reduce_sum3A_2121 [1, 2] : vector<1x1x128xf32> to vector<1xf32>
    %reduce_sum3A_2123 = vector.shape_cast %reduce_sum3A_2122 : vector<1xf32> to vector<1x1x1xf32>
    %reduce_sum3A_2124 = vector.extract %reduce_sum3A_2123[0, 0, 0] : f32 from vector<1x1x1xf32>
    %jit3A_2125 = arith.constant 0.000000e+00 : f32
    %broadcast_in_dim3A_2126 = vector.broadcast %reduce_sum3A_2124 : f32 to vector<1x128xf32>
    %broadcast_in_dim3A_2127 = vector.broadcast %jit3A_2125 : f32 to vector<1x128xf32>
    %select_n3A_2128 = arith.select %eq3A_2111, %broadcast_in_dim3A_2126, %broadcast_in_dim3A_2127 : vector<1x128xi1>, vector<1x128xf32>
    %add3A_2129 = arith.addf %add3A_2108, %select_n3A_2128 : vector<1x128xf32>
    %swap3A_2130 = arith.constant 14 : index
    %swap3A_2131 = arith.constant 0 : index
    %swap3A_2132 = vector.load %arg13[%swap3A_2130, %swap3A_2131] : memref<30x128xf32, #tpu.memory_space<vmem>>, vector<1x128xf32>
    tpu.vector_store %arg13[%swap3A_2130, %swap3A_2131], %add3A_2129 {strides = array<i32>} : memref<30x128xf32, #tpu.memory_space<vmem>>, vector<1x128xf32>,
    %get3A_2133 = arith.constant 0 : index
    %get3A_2134 = arith.constant 0 : index
    %get3A_2135 = vector.load %arg16[%get3A_2133, %get3A_2134] : memref<8x128xi32, #tpu.memory_space<vmem>>, vector<1x128xi32>
    %broadcast_in_dim3A_2136 = arith.constant 0 : i32
    %broadcast_in_dim3A_2137 = vector.broadcast %broadcast_in_dim3A_2136 : i32 to vector<1x128xi32>
    %eq3A_2138 = arith.constant 0 : i32
    %eq3A_2139 = vector.broadcast %eq3A_2138 : i32 to vector<1x128xi32>
    %eq3A_2140 = arith.cmpi eq, %iota3A, %eq3A_2139 : vector<1x128xi32>
    %select_n3A_2141 = arith.select %eq3A_2140, %get3A_2135, %broadcast_in_dim3A_2137 : vector<1x128xi1>, vector<1x128xi32>
    %reduce_sum3A_2142 = vector.shape_cast %select_n3A_2141 : vector<1x128xi32> to vector<1x1x128xi32>
    %reduce_sum3A_2143 = arith.constant dense<0> : vector<1xi32>
    %reduce_sum3A_2144 = vector.multi_reduction <add>, %reduce_sum3A_2142, %reduce_sum3A_2143 [1, 2] : vector<1x1x128xi32> to vector<1xi32>
    %reduce_sum3A_2145 = vector.shape_cast %reduce_sum3A_2144 : vector<1xi32> to vector<1x1x1xi32>
    %reduce_sum3A_2146 = vector.extract %reduce_sum3A_2145[0, 0, 0] : i32 from vector<1x1x1xi32>
    %shift_right_logical3A_2147 = arith.constant 7 : i32
    %shift_right_logical3A_2148 = arith.shrui %reduce_sum3A_2146, %shift_right_logical3A_2147 : i32
    %and3A_2149 = arith.constant 127 : i32
    %and3A_2150 = arith.andi %reduce_sum3A_2146, %and3A_2149 : i32
    %get3A_2151 = arith.index_cast %shift_right_logical3A_2148 : i32 to index
    %get3A_2152 = arith.constant 0 : index
    %get3A_2153 = vector.load %arg12[%get3A_2151, %get3A_2152] : memref<40x128xf32, #tpu.memory_space<vmem>>, vector<1x128xf32>
    %broadcast_in_dim3A_2154 = arith.constant 0.000000e+00 : f32
    %broadcast_in_dim3A_2155 = vector.broadcast %broadcast_in_dim3A_2154 : f32 to vector<1x128xf32>
    %eq3A_2156 = vector.broadcast %and3A_2150 : i32 to vector<1x128xi32>
    %eq3A_2157 = arith.cmpi eq, %iota3A, %eq3A_2156 : vector<1x128xi32>
    %select_n3A_2158 = arith.select %eq3A_2157, %get3A_2153, %broadcast_in_dim3A_2155 : vector<1x128xi1>, vector<1x128xf32>
    %reduce_sum3A_2159 = vector.shape_cast %select_n3A_2158 : vector<1x128xf32> to vector<1x1x128xf32>
    %reduce_sum3A_2160 = arith.constant dense<0.000000e+00> : vector<1xf32>
    %reduce_sum3A_2161 = vector.multi_reduction <add>, %reduce_sum3A_2159, %reduce_sum3A_2160 [1, 2] : vector<1x1x128xf32> to vector<1xf32>
    %reduce_sum3A_2162 = vector.shape_cast %reduce_sum3A_2161 : vector<1xf32> to vector<1x1x1xf32>
    %reduce_sum3A_2163 = vector.extract %reduce_sum3A_2162[0, 0, 0] : f32 from vector<1x1x1xf32>
    %neg3A_2164 = arith.constant 0.000000e+00 : f32
    %neg3A_2165 = arith.subf %neg3A_2164, %reduce_sum3A_2163 : f32
    %exp3A_2166 = math.exp %neg3A_2165 : f32
    %add3A_2167 = arith.constant 1.000000e+00 : f32
    %add3A_2168 = arith.addf %add3A_2167, %exp3A_2166 : f32
    %div3A_2169 = arith.constant 1.000000e+00 : f32
    %div3A_2170 = arith.divf %div3A_2169, %add3A_2168 : f32
    %eq3A_2171 = arith.constant 0 : i32
    %eq3A_2172 = vector.broadcast %eq3A_2171 : i32 to vector<1x128xi32>
    %eq3A_2173 = arith.cmpi eq, %iota3A, %eq3A_2172 : vector<1x128xi32>
    %convert_element_type3A_2174 = arith.sitofp %reduce_sum3A_2146 : i32 to f32
    %jit3A_2175 = arith.constant 0.000000e+00 : f32
    %broadcast_in_dim3A_2176 = vector.broadcast %convert_element_type3A_2174 : f32 to vector<1x128xf32>
    %broadcast_in_dim3A_2177 = vector.broadcast %jit3A_2175 : f32 to vector<1x128xf32>
    %select_n3A_2178 = arith.select %eq3A_2173, %broadcast_in_dim3A_2176, %broadcast_in_dim3A_2177 : vector<1x128xi1>, vector<1x128xf32>
    %eq3A_2179 = arith.constant 1 : i32
    %eq3A_2180 = vector.broadcast %eq3A_2179 : i32 to vector<1x128xi32>
    %eq3A_2181 = arith.cmpi eq, %iota3A, %eq3A_2180 : vector<1x128xi32>
    %jit3A_2182 = arith.constant 0.000000e+00 : f32
    %broadcast_in_dim3A_2183 = vector.broadcast %div3A_2170 : f32 to vector<1x128xf32>
    %broadcast_in_dim3A_2184 = vector.broadcast %jit3A_2182 : f32 to vector<1x128xf32>
    %select_n3A_2185 = arith.select %eq3A_2181, %broadcast_in_dim3A_2183, %broadcast_in_dim3A_2184 : vector<1x128xi1>, vector<1x128xf32>
    %add3A_2186 = arith.addf %select_n3A_2178, %select_n3A_2185 : vector<1x128xf32>
    %eq3A_2187 = arith.constant 2 : i32
    %eq3A_2188 = vector.broadcast %eq3A_2187 : i32 to vector<1x128xi32>
    %eq3A_2189 = arith.cmpi eq, %iota3A, %eq3A_2188 : vector<1x128xi32>
    %get3A_2190 = arith.index_cast %shift_right_logical3A_2148 : i32 to index
    %get3A_2191 = arith.constant 0 : index
    %get3A_2192 = vector.load %arg8[%get3A_2190, %get3A_2191] : memref<40x128xf32, #tpu.memory_space<vmem>>, vector<1x128xf32>
    %broadcast_in_dim3A_2193 = arith.constant 0.000000e+00 : f32
    %broadcast_in_dim3A_2194 = vector.broadcast %broadcast_in_dim3A_2193 : f32 to vector<1x128xf32>
    %eq3A_2195 = vector.broadcast %and3A_2150 : i32 to vector<1x128xi32>
    %eq3A_2196 = arith.cmpi eq, %iota3A, %eq3A_2195 : vector<1x128xi32>
    %select_n3A_2197 = arith.select %eq3A_2196, %get3A_2192, %broadcast_in_dim3A_2194 : vector<1x128xi1>, vector<1x128xf32>
    %reduce_sum3A_2198 = vector.shape_cast %select_n3A_2197 : vector<1x128xf32> to vector<1x1x128xf32>
    %reduce_sum3A_2199 = arith.constant dense<0.000000e+00> : vector<1xf32>
    %reduce_sum3A_2200 = vector.multi_reduction <add>, %reduce_sum3A_2198, %reduce_sum3A_2199 [1, 2] : vector<1x1x128xf32> to vector<1xf32>
    %reduce_sum3A_2201 = vector.shape_cast %reduce_sum3A_2200 : vector<1xf32> to vector<1x1x1xf32>
    %reduce_sum3A_2202 = vector.extract %reduce_sum3A_2201[0, 0, 0] : f32 from vector<1x1x1xf32>
    %jit3A_2203 = arith.constant 0.000000e+00 : f32
    %broadcast_in_dim3A_2204 = vector.broadcast %reduce_sum3A_2202 : f32 to vector<1x128xf32>
    %broadcast_in_dim3A_2205 = vector.broadcast %jit3A_2203 : f32 to vector<1x128xf32>
    %select_n3A_2206 = arith.select %eq3A_2189, %broadcast_in_dim3A_2204, %broadcast_in_dim3A_2205 : vector<1x128xi1>, vector<1x128xf32>
    %add3A_2207 = arith.addf %add3A_2186, %select_n3A_2206 : vector<1x128xf32>
    %eq3A_2208 = arith.constant 3 : i32
    %eq3A_2209 = vector.broadcast %eq3A_2208 : i32 to vector<1x128xi32>
    %eq3A_2210 = arith.cmpi eq, %iota3A, %eq3A_2209 : vector<1x128xi32>
    %get3A_2211 = arith.index_cast %shift_right_logical3A_2148 : i32 to index
    %get3A_2212 = arith.constant 0 : index
    %get3A_2213 = vector.load %arg9[%get3A_2211, %get3A_2212] : memref<40x128xf32, #tpu.memory_space<vmem>>, vector<1x128xf32>
    %broadcast_in_dim3A_2214 = arith.constant 0.000000e+00 : f32
    %broadcast_in_dim3A_2215 = vector.broadcast %broadcast_in_dim3A_2214 : f32 to vector<1x128xf32>
    %eq3A_2216 = vector.broadcast %and3A_2150 : i32 to vector<1x128xi32>
    %eq3A_2217 = arith.cmpi eq, %iota3A, %eq3A_2216 : vector<1x128xi32>
    %select_n3A_2218 = arith.select %eq3A_2217, %get3A_2213, %broadcast_in_dim3A_2215 : vector<1x128xi1>, vector<1x128xf32>
    %reduce_sum3A_2219 = vector.shape_cast %select_n3A_2218 : vector<1x128xf32> to vector<1x1x128xf32>
    %reduce_sum3A_2220 = arith.constant dense<0.000000e+00> : vector<1xf32>
    %reduce_sum3A_2221 = vector.multi_reduction <add>, %reduce_sum3A_2219, %reduce_sum3A_2220 [1, 2] : vector<1x1x128xf32> to vector<1xf32>
    %reduce_sum3A_2222 = vector.shape_cast %reduce_sum3A_2221 : vector<1xf32> to vector<1x1x1xf32>
    %reduce_sum3A_2223 = vector.extract %reduce_sum3A_2222[0, 0, 0] : f32 from vector<1x1x1xf32>
    %jit3A_2224 = arith.constant 0.000000e+00 : f32
    %broadcast_in_dim3A_2225 = vector.broadcast %reduce_sum3A_2223 : f32 to vector<1x128xf32>
    %broadcast_in_dim3A_2226 = vector.broadcast %jit3A_2224 : f32 to vector<1x128xf32>
    %select_n3A_2227 = arith.select %eq3A_2210, %broadcast_in_dim3A_2225, %broadcast_in_dim3A_2226 : vector<1x128xi1>, vector<1x128xf32>
    %add3A_2228 = arith.addf %add3A_2207, %select_n3A_2227 : vector<1x128xf32>
    %eq3A_2229 = arith.constant 4 : i32
    %eq3A_2230 = vector.broadcast %eq3A_2229 : i32 to vector<1x128xi32>
    %eq3A_2231 = arith.cmpi eq, %iota3A, %eq3A_2230 : vector<1x128xi32>
    %get3A_2232 = arith.index_cast %shift_right_logical3A_2148 : i32 to index
    %get3A_2233 = arith.constant 0 : index
    %get3A_2234 = vector.load %arg10[%get3A_2232, %get3A_2233] : memref<40x128xf32, #tpu.memory_space<vmem>>, vector<1x128xf32>
    %broadcast_in_dim3A_2235 = arith.constant 0.000000e+00 : f32
    %broadcast_in_dim3A_2236 = vector.broadcast %broadcast_in_dim3A_2235 : f32 to vector<1x128xf32>
    %eq3A_2237 = vector.broadcast %and3A_2150 : i32 to vector<1x128xi32>
    %eq3A_2238 = arith.cmpi eq, %iota3A, %eq3A_2237 : vector<1x128xi32>
    %select_n3A_2239 = arith.select %eq3A_2238, %get3A_2234, %broadcast_in_dim3A_2236 : vector<1x128xi1>, vector<1x128xf32>
    %reduce_sum3A_2240 = vector.shape_cast %select_n3A_2239 : vector<1x128xf32> to vector<1x1x128xf32>
    %reduce_sum3A_2241 = arith.constant dense<0.000000e+00> : vector<1xf32>
    %reduce_sum3A_2242 = vector.multi_reduction <add>, %reduce_sum3A_2240, %reduce_sum3A_2241 [1, 2] : vector<1x1x128xf32> to vector<1xf32>
    %reduce_sum3A_2243 = vector.shape_cast %reduce_sum3A_2242 : vector<1xf32> to vector<1x1x1xf32>
    %reduce_sum3A_2244 = vector.extract %reduce_sum3A_2243[0, 0, 0] : f32 from vector<1x1x1xf32>
    %jit3A_2245 = arith.constant 0.000000e+00 : f32
    %broadcast_in_dim3A_2246 = vector.broadcast %reduce_sum3A_2244 : f32 to vector<1x128xf32>
    %broadcast_in_dim3A_2247 = vector.broadcast %jit3A_2245 : f32 to vector<1x128xf32>
    %select_n3A_2248 = arith.select %eq3A_2231, %broadcast_in_dim3A_2246, %broadcast_in_dim3A_2247 : vector<1x128xi1>, vector<1x128xf32>
    %add3A_2249 = arith.addf %add3A_2228, %select_n3A_2248 : vector<1x128xf32>
    %eq3A_2250 = arith.constant 5 : i32
    %eq3A_2251 = vector.broadcast %eq3A_2250 : i32 to vector<1x128xi32>
    %eq3A_2252 = arith.cmpi eq, %iota3A, %eq3A_2251 : vector<1x128xi32>
    %get3A_2253 = arith.index_cast %shift_right_logical3A_2148 : i32 to index
    %get3A_2254 = arith.constant 0 : index
    %get3A_2255 = vector.load %arg11[%get3A_2253, %get3A_2254] : memref<40x128xf32, #tpu.memory_space<vmem>>, vector<1x128xf32>
    %broadcast_in_dim3A_2256 = arith.constant 0.000000e+00 : f32
    %broadcast_in_dim3A_2257 = vector.broadcast %broadcast_in_dim3A_2256 : f32 to vector<1x128xf32>
    %eq3A_2258 = vector.broadcast %and3A_2150 : i32 to vector<1x128xi32>
    %eq3A_2259 = arith.cmpi eq, %iota3A, %eq3A_2258 : vector<1x128xi32>
    %select_n3A_2260 = arith.select %eq3A_2259, %get3A_2255, %broadcast_in_dim3A_2257 : vector<1x128xi1>, vector<1x128xf32>
    %reduce_sum3A_2261 = vector.shape_cast %select_n3A_2260 : vector<1x128xf32> to vector<1x1x128xf32>
    %reduce_sum3A_2262 = arith.constant dense<0.000000e+00> : vector<1xf32>
    %reduce_sum3A_2263 = vector.multi_reduction <add>, %reduce_sum3A_2261, %reduce_sum3A_2262 [1, 2] : vector<1x1x128xf32> to vector<1xf32>
    %reduce_sum3A_2264 = vector.shape_cast %reduce_sum3A_2263 : vector<1xf32> to vector<1x1x1xf32>
    %reduce_sum3A_2265 = vector.extract %reduce_sum3A_2264[0, 0, 0] : f32 from vector<1x1x1xf32>
    %jit3A_2266 = arith.constant 0.000000e+00 : f32
    %broadcast_in_dim3A_2267 = vector.broadcast %reduce_sum3A_2265 : f32 to vector<1x128xf32>
    %broadcast_in_dim3A_2268 = vector.broadcast %jit3A_2266 : f32 to vector<1x128xf32>
    %select_n3A_2269 = arith.select %eq3A_2252, %broadcast_in_dim3A_2267, %broadcast_in_dim3A_2268 : vector<1x128xi1>, vector<1x128xf32>
    %add3A_2270 = arith.addf %add3A_2249, %select_n3A_2269 : vector<1x128xf32>
    %swap3A_2271 = arith.constant 15 : index
    %swap3A_2272 = arith.constant 0 : index
    %swap3A_2273 = vector.load %arg13[%swap3A_2271, %swap3A_2272] : memref<30x128xf32, #tpu.memory_space<vmem>>, vector<1x128xf32>
    tpu.vector_store %arg13[%swap3A_2271, %swap3A_2272], %add3A_2270 {strides = array<i32>} : memref<30x128xf32, #tpu.memory_space<vmem>>, vector<1x128xf32>,
    %get3A_2274 = arith.constant 0 : index
    %get3A_2275 = arith.constant 0 : index
    %get3A_2276 = vector.load %arg16[%get3A_2274, %get3A_2275] : memref<8x128xi32, #tpu.memory_space<vmem>>, vector<1x128xi32>
    %broadcast_in_dim3A_2277 = arith.constant 0 : i32
    %broadcast_in_dim3A_2278 = vector.broadcast %broadcast_in_dim3A_2277 : i32 to vector<1x128xi32>
    %eq3A_2279 = arith.constant 1 : i32
    %eq3A_2280 = vector.broadcast %eq3A_2279 : i32 to vector<1x128xi32>
    %eq3A_2281 = arith.cmpi eq, %iota3A, %eq3A_2280 : vector<1x128xi32>
    %select_n3A_2282 = arith.select %eq3A_2281, %get3A_2276, %broadcast_in_dim3A_2278 : vector<1x128xi1>, vector<1x128xi32>
    %reduce_sum3A_2283 = vector.shape_cast %select_n3A_2282 : vector<1x128xi32> to vector<1x1x128xi32>
    %reduce_sum3A_2284 = arith.constant dense<0> : vector<1xi32>
    %reduce_sum3A_2285 = vector.multi_reduction <add>, %reduce_sum3A_2283, %reduce_sum3A_2284 [1, 2] : vector<1x1x128xi32> to vector<1xi32>
    %reduce_sum3A_2286 = vector.shape_cast %reduce_sum3A_2285 : vector<1xi32> to vector<1x1x1xi32>
    %reduce_sum3A_2287 = vector.extract %reduce_sum3A_2286[0, 0, 0] : i32 from vector<1x1x1xi32>
    %shift_right_logical3A_2288 = arith.constant 7 : i32
    %shift_right_logical3A_2289 = arith.shrui %reduce_sum3A_2287, %shift_right_logical3A_2288 : i32
    %and3A_2290 = arith.constant 127 : i32
    %and3A_2291 = arith.andi %reduce_sum3A_2287, %and3A_2290 : i32
    %get3A_2292 = arith.index_cast %shift_right_logical3A_2289 : i32 to index
    %get3A_2293 = arith.constant 0 : index
    %get3A_2294 = vector.load %arg12[%get3A_2292, %get3A_2293] : memref<40x128xf32, #tpu.memory_space<vmem>>, vector<1x128xf32>
    %broadcast_in_dim3A_2295 = arith.constant 0.000000e+00 : f32
    %broadcast_in_dim3A_2296 = vector.broadcast %broadcast_in_dim3A_2295 : f32 to vector<1x128xf32>
    %eq3A_2297 = vector.broadcast %and3A_2291 : i32 to vector<1x128xi32>
    %eq3A_2298 = arith.cmpi eq, %iota3A, %eq3A_2297 : vector<1x128xi32>
    %select_n3A_2299 = arith.select %eq3A_2298, %get3A_2294, %broadcast_in_dim3A_2296 : vector<1x128xi1>, vector<1x128xf32>
    %reduce_sum3A_2300 = vector.shape_cast %select_n3A_2299 : vector<1x128xf32> to vector<1x1x128xf32>
    %reduce_sum3A_2301 = arith.constant dense<0.000000e+00> : vector<1xf32>
    %reduce_sum3A_2302 = vector.multi_reduction <add>, %reduce_sum3A_2300, %reduce_sum3A_2301 [1, 2] : vector<1x1x128xf32> to vector<1xf32>
    %reduce_sum3A_2303 = vector.shape_cast %reduce_sum3A_2302 : vector<1xf32> to vector<1x1x1xf32>
    %reduce_sum3A_2304 = vector.extract %reduce_sum3A_2303[0, 0, 0] : f32 from vector<1x1x1xf32>
    %neg3A_2305 = arith.constant 0.000000e+00 : f32
    %neg3A_2306 = arith.subf %neg3A_2305, %reduce_sum3A_2304 : f32
    %exp3A_2307 = math.exp %neg3A_2306 : f32
    %add3A_2308 = arith.constant 1.000000e+00 : f32
    %add3A_2309 = arith.addf %add3A_2308, %exp3A_2307 : f32
    %div3A_2310 = arith.constant 1.000000e+00 : f32
    %div3A_2311 = arith.divf %div3A_2310, %add3A_2309 : f32
    %eq3A_2312 = arith.constant 0 : i32
    %eq3A_2313 = vector.broadcast %eq3A_2312 : i32 to vector<1x128xi32>
    %eq3A_2314 = arith.cmpi eq, %iota3A, %eq3A_2313 : vector<1x128xi32>
    %convert_element_type3A_2315 = arith.sitofp %reduce_sum3A_2287 : i32 to f32
    %jit3A_2316 = arith.constant 0.000000e+00 : f32
    %broadcast_in_dim3A_2317 = vector.broadcast %convert_element_type3A_2315 : f32 to vector<1x128xf32>
    %broadcast_in_dim3A_2318 = vector.broadcast %jit3A_2316 : f32 to vector<1x128xf32>
    %select_n3A_2319 = arith.select %eq3A_2314, %broadcast_in_dim3A_2317, %broadcast_in_dim3A_2318 : vector<1x128xi1>, vector<1x128xf32>
    %eq3A_2320 = arith.constant 1 : i32
    %eq3A_2321 = vector.broadcast %eq3A_2320 : i32 to vector<1x128xi32>
    %eq3A_2322 = arith.cmpi eq, %iota3A, %eq3A_2321 : vector<1x128xi32>
    %jit3A_2323 = arith.constant 0.000000e+00 : f32
    %broadcast_in_dim3A_2324 = vector.broadcast %div3A_2311 : f32 to vector<1x128xf32>
    %broadcast_in_dim3A_2325 = vector.broadcast %jit3A_2323 : f32 to vector<1x128xf32>
    %select_n3A_2326 = arith.select %eq3A_2322, %broadcast_in_dim3A_2324, %broadcast_in_dim3A_2325 : vector<1x128xi1>, vector<1x128xf32>
    %add3A_2327 = arith.addf %select_n3A_2319, %select_n3A_2326 : vector<1x128xf32>
    %eq3A_2328 = arith.constant 2 : i32
    %eq3A_2329 = vector.broadcast %eq3A_2328 : i32 to vector<1x128xi32>
    %eq3A_2330 = arith.cmpi eq, %iota3A, %eq3A_2329 : vector<1x128xi32>
    %get3A_2331 = arith.index_cast %shift_right_logical3A_2289 : i32 to index
    %get3A_2332 = arith.constant 0 : index
    %get3A_2333 = vector.load %arg8[%get3A_2331, %get3A_2332] : memref<40x128xf32, #tpu.memory_space<vmem>>, vector<1x128xf32>
    %broadcast_in_dim3A_2334 = arith.constant 0.000000e+00 : f32
    %broadcast_in_dim3A_2335 = vector.broadcast %broadcast_in_dim3A_2334 : f32 to vector<1x128xf32>
    %eq3A_2336 = vector.broadcast %and3A_2291 : i32 to vector<1x128xi32>
    %eq3A_2337 = arith.cmpi eq, %iota3A, %eq3A_2336 : vector<1x128xi32>
    %select_n3A_2338 = arith.select %eq3A_2337, %get3A_2333, %broadcast_in_dim3A_2335 : vector<1x128xi1>, vector<1x128xf32>
    %reduce_sum3A_2339 = vector.shape_cast %select_n3A_2338 : vector<1x128xf32> to vector<1x1x128xf32>
    %reduce_sum3A_2340 = arith.constant dense<0.000000e+00> : vector<1xf32>
    %reduce_sum3A_2341 = vector.multi_reduction <add>, %reduce_sum3A_2339, %reduce_sum3A_2340 [1, 2] : vector<1x1x128xf32> to vector<1xf32>
    %reduce_sum3A_2342 = vector.shape_cast %reduce_sum3A_2341 : vector<1xf32> to vector<1x1x1xf32>
    %reduce_sum3A_2343 = vector.extract %reduce_sum3A_2342[0, 0, 0] : f32 from vector<1x1x1xf32>
    %jit3A_2344 = arith.constant 0.000000e+00 : f32
    %broadcast_in_dim3A_2345 = vector.broadcast %reduce_sum3A_2343 : f32 to vector<1x128xf32>
    %broadcast_in_dim3A_2346 = vector.broadcast %jit3A_2344 : f32 to vector<1x128xf32>
    %select_n3A_2347 = arith.select %eq3A_2330, %broadcast_in_dim3A_2345, %broadcast_in_dim3A_2346 : vector<1x128xi1>, vector<1x128xf32>
    %add3A_2348 = arith.addf %add3A_2327, %select_n3A_2347 : vector<1x128xf32>
    %eq3A_2349 = arith.constant 3 : i32
    %eq3A_2350 = vector.broadcast %eq3A_2349 : i32 to vector<1x128xi32>
    %eq3A_2351 = arith.cmpi eq, %iota3A, %eq3A_2350 : vector<1x128xi32>
    %get3A_2352 = arith.index_cast %shift_right_logical3A_2289 : i32 to index
    %get3A_2353 = arith.constant 0 : index
    %get3A_2354 = vector.load %arg9[%get3A_2352, %get3A_2353] : memref<40x128xf32, #tpu.memory_space<vmem>>, vector<1x128xf32>
    %broadcast_in_dim3A_2355 = arith.constant 0.000000e+00 : f32
    %broadcast_in_dim3A_2356 = vector.broadcast %broadcast_in_dim3A_2355 : f32 to vector<1x128xf32>
    %eq3A_2357 = vector.broadcast %and3A_2291 : i32 to vector<1x128xi32>
    %eq3A_2358 = arith.cmpi eq, %iota3A, %eq3A_2357 : vector<1x128xi32>
    %select_n3A_2359 = arith.select %eq3A_2358, %get3A_2354, %broadcast_in_dim3A_2356 : vector<1x128xi1>, vector<1x128xf32>
    %reduce_sum3A_2360 = vector.shape_cast %select_n3A_2359 : vector<1x128xf32> to vector<1x1x128xf32>
    %reduce_sum3A_2361 = arith.constant dense<0.000000e+00> : vector<1xf32>
    %reduce_sum3A_2362 = vector.multi_reduction <add>, %reduce_sum3A_2360, %reduce_sum3A_2361 [1, 2] : vector<1x1x128xf32> to vector<1xf32>
    %reduce_sum3A_2363 = vector.shape_cast %reduce_sum3A_2362 : vector<1xf32> to vector<1x1x1xf32>
    %reduce_sum3A_2364 = vector.extract %reduce_sum3A_2363[0, 0, 0] : f32 from vector<1x1x1xf32>
    %jit3A_2365 = arith.constant 0.000000e+00 : f32
    %broadcast_in_dim3A_2366 = vector.broadcast %reduce_sum3A_2364 : f32 to vector<1x128xf32>
    %broadcast_in_dim3A_2367 = vector.broadcast %jit3A_2365 : f32 to vector<1x128xf32>
    %select_n3A_2368 = arith.select %eq3A_2351, %broadcast_in_dim3A_2366, %broadcast_in_dim3A_2367 : vector<1x128xi1>, vector<1x128xf32>
    %add3A_2369 = arith.addf %add3A_2348, %select_n3A_2368 : vector<1x128xf32>
    %eq3A_2370 = arith.constant 4 : i32
    %eq3A_2371 = vector.broadcast %eq3A_2370 : i32 to vector<1x128xi32>
    %eq3A_2372 = arith.cmpi eq, %iota3A, %eq3A_2371 : vector<1x128xi32>
    %get3A_2373 = arith.index_cast %shift_right_logical3A_2289 : i32 to index
    %get3A_2374 = arith.constant 0 : index
    %get3A_2375 = vector.load %arg10[%get3A_2373, %get3A_2374] : memref<40x128xf32, #tpu.memory_space<vmem>>, vector<1x128xf32>
    %broadcast_in_dim3A_2376 = arith.constant 0.000000e+00 : f32
    %broadcast_in_dim3A_2377 = vector.broadcast %broadcast_in_dim3A_2376 : f32 to vector<1x128xf32>
    %eq3A_2378 = vector.broadcast %and3A_2291 : i32 to vector<1x128xi32>
    %eq3A_2379 = arith.cmpi eq, %iota3A, %eq3A_2378 : vector<1x128xi32>
    %select_n3A_2380 = arith.select %eq3A_2379, %get3A_2375, %broadcast_in_dim3A_2377 : vector<1x128xi1>, vector<1x128xf32>
    %reduce_sum3A_2381 = vector.shape_cast %select_n3A_2380 : vector<1x128xf32> to vector<1x1x128xf32>
    %reduce_sum3A_2382 = arith.constant dense<0.000000e+00> : vector<1xf32>
    %reduce_sum3A_2383 = vector.multi_reduction <add>, %reduce_sum3A_2381, %reduce_sum3A_2382 [1, 2] : vector<1x1x128xf32> to vector<1xf32>
    %reduce_sum3A_2384 = vector.shape_cast %reduce_sum3A_2383 : vector<1xf32> to vector<1x1x1xf32>
    %reduce_sum3A_2385 = vector.extract %reduce_sum3A_2384[0, 0, 0] : f32 from vector<1x1x1xf32>
    %jit3A_2386 = arith.constant 0.000000e+00 : f32
    %broadcast_in_dim3A_2387 = vector.broadcast %reduce_sum3A_2385 : f32 to vector<1x128xf32>
    %broadcast_in_dim3A_2388 = vector.broadcast %jit3A_2386 : f32 to vector<1x128xf32>
    %select_n3A_2389 = arith.select %eq3A_2372, %broadcast_in_dim3A_2387, %broadcast_in_dim3A_2388 : vector<1x128xi1>, vector<1x128xf32>
    %add3A_2390 = arith.addf %add3A_2369, %select_n3A_2389 : vector<1x128xf32>
    %eq3A_2391 = arith.constant 5 : i32
    %eq3A_2392 = vector.broadcast %eq3A_2391 : i32 to vector<1x128xi32>
    %eq3A_2393 = arith.cmpi eq, %iota3A, %eq3A_2392 : vector<1x128xi32>
    %get3A_2394 = arith.index_cast %shift_right_logical3A_2289 : i32 to index
    %get3A_2395 = arith.constant 0 : index
    %get3A_2396 = vector.load %arg11[%get3A_2394, %get3A_2395] : memref<40x128xf32, #tpu.memory_space<vmem>>, vector<1x128xf32>
    %broadcast_in_dim3A_2397 = arith.constant 0.000000e+00 : f32
    %broadcast_in_dim3A_2398 = vector.broadcast %broadcast_in_dim3A_2397 : f32 to vector<1x128xf32>
    %eq3A_2399 = vector.broadcast %and3A_2291 : i32 to vector<1x128xi32>
    %eq3A_2400 = arith.cmpi eq, %iota3A, %eq3A_2399 : vector<1x128xi32>
    %select_n3A_2401 = arith.select %eq3A_2400, %get3A_2396, %broadcast_in_dim3A_2398 : vector<1x128xi1>, vector<1x128xf32>
    %reduce_sum3A_2402 = vector.shape_cast %select_n3A_2401 : vector<1x128xf32> to vector<1x1x128xf32>
    %reduce_sum3A_2403 = arith.constant dense<0.000000e+00> : vector<1xf32>
    %reduce_sum3A_2404 = vector.multi_reduction <add>, %reduce_sum3A_2402, %reduce_sum3A_2403 [1, 2] : vector<1x1x128xf32> to vector<1xf32>
    %reduce_sum3A_2405 = vector.shape_cast %reduce_sum3A_2404 : vector<1xf32> to vector<1x1x1xf32>
    %reduce_sum3A_2406 = vector.extract %reduce_sum3A_2405[0, 0, 0] : f32 from vector<1x1x1xf32>
    %jit3A_2407 = arith.constant 0.000000e+00 : f32
    %broadcast_in_dim3A_2408 = vector.broadcast %reduce_sum3A_2406 : f32 to vector<1x128xf32>
    %broadcast_in_dim3A_2409 = vector.broadcast %jit3A_2407 : f32 to vector<1x128xf32>
    %select_n3A_2410 = arith.select %eq3A_2393, %broadcast_in_dim3A_2408, %broadcast_in_dim3A_2409 : vector<1x128xi1>, vector<1x128xf32>
    %add3A_2411 = arith.addf %add3A_2390, %select_n3A_2410 : vector<1x128xf32>
    %swap3A_2412 = arith.constant 16 : index
    %swap3A_2413 = arith.constant 0 : index
    %swap3A_2414 = vector.load %arg13[%swap3A_2412, %swap3A_2413] : memref<30x128xf32, #tpu.memory_space<vmem>>, vector<1x128xf32>
    tpu.vector_store %arg13[%swap3A_2412, %swap3A_2413], %add3A_2411 {strides = array<i32>} : memref<30x128xf32, #tpu.memory_space<vmem>>, vector<1x128xf32>,
    %get3A_2415 = arith.constant 0 : index
    %get3A_2416 = arith.constant 0 : index
    %get3A_2417 = vector.load %arg16[%get3A_2415, %get3A_2416] : memref<8x128xi32, #tpu.memory_space<vmem>>, vector<1x128xi32>
    %broadcast_in_dim3A_2418 = arith.constant 0 : i32
    %broadcast_in_dim3A_2419 = vector.broadcast %broadcast_in_dim3A_2418 : i32 to vector<1x128xi32>
    %eq3A_2420 = arith.constant 2 : i32
    %eq3A_2421 = vector.broadcast %eq3A_2420 : i32 to vector<1x128xi32>
    %eq3A_2422 = arith.cmpi eq, %iota3A, %eq3A_2421 : vector<1x128xi32>
    %select_n3A_2423 = arith.select %eq3A_2422, %get3A_2417, %broadcast_in_dim3A_2419 : vector<1x128xi1>, vector<1x128xi32>
    %reduce_sum3A_2424 = vector.shape_cast %select_n3A_2423 : vector<1x128xi32> to vector<1x1x128xi32>
    %reduce_sum3A_2425 = arith.constant dense<0> : vector<1xi32>
    %reduce_sum3A_2426 = vector.multi_reduction <add>, %reduce_sum3A_2424, %reduce_sum3A_2425 [1, 2] : vector<1x1x128xi32> to vector<1xi32>
    %reduce_sum3A_2427 = vector.shape_cast %reduce_sum3A_2426 : vector<1xi32> to vector<1x1x1xi32>
    %reduce_sum3A_2428 = vector.extract %reduce_sum3A_2427[0, 0, 0] : i32 from vector<1x1x1xi32>
    %shift_right_logical3A_2429 = arith.constant 7 : i32
    %shift_right_logical3A_2430 = arith.shrui %reduce_sum3A_2428, %shift_right_logical3A_2429 : i32
    %and3A_2431 = arith.constant 127 : i32
    %and3A_2432 = arith.andi %reduce_sum3A_2428, %and3A_2431 : i32
    %get3A_2433 = arith.index_cast %shift_right_logical3A_2430 : i32 to index
    %get3A_2434 = arith.constant 0 : index
    %get3A_2435 = vector.load %arg12[%get3A_2433, %get3A_2434] : memref<40x128xf32, #tpu.memory_space<vmem>>, vector<1x128xf32>
    %broadcast_in_dim3A_2436 = arith.constant 0.000000e+00 : f32
    %broadcast_in_dim3A_2437 = vector.broadcast %broadcast_in_dim3A_2436 : f32 to vector<1x128xf32>
    %eq3A_2438 = vector.broadcast %and3A_2432 : i32 to vector<1x128xi32>
    %eq3A_2439 = arith.cmpi eq, %iota3A, %eq3A_2438 : vector<1x128xi32>
    %select_n3A_2440 = arith.select %eq3A_2439, %get3A_2435, %broadcast_in_dim3A_2437 : vector<1x128xi1>, vector<1x128xf32>
    %reduce_sum3A_2441 = vector.shape_cast %select_n3A_2440 : vector<1x128xf32> to vector<1x1x128xf32>
    %reduce_sum3A_2442 = arith.constant dense<0.000000e+00> : vector<1xf32>
    %reduce_sum3A_2443 = vector.multi_reduction <add>, %reduce_sum3A_2441, %reduce_sum3A_2442 [1, 2] : vector<1x1x128xf32> to vector<1xf32>
    %reduce_sum3A_2444 = vector.shape_cast %reduce_sum3A_2443 : vector<1xf32> to vector<1x1x1xf32>
    %reduce_sum3A_2445 = vector.extract %reduce_sum3A_2444[0, 0, 0] : f32 from vector<1x1x1xf32>
    %neg3A_2446 = arith.constant 0.000000e+00 : f32
    %neg3A_2447 = arith.subf %neg3A_2446, %reduce_sum3A_2445 : f32
    %exp3A_2448 = math.exp %neg3A_2447 : f32
    %add3A_2449 = arith.constant 1.000000e+00 : f32
    %add3A_2450 = arith.addf %add3A_2449, %exp3A_2448 : f32
    %div3A_2451 = arith.constant 1.000000e+00 : f32
    %div3A_2452 = arith.divf %div3A_2451, %add3A_2450 : f32
    %eq3A_2453 = arith.constant 0 : i32
    %eq3A_2454 = vector.broadcast %eq3A_2453 : i32 to vector<1x128xi32>
    %eq3A_2455 = arith.cmpi eq, %iota3A, %eq3A_2454 : vector<1x128xi32>
    %convert_element_type3A_2456 = arith.sitofp %reduce_sum3A_2428 : i32 to f32
    %jit3A_2457 = arith.constant 0.000000e+00 : f32
    %broadcast_in_dim3A_2458 = vector.broadcast %convert_element_type3A_2456 : f32 to vector<1x128xf32>
    %broadcast_in_dim3A_2459 = vector.broadcast %jit3A_2457 : f32 to vector<1x128xf32>
    %select_n3A_2460 = arith.select %eq3A_2455, %broadcast_in_dim3A_2458, %broadcast_in_dim3A_2459 : vector<1x128xi1>, vector<1x128xf32>
    %eq3A_2461 = arith.constant 1 : i32
    %eq3A_2462 = vector.broadcast %eq3A_2461 : i32 to vector<1x128xi32>
    %eq3A_2463 = arith.cmpi eq, %iota3A, %eq3A_2462 : vector<1x128xi32>
    %jit3A_2464 = arith.constant 0.000000e+00 : f32
    %broadcast_in_dim3A_2465 = vector.broadcast %div3A_2452 : f32 to vector<1x128xf32>
    %broadcast_in_dim3A_2466 = vector.broadcast %jit3A_2464 : f32 to vector<1x128xf32>
    %select_n3A_2467 = arith.select %eq3A_2463, %broadcast_in_dim3A_2465, %broadcast_in_dim3A_2466 : vector<1x128xi1>, vector<1x128xf32>
    %add3A_2468 = arith.addf %select_n3A_2460, %select_n3A_2467 : vector<1x128xf32>
    %eq3A_2469 = arith.constant 2 : i32
    %eq3A_2470 = vector.broadcast %eq3A_2469 : i32 to vector<1x128xi32>
    %eq3A_2471 = arith.cmpi eq, %iota3A, %eq3A_2470 : vector<1x128xi32>
    %get3A_2472 = arith.index_cast %shift_right_logical3A_2430 : i32 to index
    %get3A_2473 = arith.constant 0 : index
    %get3A_2474 = vector.load %arg8[%get3A_2472, %get3A_2473] : memref<40x128xf32, #tpu.memory_space<vmem>>, vector<1x128xf32>
    %broadcast_in_dim3A_2475 = arith.constant 0.000000e+00 : f32
    %broadcast_in_dim3A_2476 = vector.broadcast %broadcast_in_dim3A_2475 : f32 to vector<1x128xf32>
    %eq3A_2477 = vector.broadcast %and3A_2432 : i32 to vector<1x128xi32>
    %eq3A_2478 = arith.cmpi eq, %iota3A, %eq3A_2477 : vector<1x128xi32>
    %select_n3A_2479 = arith.select %eq3A_2478, %get3A_2474, %broadcast_in_dim3A_2476 : vector<1x128xi1>, vector<1x128xf32>
    %reduce_sum3A_2480 = vector.shape_cast %select_n3A_2479 : vector<1x128xf32> to vector<1x1x128xf32>
    %reduce_sum3A_2481 = arith.constant dense<0.000000e+00> : vector<1xf32>
    %reduce_sum3A_2482 = vector.multi_reduction <add>, %reduce_sum3A_2480, %reduce_sum3A_2481 [1, 2] : vector<1x1x128xf32> to vector<1xf32>
    %reduce_sum3A_2483 = vector.shape_cast %reduce_sum3A_2482 : vector<1xf32> to vector<1x1x1xf32>
    %reduce_sum3A_2484 = vector.extract %reduce_sum3A_2483[0, 0, 0] : f32 from vector<1x1x1xf32>
    %jit3A_2485 = arith.constant 0.000000e+00 : f32
    %broadcast_in_dim3A_2486 = vector.broadcast %reduce_sum3A_2484 : f32 to vector<1x128xf32>
    %broadcast_in_dim3A_2487 = vector.broadcast %jit3A_2485 : f32 to vector<1x128xf32>
    %select_n3A_2488 = arith.select %eq3A_2471, %broadcast_in_dim3A_2486, %broadcast_in_dim3A_2487 : vector<1x128xi1>, vector<1x128xf32>
    %add3A_2489 = arith.addf %add3A_2468, %select_n3A_2488 : vector<1x128xf32>
    %eq3A_2490 = arith.constant 3 : i32
    %eq3A_2491 = vector.broadcast %eq3A_2490 : i32 to vector<1x128xi32>
    %eq3A_2492 = arith.cmpi eq, %iota3A, %eq3A_2491 : vector<1x128xi32>
    %get3A_2493 = arith.index_cast %shift_right_logical3A_2430 : i32 to index
    %get3A_2494 = arith.constant 0 : index
    %get3A_2495 = vector.load %arg9[%get3A_2493, %get3A_2494] : memref<40x128xf32, #tpu.memory_space<vmem>>, vector<1x128xf32>
    %broadcast_in_dim3A_2496 = arith.constant 0.000000e+00 : f32
    %broadcast_in_dim3A_2497 = vector.broadcast %broadcast_in_dim3A_2496 : f32 to vector<1x128xf32>
    %eq3A_2498 = vector.broadcast %and3A_2432 : i32 to vector<1x128xi32>
    %eq3A_2499 = arith.cmpi eq, %iota3A, %eq3A_2498 : vector<1x128xi32>
    %select_n3A_2500 = arith.select %eq3A_2499, %get3A_2495, %broadcast_in_dim3A_2497 : vector<1x128xi1>, vector<1x128xf32>
    %reduce_sum3A_2501 = vector.shape_cast %select_n3A_2500 : vector<1x128xf32> to vector<1x1x128xf32>
    %reduce_sum3A_2502 = arith.constant dense<0.000000e+00> : vector<1xf32>
    %reduce_sum3A_2503 = vector.multi_reduction <add>, %reduce_sum3A_2501, %reduce_sum3A_2502 [1, 2] : vector<1x1x128xf32> to vector<1xf32>
    %reduce_sum3A_2504 = vector.shape_cast %reduce_sum3A_2503 : vector<1xf32> to vector<1x1x1xf32>
    %reduce_sum3A_2505 = vector.extract %reduce_sum3A_2504[0, 0, 0] : f32 from vector<1x1x1xf32>
    %jit3A_2506 = arith.constant 0.000000e+00 : f32
    %broadcast_in_dim3A_2507 = vector.broadcast %reduce_sum3A_2505 : f32 to vector<1x128xf32>
    %broadcast_in_dim3A_2508 = vector.broadcast %jit3A_2506 : f32 to vector<1x128xf32>
    %select_n3A_2509 = arith.select %eq3A_2492, %broadcast_in_dim3A_2507, %broadcast_in_dim3A_2508 : vector<1x128xi1>, vector<1x128xf32>
    %add3A_2510 = arith.addf %add3A_2489, %select_n3A_2509 : vector<1x128xf32>
    %eq3A_2511 = arith.constant 4 : i32
    %eq3A_2512 = vector.broadcast %eq3A_2511 : i32 to vector<1x128xi32>
    %eq3A_2513 = arith.cmpi eq, %iota3A, %eq3A_2512 : vector<1x128xi32>
    %get3A_2514 = arith.index_cast %shift_right_logical3A_2430 : i32 to index
    %get3A_2515 = arith.constant 0 : index
    %get3A_2516 = vector.load %arg10[%get3A_2514, %get3A_2515] : memref<40x128xf32, #tpu.memory_space<vmem>>, vector<1x128xf32>
    %broadcast_in_dim3A_2517 = arith.constant 0.000000e+00 : f32
    %broadcast_in_dim3A_2518 = vector.broadcast %broadcast_in_dim3A_2517 : f32 to vector<1x128xf32>
    %eq3A_2519 = vector.broadcast %and3A_2432 : i32 to vector<1x128xi32>
    %eq3A_2520 = arith.cmpi eq, %iota3A, %eq3A_2519 : vector<1x128xi32>
    %select_n3A_2521 = arith.select %eq3A_2520, %get3A_2516, %broadcast_in_dim3A_2518 : vector<1x128xi1>, vector<1x128xf32>
    %reduce_sum3A_2522 = vector.shape_cast %select_n3A_2521 : vector<1x128xf32> to vector<1x1x128xf32>
    %reduce_sum3A_2523 = arith.constant dense<0.000000e+00> : vector<1xf32>
    %reduce_sum3A_2524 = vector.multi_reduction <add>, %reduce_sum3A_2522, %reduce_sum3A_2523 [1, 2] : vector<1x1x128xf32> to vector<1xf32>
    %reduce_sum3A_2525 = vector.shape_cast %reduce_sum3A_2524 : vector<1xf32> to vector<1x1x1xf32>
    %reduce_sum3A_2526 = vector.extract %reduce_sum3A_2525[0, 0, 0] : f32 from vector<1x1x1xf32>
    %jit3A_2527 = arith.constant 0.000000e+00 : f32
    %broadcast_in_dim3A_2528 = vector.broadcast %reduce_sum3A_2526 : f32 to vector<1x128xf32>
    %broadcast_in_dim3A_2529 = vector.broadcast %jit3A_2527 : f32 to vector<1x128xf32>
    %select_n3A_2530 = arith.select %eq3A_2513, %broadcast_in_dim3A_2528, %broadcast_in_dim3A_2529 : vector<1x128xi1>, vector<1x128xf32>
    %add3A_2531 = arith.addf %add3A_2510, %select_n3A_2530 : vector<1x128xf32>
    %eq3A_2532 = arith.constant 5 : i32
    %eq3A_2533 = vector.broadcast %eq3A_2532 : i32 to vector<1x128xi32>
    %eq3A_2534 = arith.cmpi eq, %iota3A, %eq3A_2533 : vector<1x128xi32>
    %get3A_2535 = arith.index_cast %shift_right_logical3A_2430 : i32 to index
    %get3A_2536 = arith.constant 0 : index
    %get3A_2537 = vector.load %arg11[%get3A_2535, %get3A_2536] : memref<40x128xf32, #tpu.memory_space<vmem>>, vector<1x128xf32>
    %broadcast_in_dim3A_2538 = arith.constant 0.000000e+00 : f32
    %broadcast_in_dim3A_2539 = vector.broadcast %broadcast_in_dim3A_2538 : f32 to vector<1x128xf32>
    %eq3A_2540 = vector.broadcast %and3A_2432 : i32 to vector<1x128xi32>
    %eq3A_2541 = arith.cmpi eq, %iota3A, %eq3A_2540 : vector<1x128xi32>
    %select_n3A_2542 = arith.select %eq3A_2541, %get3A_2537, %broadcast_in_dim3A_2539 : vector<1x128xi1>, vector<1x128xf32>
    %reduce_sum3A_2543 = vector.shape_cast %select_n3A_2542 : vector<1x128xf32> to vector<1x1x128xf32>
    %reduce_sum3A_2544 = arith.constant dense<0.000000e+00> : vector<1xf32>
    %reduce_sum3A_2545 = vector.multi_reduction <add>, %reduce_sum3A_2543, %reduce_sum3A_2544 [1, 2] : vector<1x1x128xf32> to vector<1xf32>
    %reduce_sum3A_2546 = vector.shape_cast %reduce_sum3A_2545 : vector<1xf32> to vector<1x1x1xf32>
    %reduce_sum3A_2547 = vector.extract %reduce_sum3A_2546[0, 0, 0] : f32 from vector<1x1x1xf32>
    %jit3A_2548 = arith.constant 0.000000e+00 : f32
    %broadcast_in_dim3A_2549 = vector.broadcast %reduce_sum3A_2547 : f32 to vector<1x128xf32>
    %broadcast_in_dim3A_2550 = vector.broadcast %jit3A_2548 : f32 to vector<1x128xf32>
    %select_n3A_2551 = arith.select %eq3A_2534, %broadcast_in_dim3A_2549, %broadcast_in_dim3A_2550 : vector<1x128xi1>, vector<1x128xf32>
    %add3A_2552 = arith.addf %add3A_2531, %select_n3A_2551 : vector<1x128xf32>
    %swap3A_2553 = arith.constant 17 : index
    %swap3A_2554 = arith.constant 0 : index
    %swap3A_2555 = vector.load %arg13[%swap3A_2553, %swap3A_2554] : memref<30x128xf32, #tpu.memory_space<vmem>>, vector<1x128xf32>
    tpu.vector_store %arg13[%swap3A_2553, %swap3A_2554], %add3A_2552 {strides = array<i32>} : memref<30x128xf32, #tpu.memory_space<vmem>>, vector<1x128xf32>,
    %get3A_2556 = arith.constant 0 : index
    %get3A_2557 = arith.constant 0 : index
    %get3A_2558 = vector.load %arg16[%get3A_2556, %get3A_2557] : memref<8x128xi32, #tpu.memory_space<vmem>>, vector<1x128xi32>
    %broadcast_in_dim3A_2559 = arith.constant 0 : i32
    %broadcast_in_dim3A_2560 = vector.broadcast %broadcast_in_dim3A_2559 : i32 to vector<1x128xi32>
    %eq3A_2561 = arith.constant 3 : i32
    %eq3A_2562 = vector.broadcast %eq3A_2561 : i32 to vector<1x128xi32>
    %eq3A_2563 = arith.cmpi eq, %iota3A, %eq3A_2562 : vector<1x128xi32>
    %select_n3A_2564 = arith.select %eq3A_2563, %get3A_2558, %broadcast_in_dim3A_2560 : vector<1x128xi1>, vector<1x128xi32>
    %reduce_sum3A_2565 = vector.shape_cast %select_n3A_2564 : vector<1x128xi32> to vector<1x1x128xi32>
    %reduce_sum3A_2566 = arith.constant dense<0> : vector<1xi32>
    %reduce_sum3A_2567 = vector.multi_reduction <add>, %reduce_sum3A_2565, %reduce_sum3A_2566 [1, 2] : vector<1x1x128xi32> to vector<1xi32>
    %reduce_sum3A_2568 = vector.shape_cast %reduce_sum3A_2567 : vector<1xi32> to vector<1x1x1xi32>
    %reduce_sum3A_2569 = vector.extract %reduce_sum3A_2568[0, 0, 0] : i32 from vector<1x1x1xi32>
    %shift_right_logical3A_2570 = arith.constant 7 : i32
    %shift_right_logical3A_2571 = arith.shrui %reduce_sum3A_2569, %shift_right_logical3A_2570 : i32
    %and3A_2572 = arith.constant 127 : i32
    %and3A_2573 = arith.andi %reduce_sum3A_2569, %and3A_2572 : i32
    %get3A_2574 = arith.index_cast %shift_right_logical3A_2571 : i32 to index
    %get3A_2575 = arith.constant 0 : index
    %get3A_2576 = vector.load %arg12[%get3A_2574, %get3A_2575] : memref<40x128xf32, #tpu.memory_space<vmem>>, vector<1x128xf32>
    %broadcast_in_dim3A_2577 = arith.constant 0.000000e+00 : f32
    %broadcast_in_dim3A_2578 = vector.broadcast %broadcast_in_dim3A_2577 : f32 to vector<1x128xf32>
    %eq3A_2579 = vector.broadcast %and3A_2573 : i32 to vector<1x128xi32>
    %eq3A_2580 = arith.cmpi eq, %iota3A, %eq3A_2579 : vector<1x128xi32>
    %select_n3A_2581 = arith.select %eq3A_2580, %get3A_2576, %broadcast_in_dim3A_2578 : vector<1x128xi1>, vector<1x128xf32>
    %reduce_sum3A_2582 = vector.shape_cast %select_n3A_2581 : vector<1x128xf32> to vector<1x1x128xf32>
    %reduce_sum3A_2583 = arith.constant dense<0.000000e+00> : vector<1xf32>
    %reduce_sum3A_2584 = vector.multi_reduction <add>, %reduce_sum3A_2582, %reduce_sum3A_2583 [1, 2] : vector<1x1x128xf32> to vector<1xf32>
    %reduce_sum3A_2585 = vector.shape_cast %reduce_sum3A_2584 : vector<1xf32> to vector<1x1x1xf32>
    %reduce_sum3A_2586 = vector.extract %reduce_sum3A_2585[0, 0, 0] : f32 from vector<1x1x1xf32>
    %neg3A_2587 = arith.constant 0.000000e+00 : f32
    %neg3A_2588 = arith.subf %neg3A_2587, %reduce_sum3A_2586 : f32
    %exp3A_2589 = math.exp %neg3A_2588 : f32
    %add3A_2590 = arith.constant 1.000000e+00 : f32
    %add3A_2591 = arith.addf %add3A_2590, %exp3A_2589 : f32
    %div3A_2592 = arith.constant 1.000000e+00 : f32
    %div3A_2593 = arith.divf %div3A_2592, %add3A_2591 : f32
    %eq3A_2594 = arith.constant 0 : i32
    %eq3A_2595 = vector.broadcast %eq3A_2594 : i32 to vector<1x128xi32>
    %eq3A_2596 = arith.cmpi eq, %iota3A, %eq3A_2595 : vector<1x128xi32>
    %convert_element_type3A_2597 = arith.sitofp %reduce_sum3A_2569 : i32 to f32
    %jit3A_2598 = arith.constant 0.000000e+00 : f32
    %broadcast_in_dim3A_2599 = vector.broadcast %convert_element_type3A_2597 : f32 to vector<1x128xf32>
    %broadcast_in_dim3A_2600 = vector.broadcast %jit3A_2598 : f32 to vector<1x128xf32>
    %select_n3A_2601 = arith.select %eq3A_2596, %broadcast_in_dim3A_2599, %broadcast_in_dim3A_2600 : vector<1x128xi1>, vector<1x128xf32>
    %eq3A_2602 = arith.constant 1 : i32
    %eq3A_2603 = vector.broadcast %eq3A_2602 : i32 to vector<1x128xi32>
    %eq3A_2604 = arith.cmpi eq, %iota3A, %eq3A_2603 : vector<1x128xi32>
    %jit3A_2605 = arith.constant 0.000000e+00 : f32
    %broadcast_in_dim3A_2606 = vector.broadcast %div3A_2593 : f32 to vector<1x128xf32>
    %broadcast_in_dim3A_2607 = vector.broadcast %jit3A_2605 : f32 to vector<1x128xf32>
    %select_n3A_2608 = arith.select %eq3A_2604, %broadcast_in_dim3A_2606, %broadcast_in_dim3A_2607 : vector<1x128xi1>, vector<1x128xf32>
    %add3A_2609 = arith.addf %select_n3A_2601, %select_n3A_2608 : vector<1x128xf32>
    %eq3A_2610 = arith.constant 2 : i32
    %eq3A_2611 = vector.broadcast %eq3A_2610 : i32 to vector<1x128xi32>
    %eq3A_2612 = arith.cmpi eq, %iota3A, %eq3A_2611 : vector<1x128xi32>
    %get3A_2613 = arith.index_cast %shift_right_logical3A_2571 : i32 to index
    %get3A_2614 = arith.constant 0 : index
    %get3A_2615 = vector.load %arg8[%get3A_2613, %get3A_2614] : memref<40x128xf32, #tpu.memory_space<vmem>>, vector<1x128xf32>
    %broadcast_in_dim3A_2616 = arith.constant 0.000000e+00 : f32
    %broadcast_in_dim3A_2617 = vector.broadcast %broadcast_in_dim3A_2616 : f32 to vector<1x128xf32>
    %eq3A_2618 = vector.broadcast %and3A_2573 : i32 to vector<1x128xi32>
    %eq3A_2619 = arith.cmpi eq, %iota3A, %eq3A_2618 : vector<1x128xi32>
    %select_n3A_2620 = arith.select %eq3A_2619, %get3A_2615, %broadcast_in_dim3A_2617 : vector<1x128xi1>, vector<1x128xf32>
    %reduce_sum3A_2621 = vector.shape_cast %select_n3A_2620 : vector<1x128xf32> to vector<1x1x128xf32>
    %reduce_sum3A_2622 = arith.constant dense<0.000000e+00> : vector<1xf32>
    %reduce_sum3A_2623 = vector.multi_reduction <add>, %reduce_sum3A_2621, %reduce_sum3A_2622 [1, 2] : vector<1x1x128xf32> to vector<1xf32>
    %reduce_sum3A_2624 = vector.shape_cast %reduce_sum3A_2623 : vector<1xf32> to vector<1x1x1xf32>
    %reduce_sum3A_2625 = vector.extract %reduce_sum3A_2624[0, 0, 0] : f32 from vector<1x1x1xf32>
    %jit3A_2626 = arith.constant 0.000000e+00 : f32
    %broadcast_in_dim3A_2627 = vector.broadcast %reduce_sum3A_2625 : f32 to vector<1x128xf32>
    %broadcast_in_dim3A_2628 = vector.broadcast %jit3A_2626 : f32 to vector<1x128xf32>
    %select_n3A_2629 = arith.select %eq3A_2612, %broadcast_in_dim3A_2627, %broadcast_in_dim3A_2628 : vector<1x128xi1>, vector<1x128xf32>
    %add3A_2630 = arith.addf %add3A_2609, %select_n3A_2629 : vector<1x128xf32>
    %eq3A_2631 = arith.constant 3 : i32
    %eq3A_2632 = vector.broadcast %eq3A_2631 : i32 to vector<1x128xi32>
    %eq3A_2633 = arith.cmpi eq, %iota3A, %eq3A_2632 : vector<1x128xi32>
    %get3A_2634 = arith.index_cast %shift_right_logical3A_2571 : i32 to index
    %get3A_2635 = arith.constant 0 : index
    %get3A_2636 = vector.load %arg9[%get3A_2634, %get3A_2635] : memref<40x128xf32, #tpu.memory_space<vmem>>, vector<1x128xf32>
    %broadcast_in_dim3A_2637 = arith.constant 0.000000e+00 : f32
    %broadcast_in_dim3A_2638 = vector.broadcast %broadcast_in_dim3A_2637 : f32 to vector<1x128xf32>
    %eq3A_2639 = vector.broadcast %and3A_2573 : i32 to vector<1x128xi32>
    %eq3A_2640 = arith.cmpi eq, %iota3A, %eq3A_2639 : vector<1x128xi32>
    %select_n3A_2641 = arith.select %eq3A_2640, %get3A_2636, %broadcast_in_dim3A_2638 : vector<1x128xi1>, vector<1x128xf32>
    %reduce_sum3A_2642 = vector.shape_cast %select_n3A_2641 : vector<1x128xf32> to vector<1x1x128xf32>
    %reduce_sum3A_2643 = arith.constant dense<0.000000e+00> : vector<1xf32>
    %reduce_sum3A_2644 = vector.multi_reduction <add>, %reduce_sum3A_2642, %reduce_sum3A_2643 [1, 2] : vector<1x1x128xf32> to vector<1xf32>
    %reduce_sum3A_2645 = vector.shape_cast %reduce_sum3A_2644 : vector<1xf32> to vector<1x1x1xf32>
    %reduce_sum3A_2646 = vector.extract %reduce_sum3A_2645[0, 0, 0] : f32 from vector<1x1x1xf32>
    %jit3A_2647 = arith.constant 0.000000e+00 : f32
    %broadcast_in_dim3A_2648 = vector.broadcast %reduce_sum3A_2646 : f32 to vector<1x128xf32>
    %broadcast_in_dim3A_2649 = vector.broadcast %jit3A_2647 : f32 to vector<1x128xf32>
    %select_n3A_2650 = arith.select %eq3A_2633, %broadcast_in_dim3A_2648, %broadcast_in_dim3A_2649 : vector<1x128xi1>, vector<1x128xf32>
    %add3A_2651 = arith.addf %add3A_2630, %select_n3A_2650 : vector<1x128xf32>
    %eq3A_2652 = arith.constant 4 : i32
    %eq3A_2653 = vector.broadcast %eq3A_2652 : i32 to vector<1x128xi32>
    %eq3A_2654 = arith.cmpi eq, %iota3A, %eq3A_2653 : vector<1x128xi32>
    %get3A_2655 = arith.index_cast %shift_right_logical3A_2571 : i32 to index
    %get3A_2656 = arith.constant 0 : index
    %get3A_2657 = vector.load %arg10[%get3A_2655, %get3A_2656] : memref<40x128xf32, #tpu.memory_space<vmem>>, vector<1x128xf32>
    %broadcast_in_dim3A_2658 = arith.constant 0.000000e+00 : f32
    %broadcast_in_dim3A_2659 = vector.broadcast %broadcast_in_dim3A_2658 : f32 to vector<1x128xf32>
    %eq3A_2660 = vector.broadcast %and3A_2573 : i32 to vector<1x128xi32>
    %eq3A_2661 = arith.cmpi eq, %iota3A, %eq3A_2660 : vector<1x128xi32>
    %select_n3A_2662 = arith.select %eq3A_2661, %get3A_2657, %broadcast_in_dim3A_2659 : vector<1x128xi1>, vector<1x128xf32>
    %reduce_sum3A_2663 = vector.shape_cast %select_n3A_2662 : vector<1x128xf32> to vector<1x1x128xf32>
    %reduce_sum3A_2664 = arith.constant dense<0.000000e+00> : vector<1xf32>
    %reduce_sum3A_2665 = vector.multi_reduction <add>, %reduce_sum3A_2663, %reduce_sum3A_2664 [1, 2] : vector<1x1x128xf32> to vector<1xf32>
    %reduce_sum3A_2666 = vector.shape_cast %reduce_sum3A_2665 : vector<1xf32> to vector<1x1x1xf32>
    %reduce_sum3A_2667 = vector.extract %reduce_sum3A_2666[0, 0, 0] : f32 from vector<1x1x1xf32>
    %jit3A_2668 = arith.constant 0.000000e+00 : f32
    %broadcast_in_dim3A_2669 = vector.broadcast %reduce_sum3A_2667 : f32 to vector<1x128xf32>
    %broadcast_in_dim3A_2670 = vector.broadcast %jit3A_2668 : f32 to vector<1x128xf32>
    %select_n3A_2671 = arith.select %eq3A_2654, %broadcast_in_dim3A_2669, %broadcast_in_dim3A_2670 : vector<1x128xi1>, vector<1x128xf32>
    %add3A_2672 = arith.addf %add3A_2651, %select_n3A_2671 : vector<1x128xf32>
    %eq3A_2673 = arith.constant 5 : i32
    %eq3A_2674 = vector.broadcast %eq3A_2673 : i32 to vector<1x128xi32>
    %eq3A_2675 = arith.cmpi eq, %iota3A, %eq3A_2674 : vector<1x128xi32>
    %get3A_2676 = arith.index_cast %shift_right_logical3A_2571 : i32 to index
    %get3A_2677 = arith.constant 0 : index
    %get3A_2678 = vector.load %arg11[%get3A_2676, %get3A_2677] : memref<40x128xf32, #tpu.memory_space<vmem>>, vector<1x128xf32>
    %broadcast_in_dim3A_2679 = arith.constant 0.000000e+00 : f32
    %broadcast_in_dim3A_2680 = vector.broadcast %broadcast_in_dim3A_2679 : f32 to vector<1x128xf32>
    %eq3A_2681 = vector.broadcast %and3A_2573 : i32 to vector<1x128xi32>
    %eq3A_2682 = arith.cmpi eq, %iota3A, %eq3A_2681 : vector<1x128xi32>
    %select_n3A_2683 = arith.select %eq3A_2682, %get3A_2678, %broadcast_in_dim3A_2680 : vector<1x128xi1>, vector<1x128xf32>
    %reduce_sum3A_2684 = vector.shape_cast %select_n3A_2683 : vector<1x128xf32> to vector<1x1x128xf32>
    %reduce_sum3A_2685 = arith.constant dense<0.000000e+00> : vector<1xf32>
    %reduce_sum3A_2686 = vector.multi_reduction <add>, %reduce_sum3A_2684, %reduce_sum3A_2685 [1, 2] : vector<1x1x128xf32> to vector<1xf32>
    %reduce_sum3A_2687 = vector.shape_cast %reduce_sum3A_2686 : vector<1xf32> to vector<1x1x1xf32>
    %reduce_sum3A_2688 = vector.extract %reduce_sum3A_2687[0, 0, 0] : f32 from vector<1x1x1xf32>
    %jit3A_2689 = arith.constant 0.000000e+00 : f32
    %broadcast_in_dim3A_2690 = vector.broadcast %reduce_sum3A_2688 : f32 to vector<1x128xf32>
    %broadcast_in_dim3A_2691 = vector.broadcast %jit3A_2689 : f32 to vector<1x128xf32>
    %select_n3A_2692 = arith.select %eq3A_2675, %broadcast_in_dim3A_2690, %broadcast_in_dim3A_2691 : vector<1x128xi1>, vector<1x128xf32>
    %add3A_2693 = arith.addf %add3A_2672, %select_n3A_2692 : vector<1x128xf32>
    %swap3A_2694 = arith.constant 18 : index
    %swap3A_2695 = arith.constant 0 : index
    %swap3A_2696 = vector.load %arg13[%swap3A_2694, %swap3A_2695] : memref<30x128xf32, #tpu.memory_space<vmem>>, vector<1x128xf32>
    tpu.vector_store %arg13[%swap3A_2694, %swap3A_2695], %add3A_2693 {strides = array<i32>} : memref<30x128xf32, #tpu.memory_space<vmem>>, vector<1x128xf32>,
    %get3A_2697 = arith.constant 0 : index
    %get3A_2698 = arith.constant 0 : index
    %get3A_2699 = vector.load %arg16[%get3A_2697, %get3A_2698] : memref<8x128xi32, #tpu.memory_space<vmem>>, vector<1x128xi32>
    %broadcast_in_dim3A_2700 = arith.constant 0 : i32
    %broadcast_in_dim3A_2701 = vector.broadcast %broadcast_in_dim3A_2700 : i32 to vector<1x128xi32>
    %eq3A_2702 = arith.constant 4 : i32
    %eq3A_2703 = vector.broadcast %eq3A_2702 : i32 to vector<1x128xi32>
    %eq3A_2704 = arith.cmpi eq, %iota3A, %eq3A_2703 : vector<1x128xi32>
    %select_n3A_2705 = arith.select %eq3A_2704, %get3A_2699, %broadcast_in_dim3A_2701 : vector<1x128xi1>, vector<1x128xi32>
    %reduce_sum3A_2706 = vector.shape_cast %select_n3A_2705 : vector<1x128xi32> to vector<1x1x128xi32>
    %reduce_sum3A_2707 = arith.constant dense<0> : vector<1xi32>
    %reduce_sum3A_2708 = vector.multi_reduction <add>, %reduce_sum3A_2706, %reduce_sum3A_2707 [1, 2] : vector<1x1x128xi32> to vector<1xi32>
    %reduce_sum3A_2709 = vector.shape_cast %reduce_sum3A_2708 : vector<1xi32> to vector<1x1x1xi32>
    %reduce_sum3A_2710 = vector.extract %reduce_sum3A_2709[0, 0, 0] : i32 from vector<1x1x1xi32>
    %shift_right_logical3A_2711 = arith.constant 7 : i32
    %shift_right_logical3A_2712 = arith.shrui %reduce_sum3A_2710, %shift_right_logical3A_2711 : i32
    %and3A_2713 = arith.constant 127 : i32
    %and3A_2714 = arith.andi %reduce_sum3A_2710, %and3A_2713 : i32
    %get3A_2715 = arith.index_cast %shift_right_logical3A_2712 : i32 to index
    %get3A_2716 = arith.constant 0 : index
    %get3A_2717 = vector.load %arg12[%get3A_2715, %get3A_2716] : memref<40x128xf32, #tpu.memory_space<vmem>>, vector<1x128xf32>
    %broadcast_in_dim3A_2718 = arith.constant 0.000000e+00 : f32
    %broadcast_in_dim3A_2719 = vector.broadcast %broadcast_in_dim3A_2718 : f32 to vector<1x128xf32>
    %eq3A_2720 = vector.broadcast %and3A_2714 : i32 to vector<1x128xi32>
    %eq3A_2721 = arith.cmpi eq, %iota3A, %eq3A_2720 : vector<1x128xi32>
    %select_n3A_2722 = arith.select %eq3A_2721, %get3A_2717, %broadcast_in_dim3A_2719 : vector<1x128xi1>, vector<1x128xf32>
    %reduce_sum3A_2723 = vector.shape_cast %select_n3A_2722 : vector<1x128xf32> to vector<1x1x128xf32>
    %reduce_sum3A_2724 = arith.constant dense<0.000000e+00> : vector<1xf32>
    %reduce_sum3A_2725 = vector.multi_reduction <add>, %reduce_sum3A_2723, %reduce_sum3A_2724 [1, 2] : vector<1x1x128xf32> to vector<1xf32>
    %reduce_sum3A_2726 = vector.shape_cast %reduce_sum3A_2725 : vector<1xf32> to vector<1x1x1xf32>
    %reduce_sum3A_2727 = vector.extract %reduce_sum3A_2726[0, 0, 0] : f32 from vector<1x1x1xf32>
    %neg3A_2728 = arith.constant 0.000000e+00 : f32
    %neg3A_2729 = arith.subf %neg3A_2728, %reduce_sum3A_2727 : f32
    %exp3A_2730 = math.exp %neg3A_2729 : f32
    %add3A_2731 = arith.constant 1.000000e+00 : f32
    %add3A_2732 = arith.addf %add3A_2731, %exp3A_2730 : f32
    %div3A_2733 = arith.constant 1.000000e+00 : f32
    %div3A_2734 = arith.divf %div3A_2733, %add3A_2732 : f32
    %eq3A_2735 = arith.constant 0 : i32
    %eq3A_2736 = vector.broadcast %eq3A_2735 : i32 to vector<1x128xi32>
    %eq3A_2737 = arith.cmpi eq, %iota3A, %eq3A_2736 : vector<1x128xi32>
    %convert_element_type3A_2738 = arith.sitofp %reduce_sum3A_2710 : i32 to f32
    %jit3A_2739 = arith.constant 0.000000e+00 : f32
    %broadcast_in_dim3A_2740 = vector.broadcast %convert_element_type3A_2738 : f32 to vector<1x128xf32>
    %broadcast_in_dim3A_2741 = vector.broadcast %jit3A_2739 : f32 to vector<1x128xf32>
    %select_n3A_2742 = arith.select %eq3A_2737, %broadcast_in_dim3A_2740, %broadcast_in_dim3A_2741 : vector<1x128xi1>, vector<1x128xf32>
    %eq3A_2743 = arith.constant 1 : i32
    %eq3A_2744 = vector.broadcast %eq3A_2743 : i32 to vector<1x128xi32>
    %eq3A_2745 = arith.cmpi eq, %iota3A, %eq3A_2744 : vector<1x128xi32>
    %jit3A_2746 = arith.constant 0.000000e+00 : f32
    %broadcast_in_dim3A_2747 = vector.broadcast %div3A_2734 : f32 to vector<1x128xf32>
    %broadcast_in_dim3A_2748 = vector.broadcast %jit3A_2746 : f32 to vector<1x128xf32>
    %select_n3A_2749 = arith.select %eq3A_2745, %broadcast_in_dim3A_2747, %broadcast_in_dim3A_2748 : vector<1x128xi1>, vector<1x128xf32>
    %add3A_2750 = arith.addf %select_n3A_2742, %select_n3A_2749 : vector<1x128xf32>
    %eq3A_2751 = arith.constant 2 : i32
    %eq3A_2752 = vector.broadcast %eq3A_2751 : i32 to vector<1x128xi32>
    %eq3A_2753 = arith.cmpi eq, %iota3A, %eq3A_2752 : vector<1x128xi32>
    %get3A_2754 = arith.index_cast %shift_right_logical3A_2712 : i32 to index
    %get3A_2755 = arith.constant 0 : index
    %get3A_2756 = vector.load %arg8[%get3A_2754, %get3A_2755] : memref<40x128xf32, #tpu.memory_space<vmem>>, vector<1x128xf32>
    %broadcast_in_dim3A_2757 = arith.constant 0.000000e+00 : f32
    %broadcast_in_dim3A_2758 = vector.broadcast %broadcast_in_dim3A_2757 : f32 to vector<1x128xf32>
    %eq3A_2759 = vector.broadcast %and3A_2714 : i32 to vector<1x128xi32>
    %eq3A_2760 = arith.cmpi eq, %iota3A, %eq3A_2759 : vector<1x128xi32>
    %select_n3A_2761 = arith.select %eq3A_2760, %get3A_2756, %broadcast_in_dim3A_2758 : vector<1x128xi1>, vector<1x128xf32>
    %reduce_sum3A_2762 = vector.shape_cast %select_n3A_2761 : vector<1x128xf32> to vector<1x1x128xf32>
    %reduce_sum3A_2763 = arith.constant dense<0.000000e+00> : vector<1xf32>
    %reduce_sum3A_2764 = vector.multi_reduction <add>, %reduce_sum3A_2762, %reduce_sum3A_2763 [1, 2] : vector<1x1x128xf32> to vector<1xf32>
    %reduce_sum3A_2765 = vector.shape_cast %reduce_sum3A_2764 : vector<1xf32> to vector<1x1x1xf32>
    %reduce_sum3A_2766 = vector.extract %reduce_sum3A_2765[0, 0, 0] : f32 from vector<1x1x1xf32>
    %jit3A_2767 = arith.constant 0.000000e+00 : f32
    %broadcast_in_dim3A_2768 = vector.broadcast %reduce_sum3A_2766 : f32 to vector<1x128xf32>
    %broadcast_in_dim3A_2769 = vector.broadcast %jit3A_2767 : f32 to vector<1x128xf32>
    %select_n3A_2770 = arith.select %eq3A_2753, %broadcast_in_dim3A_2768, %broadcast_in_dim3A_2769 : vector<1x128xi1>, vector<1x128xf32>
    %add3A_2771 = arith.addf %add3A_2750, %select_n3A_2770 : vector<1x128xf32>
    %eq3A_2772 = arith.constant 3 : i32
    %eq3A_2773 = vector.broadcast %eq3A_2772 : i32 to vector<1x128xi32>
    %eq3A_2774 = arith.cmpi eq, %iota3A, %eq3A_2773 : vector<1x128xi32>
    %get3A_2775 = arith.index_cast %shift_right_logical3A_2712 : i32 to index
    %get3A_2776 = arith.constant 0 : index
    %get3A_2777 = vector.load %arg9[%get3A_2775, %get3A_2776] : memref<40x128xf32, #tpu.memory_space<vmem>>, vector<1x128xf32>
    %broadcast_in_dim3A_2778 = arith.constant 0.000000e+00 : f32
    %broadcast_in_dim3A_2779 = vector.broadcast %broadcast_in_dim3A_2778 : f32 to vector<1x128xf32>
    %eq3A_2780 = vector.broadcast %and3A_2714 : i32 to vector<1x128xi32>
    %eq3A_2781 = arith.cmpi eq, %iota3A, %eq3A_2780 : vector<1x128xi32>
    %select_n3A_2782 = arith.select %eq3A_2781, %get3A_2777, %broadcast_in_dim3A_2779 : vector<1x128xi1>, vector<1x128xf32>
    %reduce_sum3A_2783 = vector.shape_cast %select_n3A_2782 : vector<1x128xf32> to vector<1x1x128xf32>
    %reduce_sum3A_2784 = arith.constant dense<0.000000e+00> : vector<1xf32>
    %reduce_sum3A_2785 = vector.multi_reduction <add>, %reduce_sum3A_2783, %reduce_sum3A_2784 [1, 2] : vector<1x1x128xf32> to vector<1xf32>
    %reduce_sum3A_2786 = vector.shape_cast %reduce_sum3A_2785 : vector<1xf32> to vector<1x1x1xf32>
    %reduce_sum3A_2787 = vector.extract %reduce_sum3A_2786[0, 0, 0] : f32 from vector<1x1x1xf32>
    %jit3A_2788 = arith.constant 0.000000e+00 : f32
    %broadcast_in_dim3A_2789 = vector.broadcast %reduce_sum3A_2787 : f32 to vector<1x128xf32>
    %broadcast_in_dim3A_2790 = vector.broadcast %jit3A_2788 : f32 to vector<1x128xf32>
    %select_n3A_2791 = arith.select %eq3A_2774, %broadcast_in_dim3A_2789, %broadcast_in_dim3A_2790 : vector<1x128xi1>, vector<1x128xf32>
    %add3A_2792 = arith.addf %add3A_2771, %select_n3A_2791 : vector<1x128xf32>
    %eq3A_2793 = arith.constant 4 : i32
    %eq3A_2794 = vector.broadcast %eq3A_2793 : i32 to vector<1x128xi32>
    %eq3A_2795 = arith.cmpi eq, %iota3A, %eq3A_2794 : vector<1x128xi32>
    %get3A_2796 = arith.index_cast %shift_right_logical3A_2712 : i32 to index
    %get3A_2797 = arith.constant 0 : index
    %get3A_2798 = vector.load %arg10[%get3A_2796, %get3A_2797] : memref<40x128xf32, #tpu.memory_space<vmem>>, vector<1x128xf32>
    %broadcast_in_dim3A_2799 = arith.constant 0.000000e+00 : f32
    %broadcast_in_dim3A_2800 = vector.broadcast %broadcast_in_dim3A_2799 : f32 to vector<1x128xf32>
    %eq3A_2801 = vector.broadcast %and3A_2714 : i32 to vector<1x128xi32>
    %eq3A_2802 = arith.cmpi eq, %iota3A, %eq3A_2801 : vector<1x128xi32>
    %select_n3A_2803 = arith.select %eq3A_2802, %get3A_2798, %broadcast_in_dim3A_2800 : vector<1x128xi1>, vector<1x128xf32>
    %reduce_sum3A_2804 = vector.shape_cast %select_n3A_2803 : vector<1x128xf32> to vector<1x1x128xf32>
    %reduce_sum3A_2805 = arith.constant dense<0.000000e+00> : vector<1xf32>
    %reduce_sum3A_2806 = vector.multi_reduction <add>, %reduce_sum3A_2804, %reduce_sum3A_2805 [1, 2] : vector<1x1x128xf32> to vector<1xf32>
    %reduce_sum3A_2807 = vector.shape_cast %reduce_sum3A_2806 : vector<1xf32> to vector<1x1x1xf32>
    %reduce_sum3A_2808 = vector.extract %reduce_sum3A_2807[0, 0, 0] : f32 from vector<1x1x1xf32>
    %jit3A_2809 = arith.constant 0.000000e+00 : f32
    %broadcast_in_dim3A_2810 = vector.broadcast %reduce_sum3A_2808 : f32 to vector<1x128xf32>
    %broadcast_in_dim3A_2811 = vector.broadcast %jit3A_2809 : f32 to vector<1x128xf32>
    %select_n3A_2812 = arith.select %eq3A_2795, %broadcast_in_dim3A_2810, %broadcast_in_dim3A_2811 : vector<1x128xi1>, vector<1x128xf32>
    %add3A_2813 = arith.addf %add3A_2792, %select_n3A_2812 : vector<1x128xf32>
    %eq3A_2814 = arith.constant 5 : i32
    %eq3A_2815 = vector.broadcast %eq3A_2814 : i32 to vector<1x128xi32>
    %eq3A_2816 = arith.cmpi eq, %iota3A, %eq3A_2815 : vector<1x128xi32>
    %get3A_2817 = arith.index_cast %shift_right_logical3A_2712 : i32 to index
    %get3A_2818 = arith.constant 0 : index
    %get3A_2819 = vector.load %arg11[%get3A_2817, %get3A_2818] : memref<40x128xf32, #tpu.memory_space<vmem>>, vector<1x128xf32>
    %broadcast_in_dim3A_2820 = arith.constant 0.000000e+00 : f32
    %broadcast_in_dim3A_2821 = vector.broadcast %broadcast_in_dim3A_2820 : f32 to vector<1x128xf32>
    %eq3A_2822 = vector.broadcast %and3A_2714 : i32 to vector<1x128xi32>
    %eq3A_2823 = arith.cmpi eq, %iota3A, %eq3A_2822 : vector<1x128xi32>
    %select_n3A_2824 = arith.select %eq3A_2823, %get3A_2819, %broadcast_in_dim3A_2821 : vector<1x128xi1>, vector<1x128xf32>
    %reduce_sum3A_2825 = vector.shape_cast %select_n3A_2824 : vector<1x128xf32> to vector<1x1x128xf32>
    %reduce_sum3A_2826 = arith.constant dense<0.000000e+00> : vector<1xf32>
    %reduce_sum3A_2827 = vector.multi_reduction <add>, %reduce_sum3A_2825, %reduce_sum3A_2826 [1, 2] : vector<1x1x128xf32> to vector<1xf32>
    %reduce_sum3A_2828 = vector.shape_cast %reduce_sum3A_2827 : vector<1xf32> to vector<1x1x1xf32>
    %reduce_sum3A_2829 = vector.extract %reduce_sum3A_2828[0, 0, 0] : f32 from vector<1x1x1xf32>
    %jit3A_2830 = arith.constant 0.000000e+00 : f32
    %broadcast_in_dim3A_2831 = vector.broadcast %reduce_sum3A_2829 : f32 to vector<1x128xf32>
    %broadcast_in_dim3A_2832 = vector.broadcast %jit3A_2830 : f32 to vector<1x128xf32>
    %select_n3A_2833 = arith.select %eq3A_2816, %broadcast_in_dim3A_2831, %broadcast_in_dim3A_2832 : vector<1x128xi1>, vector<1x128xf32>
    %add3A_2834 = arith.addf %add3A_2813, %select_n3A_2833 : vector<1x128xf32>
    %swap3A_2835 = arith.constant 19 : index
    %swap3A_2836 = arith.constant 0 : index
    %swap3A_2837 = vector.load %arg13[%swap3A_2835, %swap3A_2836] : memref<30x128xf32, #tpu.memory_space<vmem>>, vector<1x128xf32>
    tpu.vector_store %arg13[%swap3A_2835, %swap3A_2836], %add3A_2834 {strides = array<i32>} : memref<30x128xf32, #tpu.memory_space<vmem>>, vector<1x128xf32>,
    %get3A_2838 = arith.constant 0 : index
    %get3A_2839 = arith.constant 0 : index
    %get3A_2840 = vector.load %arg16[%get3A_2838, %get3A_2839] : memref<8x128xi32, #tpu.memory_space<vmem>>, vector<1x128xi32>
    %broadcast_in_dim3A_2841 = arith.constant 0 : i32
    %broadcast_in_dim3A_2842 = vector.broadcast %broadcast_in_dim3A_2841 : i32 to vector<1x128xi32>
    %eq3A_2843 = arith.constant 5 : i32
    %eq3A_2844 = vector.broadcast %eq3A_2843 : i32 to vector<1x128xi32>
    %eq3A_2845 = arith.cmpi eq, %iota3A, %eq3A_2844 : vector<1x128xi32>
    %select_n3A_2846 = arith.select %eq3A_2845, %get3A_2840, %broadcast_in_dim3A_2842 : vector<1x128xi1>, vector<1x128xi32>
    %reduce_sum3A_2847 = vector.shape_cast %select_n3A_2846 : vector<1x128xi32> to vector<1x1x128xi32>
    %reduce_sum3A_2848 = arith.constant dense<0> : vector<1xi32>
    %reduce_sum3A_2849 = vector.multi_reduction <add>, %reduce_sum3A_2847, %reduce_sum3A_2848 [1, 2] : vector<1x1x128xi32> to vector<1xi32>
    %reduce_sum3A_2850 = vector.shape_cast %reduce_sum3A_2849 : vector<1xi32> to vector<1x1x1xi32>
    %reduce_sum3A_2851 = vector.extract %reduce_sum3A_2850[0, 0, 0] : i32 from vector<1x1x1xi32>
    %shift_right_logical3A_2852 = arith.constant 7 : i32
    %shift_right_logical3A_2853 = arith.shrui %reduce_sum3A_2851, %shift_right_logical3A_2852 : i32
    %and3A_2854 = arith.constant 127 : i32
    %and3A_2855 = arith.andi %reduce_sum3A_2851, %and3A_2854 : i32
    %get3A_2856 = arith.index_cast %shift_right_logical3A_2853 : i32 to index
    %get3A_2857 = arith.constant 0 : index
    %get3A_2858 = vector.load %arg12[%get3A_2856, %get3A_2857] : memref<40x128xf32, #tpu.memory_space<vmem>>, vector<1x128xf32>
    %broadcast_in_dim3A_2859 = arith.constant 0.000000e+00 : f32
    %broadcast_in_dim3A_2860 = vector.broadcast %broadcast_in_dim3A_2859 : f32 to vector<1x128xf32>
    %eq3A_2861 = vector.broadcast %and3A_2855 : i32 to vector<1x128xi32>
    %eq3A_2862 = arith.cmpi eq, %iota3A, %eq3A_2861 : vector<1x128xi32>
    %select_n3A_2863 = arith.select %eq3A_2862, %get3A_2858, %broadcast_in_dim3A_2860 : vector<1x128xi1>, vector<1x128xf32>
    %reduce_sum3A_2864 = vector.shape_cast %select_n3A_2863 : vector<1x128xf32> to vector<1x1x128xf32>
    %reduce_sum3A_2865 = arith.constant dense<0.000000e+00> : vector<1xf32>
    %reduce_sum3A_2866 = vector.multi_reduction <add>, %reduce_sum3A_2864, %reduce_sum3A_2865 [1, 2] : vector<1x1x128xf32> to vector<1xf32>
    %reduce_sum3A_2867 = vector.shape_cast %reduce_sum3A_2866 : vector<1xf32> to vector<1x1x1xf32>
    %reduce_sum3A_2868 = vector.extract %reduce_sum3A_2867[0, 0, 0] : f32 from vector<1x1x1xf32>
    %neg3A_2869 = arith.constant 0.000000e+00 : f32
    %neg3A_2870 = arith.subf %neg3A_2869, %reduce_sum3A_2868 : f32
    %exp3A_2871 = math.exp %neg3A_2870 : f32
    %add3A_2872 = arith.constant 1.000000e+00 : f32
    %add3A_2873 = arith.addf %add3A_2872, %exp3A_2871 : f32
    %div3A_2874 = arith.constant 1.000000e+00 : f32
    %div3A_2875 = arith.divf %div3A_2874, %add3A_2873 : f32
    %eq3A_2876 = arith.constant 0 : i32
    %eq3A_2877 = vector.broadcast %eq3A_2876 : i32 to vector<1x128xi32>
    %eq3A_2878 = arith.cmpi eq, %iota3A, %eq3A_2877 : vector<1x128xi32>
    %convert_element_type3A_2879 = arith.sitofp %reduce_sum3A_2851 : i32 to f32
    %jit3A_2880 = arith.constant 0.000000e+00 : f32
    %broadcast_in_dim3A_2881 = vector.broadcast %convert_element_type3A_2879 : f32 to vector<1x128xf32>
    %broadcast_in_dim3A_2882 = vector.broadcast %jit3A_2880 : f32 to vector<1x128xf32>
    %select_n3A_2883 = arith.select %eq3A_2878, %broadcast_in_dim3A_2881, %broadcast_in_dim3A_2882 : vector<1x128xi1>, vector<1x128xf32>
    %eq3A_2884 = arith.constant 1 : i32
    %eq3A_2885 = vector.broadcast %eq3A_2884 : i32 to vector<1x128xi32>
    %eq3A_2886 = arith.cmpi eq, %iota3A, %eq3A_2885 : vector<1x128xi32>
    %jit3A_2887 = arith.constant 0.000000e+00 : f32
    %broadcast_in_dim3A_2888 = vector.broadcast %div3A_2875 : f32 to vector<1x128xf32>
    %broadcast_in_dim3A_2889 = vector.broadcast %jit3A_2887 : f32 to vector<1x128xf32>
    %select_n3A_2890 = arith.select %eq3A_2886, %broadcast_in_dim3A_2888, %broadcast_in_dim3A_2889 : vector<1x128xi1>, vector<1x128xf32>
    %add3A_2891 = arith.addf %select_n3A_2883, %select_n3A_2890 : vector<1x128xf32>
    %eq3A_2892 = arith.constant 2 : i32
    %eq3A_2893 = vector.broadcast %eq3A_2892 : i32 to vector<1x128xi32>
    %eq3A_2894 = arith.cmpi eq, %iota3A, %eq3A_2893 : vector<1x128xi32>
    %get3A_2895 = arith.index_cast %shift_right_logical3A_2853 : i32 to index
    %get3A_2896 = arith.constant 0 : index
    %get3A_2897 = vector.load %arg8[%get3A_2895, %get3A_2896] : memref<40x128xf32, #tpu.memory_space<vmem>>, vector<1x128xf32>
    %broadcast_in_dim3A_2898 = arith.constant 0.000000e+00 : f32
    %broadcast_in_dim3A_2899 = vector.broadcast %broadcast_in_dim3A_2898 : f32 to vector<1x128xf32>
    %eq3A_2900 = vector.broadcast %and3A_2855 : i32 to vector<1x128xi32>
    %eq3A_2901 = arith.cmpi eq, %iota3A, %eq3A_2900 : vector<1x128xi32>
    %select_n3A_2902 = arith.select %eq3A_2901, %get3A_2897, %broadcast_in_dim3A_2899 : vector<1x128xi1>, vector<1x128xf32>
    %reduce_sum3A_2903 = vector.shape_cast %select_n3A_2902 : vector<1x128xf32> to vector<1x1x128xf32>
    %reduce_sum3A_2904 = arith.constant dense<0.000000e+00> : vector<1xf32>
    %reduce_sum3A_2905 = vector.multi_reduction <add>, %reduce_sum3A_2903, %reduce_sum3A_2904 [1, 2] : vector<1x1x128xf32> to vector<1xf32>
    %reduce_sum3A_2906 = vector.shape_cast %reduce_sum3A_2905 : vector<1xf32> to vector<1x1x1xf32>
    %reduce_sum3A_2907 = vector.extract %reduce_sum3A_2906[0, 0, 0] : f32 from vector<1x1x1xf32>
    %jit3A_2908 = arith.constant 0.000000e+00 : f32
    %broadcast_in_dim3A_2909 = vector.broadcast %reduce_sum3A_2907 : f32 to vector<1x128xf32>
    %broadcast_in_dim3A_2910 = vector.broadcast %jit3A_2908 : f32 to vector<1x128xf32>
    %select_n3A_2911 = arith.select %eq3A_2894, %broadcast_in_dim3A_2909, %broadcast_in_dim3A_2910 : vector<1x128xi1>, vector<1x128xf32>
    %add3A_2912 = arith.addf %add3A_2891, %select_n3A_2911 : vector<1x128xf32>
    %eq3A_2913 = arith.constant 3 : i32
    %eq3A_2914 = vector.broadcast %eq3A_2913 : i32 to vector<1x128xi32>
    %eq3A_2915 = arith.cmpi eq, %iota3A, %eq3A_2914 : vector<1x128xi32>
    %get3A_2916 = arith.index_cast %shift_right_logical3A_2853 : i32 to index
    %get3A_2917 = arith.constant 0 : index
    %get3A_2918 = vector.load %arg9[%get3A_2916, %get3A_2917] : memref<40x128xf32, #tpu.memory_space<vmem>>, vector<1x128xf32>
    %broadcast_in_dim3A_2919 = arith.constant 0.000000e+00 : f32
    %broadcast_in_dim3A_2920 = vector.broadcast %broadcast_in_dim3A_2919 : f32 to vector<1x128xf32>
    %eq3A_2921 = vector.broadcast %and3A_2855 : i32 to vector<1x128xi32>
    %eq3A_2922 = arith.cmpi eq, %iota3A, %eq3A_2921 : vector<1x128xi32>
    %select_n3A_2923 = arith.select %eq3A_2922, %get3A_2918, %broadcast_in_dim3A_2920 : vector<1x128xi1>, vector<1x128xf32>
    %reduce_sum3A_2924 = vector.shape_cast %select_n3A_2923 : vector<1x128xf32> to vector<1x1x128xf32>
    %reduce_sum3A_2925 = arith.constant dense<0.000000e+00> : vector<1xf32>
    %reduce_sum3A_2926 = vector.multi_reduction <add>, %reduce_sum3A_2924, %reduce_sum3A_2925 [1, 2] : vector<1x1x128xf32> to vector<1xf32>
    %reduce_sum3A_2927 = vector.shape_cast %reduce_sum3A_2926 : vector<1xf32> to vector<1x1x1xf32>
    %reduce_sum3A_2928 = vector.extract %reduce_sum3A_2927[0, 0, 0] : f32 from vector<1x1x1xf32>
    %jit3A_2929 = arith.constant 0.000000e+00 : f32
    %broadcast_in_dim3A_2930 = vector.broadcast %reduce_sum3A_2928 : f32 to vector<1x128xf32>
    %broadcast_in_dim3A_2931 = vector.broadcast %jit3A_2929 : f32 to vector<1x128xf32>
    %select_n3A_2932 = arith.select %eq3A_2915, %broadcast_in_dim3A_2930, %broadcast_in_dim3A_2931 : vector<1x128xi1>, vector<1x128xf32>
    %add3A_2933 = arith.addf %add3A_2912, %select_n3A_2932 : vector<1x128xf32>
    %eq3A_2934 = arith.constant 4 : i32
    %eq3A_2935 = vector.broadcast %eq3A_2934 : i32 to vector<1x128xi32>
    %eq3A_2936 = arith.cmpi eq, %iota3A, %eq3A_2935 : vector<1x128xi32>
    %get3A_2937 = arith.index_cast %shift_right_logical3A_2853 : i32 to index
    %get3A_2938 = arith.constant 0 : index
    %get3A_2939 = vector.load %arg10[%get3A_2937, %get3A_2938] : memref<40x128xf32, #tpu.memory_space<vmem>>, vector<1x128xf32>
    %broadcast_in_dim3A_2940 = arith.constant 0.000000e+00 : f32
    %broadcast_in_dim3A_2941 = vector.broadcast %broadcast_in_dim3A_2940 : f32 to vector<1x128xf32>
    %eq3A_2942 = vector.broadcast %and3A_2855 : i32 to vector<1x128xi32>
    %eq3A_2943 = arith.cmpi eq, %iota3A, %eq3A_2942 : vector<1x128xi32>
    %select_n3A_2944 = arith.select %eq3A_2943, %get3A_2939, %broadcast_in_dim3A_2941 : vector<1x128xi1>, vector<1x128xf32>
    %reduce_sum3A_2945 = vector.shape_cast %select_n3A_2944 : vector<1x128xf32> to vector<1x1x128xf32>
    %reduce_sum3A_2946 = arith.constant dense<0.000000e+00> : vector<1xf32>
    %reduce_sum3A_2947 = vector.multi_reduction <add>, %reduce_sum3A_2945, %reduce_sum3A_2946 [1, 2] : vector<1x1x128xf32> to vector<1xf32>
    %reduce_sum3A_2948 = vector.shape_cast %reduce_sum3A_2947 : vector<1xf32> to vector<1x1x1xf32>
    %reduce_sum3A_2949 = vector.extract %reduce_sum3A_2948[0, 0, 0] : f32 from vector<1x1x1xf32>
    %jit3A_2950 = arith.constant 0.000000e+00 : f32
    %broadcast_in_dim3A_2951 = vector.broadcast %reduce_sum3A_2949 : f32 to vector<1x128xf32>
    %broadcast_in_dim3A_2952 = vector.broadcast %jit3A_2950 : f32 to vector<1x128xf32>
    %select_n3A_2953 = arith.select %eq3A_2936, %broadcast_in_dim3A_2951, %broadcast_in_dim3A_2952 : vector<1x128xi1>, vector<1x128xf32>
    %add3A_2954 = arith.addf %add3A_2933, %select_n3A_2953 : vector<1x128xf32>
    %eq3A_2955 = arith.constant 5 : i32
    %eq3A_2956 = vector.broadcast %eq3A_2955 : i32 to vector<1x128xi32>
    %eq3A_2957 = arith.cmpi eq, %iota3A, %eq3A_2956 : vector<1x128xi32>
    %get3A_2958 = arith.index_cast %shift_right_logical3A_2853 : i32 to index
    %get3A_2959 = arith.constant 0 : index
    %get3A_2960 = vector.load %arg11[%get3A_2958, %get3A_2959] : memref<40x128xf32, #tpu.memory_space<vmem>>, vector<1x128xf32>
    %broadcast_in_dim3A_2961 = arith.constant 0.000000e+00 : f32
    %broadcast_in_dim3A_2962 = vector.broadcast %broadcast_in_dim3A_2961 : f32 to vector<1x128xf32>
    %eq3A_2963 = vector.broadcast %and3A_2855 : i32 to vector<1x128xi32>
    %eq3A_2964 = arith.cmpi eq, %iota3A, %eq3A_2963 : vector<1x128xi32>
    %select_n3A_2965 = arith.select %eq3A_2964, %get3A_2960, %broadcast_in_dim3A_2962 : vector<1x128xi1>, vector<1x128xf32>
    %reduce_sum3A_2966 = vector.shape_cast %select_n3A_2965 : vector<1x128xf32> to vector<1x1x128xf32>
    %reduce_sum3A_2967 = arith.constant dense<0.000000e+00> : vector<1xf32>
    %reduce_sum3A_2968 = vector.multi_reduction <add>, %reduce_sum3A_2966, %reduce_sum3A_2967 [1, 2] : vector<1x1x128xf32> to vector<1xf32>
    %reduce_sum3A_2969 = vector.shape_cast %reduce_sum3A_2968 : vector<1xf32> to vector<1x1x1xf32>
    %reduce_sum3A_2970 = vector.extract %reduce_sum3A_2969[0, 0, 0] : f32 from vector<1x1x1xf32>
    %jit3A_2971 = arith.constant 0.000000e+00 : f32
    %broadcast_in_dim3A_2972 = vector.broadcast %reduce_sum3A_2970 : f32 to vector<1x128xf32>
    %broadcast_in_dim3A_2973 = vector.broadcast %jit3A_2971 : f32 to vector<1x128xf32>
    %select_n3A_2974 = arith.select %eq3A_2957, %broadcast_in_dim3A_2972, %broadcast_in_dim3A_2973 : vector<1x128xi1>, vector<1x128xf32>
    %add3A_2975 = arith.addf %add3A_2954, %select_n3A_2974 : vector<1x128xf32>
    %swap3A_2976 = arith.constant 20 : index
    %swap3A_2977 = arith.constant 0 : index
    %swap3A_2978 = vector.load %arg13[%swap3A_2976, %swap3A_2977] : memref<30x128xf32, #tpu.memory_space<vmem>>, vector<1x128xf32>
    tpu.vector_store %arg13[%swap3A_2976, %swap3A_2977], %add3A_2975 {strides = array<i32>} : memref<30x128xf32, #tpu.memory_space<vmem>>, vector<1x128xf32>,
    %get3A_2979 = arith.constant 0 : index
    %get3A_2980 = arith.constant 0 : index
    %get3A_2981 = vector.load %arg16[%get3A_2979, %get3A_2980] : memref<8x128xi32, #tpu.memory_space<vmem>>, vector<1x128xi32>
    %broadcast_in_dim3A_2982 = arith.constant 0 : i32
    %broadcast_in_dim3A_2983 = vector.broadcast %broadcast_in_dim3A_2982 : i32 to vector<1x128xi32>
    %eq3A_2984 = arith.constant 6 : i32
    %eq3A_2985 = vector.broadcast %eq3A_2984 : i32 to vector<1x128xi32>
    %eq3A_2986 = arith.cmpi eq, %iota3A, %eq3A_2985 : vector<1x128xi32>
    %select_n3A_2987 = arith.select %eq3A_2986, %get3A_2981, %broadcast_in_dim3A_2983 : vector<1x128xi1>, vector<1x128xi32>
    %reduce_sum3A_2988 = vector.shape_cast %select_n3A_2987 : vector<1x128xi32> to vector<1x1x128xi32>
    %reduce_sum3A_2989 = arith.constant dense<0> : vector<1xi32>
    %reduce_sum3A_2990 = vector.multi_reduction <add>, %reduce_sum3A_2988, %reduce_sum3A_2989 [1, 2] : vector<1x1x128xi32> to vector<1xi32>
    %reduce_sum3A_2991 = vector.shape_cast %reduce_sum3A_2990 : vector<1xi32> to vector<1x1x1xi32>
    %reduce_sum3A_2992 = vector.extract %reduce_sum3A_2991[0, 0, 0] : i32 from vector<1x1x1xi32>
    %shift_right_logical3A_2993 = arith.constant 7 : i32
    %shift_right_logical3A_2994 = arith.shrui %reduce_sum3A_2992, %shift_right_logical3A_2993 : i32
    %and3A_2995 = arith.constant 127 : i32
    %and3A_2996 = arith.andi %reduce_sum3A_2992, %and3A_2995 : i32
    %get3A_2997 = arith.index_cast %shift_right_logical3A_2994 : i32 to index
    %get3A_2998 = arith.constant 0 : index
    %get3A_2999 = vector.load %arg12[%get3A_2997, %get3A_2998] : memref<40x128xf32, #tpu.memory_space<vmem>>, vector<1x128xf32>
    %broadcast_in_dim3A_3000 = arith.constant 0.000000e+00 : f32
    %broadcast_in_dim3A_3001 = vector.broadcast %broadcast_in_dim3A_3000 : f32 to vector<1x128xf32>
    %eq3A_3002 = vector.broadcast %and3A_2996 : i32 to vector<1x128xi32>
    %eq3A_3003 = arith.cmpi eq, %iota3A, %eq3A_3002 : vector<1x128xi32>
    %select_n3A_3004 = arith.select %eq3A_3003, %get3A_2999, %broadcast_in_dim3A_3001 : vector<1x128xi1>, vector<1x128xf32>
    %reduce_sum3A_3005 = vector.shape_cast %select_n3A_3004 : vector<1x128xf32> to vector<1x1x128xf32>
    %reduce_sum3A_3006 = arith.constant dense<0.000000e+00> : vector<1xf32>
    %reduce_sum3A_3007 = vector.multi_reduction <add>, %reduce_sum3A_3005, %reduce_sum3A_3006 [1, 2] : vector<1x1x128xf32> to vector<1xf32>
    %reduce_sum3A_3008 = vector.shape_cast %reduce_sum3A_3007 : vector<1xf32> to vector<1x1x1xf32>
    %reduce_sum3A_3009 = vector.extract %reduce_sum3A_3008[0, 0, 0] : f32 from vector<1x1x1xf32>
    %neg3A_3010 = arith.constant 0.000000e+00 : f32
    %neg3A_3011 = arith.subf %neg3A_3010, %reduce_sum3A_3009 : f32
    %exp3A_3012 = math.exp %neg3A_3011 : f32
    %add3A_3013 = arith.constant 1.000000e+00 : f32
    %add3A_3014 = arith.addf %add3A_3013, %exp3A_3012 : f32
    %div3A_3015 = arith.constant 1.000000e+00 : f32
    %div3A_3016 = arith.divf %div3A_3015, %add3A_3014 : f32
    %eq3A_3017 = arith.constant 0 : i32
    %eq3A_3018 = vector.broadcast %eq3A_3017 : i32 to vector<1x128xi32>
    %eq3A_3019 = arith.cmpi eq, %iota3A, %eq3A_3018 : vector<1x128xi32>
    %convert_element_type3A_3020 = arith.sitofp %reduce_sum3A_2992 : i32 to f32
    %jit3A_3021 = arith.constant 0.000000e+00 : f32
    %broadcast_in_dim3A_3022 = vector.broadcast %convert_element_type3A_3020 : f32 to vector<1x128xf32>
    %broadcast_in_dim3A_3023 = vector.broadcast %jit3A_3021 : f32 to vector<1x128xf32>
    %select_n3A_3024 = arith.select %eq3A_3019, %broadcast_in_dim3A_3022, %broadcast_in_dim3A_3023 : vector<1x128xi1>, vector<1x128xf32>
    %eq3A_3025 = arith.constant 1 : i32
    %eq3A_3026 = vector.broadcast %eq3A_3025 : i32 to vector<1x128xi32>
    %eq3A_3027 = arith.cmpi eq, %iota3A, %eq3A_3026 : vector<1x128xi32>
    %jit3A_3028 = arith.constant 0.000000e+00 : f32
    %broadcast_in_dim3A_3029 = vector.broadcast %div3A_3016 : f32 to vector<1x128xf32>
    %broadcast_in_dim3A_3030 = vector.broadcast %jit3A_3028 : f32 to vector<1x128xf32>
    %select_n3A_3031 = arith.select %eq3A_3027, %broadcast_in_dim3A_3029, %broadcast_in_dim3A_3030 : vector<1x128xi1>, vector<1x128xf32>
    %add3A_3032 = arith.addf %select_n3A_3024, %select_n3A_3031 : vector<1x128xf32>
    %eq3A_3033 = arith.constant 2 : i32
    %eq3A_3034 = vector.broadcast %eq3A_3033 : i32 to vector<1x128xi32>
    %eq3A_3035 = arith.cmpi eq, %iota3A, %eq3A_3034 : vector<1x128xi32>
    %get3A_3036 = arith.index_cast %shift_right_logical3A_2994 : i32 to index
    %get3A_3037 = arith.constant 0 : index
    %get3A_3038 = vector.load %arg8[%get3A_3036, %get3A_3037] : memref<40x128xf32, #tpu.memory_space<vmem>>, vector<1x128xf32>
    %broadcast_in_dim3A_3039 = arith.constant 0.000000e+00 : f32
    %broadcast_in_dim3A_3040 = vector.broadcast %broadcast_in_dim3A_3039 : f32 to vector<1x128xf32>
    %eq3A_3041 = vector.broadcast %and3A_2996 : i32 to vector<1x128xi32>
    %eq3A_3042 = arith.cmpi eq, %iota3A, %eq3A_3041 : vector<1x128xi32>
    %select_n3A_3043 = arith.select %eq3A_3042, %get3A_3038, %broadcast_in_dim3A_3040 : vector<1x128xi1>, vector<1x128xf32>
    %reduce_sum3A_3044 = vector.shape_cast %select_n3A_3043 : vector<1x128xf32> to vector<1x1x128xf32>
    %reduce_sum3A_3045 = arith.constant dense<0.000000e+00> : vector<1xf32>
    %reduce_sum3A_3046 = vector.multi_reduction <add>, %reduce_sum3A_3044, %reduce_sum3A_3045 [1, 2] : vector<1x1x128xf32> to vector<1xf32>
    %reduce_sum3A_3047 = vector.shape_cast %reduce_sum3A_3046 : vector<1xf32> to vector<1x1x1xf32>
    %reduce_sum3A_3048 = vector.extract %reduce_sum3A_3047[0, 0, 0] : f32 from vector<1x1x1xf32>
    %jit3A_3049 = arith.constant 0.000000e+00 : f32
    %broadcast_in_dim3A_3050 = vector.broadcast %reduce_sum3A_3048 : f32 to vector<1x128xf32>
    %broadcast_in_dim3A_3051 = vector.broadcast %jit3A_3049 : f32 to vector<1x128xf32>
    %select_n3A_3052 = arith.select %eq3A_3035, %broadcast_in_dim3A_3050, %broadcast_in_dim3A_3051 : vector<1x128xi1>, vector<1x128xf32>
    %add3A_3053 = arith.addf %add3A_3032, %select_n3A_3052 : vector<1x128xf32>
    %eq3A_3054 = arith.constant 3 : i32
    %eq3A_3055 = vector.broadcast %eq3A_3054 : i32 to vector<1x128xi32>
    %eq3A_3056 = arith.cmpi eq, %iota3A, %eq3A_3055 : vector<1x128xi32>
    %get3A_3057 = arith.index_cast %shift_right_logical3A_2994 : i32 to index
    %get3A_3058 = arith.constant 0 : index
    %get3A_3059 = vector.load %arg9[%get3A_3057, %get3A_3058] : memref<40x128xf32, #tpu.memory_space<vmem>>, vector<1x128xf32>
    %broadcast_in_dim3A_3060 = arith.constant 0.000000e+00 : f32
    %broadcast_in_dim3A_3061 = vector.broadcast %broadcast_in_dim3A_3060 : f32 to vector<1x128xf32>
    %eq3A_3062 = vector.broadcast %and3A_2996 : i32 to vector<1x128xi32>
    %eq3A_3063 = arith.cmpi eq, %iota3A, %eq3A_3062 : vector<1x128xi32>
    %select_n3A_3064 = arith.select %eq3A_3063, %get3A_3059, %broadcast_in_dim3A_3061 : vector<1x128xi1>, vector<1x128xf32>
    %reduce_sum3A_3065 = vector.shape_cast %select_n3A_3064 : vector<1x128xf32> to vector<1x1x128xf32>
    %reduce_sum3A_3066 = arith.constant dense<0.000000e+00> : vector<1xf32>
    %reduce_sum3A_3067 = vector.multi_reduction <add>, %reduce_sum3A_3065, %reduce_sum3A_3066 [1, 2] : vector<1x1x128xf32> to vector<1xf32>
    %reduce_sum3A_3068 = vector.shape_cast %reduce_sum3A_3067 : vector<1xf32> to vector<1x1x1xf32>
    %reduce_sum3A_3069 = vector.extract %reduce_sum3A_3068[0, 0, 0] : f32 from vector<1x1x1xf32>
    %jit3A_3070 = arith.constant 0.000000e+00 : f32
    %broadcast_in_dim3A_3071 = vector.broadcast %reduce_sum3A_3069 : f32 to vector<1x128xf32>
    %broadcast_in_dim3A_3072 = vector.broadcast %jit3A_3070 : f32 to vector<1x128xf32>
    %select_n3A_3073 = arith.select %eq3A_3056, %broadcast_in_dim3A_3071, %broadcast_in_dim3A_3072 : vector<1x128xi1>, vector<1x128xf32>
    %add3A_3074 = arith.addf %add3A_3053, %select_n3A_3073 : vector<1x128xf32>
    %eq3A_3075 = arith.constant 4 : i32
    %eq3A_3076 = vector.broadcast %eq3A_3075 : i32 to vector<1x128xi32>
    %eq3A_3077 = arith.cmpi eq, %iota3A, %eq3A_3076 : vector<1x128xi32>
    %get3A_3078 = arith.index_cast %shift_right_logical3A_2994 : i32 to index
    %get3A_3079 = arith.constant 0 : index
    %get3A_3080 = vector.load %arg10[%get3A_3078, %get3A_3079] : memref<40x128xf32, #tpu.memory_space<vmem>>, vector<1x128xf32>
    %broadcast_in_dim3A_3081 = arith.constant 0.000000e+00 : f32
    %broadcast_in_dim3A_3082 = vector.broadcast %broadcast_in_dim3A_3081 : f32 to vector<1x128xf32>
    %eq3A_3083 = vector.broadcast %and3A_2996 : i32 to vector<1x128xi32>
    %eq3A_3084 = arith.cmpi eq, %iota3A, %eq3A_3083 : vector<1x128xi32>
    %select_n3A_3085 = arith.select %eq3A_3084, %get3A_3080, %broadcast_in_dim3A_3082 : vector<1x128xi1>, vector<1x128xf32>
    %reduce_sum3A_3086 = vector.shape_cast %select_n3A_3085 : vector<1x128xf32> to vector<1x1x128xf32>
    %reduce_sum3A_3087 = arith.constant dense<0.000000e+00> : vector<1xf32>
    %reduce_sum3A_3088 = vector.multi_reduction <add>, %reduce_sum3A_3086, %reduce_sum3A_3087 [1, 2] : vector<1x1x128xf32> to vector<1xf32>
    %reduce_sum3A_3089 = vector.shape_cast %reduce_sum3A_3088 : vector<1xf32> to vector<1x1x1xf32>
    %reduce_sum3A_3090 = vector.extract %reduce_sum3A_3089[0, 0, 0] : f32 from vector<1x1x1xf32>
    %jit3A_3091 = arith.constant 0.000000e+00 : f32
    %broadcast_in_dim3A_3092 = vector.broadcast %reduce_sum3A_3090 : f32 to vector<1x128xf32>
    %broadcast_in_dim3A_3093 = vector.broadcast %jit3A_3091 : f32 to vector<1x128xf32>
    %select_n3A_3094 = arith.select %eq3A_3077, %broadcast_in_dim3A_3092, %broadcast_in_dim3A_3093 : vector<1x128xi1>, vector<1x128xf32>
    %add3A_3095 = arith.addf %add3A_3074, %select_n3A_3094 : vector<1x128xf32>
    %eq3A_3096 = arith.constant 5 : i32
    %eq3A_3097 = vector.broadcast %eq3A_3096 : i32 to vector<1x128xi32>
    %eq3A_3098 = arith.cmpi eq, %iota3A, %eq3A_3097 : vector<1x128xi32>
    %get3A_3099 = arith.index_cast %shift_right_logical3A_2994 : i32 to index
    %get3A_3100 = arith.constant 0 : index
    %get3A_3101 = vector.load %arg11[%get3A_3099, %get3A_3100] : memref<40x128xf32, #tpu.memory_space<vmem>>, vector<1x128xf32>
    %broadcast_in_dim3A_3102 = arith.constant 0.000000e+00 : f32
    %broadcast_in_dim3A_3103 = vector.broadcast %broadcast_in_dim3A_3102 : f32 to vector<1x128xf32>
    %eq3A_3104 = vector.broadcast %and3A_2996 : i32 to vector<1x128xi32>
    %eq3A_3105 = arith.cmpi eq, %iota3A, %eq3A_3104 : vector<1x128xi32>
    %select_n3A_3106 = arith.select %eq3A_3105, %get3A_3101, %broadcast_in_dim3A_3103 : vector<1x128xi1>, vector<1x128xf32>
    %reduce_sum3A_3107 = vector.shape_cast %select_n3A_3106 : vector<1x128xf32> to vector<1x1x128xf32>
    %reduce_sum3A_3108 = arith.constant dense<0.000000e+00> : vector<1xf32>
    %reduce_sum3A_3109 = vector.multi_reduction <add>, %reduce_sum3A_3107, %reduce_sum3A_3108 [1, 2] : vector<1x1x128xf32> to vector<1xf32>
    %reduce_sum3A_3110 = vector.shape_cast %reduce_sum3A_3109 : vector<1xf32> to vector<1x1x1xf32>
    %reduce_sum3A_3111 = vector.extract %reduce_sum3A_3110[0, 0, 0] : f32 from vector<1x1x1xf32>
    %jit3A_3112 = arith.constant 0.000000e+00 : f32
    %broadcast_in_dim3A_3113 = vector.broadcast %reduce_sum3A_3111 : f32 to vector<1x128xf32>
    %broadcast_in_dim3A_3114 = vector.broadcast %jit3A_3112 : f32 to vector<1x128xf32>
    %select_n3A_3115 = arith.select %eq3A_3098, %broadcast_in_dim3A_3113, %broadcast_in_dim3A_3114 : vector<1x128xi1>, vector<1x128xf32>
    %add3A_3116 = arith.addf %add3A_3095, %select_n3A_3115 : vector<1x128xf32>
    %swap3A_3117 = arith.constant 21 : index
    %swap3A_3118 = arith.constant 0 : index
    %swap3A_3119 = vector.load %arg13[%swap3A_3117, %swap3A_3118] : memref<30x128xf32, #tpu.memory_space<vmem>>, vector<1x128xf32>
    tpu.vector_store %arg13[%swap3A_3117, %swap3A_3118], %add3A_3116 {strides = array<i32>} : memref<30x128xf32, #tpu.memory_space<vmem>>, vector<1x128xf32>,
    %get3A_3120 = arith.constant 0 : index
    %get3A_3121 = arith.constant 0 : index
    %get3A_3122 = vector.load %arg16[%get3A_3120, %get3A_3121] : memref<8x128xi32, #tpu.memory_space<vmem>>, vector<1x128xi32>
    %broadcast_in_dim3A_3123 = arith.constant 0 : i32
    %broadcast_in_dim3A_3124 = vector.broadcast %broadcast_in_dim3A_3123 : i32 to vector<1x128xi32>
    %eq3A_3125 = arith.constant 7 : i32
    %eq3A_3126 = vector.broadcast %eq3A_3125 : i32 to vector<1x128xi32>
    %eq3A_3127 = arith.cmpi eq, %iota3A, %eq3A_3126 : vector<1x128xi32>
    %select_n3A_3128 = arith.select %eq3A_3127, %get3A_3122, %broadcast_in_dim3A_3124 : vector<1x128xi1>, vector<1x128xi32>
    %reduce_sum3A_3129 = vector.shape_cast %select_n3A_3128 : vector<1x128xi32> to vector<1x1x128xi32>
    %reduce_sum3A_3130 = arith.constant dense<0> : vector<1xi32>
    %reduce_sum3A_3131 = vector.multi_reduction <add>, %reduce_sum3A_3129, %reduce_sum3A_3130 [1, 2] : vector<1x1x128xi32> to vector<1xi32>
    %reduce_sum3A_3132 = vector.shape_cast %reduce_sum3A_3131 : vector<1xi32> to vector<1x1x1xi32>
    %reduce_sum3A_3133 = vector.extract %reduce_sum3A_3132[0, 0, 0] : i32 from vector<1x1x1xi32>
    %shift_right_logical3A_3134 = arith.constant 7 : i32
    %shift_right_logical3A_3135 = arith.shrui %reduce_sum3A_3133, %shift_right_logical3A_3134 : i32
    %and3A_3136 = arith.constant 127 : i32
    %and3A_3137 = arith.andi %reduce_sum3A_3133, %and3A_3136 : i32
    %get3A_3138 = arith.index_cast %shift_right_logical3A_3135 : i32 to index
    %get3A_3139 = arith.constant 0 : index
    %get3A_3140 = vector.load %arg12[%get3A_3138, %get3A_3139] : memref<40x128xf32, #tpu.memory_space<vmem>>, vector<1x128xf32>
    %broadcast_in_dim3A_3141 = arith.constant 0.000000e+00 : f32
    %broadcast_in_dim3A_3142 = vector.broadcast %broadcast_in_dim3A_3141 : f32 to vector<1x128xf32>
    %eq3A_3143 = vector.broadcast %and3A_3137 : i32 to vector<1x128xi32>
    %eq3A_3144 = arith.cmpi eq, %iota3A, %eq3A_3143 : vector<1x128xi32>
    %select_n3A_3145 = arith.select %eq3A_3144, %get3A_3140, %broadcast_in_dim3A_3142 : vector<1x128xi1>, vector<1x128xf32>
    %reduce_sum3A_3146 = vector.shape_cast %select_n3A_3145 : vector<1x128xf32> to vector<1x1x128xf32>
    %reduce_sum3A_3147 = arith.constant dense<0.000000e+00> : vector<1xf32>
    %reduce_sum3A_3148 = vector.multi_reduction <add>, %reduce_sum3A_3146, %reduce_sum3A_3147 [1, 2] : vector<1x1x128xf32> to vector<1xf32>
    %reduce_sum3A_3149 = vector.shape_cast %reduce_sum3A_3148 : vector<1xf32> to vector<1x1x1xf32>
    %reduce_sum3A_3150 = vector.extract %reduce_sum3A_3149[0, 0, 0] : f32 from vector<1x1x1xf32>
    %neg3A_3151 = arith.constant 0.000000e+00 : f32
    %neg3A_3152 = arith.subf %neg3A_3151, %reduce_sum3A_3150 : f32
    %exp3A_3153 = math.exp %neg3A_3152 : f32
    %add3A_3154 = arith.constant 1.000000e+00 : f32
    %add3A_3155 = arith.addf %add3A_3154, %exp3A_3153 : f32
    %div3A_3156 = arith.constant 1.000000e+00 : f32
    %div3A_3157 = arith.divf %div3A_3156, %add3A_3155 : f32
    %eq3A_3158 = arith.constant 0 : i32
    %eq3A_3159 = vector.broadcast %eq3A_3158 : i32 to vector<1x128xi32>
    %eq3A_3160 = arith.cmpi eq, %iota3A, %eq3A_3159 : vector<1x128xi32>
    %convert_element_type3A_3161 = arith.sitofp %reduce_sum3A_3133 : i32 to f32
    %jit3A_3162 = arith.constant 0.000000e+00 : f32
    %broadcast_in_dim3A_3163 = vector.broadcast %convert_element_type3A_3161 : f32 to vector<1x128xf32>
    %broadcast_in_dim3A_3164 = vector.broadcast %jit3A_3162 : f32 to vector<1x128xf32>
    %select_n3A_3165 = arith.select %eq3A_3160, %broadcast_in_dim3A_3163, %broadcast_in_dim3A_3164 : vector<1x128xi1>, vector<1x128xf32>
    %eq3A_3166 = arith.constant 1 : i32
    %eq3A_3167 = vector.broadcast %eq3A_3166 : i32 to vector<1x128xi32>
    %eq3A_3168 = arith.cmpi eq, %iota3A, %eq3A_3167 : vector<1x128xi32>
    %jit3A_3169 = arith.constant 0.000000e+00 : f32
    %broadcast_in_dim3A_3170 = vector.broadcast %div3A_3157 : f32 to vector<1x128xf32>
    %broadcast_in_dim3A_3171 = vector.broadcast %jit3A_3169 : f32 to vector<1x128xf32>
    %select_n3A_3172 = arith.select %eq3A_3168, %broadcast_in_dim3A_3170, %broadcast_in_dim3A_3171 : vector<1x128xi1>, vector<1x128xf32>
    %add3A_3173 = arith.addf %select_n3A_3165, %select_n3A_3172 : vector<1x128xf32>
    %eq3A_3174 = arith.constant 2 : i32
    %eq3A_3175 = vector.broadcast %eq3A_3174 : i32 to vector<1x128xi32>
    %eq3A_3176 = arith.cmpi eq, %iota3A, %eq3A_3175 : vector<1x128xi32>
    %get3A_3177 = arith.index_cast %shift_right_logical3A_3135 : i32 to index
    %get3A_3178 = arith.constant 0 : index
    %get3A_3179 = vector.load %arg8[%get3A_3177, %get3A_3178] : memref<40x128xf32, #tpu.memory_space<vmem>>, vector<1x128xf32>
    %broadcast_in_dim3A_3180 = arith.constant 0.000000e+00 : f32
    %broadcast_in_dim3A_3181 = vector.broadcast %broadcast_in_dim3A_3180 : f32 to vector<1x128xf32>
    %eq3A_3182 = vector.broadcast %and3A_3137 : i32 to vector<1x128xi32>
    %eq3A_3183 = arith.cmpi eq, %iota3A, %eq3A_3182 : vector<1x128xi32>
    %select_n3A_3184 = arith.select %eq3A_3183, %get3A_3179, %broadcast_in_dim3A_3181 : vector<1x128xi1>, vector<1x128xf32>
    %reduce_sum3A_3185 = vector.shape_cast %select_n3A_3184 : vector<1x128xf32> to vector<1x1x128xf32>
    %reduce_sum3A_3186 = arith.constant dense<0.000000e+00> : vector<1xf32>
    %reduce_sum3A_3187 = vector.multi_reduction <add>, %reduce_sum3A_3185, %reduce_sum3A_3186 [1, 2] : vector<1x1x128xf32> to vector<1xf32>
    %reduce_sum3A_3188 = vector.shape_cast %reduce_sum3A_3187 : vector<1xf32> to vector<1x1x1xf32>
    %reduce_sum3A_3189 = vector.extract %reduce_sum3A_3188[0, 0, 0] : f32 from vector<1x1x1xf32>
    %jit3A_3190 = arith.constant 0.000000e+00 : f32
    %broadcast_in_dim3A_3191 = vector.broadcast %reduce_sum3A_3189 : f32 to vector<1x128xf32>
    %broadcast_in_dim3A_3192 = vector.broadcast %jit3A_3190 : f32 to vector<1x128xf32>
    %select_n3A_3193 = arith.select %eq3A_3176, %broadcast_in_dim3A_3191, %broadcast_in_dim3A_3192 : vector<1x128xi1>, vector<1x128xf32>
    %add3A_3194 = arith.addf %add3A_3173, %select_n3A_3193 : vector<1x128xf32>
    %eq3A_3195 = arith.constant 3 : i32
    %eq3A_3196 = vector.broadcast %eq3A_3195 : i32 to vector<1x128xi32>
    %eq3A_3197 = arith.cmpi eq, %iota3A, %eq3A_3196 : vector<1x128xi32>
    %get3A_3198 = arith.index_cast %shift_right_logical3A_3135 : i32 to index
    %get3A_3199 = arith.constant 0 : index
    %get3A_3200 = vector.load %arg9[%get3A_3198, %get3A_3199] : memref<40x128xf32, #tpu.memory_space<vmem>>, vector<1x128xf32>
    %broadcast_in_dim3A_3201 = arith.constant 0.000000e+00 : f32
    %broadcast_in_dim3A_3202 = vector.broadcast %broadcast_in_dim3A_3201 : f32 to vector<1x128xf32>
    %eq3A_3203 = vector.broadcast %and3A_3137 : i32 to vector<1x128xi32>
    %eq3A_3204 = arith.cmpi eq, %iota3A, %eq3A_3203 : vector<1x128xi32>
    %select_n3A_3205 = arith.select %eq3A_3204, %get3A_3200, %broadcast_in_dim3A_3202 : vector<1x128xi1>, vector<1x128xf32>
    %reduce_sum3A_3206 = vector.shape_cast %select_n3A_3205 : vector<1x128xf32> to vector<1x1x128xf32>
    %reduce_sum3A_3207 = arith.constant dense<0.000000e+00> : vector<1xf32>
    %reduce_sum3A_3208 = vector.multi_reduction <add>, %reduce_sum3A_3206, %reduce_sum3A_3207 [1, 2] : vector<1x1x128xf32> to vector<1xf32>
    %reduce_sum3A_3209 = vector.shape_cast %reduce_sum3A_3208 : vector<1xf32> to vector<1x1x1xf32>
    %reduce_sum3A_3210 = vector.extract %reduce_sum3A_3209[0, 0, 0] : f32 from vector<1x1x1xf32>
    %jit3A_3211 = arith.constant 0.000000e+00 : f32
    %broadcast_in_dim3A_3212 = vector.broadcast %reduce_sum3A_3210 : f32 to vector<1x128xf32>
    %broadcast_in_dim3A_3213 = vector.broadcast %jit3A_3211 : f32 to vector<1x128xf32>
    %select_n3A_3214 = arith.select %eq3A_3197, %broadcast_in_dim3A_3212, %broadcast_in_dim3A_3213 : vector<1x128xi1>, vector<1x128xf32>
    %add3A_3215 = arith.addf %add3A_3194, %select_n3A_3214 : vector<1x128xf32>
    %eq3A_3216 = arith.constant 4 : i32
    %eq3A_3217 = vector.broadcast %eq3A_3216 : i32 to vector<1x128xi32>
    %eq3A_3218 = arith.cmpi eq, %iota3A, %eq3A_3217 : vector<1x128xi32>
    %get3A_3219 = arith.index_cast %shift_right_logical3A_3135 : i32 to index
    %get3A_3220 = arith.constant 0 : index
    %get3A_3221 = vector.load %arg10[%get3A_3219, %get3A_3220] : memref<40x128xf32, #tpu.memory_space<vmem>>, vector<1x128xf32>
    %broadcast_in_dim3A_3222 = arith.constant 0.000000e+00 : f32
    %broadcast_in_dim3A_3223 = vector.broadcast %broadcast_in_dim3A_3222 : f32 to vector<1x128xf32>
    %eq3A_3224 = vector.broadcast %and3A_3137 : i32 to vector<1x128xi32>
    %eq3A_3225 = arith.cmpi eq, %iota3A, %eq3A_3224 : vector<1x128xi32>
    %select_n3A_3226 = arith.select %eq3A_3225, %get3A_3221, %broadcast_in_dim3A_3223 : vector<1x128xi1>, vector<1x128xf32>
    %reduce_sum3A_3227 = vector.shape_cast %select_n3A_3226 : vector<1x128xf32> to vector<1x1x128xf32>
    %reduce_sum3A_3228 = arith.constant dense<0.000000e+00> : vector<1xf32>
    %reduce_sum3A_3229 = vector.multi_reduction <add>, %reduce_sum3A_3227, %reduce_sum3A_3228 [1, 2] : vector<1x1x128xf32> to vector<1xf32>
    %reduce_sum3A_3230 = vector.shape_cast %reduce_sum3A_3229 : vector<1xf32> to vector<1x1x1xf32>
    %reduce_sum3A_3231 = vector.extract %reduce_sum3A_3230[0, 0, 0] : f32 from vector<1x1x1xf32>
    %jit3A_3232 = arith.constant 0.000000e+00 : f32
    %broadcast_in_dim3A_3233 = vector.broadcast %reduce_sum3A_3231 : f32 to vector<1x128xf32>
    %broadcast_in_dim3A_3234 = vector.broadcast %jit3A_3232 : f32 to vector<1x128xf32>
    %select_n3A_3235 = arith.select %eq3A_3218, %broadcast_in_dim3A_3233, %broadcast_in_dim3A_3234 : vector<1x128xi1>, vector<1x128xf32>
    %add3A_3236 = arith.addf %add3A_3215, %select_n3A_3235 : vector<1x128xf32>
    %eq3A_3237 = arith.constant 5 : i32
    %eq3A_3238 = vector.broadcast %eq3A_3237 : i32 to vector<1x128xi32>
    %eq3A_3239 = arith.cmpi eq, %iota3A, %eq3A_3238 : vector<1x128xi32>
    %get3A_3240 = arith.index_cast %shift_right_logical3A_3135 : i32 to index
    %get3A_3241 = arith.constant 0 : index
    %get3A_3242 = vector.load %arg11[%get3A_3240, %get3A_3241] : memref<40x128xf32, #tpu.memory_space<vmem>>, vector<1x128xf32>
    %broadcast_in_dim3A_3243 = arith.constant 0.000000e+00 : f32
    %broadcast_in_dim3A_3244 = vector.broadcast %broadcast_in_dim3A_3243 : f32 to vector<1x128xf32>
    %eq3A_3245 = vector.broadcast %and3A_3137 : i32 to vector<1x128xi32>
    %eq3A_3246 = arith.cmpi eq, %iota3A, %eq3A_3245 : vector<1x128xi32>
    %select_n3A_3247 = arith.select %eq3A_3246, %get3A_3242, %broadcast_in_dim3A_3244 : vector<1x128xi1>, vector<1x128xf32>
    %reduce_sum3A_3248 = vector.shape_cast %select_n3A_3247 : vector<1x128xf32> to vector<1x1x128xf32>
    %reduce_sum3A_3249 = arith.constant dense<0.000000e+00> : vector<1xf32>
    %reduce_sum3A_3250 = vector.multi_reduction <add>, %reduce_sum3A_3248, %reduce_sum3A_3249 [1, 2] : vector<1x1x128xf32> to vector<1xf32>
    %reduce_sum3A_3251 = vector.shape_cast %reduce_sum3A_3250 : vector<1xf32> to vector<1x1x1xf32>
    %reduce_sum3A_3252 = vector.extract %reduce_sum3A_3251[0, 0, 0] : f32 from vector<1x1x1xf32>
    %jit3A_3253 = arith.constant 0.000000e+00 : f32
    %broadcast_in_dim3A_3254 = vector.broadcast %reduce_sum3A_3252 : f32 to vector<1x128xf32>
    %broadcast_in_dim3A_3255 = vector.broadcast %jit3A_3253 : f32 to vector<1x128xf32>
    %select_n3A_3256 = arith.select %eq3A_3239, %broadcast_in_dim3A_3254, %broadcast_in_dim3A_3255 : vector<1x128xi1>, vector<1x128xf32>
    %add3A_3257 = arith.addf %add3A_3236, %select_n3A_3256 : vector<1x128xf32>
    %swap3A_3258 = arith.constant 22 : index
    %swap3A_3259 = arith.constant 0 : index
    %swap3A_3260 = vector.load %arg13[%swap3A_3258, %swap3A_3259] : memref<30x128xf32, #tpu.memory_space<vmem>>, vector<1x128xf32>
    tpu.vector_store %arg13[%swap3A_3258, %swap3A_3259], %add3A_3257 {strides = array<i32>} : memref<30x128xf32, #tpu.memory_space<vmem>>, vector<1x128xf32>,
    %get3A_3261 = arith.constant 0 : index
    %get3A_3262 = arith.constant 0 : index
    %get3A_3263 = vector.load %arg16[%get3A_3261, %get3A_3262] : memref<8x128xi32, #tpu.memory_space<vmem>>, vector<1x128xi32>
    %broadcast_in_dim3A_3264 = arith.constant 0 : i32
    %broadcast_in_dim3A_3265 = vector.broadcast %broadcast_in_dim3A_3264 : i32 to vector<1x128xi32>
    %eq3A_3266 = arith.constant 8 : i32
    %eq3A_3267 = vector.broadcast %eq3A_3266 : i32 to vector<1x128xi32>
    %eq3A_3268 = arith.cmpi eq, %iota3A, %eq3A_3267 : vector<1x128xi32>
    %select_n3A_3269 = arith.select %eq3A_3268, %get3A_3263, %broadcast_in_dim3A_3265 : vector<1x128xi1>, vector<1x128xi32>
    %reduce_sum3A_3270 = vector.shape_cast %select_n3A_3269 : vector<1x128xi32> to vector<1x1x128xi32>
    %reduce_sum3A_3271 = arith.constant dense<0> : vector<1xi32>
    %reduce_sum3A_3272 = vector.multi_reduction <add>, %reduce_sum3A_3270, %reduce_sum3A_3271 [1, 2] : vector<1x1x128xi32> to vector<1xi32>
    %reduce_sum3A_3273 = vector.shape_cast %reduce_sum3A_3272 : vector<1xi32> to vector<1x1x1xi32>
    %reduce_sum3A_3274 = vector.extract %reduce_sum3A_3273[0, 0, 0] : i32 from vector<1x1x1xi32>
    %shift_right_logical3A_3275 = arith.constant 7 : i32
    %shift_right_logical3A_3276 = arith.shrui %reduce_sum3A_3274, %shift_right_logical3A_3275 : i32
    %and3A_3277 = arith.constant 127 : i32
    %and3A_3278 = arith.andi %reduce_sum3A_3274, %and3A_3277 : i32
    %get3A_3279 = arith.index_cast %shift_right_logical3A_3276 : i32 to index
    %get3A_3280 = arith.constant 0 : index
    %get3A_3281 = vector.load %arg12[%get3A_3279, %get3A_3280] : memref<40x128xf32, #tpu.memory_space<vmem>>, vector<1x128xf32>
    %broadcast_in_dim3A_3282 = arith.constant 0.000000e+00 : f32
    %broadcast_in_dim3A_3283 = vector.broadcast %broadcast_in_dim3A_3282 : f32 to vector<1x128xf32>
    %eq3A_3284 = vector.broadcast %and3A_3278 : i32 to vector<1x128xi32>
    %eq3A_3285 = arith.cmpi eq, %iota3A, %eq3A_3284 : vector<1x128xi32>
    %select_n3A_3286 = arith.select %eq3A_3285, %get3A_3281, %broadcast_in_dim3A_3283 : vector<1x128xi1>, vector<1x128xf32>
    %reduce_sum3A_3287 = vector.shape_cast %select_n3A_3286 : vector<1x128xf32> to vector<1x1x128xf32>
    %reduce_sum3A_3288 = arith.constant dense<0.000000e+00> : vector<1xf32>
    %reduce_sum3A_3289 = vector.multi_reduction <add>, %reduce_sum3A_3287, %reduce_sum3A_3288 [1, 2] : vector<1x1x128xf32> to vector<1xf32>
    %reduce_sum3A_3290 = vector.shape_cast %reduce_sum3A_3289 : vector<1xf32> to vector<1x1x1xf32>
    %reduce_sum3A_3291 = vector.extract %reduce_sum3A_3290[0, 0, 0] : f32 from vector<1x1x1xf32>
    %neg3A_3292 = arith.constant 0.000000e+00 : f32
    %neg3A_3293 = arith.subf %neg3A_3292, %reduce_sum3A_3291 : f32
    %exp3A_3294 = math.exp %neg3A_3293 : f32
    %add3A_3295 = arith.constant 1.000000e+00 : f32
    %add3A_3296 = arith.addf %add3A_3295, %exp3A_3294 : f32
    %div3A_3297 = arith.constant 1.000000e+00 : f32
    %div3A_3298 = arith.divf %div3A_3297, %add3A_3296 : f32
    %eq3A_3299 = arith.constant 0 : i32
    %eq3A_3300 = vector.broadcast %eq3A_3299 : i32 to vector<1x128xi32>
    %eq3A_3301 = arith.cmpi eq, %iota3A, %eq3A_3300 : vector<1x128xi32>
    %convert_element_type3A_3302 = arith.sitofp %reduce_sum3A_3274 : i32 to f32
    %jit3A_3303 = arith.constant 0.000000e+00 : f32
    %broadcast_in_dim3A_3304 = vector.broadcast %convert_element_type3A_3302 : f32 to vector<1x128xf32>
    %broadcast_in_dim3A_3305 = vector.broadcast %jit3A_3303 : f32 to vector<1x128xf32>
    %select_n3A_3306 = arith.select %eq3A_3301, %broadcast_in_dim3A_3304, %broadcast_in_dim3A_3305 : vector<1x128xi1>, vector<1x128xf32>
    %eq3A_3307 = arith.constant 1 : i32
    %eq3A_3308 = vector.broadcast %eq3A_3307 : i32 to vector<1x128xi32>
    %eq3A_3309 = arith.cmpi eq, %iota3A, %eq3A_3308 : vector<1x128xi32>
    %jit3A_3310 = arith.constant 0.000000e+00 : f32
    %broadcast_in_dim3A_3311 = vector.broadcast %div3A_3298 : f32 to vector<1x128xf32>
    %broadcast_in_dim3A_3312 = vector.broadcast %jit3A_3310 : f32 to vector<1x128xf32>
    %select_n3A_3313 = arith.select %eq3A_3309, %broadcast_in_dim3A_3311, %broadcast_in_dim3A_3312 : vector<1x128xi1>, vector<1x128xf32>
    %add3A_3314 = arith.addf %select_n3A_3306, %select_n3A_3313 : vector<1x128xf32>
    %eq3A_3315 = arith.constant 2 : i32
    %eq3A_3316 = vector.broadcast %eq3A_3315 : i32 to vector<1x128xi32>
    %eq3A_3317 = arith.cmpi eq, %iota3A, %eq3A_3316 : vector<1x128xi32>
    %get3A_3318 = arith.index_cast %shift_right_logical3A_3276 : i32 to index
    %get3A_3319 = arith.constant 0 : index
    %get3A_3320 = vector.load %arg8[%get3A_3318, %get3A_3319] : memref<40x128xf32, #tpu.memory_space<vmem>>, vector<1x128xf32>
    %broadcast_in_dim3A_3321 = arith.constant 0.000000e+00 : f32
    %broadcast_in_dim3A_3322 = vector.broadcast %broadcast_in_dim3A_3321 : f32 to vector<1x128xf32>
    %eq3A_3323 = vector.broadcast %and3A_3278 : i32 to vector<1x128xi32>
    %eq3A_3324 = arith.cmpi eq, %iota3A, %eq3A_3323 : vector<1x128xi32>
    %select_n3A_3325 = arith.select %eq3A_3324, %get3A_3320, %broadcast_in_dim3A_3322 : vector<1x128xi1>, vector<1x128xf32>
    %reduce_sum3A_3326 = vector.shape_cast %select_n3A_3325 : vector<1x128xf32> to vector<1x1x128xf32>
    %reduce_sum3A_3327 = arith.constant dense<0.000000e+00> : vector<1xf32>
    %reduce_sum3A_3328 = vector.multi_reduction <add>, %reduce_sum3A_3326, %reduce_sum3A_3327 [1, 2] : vector<1x1x128xf32> to vector<1xf32>
    %reduce_sum3A_3329 = vector.shape_cast %reduce_sum3A_3328 : vector<1xf32> to vector<1x1x1xf32>
    %reduce_sum3A_3330 = vector.extract %reduce_sum3A_3329[0, 0, 0] : f32 from vector<1x1x1xf32>
    %jit3A_3331 = arith.constant 0.000000e+00 : f32
    %broadcast_in_dim3A_3332 = vector.broadcast %reduce_sum3A_3330 : f32 to vector<1x128xf32>
    %broadcast_in_dim3A_3333 = vector.broadcast %jit3A_3331 : f32 to vector<1x128xf32>
    %select_n3A_3334 = arith.select %eq3A_3317, %broadcast_in_dim3A_3332, %broadcast_in_dim3A_3333 : vector<1x128xi1>, vector<1x128xf32>
    %add3A_3335 = arith.addf %add3A_3314, %select_n3A_3334 : vector<1x128xf32>
    %eq3A_3336 = arith.constant 3 : i32
    %eq3A_3337 = vector.broadcast %eq3A_3336 : i32 to vector<1x128xi32>
    %eq3A_3338 = arith.cmpi eq, %iota3A, %eq3A_3337 : vector<1x128xi32>
    %get3A_3339 = arith.index_cast %shift_right_logical3A_3276 : i32 to index
    %get3A_3340 = arith.constant 0 : index
    %get3A_3341 = vector.load %arg9[%get3A_3339, %get3A_3340] : memref<40x128xf32, #tpu.memory_space<vmem>>, vector<1x128xf32>
    %broadcast_in_dim3A_3342 = arith.constant 0.000000e+00 : f32
    %broadcast_in_dim3A_3343 = vector.broadcast %broadcast_in_dim3A_3342 : f32 to vector<1x128xf32>
    %eq3A_3344 = vector.broadcast %and3A_3278 : i32 to vector<1x128xi32>
    %eq3A_3345 = arith.cmpi eq, %iota3A, %eq3A_3344 : vector<1x128xi32>
    %select_n3A_3346 = arith.select %eq3A_3345, %get3A_3341, %broadcast_in_dim3A_3343 : vector<1x128xi1>, vector<1x128xf32>
    %reduce_sum3A_3347 = vector.shape_cast %select_n3A_3346 : vector<1x128xf32> to vector<1x1x128xf32>
    %reduce_sum3A_3348 = arith.constant dense<0.000000e+00> : vector<1xf32>
    %reduce_sum3A_3349 = vector.multi_reduction <add>, %reduce_sum3A_3347, %reduce_sum3A_3348 [1, 2] : vector<1x1x128xf32> to vector<1xf32>
    %reduce_sum3A_3350 = vector.shape_cast %reduce_sum3A_3349 : vector<1xf32> to vector<1x1x1xf32>
    %reduce_sum3A_3351 = vector.extract %reduce_sum3A_3350[0, 0, 0] : f32 from vector<1x1x1xf32>
    %jit3A_3352 = arith.constant 0.000000e+00 : f32
    %broadcast_in_dim3A_3353 = vector.broadcast %reduce_sum3A_3351 : f32 to vector<1x128xf32>
    %broadcast_in_dim3A_3354 = vector.broadcast %jit3A_3352 : f32 to vector<1x128xf32>
    %select_n3A_3355 = arith.select %eq3A_3338, %broadcast_in_dim3A_3353, %broadcast_in_dim3A_3354 : vector<1x128xi1>, vector<1x128xf32>
    %add3A_3356 = arith.addf %add3A_3335, %select_n3A_3355 : vector<1x128xf32>
    %eq3A_3357 = arith.constant 4 : i32
    %eq3A_3358 = vector.broadcast %eq3A_3357 : i32 to vector<1x128xi32>
    %eq3A_3359 = arith.cmpi eq, %iota3A, %eq3A_3358 : vector<1x128xi32>
    %get3A_3360 = arith.index_cast %shift_right_logical3A_3276 : i32 to index
    %get3A_3361 = arith.constant 0 : index
    %get3A_3362 = vector.load %arg10[%get3A_3360, %get3A_3361] : memref<40x128xf32, #tpu.memory_space<vmem>>, vector<1x128xf32>
    %broadcast_in_dim3A_3363 = arith.constant 0.000000e+00 : f32
    %broadcast_in_dim3A_3364 = vector.broadcast %broadcast_in_dim3A_3363 : f32 to vector<1x128xf32>
    %eq3A_3365 = vector.broadcast %and3A_3278 : i32 to vector<1x128xi32>
    %eq3A_3366 = arith.cmpi eq, %iota3A, %eq3A_3365 : vector<1x128xi32>
    %select_n3A_3367 = arith.select %eq3A_3366, %get3A_3362, %broadcast_in_dim3A_3364 : vector<1x128xi1>, vector<1x128xf32>
    %reduce_sum3A_3368 = vector.shape_cast %select_n3A_3367 : vector<1x128xf32> to vector<1x1x128xf32>
    %reduce_sum3A_3369 = arith.constant dense<0.000000e+00> : vector<1xf32>
    %reduce_sum3A_3370 = vector.multi_reduction <add>, %reduce_sum3A_3368, %reduce_sum3A_3369 [1, 2] : vector<1x1x128xf32> to vector<1xf32>
    %reduce_sum3A_3371 = vector.shape_cast %reduce_sum3A_3370 : vector<1xf32> to vector<1x1x1xf32>
    %reduce_sum3A_3372 = vector.extract %reduce_sum3A_3371[0, 0, 0] : f32 from vector<1x1x1xf32>
    %jit3A_3373 = arith.constant 0.000000e+00 : f32
    %broadcast_in_dim3A_3374 = vector.broadcast %reduce_sum3A_3372 : f32 to vector<1x128xf32>
    %broadcast_in_dim3A_3375 = vector.broadcast %jit3A_3373 : f32 to vector<1x128xf32>
    %select_n3A_3376 = arith.select %eq3A_3359, %broadcast_in_dim3A_3374, %broadcast_in_dim3A_3375 : vector<1x128xi1>, vector<1x128xf32>
    %add3A_3377 = arith.addf %add3A_3356, %select_n3A_3376 : vector<1x128xf32>
    %eq3A_3378 = arith.constant 5 : i32
    %eq3A_3379 = vector.broadcast %eq3A_3378 : i32 to vector<1x128xi32>
    %eq3A_3380 = arith.cmpi eq, %iota3A, %eq3A_3379 : vector<1x128xi32>
    %get3A_3381 = arith.index_cast %shift_right_logical3A_3276 : i32 to index
    %get3A_3382 = arith.constant 0 : index
    %get3A_3383 = vector.load %arg11[%get3A_3381, %get3A_3382] : memref<40x128xf32, #tpu.memory_space<vmem>>, vector<1x128xf32>
    %broadcast_in_dim3A_3384 = arith.constant 0.000000e+00 : f32
    %broadcast_in_dim3A_3385 = vector.broadcast %broadcast_in_dim3A_3384 : f32 to vector<1x128xf32>
    %eq3A_3386 = vector.broadcast %and3A_3278 : i32 to vector<1x128xi32>
    %eq3A_3387 = arith.cmpi eq, %iota3A, %eq3A_3386 : vector<1x128xi32>
    %select_n3A_3388 = arith.select %eq3A_3387, %get3A_3383, %broadcast_in_dim3A_3385 : vector<1x128xi1>, vector<1x128xf32>
    %reduce_sum3A_3389 = vector.shape_cast %select_n3A_3388 : vector<1x128xf32> to vector<1x1x128xf32>
    %reduce_sum3A_3390 = arith.constant dense<0.000000e+00> : vector<1xf32>
    %reduce_sum3A_3391 = vector.multi_reduction <add>, %reduce_sum3A_3389, %reduce_sum3A_3390 [1, 2] : vector<1x1x128xf32> to vector<1xf32>
    %reduce_sum3A_3392 = vector.shape_cast %reduce_sum3A_3391 : vector<1xf32> to vector<1x1x1xf32>
    %reduce_sum3A_3393 = vector.extract %reduce_sum3A_3392[0, 0, 0] : f32 from vector<1x1x1xf32>
    %jit3A_3394 = arith.constant 0.000000e+00 : f32
    %broadcast_in_dim3A_3395 = vector.broadcast %reduce_sum3A_3393 : f32 to vector<1x128xf32>
    %broadcast_in_dim3A_3396 = vector.broadcast %jit3A_3394 : f32 to vector<1x128xf32>
    %select_n3A_3397 = arith.select %eq3A_3380, %broadcast_in_dim3A_3395, %broadcast_in_dim3A_3396 : vector<1x128xi1>, vector<1x128xf32>
    %add3A_3398 = arith.addf %add3A_3377, %select_n3A_3397 : vector<1x128xf32>
    %swap3A_3399 = arith.constant 23 : index
    %swap3A_3400 = arith.constant 0 : index
    %swap3A_3401 = vector.load %arg13[%swap3A_3399, %swap3A_3400] : memref<30x128xf32, #tpu.memory_space<vmem>>, vector<1x128xf32>
    tpu.vector_store %arg13[%swap3A_3399, %swap3A_3400], %add3A_3398 {strides = array<i32>} : memref<30x128xf32, #tpu.memory_space<vmem>>, vector<1x128xf32>,
    %get3A_3402 = arith.constant 0 : index
    %get3A_3403 = arith.constant 0 : index
    %get3A_3404 = vector.load %arg16[%get3A_3402, %get3A_3403] : memref<8x128xi32, #tpu.memory_space<vmem>>, vector<1x128xi32>
    %broadcast_in_dim3A_3405 = arith.constant 0 : i32
    %broadcast_in_dim3A_3406 = vector.broadcast %broadcast_in_dim3A_3405 : i32 to vector<1x128xi32>
    %eq3A_3407 = arith.constant 9 : i32
    %eq3A_3408 = vector.broadcast %eq3A_3407 : i32 to vector<1x128xi32>
    %eq3A_3409 = arith.cmpi eq, %iota3A, %eq3A_3408 : vector<1x128xi32>
    %select_n3A_3410 = arith.select %eq3A_3409, %get3A_3404, %broadcast_in_dim3A_3406 : vector<1x128xi1>, vector<1x128xi32>
    %reduce_sum3A_3411 = vector.shape_cast %select_n3A_3410 : vector<1x128xi32> to vector<1x1x128xi32>
    %reduce_sum3A_3412 = arith.constant dense<0> : vector<1xi32>
    %reduce_sum3A_3413 = vector.multi_reduction <add>, %reduce_sum3A_3411, %reduce_sum3A_3412 [1, 2] : vector<1x1x128xi32> to vector<1xi32>
    %reduce_sum3A_3414 = vector.shape_cast %reduce_sum3A_3413 : vector<1xi32> to vector<1x1x1xi32>
    %reduce_sum3A_3415 = vector.extract %reduce_sum3A_3414[0, 0, 0] : i32 from vector<1x1x1xi32>
    %shift_right_logical3A_3416 = arith.constant 7 : i32
    %shift_right_logical3A_3417 = arith.shrui %reduce_sum3A_3415, %shift_right_logical3A_3416 : i32
    %and3A_3418 = arith.constant 127 : i32
    %and3A_3419 = arith.andi %reduce_sum3A_3415, %and3A_3418 : i32
    %get3A_3420 = arith.index_cast %shift_right_logical3A_3417 : i32 to index
    %get3A_3421 = arith.constant 0 : index
    %get3A_3422 = vector.load %arg12[%get3A_3420, %get3A_3421] : memref<40x128xf32, #tpu.memory_space<vmem>>, vector<1x128xf32>
    %broadcast_in_dim3A_3423 = arith.constant 0.000000e+00 : f32
    %broadcast_in_dim3A_3424 = vector.broadcast %broadcast_in_dim3A_3423 : f32 to vector<1x128xf32>
    %eq3A_3425 = vector.broadcast %and3A_3419 : i32 to vector<1x128xi32>
    %eq3A_3426 = arith.cmpi eq, %iota3A, %eq3A_3425 : vector<1x128xi32>
    %select_n3A_3427 = arith.select %eq3A_3426, %get3A_3422, %broadcast_in_dim3A_3424 : vector<1x128xi1>, vector<1x128xf32>
    %reduce_sum3A_3428 = vector.shape_cast %select_n3A_3427 : vector<1x128xf32> to vector<1x1x128xf32>
    %reduce_sum3A_3429 = arith.constant dense<0.000000e+00> : vector<1xf32>
    %reduce_sum3A_3430 = vector.multi_reduction <add>, %reduce_sum3A_3428, %reduce_sum3A_3429 [1, 2] : vector<1x1x128xf32> to vector<1xf32>
    %reduce_sum3A_3431 = vector.shape_cast %reduce_sum3A_3430 : vector<1xf32> to vector<1x1x1xf32>
    %reduce_sum3A_3432 = vector.extract %reduce_sum3A_3431[0, 0, 0] : f32 from vector<1x1x1xf32>
    %neg3A_3433 = arith.constant 0.000000e+00 : f32
    %neg3A_3434 = arith.subf %neg3A_3433, %reduce_sum3A_3432 : f32
    %exp3A_3435 = math.exp %neg3A_3434 : f32
    %add3A_3436 = arith.constant 1.000000e+00 : f32
    %add3A_3437 = arith.addf %add3A_3436, %exp3A_3435 : f32
    %div3A_3438 = arith.constant 1.000000e+00 : f32
    %div3A_3439 = arith.divf %div3A_3438, %add3A_3437 : f32
    %eq3A_3440 = arith.constant 0 : i32
    %eq3A_3441 = vector.broadcast %eq3A_3440 : i32 to vector<1x128xi32>
    %eq3A_3442 = arith.cmpi eq, %iota3A, %eq3A_3441 : vector<1x128xi32>
    %convert_element_type3A_3443 = arith.sitofp %reduce_sum3A_3415 : i32 to f32
    %jit3A_3444 = arith.constant 0.000000e+00 : f32
    %broadcast_in_dim3A_3445 = vector.broadcast %convert_element_type3A_3443 : f32 to vector<1x128xf32>
    %broadcast_in_dim3A_3446 = vector.broadcast %jit3A_3444 : f32 to vector<1x128xf32>
    %select_n3A_3447 = arith.select %eq3A_3442, %broadcast_in_dim3A_3445, %broadcast_in_dim3A_3446 : vector<1x128xi1>, vector<1x128xf32>
    %eq3A_3448 = arith.constant 1 : i32
    %eq3A_3449 = vector.broadcast %eq3A_3448 : i32 to vector<1x128xi32>
    %eq3A_3450 = arith.cmpi eq, %iota3A, %eq3A_3449 : vector<1x128xi32>
    %jit3A_3451 = arith.constant 0.000000e+00 : f32
    %broadcast_in_dim3A_3452 = vector.broadcast %div3A_3439 : f32 to vector<1x128xf32>
    %broadcast_in_dim3A_3453 = vector.broadcast %jit3A_3451 : f32 to vector<1x128xf32>
    %select_n3A_3454 = arith.select %eq3A_3450, %broadcast_in_dim3A_3452, %broadcast_in_dim3A_3453 : vector<1x128xi1>, vector<1x128xf32>
    %add3A_3455 = arith.addf %select_n3A_3447, %select_n3A_3454 : vector<1x128xf32>
    %eq3A_3456 = arith.constant 2 : i32
    %eq3A_3457 = vector.broadcast %eq3A_3456 : i32 to vector<1x128xi32>
    %eq3A_3458 = arith.cmpi eq, %iota3A, %eq3A_3457 : vector<1x128xi32>
    %get3A_3459 = arith.index_cast %shift_right_logical3A_3417 : i32 to index
    %get3A_3460 = arith.constant 0 : index
    %get3A_3461 = vector.load %arg8[%get3A_3459, %get3A_3460] : memref<40x128xf32, #tpu.memory_space<vmem>>, vector<1x128xf32>
    %broadcast_in_dim3A_3462 = arith.constant 0.000000e+00 : f32
    %broadcast_in_dim3A_3463 = vector.broadcast %broadcast_in_dim3A_3462 : f32 to vector<1x128xf32>
    %eq3A_3464 = vector.broadcast %and3A_3419 : i32 to vector<1x128xi32>
    %eq3A_3465 = arith.cmpi eq, %iota3A, %eq3A_3464 : vector<1x128xi32>
    %select_n3A_3466 = arith.select %eq3A_3465, %get3A_3461, %broadcast_in_dim3A_3463 : vector<1x128xi1>, vector<1x128xf32>
    %reduce_sum3A_3467 = vector.shape_cast %select_n3A_3466 : vector<1x128xf32> to vector<1x1x128xf32>
    %reduce_sum3A_3468 = arith.constant dense<0.000000e+00> : vector<1xf32>
    %reduce_sum3A_3469 = vector.multi_reduction <add>, %reduce_sum3A_3467, %reduce_sum3A_3468 [1, 2] : vector<1x1x128xf32> to vector<1xf32>
    %reduce_sum3A_3470 = vector.shape_cast %reduce_sum3A_3469 : vector<1xf32> to vector<1x1x1xf32>
    %reduce_sum3A_3471 = vector.extract %reduce_sum3A_3470[0, 0, 0] : f32 from vector<1x1x1xf32>
    %jit3A_3472 = arith.constant 0.000000e+00 : f32
    %broadcast_in_dim3A_3473 = vector.broadcast %reduce_sum3A_3471 : f32 to vector<1x128xf32>
    %broadcast_in_dim3A_3474 = vector.broadcast %jit3A_3472 : f32 to vector<1x128xf32>
    %select_n3A_3475 = arith.select %eq3A_3458, %broadcast_in_dim3A_3473, %broadcast_in_dim3A_3474 : vector<1x128xi1>, vector<1x128xf32>
    %add3A_3476 = arith.addf %add3A_3455, %select_n3A_3475 : vector<1x128xf32>
    %eq3A_3477 = arith.constant 3 : i32
    %eq3A_3478 = vector.broadcast %eq3A_3477 : i32 to vector<1x128xi32>
    %eq3A_3479 = arith.cmpi eq, %iota3A, %eq3A_3478 : vector<1x128xi32>
    %get3A_3480 = arith.index_cast %shift_right_logical3A_3417 : i32 to index
    %get3A_3481 = arith.constant 0 : index
    %get3A_3482 = vector.load %arg9[%get3A_3480, %get3A_3481] : memref<40x128xf32, #tpu.memory_space<vmem>>, vector<1x128xf32>
    %broadcast_in_dim3A_3483 = arith.constant 0.000000e+00 : f32
    %broadcast_in_dim3A_3484 = vector.broadcast %broadcast_in_dim3A_3483 : f32 to vector<1x128xf32>
    %eq3A_3485 = vector.broadcast %and3A_3419 : i32 to vector<1x128xi32>
    %eq3A_3486 = arith.cmpi eq, %iota3A, %eq3A_3485 : vector<1x128xi32>
    %select_n3A_3487 = arith.select %eq3A_3486, %get3A_3482, %broadcast_in_dim3A_3484 : vector<1x128xi1>, vector<1x128xf32>
    %reduce_sum3A_3488 = vector.shape_cast %select_n3A_3487 : vector<1x128xf32> to vector<1x1x128xf32>
    %reduce_sum3A_3489 = arith.constant dense<0.000000e+00> : vector<1xf32>
    %reduce_sum3A_3490 = vector.multi_reduction <add>, %reduce_sum3A_3488, %reduce_sum3A_3489 [1, 2] : vector<1x1x128xf32> to vector<1xf32>
    %reduce_sum3A_3491 = vector.shape_cast %reduce_sum3A_3490 : vector<1xf32> to vector<1x1x1xf32>
    %reduce_sum3A_3492 = vector.extract %reduce_sum3A_3491[0, 0, 0] : f32 from vector<1x1x1xf32>
    %jit3A_3493 = arith.constant 0.000000e+00 : f32
    %broadcast_in_dim3A_3494 = vector.broadcast %reduce_sum3A_3492 : f32 to vector<1x128xf32>
    %broadcast_in_dim3A_3495 = vector.broadcast %jit3A_3493 : f32 to vector<1x128xf32>
    %select_n3A_3496 = arith.select %eq3A_3479, %broadcast_in_dim3A_3494, %broadcast_in_dim3A_3495 : vector<1x128xi1>, vector<1x128xf32>
    %add3A_3497 = arith.addf %add3A_3476, %select_n3A_3496 : vector<1x128xf32>
    %eq3A_3498 = arith.constant 4 : i32
    %eq3A_3499 = vector.broadcast %eq3A_3498 : i32 to vector<1x128xi32>
    %eq3A_3500 = arith.cmpi eq, %iota3A, %eq3A_3499 : vector<1x128xi32>
    %get3A_3501 = arith.index_cast %shift_right_logical3A_3417 : i32 to index
    %get3A_3502 = arith.constant 0 : index
    %get3A_3503 = vector.load %arg10[%get3A_3501, %get3A_3502] : memref<40x128xf32, #tpu.memory_space<vmem>>, vector<1x128xf32>
    %broadcast_in_dim3A_3504 = arith.constant 0.000000e+00 : f32
    %broadcast_in_dim3A_3505 = vector.broadcast %broadcast_in_dim3A_3504 : f32 to vector<1x128xf32>
    %eq3A_3506 = vector.broadcast %and3A_3419 : i32 to vector<1x128xi32>
    %eq3A_3507 = arith.cmpi eq, %iota3A, %eq3A_3506 : vector<1x128xi32>
    %select_n3A_3508 = arith.select %eq3A_3507, %get3A_3503, %broadcast_in_dim3A_3505 : vector<1x128xi1>, vector<1x128xf32>
    %reduce_sum3A_3509 = vector.shape_cast %select_n3A_3508 : vector<1x128xf32> to vector<1x1x128xf32>
    %reduce_sum3A_3510 = arith.constant dense<0.000000e+00> : vector<1xf32>
    %reduce_sum3A_3511 = vector.multi_reduction <add>, %reduce_sum3A_3509, %reduce_sum3A_3510 [1, 2] : vector<1x1x128xf32> to vector<1xf32>
    %reduce_sum3A_3512 = vector.shape_cast %reduce_sum3A_3511 : vector<1xf32> to vector<1x1x1xf32>
    %reduce_sum3A_3513 = vector.extract %reduce_sum3A_3512[0, 0, 0] : f32 from vector<1x1x1xf32>
    %jit3A_3514 = arith.constant 0.000000e+00 : f32
    %broadcast_in_dim3A_3515 = vector.broadcast %reduce_sum3A_3513 : f32 to vector<1x128xf32>
    %broadcast_in_dim3A_3516 = vector.broadcast %jit3A_3514 : f32 to vector<1x128xf32>
    %select_n3A_3517 = arith.select %eq3A_3500, %broadcast_in_dim3A_3515, %broadcast_in_dim3A_3516 : vector<1x128xi1>, vector<1x128xf32>
    %add3A_3518 = arith.addf %add3A_3497, %select_n3A_3517 : vector<1x128xf32>
    %eq3A_3519 = arith.constant 5 : i32
    %eq3A_3520 = vector.broadcast %eq3A_3519 : i32 to vector<1x128xi32>
    %eq3A_3521 = arith.cmpi eq, %iota3A, %eq3A_3520 : vector<1x128xi32>
    %get3A_3522 = arith.index_cast %shift_right_logical3A_3417 : i32 to index
    %get3A_3523 = arith.constant 0 : index
    %get3A_3524 = vector.load %arg11[%get3A_3522, %get3A_3523] : memref<40x128xf32, #tpu.memory_space<vmem>>, vector<1x128xf32>
    %broadcast_in_dim3A_3525 = arith.constant 0.000000e+00 : f32
    %broadcast_in_dim3A_3526 = vector.broadcast %broadcast_in_dim3A_3525 : f32 to vector<1x128xf32>
    %eq3A_3527 = vector.broadcast %and3A_3419 : i32 to vector<1x128xi32>
    %eq3A_3528 = arith.cmpi eq, %iota3A, %eq3A_3527 : vector<1x128xi32>
    %select_n3A_3529 = arith.select %eq3A_3528, %get3A_3524, %broadcast_in_dim3A_3526 : vector<1x128xi1>, vector<1x128xf32>
    %reduce_sum3A_3530 = vector.shape_cast %select_n3A_3529 : vector<1x128xf32> to vector<1x1x128xf32>
    %reduce_sum3A_3531 = arith.constant dense<0.000000e+00> : vector<1xf32>
    %reduce_sum3A_3532 = vector.multi_reduction <add>, %reduce_sum3A_3530, %reduce_sum3A_3531 [1, 2] : vector<1x1x128xf32> to vector<1xf32>
    %reduce_sum3A_3533 = vector.shape_cast %reduce_sum3A_3532 : vector<1xf32> to vector<1x1x1xf32>
    %reduce_sum3A_3534 = vector.extract %reduce_sum3A_3533[0, 0, 0] : f32 from vector<1x1x1xf32>
    %jit3A_3535 = arith.constant 0.000000e+00 : f32
    %broadcast_in_dim3A_3536 = vector.broadcast %reduce_sum3A_3534 : f32 to vector<1x128xf32>
    %broadcast_in_dim3A_3537 = vector.broadcast %jit3A_3535 : f32 to vector<1x128xf32>
    %select_n3A_3538 = arith.select %eq3A_3521, %broadcast_in_dim3A_3536, %broadcast_in_dim3A_3537 : vector<1x128xi1>, vector<1x128xf32>
    %add3A_3539 = arith.addf %add3A_3518, %select_n3A_3538 : vector<1x128xf32>
    %swap3A_3540 = arith.constant 24 : index
    %swap3A_3541 = arith.constant 0 : index
    %swap3A_3542 = vector.load %arg13[%swap3A_3540, %swap3A_3541] : memref<30x128xf32, #tpu.memory_space<vmem>>, vector<1x128xf32>
    tpu.vector_store %arg13[%swap3A_3540, %swap3A_3541], %add3A_3539 {strides = array<i32>} : memref<30x128xf32, #tpu.memory_space<vmem>>, vector<1x128xf32>,
    %get3A_3543 = arith.constant 0 : index
    %get3A_3544 = arith.constant 0 : index
    %get3A_3545 = vector.load %arg16[%get3A_3543, %get3A_3544] : memref<8x128xi32, #tpu.memory_space<vmem>>, vector<1x128xi32>
    %broadcast_in_dim3A_3546 = arith.constant 0 : i32
    %broadcast_in_dim3A_3547 = vector.broadcast %broadcast_in_dim3A_3546 : i32 to vector<1x128xi32>
    %eq3A_3548 = arith.constant 10 : i32
    %eq3A_3549 = vector.broadcast %eq3A_3548 : i32 to vector<1x128xi32>
    %eq3A_3550 = arith.cmpi eq, %iota3A, %eq3A_3549 : vector<1x128xi32>
    %select_n3A_3551 = arith.select %eq3A_3550, %get3A_3545, %broadcast_in_dim3A_3547 : vector<1x128xi1>, vector<1x128xi32>
    %reduce_sum3A_3552 = vector.shape_cast %select_n3A_3551 : vector<1x128xi32> to vector<1x1x128xi32>
    %reduce_sum3A_3553 = arith.constant dense<0> : vector<1xi32>
    %reduce_sum3A_3554 = vector.multi_reduction <add>, %reduce_sum3A_3552, %reduce_sum3A_3553 [1, 2] : vector<1x1x128xi32> to vector<1xi32>
    %reduce_sum3A_3555 = vector.shape_cast %reduce_sum3A_3554 : vector<1xi32> to vector<1x1x1xi32>
    %reduce_sum3A_3556 = vector.extract %reduce_sum3A_3555[0, 0, 0] : i32 from vector<1x1x1xi32>
    %shift_right_logical3A_3557 = arith.constant 7 : i32
    %shift_right_logical3A_3558 = arith.shrui %reduce_sum3A_3556, %shift_right_logical3A_3557 : i32
    %and3A_3559 = arith.constant 127 : i32
    %and3A_3560 = arith.andi %reduce_sum3A_3556, %and3A_3559 : i32
    %get3A_3561 = arith.index_cast %shift_right_logical3A_3558 : i32 to index
    %get3A_3562 = arith.constant 0 : index
    %get3A_3563 = vector.load %arg12[%get3A_3561, %get3A_3562] : memref<40x128xf32, #tpu.memory_space<vmem>>, vector<1x128xf32>
    %broadcast_in_dim3A_3564 = arith.constant 0.000000e+00 : f32
    %broadcast_in_dim3A_3565 = vector.broadcast %broadcast_in_dim3A_3564 : f32 to vector<1x128xf32>
    %eq3A_3566 = vector.broadcast %and3A_3560 : i32 to vector<1x128xi32>
    %eq3A_3567 = arith.cmpi eq, %iota3A, %eq3A_3566 : vector<1x128xi32>
    %select_n3A_3568 = arith.select %eq3A_3567, %get3A_3563, %broadcast_in_dim3A_3565 : vector<1x128xi1>, vector<1x128xf32>
    %reduce_sum3A_3569 = vector.shape_cast %select_n3A_3568 : vector<1x128xf32> to vector<1x1x128xf32>
    %reduce_sum3A_3570 = arith.constant dense<0.000000e+00> : vector<1xf32>
    %reduce_sum3A_3571 = vector.multi_reduction <add>, %reduce_sum3A_3569, %reduce_sum3A_3570 [1, 2] : vector<1x1x128xf32> to vector<1xf32>
    %reduce_sum3A_3572 = vector.shape_cast %reduce_sum3A_3571 : vector<1xf32> to vector<1x1x1xf32>
    %reduce_sum3A_3573 = vector.extract %reduce_sum3A_3572[0, 0, 0] : f32 from vector<1x1x1xf32>
    %neg3A_3574 = arith.constant 0.000000e+00 : f32
    %neg3A_3575 = arith.subf %neg3A_3574, %reduce_sum3A_3573 : f32
    %exp3A_3576 = math.exp %neg3A_3575 : f32
    %add3A_3577 = arith.constant 1.000000e+00 : f32
    %add3A_3578 = arith.addf %add3A_3577, %exp3A_3576 : f32
    %div3A_3579 = arith.constant 1.000000e+00 : f32
    %div3A_3580 = arith.divf %div3A_3579, %add3A_3578 : f32
    %eq3A_3581 = arith.constant 0 : i32
    %eq3A_3582 = vector.broadcast %eq3A_3581 : i32 to vector<1x128xi32>
    %eq3A_3583 = arith.cmpi eq, %iota3A, %eq3A_3582 : vector<1x128xi32>
    %convert_element_type3A_3584 = arith.sitofp %reduce_sum3A_3556 : i32 to f32
    %jit3A_3585 = arith.constant 0.000000e+00 : f32
    %broadcast_in_dim3A_3586 = vector.broadcast %convert_element_type3A_3584 : f32 to vector<1x128xf32>
    %broadcast_in_dim3A_3587 = vector.broadcast %jit3A_3585 : f32 to vector<1x128xf32>
    %select_n3A_3588 = arith.select %eq3A_3583, %broadcast_in_dim3A_3586, %broadcast_in_dim3A_3587 : vector<1x128xi1>, vector<1x128xf32>
    %eq3A_3589 = arith.constant 1 : i32
    %eq3A_3590 = vector.broadcast %eq3A_3589 : i32 to vector<1x128xi32>
    %eq3A_3591 = arith.cmpi eq, %iota3A, %eq3A_3590 : vector<1x128xi32>
    %jit3A_3592 = arith.constant 0.000000e+00 : f32
    %broadcast_in_dim3A_3593 = vector.broadcast %div3A_3580 : f32 to vector<1x128xf32>
    %broadcast_in_dim3A_3594 = vector.broadcast %jit3A_3592 : f32 to vector<1x128xf32>
    %select_n3A_3595 = arith.select %eq3A_3591, %broadcast_in_dim3A_3593, %broadcast_in_dim3A_3594 : vector<1x128xi1>, vector<1x128xf32>
    %add3A_3596 = arith.addf %select_n3A_3588, %select_n3A_3595 : vector<1x128xf32>
    %eq3A_3597 = arith.constant 2 : i32
    %eq3A_3598 = vector.broadcast %eq3A_3597 : i32 to vector<1x128xi32>
    %eq3A_3599 = arith.cmpi eq, %iota3A, %eq3A_3598 : vector<1x128xi32>
    %get3A_3600 = arith.index_cast %shift_right_logical3A_3558 : i32 to index
    %get3A_3601 = arith.constant 0 : index
    %get3A_3602 = vector.load %arg8[%get3A_3600, %get3A_3601] : memref<40x128xf32, #tpu.memory_space<vmem>>, vector<1x128xf32>
    %broadcast_in_dim3A_3603 = arith.constant 0.000000e+00 : f32
    %broadcast_in_dim3A_3604 = vector.broadcast %broadcast_in_dim3A_3603 : f32 to vector<1x128xf32>
    %eq3A_3605 = vector.broadcast %and3A_3560 : i32 to vector<1x128xi32>
    %eq3A_3606 = arith.cmpi eq, %iota3A, %eq3A_3605 : vector<1x128xi32>
    %select_n3A_3607 = arith.select %eq3A_3606, %get3A_3602, %broadcast_in_dim3A_3604 : vector<1x128xi1>, vector<1x128xf32>
    %reduce_sum3A_3608 = vector.shape_cast %select_n3A_3607 : vector<1x128xf32> to vector<1x1x128xf32>
    %reduce_sum3A_3609 = arith.constant dense<0.000000e+00> : vector<1xf32>
    %reduce_sum3A_3610 = vector.multi_reduction <add>, %reduce_sum3A_3608, %reduce_sum3A_3609 [1, 2] : vector<1x1x128xf32> to vector<1xf32>
    %reduce_sum3A_3611 = vector.shape_cast %reduce_sum3A_3610 : vector<1xf32> to vector<1x1x1xf32>
    %reduce_sum3A_3612 = vector.extract %reduce_sum3A_3611[0, 0, 0] : f32 from vector<1x1x1xf32>
    %jit3A_3613 = arith.constant 0.000000e+00 : f32
    %broadcast_in_dim3A_3614 = vector.broadcast %reduce_sum3A_3612 : f32 to vector<1x128xf32>
    %broadcast_in_dim3A_3615 = vector.broadcast %jit3A_3613 : f32 to vector<1x128xf32>
    %select_n3A_3616 = arith.select %eq3A_3599, %broadcast_in_dim3A_3614, %broadcast_in_dim3A_3615 : vector<1x128xi1>, vector<1x128xf32>
    %add3A_3617 = arith.addf %add3A_3596, %select_n3A_3616 : vector<1x128xf32>
    %eq3A_3618 = arith.constant 3 : i32
    %eq3A_3619 = vector.broadcast %eq3A_3618 : i32 to vector<1x128xi32>
    %eq3A_3620 = arith.cmpi eq, %iota3A, %eq3A_3619 : vector<1x128xi32>
    %get3A_3621 = arith.index_cast %shift_right_logical3A_3558 : i32 to index
    %get3A_3622 = arith.constant 0 : index
    %get3A_3623 = vector.load %arg9[%get3A_3621, %get3A_3622] : memref<40x128xf32, #tpu.memory_space<vmem>>, vector<1x128xf32>
    %broadcast_in_dim3A_3624 = arith.constant 0.000000e+00 : f32
    %broadcast_in_dim3A_3625 = vector.broadcast %broadcast_in_dim3A_3624 : f32 to vector<1x128xf32>
    %eq3A_3626 = vector.broadcast %and3A_3560 : i32 to vector<1x128xi32>
    %eq3A_3627 = arith.cmpi eq, %iota3A, %eq3A_3626 : vector<1x128xi32>
    %select_n3A_3628 = arith.select %eq3A_3627, %get3A_3623, %broadcast_in_dim3A_3625 : vector<1x128xi1>, vector<1x128xf32>
    %reduce_sum3A_3629 = vector.shape_cast %select_n3A_3628 : vector<1x128xf32> to vector<1x1x128xf32>
    %reduce_sum3A_3630 = arith.constant dense<0.000000e+00> : vector<1xf32>
    %reduce_sum3A_3631 = vector.multi_reduction <add>, %reduce_sum3A_3629, %reduce_sum3A_3630 [1, 2] : vector<1x1x128xf32> to vector<1xf32>
    %reduce_sum3A_3632 = vector.shape_cast %reduce_sum3A_3631 : vector<1xf32> to vector<1x1x1xf32>
    %reduce_sum3A_3633 = vector.extract %reduce_sum3A_3632[0, 0, 0] : f32 from vector<1x1x1xf32>
    %jit3A_3634 = arith.constant 0.000000e+00 : f32
    %broadcast_in_dim3A_3635 = vector.broadcast %reduce_sum3A_3633 : f32 to vector<1x128xf32>
    %broadcast_in_dim3A_3636 = vector.broadcast %jit3A_3634 : f32 to vector<1x128xf32>
    %select_n3A_3637 = arith.select %eq3A_3620, %broadcast_in_dim3A_3635, %broadcast_in_dim3A_3636 : vector<1x128xi1>, vector<1x128xf32>
    %add3A_3638 = arith.addf %add3A_3617, %select_n3A_3637 : vector<1x128xf32>
    %eq3A_3639 = arith.constant 4 : i32
    %eq3A_3640 = vector.broadcast %eq3A_3639 : i32 to vector<1x128xi32>
    %eq3A_3641 = arith.cmpi eq, %iota3A, %eq3A_3640 : vector<1x128xi32>
    %get3A_3642 = arith.index_cast %shift_right_logical3A_3558 : i32 to index
    %get3A_3643 = arith.constant 0 : index
    %get3A_3644 = vector.load %arg10[%get3A_3642, %get3A_3643] : memref<40x128xf32, #tpu.memory_space<vmem>>, vector<1x128xf32>
    %broadcast_in_dim3A_3645 = arith.constant 0.000000e+00 : f32
    %broadcast_in_dim3A_3646 = vector.broadcast %broadcast_in_dim3A_3645 : f32 to vector<1x128xf32>
    %eq3A_3647 = vector.broadcast %and3A_3560 : i32 to vector<1x128xi32>
    %eq3A_3648 = arith.cmpi eq, %iota3A, %eq3A_3647 : vector<1x128xi32>
    %select_n3A_3649 = arith.select %eq3A_3648, %get3A_3644, %broadcast_in_dim3A_3646 : vector<1x128xi1>, vector<1x128xf32>
    %reduce_sum3A_3650 = vector.shape_cast %select_n3A_3649 : vector<1x128xf32> to vector<1x1x128xf32>
    %reduce_sum3A_3651 = arith.constant dense<0.000000e+00> : vector<1xf32>
    %reduce_sum3A_3652 = vector.multi_reduction <add>, %reduce_sum3A_3650, %reduce_sum3A_3651 [1, 2] : vector<1x1x128xf32> to vector<1xf32>
    %reduce_sum3A_3653 = vector.shape_cast %reduce_sum3A_3652 : vector<1xf32> to vector<1x1x1xf32>
    %reduce_sum3A_3654 = vector.extract %reduce_sum3A_3653[0, 0, 0] : f32 from vector<1x1x1xf32>
    %jit3A_3655 = arith.constant 0.000000e+00 : f32
    %broadcast_in_dim3A_3656 = vector.broadcast %reduce_sum3A_3654 : f32 to vector<1x128xf32>
    %broadcast_in_dim3A_3657 = vector.broadcast %jit3A_3655 : f32 to vector<1x128xf32>
    %select_n3A_3658 = arith.select %eq3A_3641, %broadcast_in_dim3A_3656, %broadcast_in_dim3A_3657 : vector<1x128xi1>, vector<1x128xf32>
    %add3A_3659 = arith.addf %add3A_3638, %select_n3A_3658 : vector<1x128xf32>
    %eq3A_3660 = arith.constant 5 : i32
    %eq3A_3661 = vector.broadcast %eq3A_3660 : i32 to vector<1x128xi32>
    %eq3A_3662 = arith.cmpi eq, %iota3A, %eq3A_3661 : vector<1x128xi32>
    %get3A_3663 = arith.index_cast %shift_right_logical3A_3558 : i32 to index
    %get3A_3664 = arith.constant 0 : index
    %get3A_3665 = vector.load %arg11[%get3A_3663, %get3A_3664] : memref<40x128xf32, #tpu.memory_space<vmem>>, vector<1x128xf32>
    %broadcast_in_dim3A_3666 = arith.constant 0.000000e+00 : f32
    %broadcast_in_dim3A_3667 = vector.broadcast %broadcast_in_dim3A_3666 : f32 to vector<1x128xf32>
    %eq3A_3668 = vector.broadcast %and3A_3560 : i32 to vector<1x128xi32>
    %eq3A_3669 = arith.cmpi eq, %iota3A, %eq3A_3668 : vector<1x128xi32>
    %select_n3A_3670 = arith.select %eq3A_3669, %get3A_3665, %broadcast_in_dim3A_3667 : vector<1x128xi1>, vector<1x128xf32>
    %reduce_sum3A_3671 = vector.shape_cast %select_n3A_3670 : vector<1x128xf32> to vector<1x1x128xf32>
    %reduce_sum3A_3672 = arith.constant dense<0.000000e+00> : vector<1xf32>
    %reduce_sum3A_3673 = vector.multi_reduction <add>, %reduce_sum3A_3671, %reduce_sum3A_3672 [1, 2] : vector<1x1x128xf32> to vector<1xf32>
    %reduce_sum3A_3674 = vector.shape_cast %reduce_sum3A_3673 : vector<1xf32> to vector<1x1x1xf32>
    %reduce_sum3A_3675 = vector.extract %reduce_sum3A_3674[0, 0, 0] : f32 from vector<1x1x1xf32>
    %jit3A_3676 = arith.constant 0.000000e+00 : f32
    %broadcast_in_dim3A_3677 = vector.broadcast %reduce_sum3A_3675 : f32 to vector<1x128xf32>
    %broadcast_in_dim3A_3678 = vector.broadcast %jit3A_3676 : f32 to vector<1x128xf32>
    %select_n3A_3679 = arith.select %eq3A_3662, %broadcast_in_dim3A_3677, %broadcast_in_dim3A_3678 : vector<1x128xi1>, vector<1x128xf32>
    %add3A_3680 = arith.addf %add3A_3659, %select_n3A_3679 : vector<1x128xf32>
    %swap3A_3681 = arith.constant 25 : index
    %swap3A_3682 = arith.constant 0 : index
    %swap3A_3683 = vector.load %arg13[%swap3A_3681, %swap3A_3682] : memref<30x128xf32, #tpu.memory_space<vmem>>, vector<1x128xf32>
    tpu.vector_store %arg13[%swap3A_3681, %swap3A_3682], %add3A_3680 {strides = array<i32>} : memref<30x128xf32, #tpu.memory_space<vmem>>, vector<1x128xf32>,
    %get3A_3684 = arith.constant 0 : index
    %get3A_3685 = arith.constant 0 : index
    %get3A_3686 = vector.load %arg16[%get3A_3684, %get3A_3685] : memref<8x128xi32, #tpu.memory_space<vmem>>, vector<1x128xi32>
    %broadcast_in_dim3A_3687 = arith.constant 0 : i32
    %broadcast_in_dim3A_3688 = vector.broadcast %broadcast_in_dim3A_3687 : i32 to vector<1x128xi32>
    %eq3A_3689 = arith.constant 11 : i32
    %eq3A_3690 = vector.broadcast %eq3A_3689 : i32 to vector<1x128xi32>
    %eq3A_3691 = arith.cmpi eq, %iota3A, %eq3A_3690 : vector<1x128xi32>
    %select_n3A_3692 = arith.select %eq3A_3691, %get3A_3686, %broadcast_in_dim3A_3688 : vector<1x128xi1>, vector<1x128xi32>
    %reduce_sum3A_3693 = vector.shape_cast %select_n3A_3692 : vector<1x128xi32> to vector<1x1x128xi32>
    %reduce_sum3A_3694 = arith.constant dense<0> : vector<1xi32>
    %reduce_sum3A_3695 = vector.multi_reduction <add>, %reduce_sum3A_3693, %reduce_sum3A_3694 [1, 2] : vector<1x1x128xi32> to vector<1xi32>
    %reduce_sum3A_3696 = vector.shape_cast %reduce_sum3A_3695 : vector<1xi32> to vector<1x1x1xi32>
    %reduce_sum3A_3697 = vector.extract %reduce_sum3A_3696[0, 0, 0] : i32 from vector<1x1x1xi32>
    %shift_right_logical3A_3698 = arith.constant 7 : i32
    %shift_right_logical3A_3699 = arith.shrui %reduce_sum3A_3697, %shift_right_logical3A_3698 : i32
    %and3A_3700 = arith.constant 127 : i32
    %and3A_3701 = arith.andi %reduce_sum3A_3697, %and3A_3700 : i32
    %get3A_3702 = arith.index_cast %shift_right_logical3A_3699 : i32 to index
    %get3A_3703 = arith.constant 0 : index
    %get3A_3704 = vector.load %arg12[%get3A_3702, %get3A_3703] : memref<40x128xf32, #tpu.memory_space<vmem>>, vector<1x128xf32>
    %broadcast_in_dim3A_3705 = arith.constant 0.000000e+00 : f32
    %broadcast_in_dim3A_3706 = vector.broadcast %broadcast_in_dim3A_3705 : f32 to vector<1x128xf32>
    %eq3A_3707 = vector.broadcast %and3A_3701 : i32 to vector<1x128xi32>
    %eq3A_3708 = arith.cmpi eq, %iota3A, %eq3A_3707 : vector<1x128xi32>
    %select_n3A_3709 = arith.select %eq3A_3708, %get3A_3704, %broadcast_in_dim3A_3706 : vector<1x128xi1>, vector<1x128xf32>
    %reduce_sum3A_3710 = vector.shape_cast %select_n3A_3709 : vector<1x128xf32> to vector<1x1x128xf32>
    %reduce_sum3A_3711 = arith.constant dense<0.000000e+00> : vector<1xf32>
    %reduce_sum3A_3712 = vector.multi_reduction <add>, %reduce_sum3A_3710, %reduce_sum3A_3711 [1, 2] : vector<1x1x128xf32> to vector<1xf32>
    %reduce_sum3A_3713 = vector.shape_cast %reduce_sum3A_3712 : vector<1xf32> to vector<1x1x1xf32>
    %reduce_sum3A_3714 = vector.extract %reduce_sum3A_3713[0, 0, 0] : f32 from vector<1x1x1xf32>
    %neg3A_3715 = arith.constant 0.000000e+00 : f32
    %neg3A_3716 = arith.subf %neg3A_3715, %reduce_sum3A_3714 : f32
    %exp3A_3717 = math.exp %neg3A_3716 : f32
    %add3A_3718 = arith.constant 1.000000e+00 : f32
    %add3A_3719 = arith.addf %add3A_3718, %exp3A_3717 : f32
    %div3A_3720 = arith.constant 1.000000e+00 : f32
    %div3A_3721 = arith.divf %div3A_3720, %add3A_3719 : f32
    %eq3A_3722 = arith.constant 0 : i32
    %eq3A_3723 = vector.broadcast %eq3A_3722 : i32 to vector<1x128xi32>
    %eq3A_3724 = arith.cmpi eq, %iota3A, %eq3A_3723 : vector<1x128xi32>
    %convert_element_type3A_3725 = arith.sitofp %reduce_sum3A_3697 : i32 to f32
    %jit3A_3726 = arith.constant 0.000000e+00 : f32
    %broadcast_in_dim3A_3727 = vector.broadcast %convert_element_type3A_3725 : f32 to vector<1x128xf32>
    %broadcast_in_dim3A_3728 = vector.broadcast %jit3A_3726 : f32 to vector<1x128xf32>
    %select_n3A_3729 = arith.select %eq3A_3724, %broadcast_in_dim3A_3727, %broadcast_in_dim3A_3728 : vector<1x128xi1>, vector<1x128xf32>
    %eq3A_3730 = arith.constant 1 : i32
    %eq3A_3731 = vector.broadcast %eq3A_3730 : i32 to vector<1x128xi32>
    %eq3A_3732 = arith.cmpi eq, %iota3A, %eq3A_3731 : vector<1x128xi32>
    %jit3A_3733 = arith.constant 0.000000e+00 : f32
    %broadcast_in_dim3A_3734 = vector.broadcast %div3A_3721 : f32 to vector<1x128xf32>
    %broadcast_in_dim3A_3735 = vector.broadcast %jit3A_3733 : f32 to vector<1x128xf32>
    %select_n3A_3736 = arith.select %eq3A_3732, %broadcast_in_dim3A_3734, %broadcast_in_dim3A_3735 : vector<1x128xi1>, vector<1x128xf32>
    %add3A_3737 = arith.addf %select_n3A_3729, %select_n3A_3736 : vector<1x128xf32>
    %eq3A_3738 = arith.constant 2 : i32
    %eq3A_3739 = vector.broadcast %eq3A_3738 : i32 to vector<1x128xi32>
    %eq3A_3740 = arith.cmpi eq, %iota3A, %eq3A_3739 : vector<1x128xi32>
    %get3A_3741 = arith.index_cast %shift_right_logical3A_3699 : i32 to index
    %get3A_3742 = arith.constant 0 : index
    %get3A_3743 = vector.load %arg8[%get3A_3741, %get3A_3742] : memref<40x128xf32, #tpu.memory_space<vmem>>, vector<1x128xf32>
    %broadcast_in_dim3A_3744 = arith.constant 0.000000e+00 : f32
    %broadcast_in_dim3A_3745 = vector.broadcast %broadcast_in_dim3A_3744 : f32 to vector<1x128xf32>
    %eq3A_3746 = vector.broadcast %and3A_3701 : i32 to vector<1x128xi32>
    %eq3A_3747 = arith.cmpi eq, %iota3A, %eq3A_3746 : vector<1x128xi32>
    %select_n3A_3748 = arith.select %eq3A_3747, %get3A_3743, %broadcast_in_dim3A_3745 : vector<1x128xi1>, vector<1x128xf32>
    %reduce_sum3A_3749 = vector.shape_cast %select_n3A_3748 : vector<1x128xf32> to vector<1x1x128xf32>
    %reduce_sum3A_3750 = arith.constant dense<0.000000e+00> : vector<1xf32>
    %reduce_sum3A_3751 = vector.multi_reduction <add>, %reduce_sum3A_3749, %reduce_sum3A_3750 [1, 2] : vector<1x1x128xf32> to vector<1xf32>
    %reduce_sum3A_3752 = vector.shape_cast %reduce_sum3A_3751 : vector<1xf32> to vector<1x1x1xf32>
    %reduce_sum3A_3753 = vector.extract %reduce_sum3A_3752[0, 0, 0] : f32 from vector<1x1x1xf32>
    %jit3A_3754 = arith.constant 0.000000e+00 : f32
    %broadcast_in_dim3A_3755 = vector.broadcast %reduce_sum3A_3753 : f32 to vector<1x128xf32>
    %broadcast_in_dim3A_3756 = vector.broadcast %jit3A_3754 : f32 to vector<1x128xf32>
    %select_n3A_3757 = arith.select %eq3A_3740, %broadcast_in_dim3A_3755, %broadcast_in_dim3A_3756 : vector<1x128xi1>, vector<1x128xf32>
    %add3A_3758 = arith.addf %add3A_3737, %select_n3A_3757 : vector<1x128xf32>
    %eq3A_3759 = arith.constant 3 : i32
    %eq3A_3760 = vector.broadcast %eq3A_3759 : i32 to vector<1x128xi32>
    %eq3A_3761 = arith.cmpi eq, %iota3A, %eq3A_3760 : vector<1x128xi32>
    %get3A_3762 = arith.index_cast %shift_right_logical3A_3699 : i32 to index
    %get3A_3763 = arith.constant 0 : index
    %get3A_3764 = vector.load %arg9[%get3A_3762, %get3A_3763] : memref<40x128xf32, #tpu.memory_space<vmem>>, vector<1x128xf32>
    %broadcast_in_dim3A_3765 = arith.constant 0.000000e+00 : f32
    %broadcast_in_dim3A_3766 = vector.broadcast %broadcast_in_dim3A_3765 : f32 to vector<1x128xf32>
    %eq3A_3767 = vector.broadcast %and3A_3701 : i32 to vector<1x128xi32>
    %eq3A_3768 = arith.cmpi eq, %iota3A, %eq3A_3767 : vector<1x128xi32>
    %select_n3A_3769 = arith.select %eq3A_3768, %get3A_3764, %broadcast_in_dim3A_3766 : vector<1x128xi1>, vector<1x128xf32>
    %reduce_sum3A_3770 = vector.shape_cast %select_n3A_3769 : vector<1x128xf32> to vector<1x1x128xf32>
    %reduce_sum3A_3771 = arith.constant dense<0.000000e+00> : vector<1xf32>
    %reduce_sum3A_3772 = vector.multi_reduction <add>, %reduce_sum3A_3770, %reduce_sum3A_3771 [1, 2] : vector<1x1x128xf32> to vector<1xf32>
    %reduce_sum3A_3773 = vector.shape_cast %reduce_sum3A_3772 : vector<1xf32> to vector<1x1x1xf32>
    %reduce_sum3A_3774 = vector.extract %reduce_sum3A_3773[0, 0, 0] : f32 from vector<1x1x1xf32>
    %jit3A_3775 = arith.constant 0.000000e+00 : f32
    %broadcast_in_dim3A_3776 = vector.broadcast %reduce_sum3A_3774 : f32 to vector<1x128xf32>
    %broadcast_in_dim3A_3777 = vector.broadcast %jit3A_3775 : f32 to vector<1x128xf32>
    %select_n3A_3778 = arith.select %eq3A_3761, %broadcast_in_dim3A_3776, %broadcast_in_dim3A_3777 : vector<1x128xi1>, vector<1x128xf32>
    %add3A_3779 = arith.addf %add3A_3758, %select_n3A_3778 : vector<1x128xf32>
    %eq3A_3780 = arith.constant 4 : i32
    %eq3A_3781 = vector.broadcast %eq3A_3780 : i32 to vector<1x128xi32>
    %eq3A_3782 = arith.cmpi eq, %iota3A, %eq3A_3781 : vector<1x128xi32>
    %get3A_3783 = arith.index_cast %shift_right_logical3A_3699 : i32 to index
    %get3A_3784 = arith.constant 0 : index
    %get3A_3785 = vector.load %arg10[%get3A_3783, %get3A_3784] : memref<40x128xf32, #tpu.memory_space<vmem>>, vector<1x128xf32>
    %broadcast_in_dim3A_3786 = arith.constant 0.000000e+00 : f32
    %broadcast_in_dim3A_3787 = vector.broadcast %broadcast_in_dim3A_3786 : f32 to vector<1x128xf32>
    %eq3A_3788 = vector.broadcast %and3A_3701 : i32 to vector<1x128xi32>
    %eq3A_3789 = arith.cmpi eq, %iota3A, %eq3A_3788 : vector<1x128xi32>
    %select_n3A_3790 = arith.select %eq3A_3789, %get3A_3785, %broadcast_in_dim3A_3787 : vector<1x128xi1>, vector<1x128xf32>
    %reduce_sum3A_3791 = vector.shape_cast %select_n3A_3790 : vector<1x128xf32> to vector<1x1x128xf32>
    %reduce_sum3A_3792 = arith.constant dense<0.000000e+00> : vector<1xf32>
    %reduce_sum3A_3793 = vector.multi_reduction <add>, %reduce_sum3A_3791, %reduce_sum3A_3792 [1, 2] : vector<1x1x128xf32> to vector<1xf32>
    %reduce_sum3A_3794 = vector.shape_cast %reduce_sum3A_3793 : vector<1xf32> to vector<1x1x1xf32>
    %reduce_sum3A_3795 = vector.extract %reduce_sum3A_3794[0, 0, 0] : f32 from vector<1x1x1xf32>
    %jit3A_3796 = arith.constant 0.000000e+00 : f32
    %broadcast_in_dim3A_3797 = vector.broadcast %reduce_sum3A_3795 : f32 to vector<1x128xf32>
    %broadcast_in_dim3A_3798 = vector.broadcast %jit3A_3796 : f32 to vector<1x128xf32>
    %select_n3A_3799 = arith.select %eq3A_3782, %broadcast_in_dim3A_3797, %broadcast_in_dim3A_3798 : vector<1x128xi1>, vector<1x128xf32>
    %add3A_3800 = arith.addf %add3A_3779, %select_n3A_3799 : vector<1x128xf32>
    %eq3A_3801 = arith.constant 5 : i32
    %eq3A_3802 = vector.broadcast %eq3A_3801 : i32 to vector<1x128xi32>
    %eq3A_3803 = arith.cmpi eq, %iota3A, %eq3A_3802 : vector<1x128xi32>
    %get3A_3804 = arith.index_cast %shift_right_logical3A_3699 : i32 to index
    %get3A_3805 = arith.constant 0 : index
    %get3A_3806 = vector.load %arg11[%get3A_3804, %get3A_3805] : memref<40x128xf32, #tpu.memory_space<vmem>>, vector<1x128xf32>
    %broadcast_in_dim3A_3807 = arith.constant 0.000000e+00 : f32
    %broadcast_in_dim3A_3808 = vector.broadcast %broadcast_in_dim3A_3807 : f32 to vector<1x128xf32>
    %eq3A_3809 = vector.broadcast %and3A_3701 : i32 to vector<1x128xi32>
    %eq3A_3810 = arith.cmpi eq, %iota3A, %eq3A_3809 : vector<1x128xi32>
    %select_n3A_3811 = arith.select %eq3A_3810, %get3A_3806, %broadcast_in_dim3A_3808 : vector<1x128xi1>, vector<1x128xf32>
    %reduce_sum3A_3812 = vector.shape_cast %select_n3A_3811 : vector<1x128xf32> to vector<1x1x128xf32>
    %reduce_sum3A_3813 = arith.constant dense<0.000000e+00> : vector<1xf32>
    %reduce_sum3A_3814 = vector.multi_reduction <add>, %reduce_sum3A_3812, %reduce_sum3A_3813 [1, 2] : vector<1x1x128xf32> to vector<1xf32>
    %reduce_sum3A_3815 = vector.shape_cast %reduce_sum3A_3814 : vector<1xf32> to vector<1x1x1xf32>
    %reduce_sum3A_3816 = vector.extract %reduce_sum3A_3815[0, 0, 0] : f32 from vector<1x1x1xf32>
    %jit3A_3817 = arith.constant 0.000000e+00 : f32
    %broadcast_in_dim3A_3818 = vector.broadcast %reduce_sum3A_3816 : f32 to vector<1x128xf32>
    %broadcast_in_dim3A_3819 = vector.broadcast %jit3A_3817 : f32 to vector<1x128xf32>
    %select_n3A_3820 = arith.select %eq3A_3803, %broadcast_in_dim3A_3818, %broadcast_in_dim3A_3819 : vector<1x128xi1>, vector<1x128xf32>
    %add3A_3821 = arith.addf %add3A_3800, %select_n3A_3820 : vector<1x128xf32>
    %swap3A_3822 = arith.constant 26 : index
    %swap3A_3823 = arith.constant 0 : index
    %swap3A_3824 = vector.load %arg13[%swap3A_3822, %swap3A_3823] : memref<30x128xf32, #tpu.memory_space<vmem>>, vector<1x128xf32>
    tpu.vector_store %arg13[%swap3A_3822, %swap3A_3823], %add3A_3821 {strides = array<i32>} : memref<30x128xf32, #tpu.memory_space<vmem>>, vector<1x128xf32>,
    %get3A_3825 = arith.constant 0 : index
    %get3A_3826 = arith.constant 0 : index
    %get3A_3827 = vector.load %arg16[%get3A_3825, %get3A_3826] : memref<8x128xi32, #tpu.memory_space<vmem>>, vector<1x128xi32>
    %broadcast_in_dim3A_3828 = arith.constant 0 : i32
    %broadcast_in_dim3A_3829 = vector.broadcast %broadcast_in_dim3A_3828 : i32 to vector<1x128xi32>
    %eq3A_3830 = arith.constant 12 : i32
    %eq3A_3831 = vector.broadcast %eq3A_3830 : i32 to vector<1x128xi32>
    %eq3A_3832 = arith.cmpi eq, %iota3A, %eq3A_3831 : vector<1x128xi32>
    %select_n3A_3833 = arith.select %eq3A_3832, %get3A_3827, %broadcast_in_dim3A_3829 : vector<1x128xi1>, vector<1x128xi32>
    %reduce_sum3A_3834 = vector.shape_cast %select_n3A_3833 : vector<1x128xi32> to vector<1x1x128xi32>
    %reduce_sum3A_3835 = arith.constant dense<0> : vector<1xi32>
    %reduce_sum3A_3836 = vector.multi_reduction <add>, %reduce_sum3A_3834, %reduce_sum3A_3835 [1, 2] : vector<1x1x128xi32> to vector<1xi32>
    %reduce_sum3A_3837 = vector.shape_cast %reduce_sum3A_3836 : vector<1xi32> to vector<1x1x1xi32>
    %reduce_sum3A_3838 = vector.extract %reduce_sum3A_3837[0, 0, 0] : i32 from vector<1x1x1xi32>
    %shift_right_logical3A_3839 = arith.constant 7 : i32
    %shift_right_logical3A_3840 = arith.shrui %reduce_sum3A_3838, %shift_right_logical3A_3839 : i32
    %and3A_3841 = arith.constant 127 : i32
    %and3A_3842 = arith.andi %reduce_sum3A_3838, %and3A_3841 : i32
    %get3A_3843 = arith.index_cast %shift_right_logical3A_3840 : i32 to index
    %get3A_3844 = arith.constant 0 : index
    %get3A_3845 = vector.load %arg12[%get3A_3843, %get3A_3844] : memref<40x128xf32, #tpu.memory_space<vmem>>, vector<1x128xf32>
    %broadcast_in_dim3A_3846 = arith.constant 0.000000e+00 : f32
    %broadcast_in_dim3A_3847 = vector.broadcast %broadcast_in_dim3A_3846 : f32 to vector<1x128xf32>
    %eq3A_3848 = vector.broadcast %and3A_3842 : i32 to vector<1x128xi32>
    %eq3A_3849 = arith.cmpi eq, %iota3A, %eq3A_3848 : vector<1x128xi32>
    %select_n3A_3850 = arith.select %eq3A_3849, %get3A_3845, %broadcast_in_dim3A_3847 : vector<1x128xi1>, vector<1x128xf32>
    %reduce_sum3A_3851 = vector.shape_cast %select_n3A_3850 : vector<1x128xf32> to vector<1x1x128xf32>
    %reduce_sum3A_3852 = arith.constant dense<0.000000e+00> : vector<1xf32>
    %reduce_sum3A_3853 = vector.multi_reduction <add>, %reduce_sum3A_3851, %reduce_sum3A_3852 [1, 2] : vector<1x1x128xf32> to vector<1xf32>
    %reduce_sum3A_3854 = vector.shape_cast %reduce_sum3A_3853 : vector<1xf32> to vector<1x1x1xf32>
    %reduce_sum3A_3855 = vector.extract %reduce_sum3A_3854[0, 0, 0] : f32 from vector<1x1x1xf32>
    %neg3A_3856 = arith.constant 0.000000e+00 : f32
    %neg3A_3857 = arith.subf %neg3A_3856, %reduce_sum3A_3855 : f32
    %exp3A_3858 = math.exp %neg3A_3857 : f32
    %add3A_3859 = arith.constant 1.000000e+00 : f32
    %add3A_3860 = arith.addf %add3A_3859, %exp3A_3858 : f32
    %div3A_3861 = arith.constant 1.000000e+00 : f32
    %div3A_3862 = arith.divf %div3A_3861, %add3A_3860 : f32
    %eq3A_3863 = arith.constant 0 : i32
    %eq3A_3864 = vector.broadcast %eq3A_3863 : i32 to vector<1x128xi32>
    %eq3A_3865 = arith.cmpi eq, %iota3A, %eq3A_3864 : vector<1x128xi32>
    %convert_element_type3A_3866 = arith.sitofp %reduce_sum3A_3838 : i32 to f32
    %jit3A_3867 = arith.constant 0.000000e+00 : f32
    %broadcast_in_dim3A_3868 = vector.broadcast %convert_element_type3A_3866 : f32 to vector<1x128xf32>
    %broadcast_in_dim3A_3869 = vector.broadcast %jit3A_3867 : f32 to vector<1x128xf32>
    %select_n3A_3870 = arith.select %eq3A_3865, %broadcast_in_dim3A_3868, %broadcast_in_dim3A_3869 : vector<1x128xi1>, vector<1x128xf32>
    %eq3A_3871 = arith.constant 1 : i32
    %eq3A_3872 = vector.broadcast %eq3A_3871 : i32 to vector<1x128xi32>
    %eq3A_3873 = arith.cmpi eq, %iota3A, %eq3A_3872 : vector<1x128xi32>
    %jit3A_3874 = arith.constant 0.000000e+00 : f32
    %broadcast_in_dim3A_3875 = vector.broadcast %div3A_3862 : f32 to vector<1x128xf32>
    %broadcast_in_dim3A_3876 = vector.broadcast %jit3A_3874 : f32 to vector<1x128xf32>
    %select_n3A_3877 = arith.select %eq3A_3873, %broadcast_in_dim3A_3875, %broadcast_in_dim3A_3876 : vector<1x128xi1>, vector<1x128xf32>
    %add3A_3878 = arith.addf %select_n3A_3870, %select_n3A_3877 : vector<1x128xf32>
    %eq3A_3879 = arith.constant 2 : i32
    %eq3A_3880 = vector.broadcast %eq3A_3879 : i32 to vector<1x128xi32>
    %eq3A_3881 = arith.cmpi eq, %iota3A, %eq3A_3880 : vector<1x128xi32>
    %get3A_3882 = arith.index_cast %shift_right_logical3A_3840 : i32 to index
    %get3A_3883 = arith.constant 0 : index
    %get3A_3884 = vector.load %arg8[%get3A_3882, %get3A_3883] : memref<40x128xf32, #tpu.memory_space<vmem>>, vector<1x128xf32>
    %broadcast_in_dim3A_3885 = arith.constant 0.000000e+00 : f32
    %broadcast_in_dim3A_3886 = vector.broadcast %broadcast_in_dim3A_3885 : f32 to vector<1x128xf32>
    %eq3A_3887 = vector.broadcast %and3A_3842 : i32 to vector<1x128xi32>
    %eq3A_3888 = arith.cmpi eq, %iota3A, %eq3A_3887 : vector<1x128xi32>
    %select_n3A_3889 = arith.select %eq3A_3888, %get3A_3884, %broadcast_in_dim3A_3886 : vector<1x128xi1>, vector<1x128xf32>
    %reduce_sum3A_3890 = vector.shape_cast %select_n3A_3889 : vector<1x128xf32> to vector<1x1x128xf32>
    %reduce_sum3A_3891 = arith.constant dense<0.000000e+00> : vector<1xf32>
    %reduce_sum3A_3892 = vector.multi_reduction <add>, %reduce_sum3A_3890, %reduce_sum3A_3891 [1, 2] : vector<1x1x128xf32> to vector<1xf32>
    %reduce_sum3A_3893 = vector.shape_cast %reduce_sum3A_3892 : vector<1xf32> to vector<1x1x1xf32>
    %reduce_sum3A_3894 = vector.extract %reduce_sum3A_3893[0, 0, 0] : f32 from vector<1x1x1xf32>
    %jit3A_3895 = arith.constant 0.000000e+00 : f32
    %broadcast_in_dim3A_3896 = vector.broadcast %reduce_sum3A_3894 : f32 to vector<1x128xf32>
    %broadcast_in_dim3A_3897 = vector.broadcast %jit3A_3895 : f32 to vector<1x128xf32>
    %select_n3A_3898 = arith.select %eq3A_3881, %broadcast_in_dim3A_3896, %broadcast_in_dim3A_3897 : vector<1x128xi1>, vector<1x128xf32>
    %add3A_3899 = arith.addf %add3A_3878, %select_n3A_3898 : vector<1x128xf32>
    %eq3A_3900 = arith.constant 3 : i32
    %eq3A_3901 = vector.broadcast %eq3A_3900 : i32 to vector<1x128xi32>
    %eq3A_3902 = arith.cmpi eq, %iota3A, %eq3A_3901 : vector<1x128xi32>
    %get3A_3903 = arith.index_cast %shift_right_logical3A_3840 : i32 to index
    %get3A_3904 = arith.constant 0 : index
    %get3A_3905 = vector.load %arg9[%get3A_3903, %get3A_3904] : memref<40x128xf32, #tpu.memory_space<vmem>>, vector<1x128xf32>
    %broadcast_in_dim3A_3906 = arith.constant 0.000000e+00 : f32
    %broadcast_in_dim3A_3907 = vector.broadcast %broadcast_in_dim3A_3906 : f32 to vector<1x128xf32>
    %eq3A_3908 = vector.broadcast %and3A_3842 : i32 to vector<1x128xi32>
    %eq3A_3909 = arith.cmpi eq, %iota3A, %eq3A_3908 : vector<1x128xi32>
    %select_n3A_3910 = arith.select %eq3A_3909, %get3A_3905, %broadcast_in_dim3A_3907 : vector<1x128xi1>, vector<1x128xf32>
    %reduce_sum3A_3911 = vector.shape_cast %select_n3A_3910 : vector<1x128xf32> to vector<1x1x128xf32>
    %reduce_sum3A_3912 = arith.constant dense<0.000000e+00> : vector<1xf32>
    %reduce_sum3A_3913 = vector.multi_reduction <add>, %reduce_sum3A_3911, %reduce_sum3A_3912 [1, 2] : vector<1x1x128xf32> to vector<1xf32>
    %reduce_sum3A_3914 = vector.shape_cast %reduce_sum3A_3913 : vector<1xf32> to vector<1x1x1xf32>
    %reduce_sum3A_3915 = vector.extract %reduce_sum3A_3914[0, 0, 0] : f32 from vector<1x1x1xf32>
    %jit3A_3916 = arith.constant 0.000000e+00 : f32
    %broadcast_in_dim3A_3917 = vector.broadcast %reduce_sum3A_3915 : f32 to vector<1x128xf32>
    %broadcast_in_dim3A_3918 = vector.broadcast %jit3A_3916 : f32 to vector<1x128xf32>
    %select_n3A_3919 = arith.select %eq3A_3902, %broadcast_in_dim3A_3917, %broadcast_in_dim3A_3918 : vector<1x128xi1>, vector<1x128xf32>
    %add3A_3920 = arith.addf %add3A_3899, %select_n3A_3919 : vector<1x128xf32>
    %eq3A_3921 = arith.constant 4 : i32
    %eq3A_3922 = vector.broadcast %eq3A_3921 : i32 to vector<1x128xi32>
    %eq3A_3923 = arith.cmpi eq, %iota3A, %eq3A_3922 : vector<1x128xi32>
    %get3A_3924 = arith.index_cast %shift_right_logical3A_3840 : i32 to index
    %get3A_3925 = arith.constant 0 : index
    %get3A_3926 = vector.load %arg10[%get3A_3924, %get3A_3925] : memref<40x128xf32, #tpu.memory_space<vmem>>, vector<1x128xf32>
    %broadcast_in_dim3A_3927 = arith.constant 0.000000e+00 : f32
    %broadcast_in_dim3A_3928 = vector.broadcast %broadcast_in_dim3A_3927 : f32 to vector<1x128xf32>
    %eq3A_3929 = vector.broadcast %and3A_3842 : i32 to vector<1x128xi32>
    %eq3A_3930 = arith.cmpi eq, %iota3A, %eq3A_3929 : vector<1x128xi32>
    %select_n3A_3931 = arith.select %eq3A_3930, %get3A_3926, %broadcast_in_dim3A_3928 : vector<1x128xi1>, vector<1x128xf32>
    %reduce_sum3A_3932 = vector.shape_cast %select_n3A_3931 : vector<1x128xf32> to vector<1x1x128xf32>
    %reduce_sum3A_3933 = arith.constant dense<0.000000e+00> : vector<1xf32>
    %reduce_sum3A_3934 = vector.multi_reduction <add>, %reduce_sum3A_3932, %reduce_sum3A_3933 [1, 2] : vector<1x1x128xf32> to vector<1xf32>
    %reduce_sum3A_3935 = vector.shape_cast %reduce_sum3A_3934 : vector<1xf32> to vector<1x1x1xf32>
    %reduce_sum3A_3936 = vector.extract %reduce_sum3A_3935[0, 0, 0] : f32 from vector<1x1x1xf32>
    %jit3A_3937 = arith.constant 0.000000e+00 : f32
    %broadcast_in_dim3A_3938 = vector.broadcast %reduce_sum3A_3936 : f32 to vector<1x128xf32>
    %broadcast_in_dim3A_3939 = vector.broadcast %jit3A_3937 : f32 to vector<1x128xf32>
    %select_n3A_3940 = arith.select %eq3A_3923, %broadcast_in_dim3A_3938, %broadcast_in_dim3A_3939 : vector<1x128xi1>, vector<1x128xf32>
    %add3A_3941 = arith.addf %add3A_3920, %select_n3A_3940 : vector<1x128xf32>
    %eq3A_3942 = arith.constant 5 : i32
    %eq3A_3943 = vector.broadcast %eq3A_3942 : i32 to vector<1x128xi32>
    %eq3A_3944 = arith.cmpi eq, %iota3A, %eq3A_3943 : vector<1x128xi32>
    %get3A_3945 = arith.index_cast %shift_right_logical3A_3840 : i32 to index
    %get3A_3946 = arith.constant 0 : index
    %get3A_3947 = vector.load %arg11[%get3A_3945, %get3A_3946] : memref<40x128xf32, #tpu.memory_space<vmem>>, vector<1x128xf32>
    %broadcast_in_dim3A_3948 = arith.constant 0.000000e+00 : f32
    %broadcast_in_dim3A_3949 = vector.broadcast %broadcast_in_dim3A_3948 : f32 to vector<1x128xf32>
    %eq3A_3950 = vector.broadcast %and3A_3842 : i32 to vector<1x128xi32>
    %eq3A_3951 = arith.cmpi eq, %iota3A, %eq3A_3950 : vector<1x128xi32>
    %select_n3A_3952 = arith.select %eq3A_3951, %get3A_3947, %broadcast_in_dim3A_3949 : vector<1x128xi1>, vector<1x128xf32>
    %reduce_sum3A_3953 = vector.shape_cast %select_n3A_3952 : vector<1x128xf32> to vector<1x1x128xf32>
    %reduce_sum3A_3954 = arith.constant dense<0.000000e+00> : vector<1xf32>
    %reduce_sum3A_3955 = vector.multi_reduction <add>, %reduce_sum3A_3953, %reduce_sum3A_3954 [1, 2] : vector<1x1x128xf32> to vector<1xf32>
    %reduce_sum3A_3956 = vector.shape_cast %reduce_sum3A_3955 : vector<1xf32> to vector<1x1x1xf32>
    %reduce_sum3A_3957 = vector.extract %reduce_sum3A_3956[0, 0, 0] : f32 from vector<1x1x1xf32>
    %jit3A_3958 = arith.constant 0.000000e+00 : f32
    %broadcast_in_dim3A_3959 = vector.broadcast %reduce_sum3A_3957 : f32 to vector<1x128xf32>
    %broadcast_in_dim3A_3960 = vector.broadcast %jit3A_3958 : f32 to vector<1x128xf32>
    %select_n3A_3961 = arith.select %eq3A_3944, %broadcast_in_dim3A_3959, %broadcast_in_dim3A_3960 : vector<1x128xi1>, vector<1x128xf32>
    %add3A_3962 = arith.addf %add3A_3941, %select_n3A_3961 : vector<1x128xf32>
    %swap3A_3963 = arith.constant 27 : index
    %swap3A_3964 = arith.constant 0 : index
    %swap3A_3965 = vector.load %arg13[%swap3A_3963, %swap3A_3964] : memref<30x128xf32, #tpu.memory_space<vmem>>, vector<1x128xf32>
    tpu.vector_store %arg13[%swap3A_3963, %swap3A_3964], %add3A_3962 {strides = array<i32>} : memref<30x128xf32, #tpu.memory_space<vmem>>, vector<1x128xf32>,
    %get3A_3966 = arith.constant 0 : index
    %get3A_3967 = arith.constant 0 : index
    %get3A_3968 = vector.load %arg16[%get3A_3966, %get3A_3967] : memref<8x128xi32, #tpu.memory_space<vmem>>, vector<1x128xi32>
    %broadcast_in_dim3A_3969 = arith.constant 0 : i32
    %broadcast_in_dim3A_3970 = vector.broadcast %broadcast_in_dim3A_3969 : i32 to vector<1x128xi32>
    %eq3A_3971 = arith.constant 13 : i32
    %eq3A_3972 = vector.broadcast %eq3A_3971 : i32 to vector<1x128xi32>
    %eq3A_3973 = arith.cmpi eq, %iota3A, %eq3A_3972 : vector<1x128xi32>
    %select_n3A_3974 = arith.select %eq3A_3973, %get3A_3968, %broadcast_in_dim3A_3970 : vector<1x128xi1>, vector<1x128xi32>
    %reduce_sum3A_3975 = vector.shape_cast %select_n3A_3974 : vector<1x128xi32> to vector<1x1x128xi32>
    %reduce_sum3A_3976 = arith.constant dense<0> : vector<1xi32>
    %reduce_sum3A_3977 = vector.multi_reduction <add>, %reduce_sum3A_3975, %reduce_sum3A_3976 [1, 2] : vector<1x1x128xi32> to vector<1xi32>
    %reduce_sum3A_3978 = vector.shape_cast %reduce_sum3A_3977 : vector<1xi32> to vector<1x1x1xi32>
    %reduce_sum3A_3979 = vector.extract %reduce_sum3A_3978[0, 0, 0] : i32 from vector<1x1x1xi32>
    %shift_right_logical3A_3980 = arith.constant 7 : i32
    %shift_right_logical3A_3981 = arith.shrui %reduce_sum3A_3979, %shift_right_logical3A_3980 : i32
    %and3A_3982 = arith.constant 127 : i32
    %and3A_3983 = arith.andi %reduce_sum3A_3979, %and3A_3982 : i32
    %get3A_3984 = arith.index_cast %shift_right_logical3A_3981 : i32 to index
    %get3A_3985 = arith.constant 0 : index
    %get3A_3986 = vector.load %arg12[%get3A_3984, %get3A_3985] : memref<40x128xf32, #tpu.memory_space<vmem>>, vector<1x128xf32>
    %broadcast_in_dim3A_3987 = arith.constant 0.000000e+00 : f32
    %broadcast_in_dim3A_3988 = vector.broadcast %broadcast_in_dim3A_3987 : f32 to vector<1x128xf32>
    %eq3A_3989 = vector.broadcast %and3A_3983 : i32 to vector<1x128xi32>
    %eq3A_3990 = arith.cmpi eq, %iota3A, %eq3A_3989 : vector<1x128xi32>
    %select_n3A_3991 = arith.select %eq3A_3990, %get3A_3986, %broadcast_in_dim3A_3988 : vector<1x128xi1>, vector<1x128xf32>
    %reduce_sum3A_3992 = vector.shape_cast %select_n3A_3991 : vector<1x128xf32> to vector<1x1x128xf32>
    %reduce_sum3A_3993 = arith.constant dense<0.000000e+00> : vector<1xf32>
    %reduce_sum3A_3994 = vector.multi_reduction <add>, %reduce_sum3A_3992, %reduce_sum3A_3993 [1, 2] : vector<1x1x128xf32> to vector<1xf32>
    %reduce_sum3A_3995 = vector.shape_cast %reduce_sum3A_3994 : vector<1xf32> to vector<1x1x1xf32>
    %reduce_sum3A_3996 = vector.extract %reduce_sum3A_3995[0, 0, 0] : f32 from vector<1x1x1xf32>
    %neg3A_3997 = arith.constant 0.000000e+00 : f32
    %neg3A_3998 = arith.subf %neg3A_3997, %reduce_sum3A_3996 : f32
    %exp3A_3999 = math.exp %neg3A_3998 : f32
    %add3A_4000 = arith.constant 1.000000e+00 : f32
    %add3A_4001 = arith.addf %add3A_4000, %exp3A_3999 : f32
    %div3A_4002 = arith.constant 1.000000e+00 : f32
    %div3A_4003 = arith.divf %div3A_4002, %add3A_4001 : f32
    %eq3A_4004 = arith.constant 0 : i32
    %eq3A_4005 = vector.broadcast %eq3A_4004 : i32 to vector<1x128xi32>
    %eq3A_4006 = arith.cmpi eq, %iota3A, %eq3A_4005 : vector<1x128xi32>
    %convert_element_type3A_4007 = arith.sitofp %reduce_sum3A_3979 : i32 to f32
    %jit3A_4008 = arith.constant 0.000000e+00 : f32
    %broadcast_in_dim3A_4009 = vector.broadcast %convert_element_type3A_4007 : f32 to vector<1x128xf32>
    %broadcast_in_dim3A_4010 = vector.broadcast %jit3A_4008 : f32 to vector<1x128xf32>
    %select_n3A_4011 = arith.select %eq3A_4006, %broadcast_in_dim3A_4009, %broadcast_in_dim3A_4010 : vector<1x128xi1>, vector<1x128xf32>
    %eq3A_4012 = arith.constant 1 : i32
    %eq3A_4013 = vector.broadcast %eq3A_4012 : i32 to vector<1x128xi32>
    %eq3A_4014 = arith.cmpi eq, %iota3A, %eq3A_4013 : vector<1x128xi32>
    %jit3A_4015 = arith.constant 0.000000e+00 : f32
    %broadcast_in_dim3A_4016 = vector.broadcast %div3A_4003 : f32 to vector<1x128xf32>
    %broadcast_in_dim3A_4017 = vector.broadcast %jit3A_4015 : f32 to vector<1x128xf32>
    %select_n3A_4018 = arith.select %eq3A_4014, %broadcast_in_dim3A_4016, %broadcast_in_dim3A_4017 : vector<1x128xi1>, vector<1x128xf32>
    %add3A_4019 = arith.addf %select_n3A_4011, %select_n3A_4018 : vector<1x128xf32>
    %eq3A_4020 = arith.constant 2 : i32
    %eq3A_4021 = vector.broadcast %eq3A_4020 : i32 to vector<1x128xi32>
    %eq3A_4022 = arith.cmpi eq, %iota3A, %eq3A_4021 : vector<1x128xi32>
    %get3A_4023 = arith.index_cast %shift_right_logical3A_3981 : i32 to index
    %get3A_4024 = arith.constant 0 : index
    %get3A_4025 = vector.load %arg8[%get3A_4023, %get3A_4024] : memref<40x128xf32, #tpu.memory_space<vmem>>, vector<1x128xf32>
    %broadcast_in_dim3A_4026 = arith.constant 0.000000e+00 : f32
    %broadcast_in_dim3A_4027 = vector.broadcast %broadcast_in_dim3A_4026 : f32 to vector<1x128xf32>
    %eq3A_4028 = vector.broadcast %and3A_3983 : i32 to vector<1x128xi32>
    %eq3A_4029 = arith.cmpi eq, %iota3A, %eq3A_4028 : vector<1x128xi32>
    %select_n3A_4030 = arith.select %eq3A_4029, %get3A_4025, %broadcast_in_dim3A_4027 : vector<1x128xi1>, vector<1x128xf32>
    %reduce_sum3A_4031 = vector.shape_cast %select_n3A_4030 : vector<1x128xf32> to vector<1x1x128xf32>
    %reduce_sum3A_4032 = arith.constant dense<0.000000e+00> : vector<1xf32>
    %reduce_sum3A_4033 = vector.multi_reduction <add>, %reduce_sum3A_4031, %reduce_sum3A_4032 [1, 2] : vector<1x1x128xf32> to vector<1xf32>
    %reduce_sum3A_4034 = vector.shape_cast %reduce_sum3A_4033 : vector<1xf32> to vector<1x1x1xf32>
    %reduce_sum3A_4035 = vector.extract %reduce_sum3A_4034[0, 0, 0] : f32 from vector<1x1x1xf32>
    %jit3A_4036 = arith.constant 0.000000e+00 : f32
    %broadcast_in_dim3A_4037 = vector.broadcast %reduce_sum3A_4035 : f32 to vector<1x128xf32>
    %broadcast_in_dim3A_4038 = vector.broadcast %jit3A_4036 : f32 to vector<1x128xf32>
    %select_n3A_4039 = arith.select %eq3A_4022, %broadcast_in_dim3A_4037, %broadcast_in_dim3A_4038 : vector<1x128xi1>, vector<1x128xf32>
    %add3A_4040 = arith.addf %add3A_4019, %select_n3A_4039 : vector<1x128xf32>
    %eq3A_4041 = arith.constant 3 : i32
    %eq3A_4042 = vector.broadcast %eq3A_4041 : i32 to vector<1x128xi32>
    %eq3A_4043 = arith.cmpi eq, %iota3A, %eq3A_4042 : vector<1x128xi32>
    %get3A_4044 = arith.index_cast %shift_right_logical3A_3981 : i32 to index
    %get3A_4045 = arith.constant 0 : index
    %get3A_4046 = vector.load %arg9[%get3A_4044, %get3A_4045] : memref<40x128xf32, #tpu.memory_space<vmem>>, vector<1x128xf32>
    %broadcast_in_dim3A_4047 = arith.constant 0.000000e+00 : f32
    %broadcast_in_dim3A_4048 = vector.broadcast %broadcast_in_dim3A_4047 : f32 to vector<1x128xf32>
    %eq3A_4049 = vector.broadcast %and3A_3983 : i32 to vector<1x128xi32>
    %eq3A_4050 = arith.cmpi eq, %iota3A, %eq3A_4049 : vector<1x128xi32>
    %select_n3A_4051 = arith.select %eq3A_4050, %get3A_4046, %broadcast_in_dim3A_4048 : vector<1x128xi1>, vector<1x128xf32>
    %reduce_sum3A_4052 = vector.shape_cast %select_n3A_4051 : vector<1x128xf32> to vector<1x1x128xf32>
    %reduce_sum3A_4053 = arith.constant dense<0.000000e+00> : vector<1xf32>
    %reduce_sum3A_4054 = vector.multi_reduction <add>, %reduce_sum3A_4052, %reduce_sum3A_4053 [1, 2] : vector<1x1x128xf32> to vector<1xf32>
    %reduce_sum3A_4055 = vector.shape_cast %reduce_sum3A_4054 : vector<1xf32> to vector<1x1x1xf32>
    %reduce_sum3A_4056 = vector.extract %reduce_sum3A_4055[0, 0, 0] : f32 from vector<1x1x1xf32>
    %jit3A_4057 = arith.constant 0.000000e+00 : f32
    %broadcast_in_dim3A_4058 = vector.broadcast %reduce_sum3A_4056 : f32 to vector<1x128xf32>
    %broadcast_in_dim3A_4059 = vector.broadcast %jit3A_4057 : f32 to vector<1x128xf32>
    %select_n3A_4060 = arith.select %eq3A_4043, %broadcast_in_dim3A_4058, %broadcast_in_dim3A_4059 : vector<1x128xi1>, vector<1x128xf32>
    %add3A_4061 = arith.addf %add3A_4040, %select_n3A_4060 : vector<1x128xf32>
    %eq3A_4062 = arith.constant 4 : i32
    %eq3A_4063 = vector.broadcast %eq3A_4062 : i32 to vector<1x128xi32>
    %eq3A_4064 = arith.cmpi eq, %iota3A, %eq3A_4063 : vector<1x128xi32>
    %get3A_4065 = arith.index_cast %shift_right_logical3A_3981 : i32 to index
    %get3A_4066 = arith.constant 0 : index
    %get3A_4067 = vector.load %arg10[%get3A_4065, %get3A_4066] : memref<40x128xf32, #tpu.memory_space<vmem>>, vector<1x128xf32>
    %broadcast_in_dim3A_4068 = arith.constant 0.000000e+00 : f32
    %broadcast_in_dim3A_4069 = vector.broadcast %broadcast_in_dim3A_4068 : f32 to vector<1x128xf32>
    %eq3A_4070 = vector.broadcast %and3A_3983 : i32 to vector<1x128xi32>
    %eq3A_4071 = arith.cmpi eq, %iota3A, %eq3A_4070 : vector<1x128xi32>
    %select_n3A_4072 = arith.select %eq3A_4071, %get3A_4067, %broadcast_in_dim3A_4069 : vector<1x128xi1>, vector<1x128xf32>
    %reduce_sum3A_4073 = vector.shape_cast %select_n3A_4072 : vector<1x128xf32> to vector<1x1x128xf32>
    %reduce_sum3A_4074 = arith.constant dense<0.000000e+00> : vector<1xf32>
    %reduce_sum3A_4075 = vector.multi_reduction <add>, %reduce_sum3A_4073, %reduce_sum3A_4074 [1, 2] : vector<1x1x128xf32> to vector<1xf32>
    %reduce_sum3A_4076 = vector.shape_cast %reduce_sum3A_4075 : vector<1xf32> to vector<1x1x1xf32>
    %reduce_sum3A_4077 = vector.extract %reduce_sum3A_4076[0, 0, 0] : f32 from vector<1x1x1xf32>
    %jit3A_4078 = arith.constant 0.000000e+00 : f32
    %broadcast_in_dim3A_4079 = vector.broadcast %reduce_sum3A_4077 : f32 to vector<1x128xf32>
    %broadcast_in_dim3A_4080 = vector.broadcast %jit3A_4078 : f32 to vector<1x128xf32>
    %select_n3A_4081 = arith.select %eq3A_4064, %broadcast_in_dim3A_4079, %broadcast_in_dim3A_4080 : vector<1x128xi1>, vector<1x128xf32>
    %add3A_4082 = arith.addf %add3A_4061, %select_n3A_4081 : vector<1x128xf32>
    %eq3A_4083 = arith.constant 5 : i32
    %eq3A_4084 = vector.broadcast %eq3A_4083 : i32 to vector<1x128xi32>
    %eq3A_4085 = arith.cmpi eq, %iota3A, %eq3A_4084 : vector<1x128xi32>
    %get3A_4086 = arith.index_cast %shift_right_logical3A_3981 : i32 to index
    %get3A_4087 = arith.constant 0 : index
    %get3A_4088 = vector.load %arg11[%get3A_4086, %get3A_4087] : memref<40x128xf32, #tpu.memory_space<vmem>>, vector<1x128xf32>
    %broadcast_in_dim3A_4089 = arith.constant 0.000000e+00 : f32
    %broadcast_in_dim3A_4090 = vector.broadcast %broadcast_in_dim3A_4089 : f32 to vector<1x128xf32>
    %eq3A_4091 = vector.broadcast %and3A_3983 : i32 to vector<1x128xi32>
    %eq3A_4092 = arith.cmpi eq, %iota3A, %eq3A_4091 : vector<1x128xi32>
    %select_n3A_4093 = arith.select %eq3A_4092, %get3A_4088, %broadcast_in_dim3A_4090 : vector<1x128xi1>, vector<1x128xf32>
    %reduce_sum3A_4094 = vector.shape_cast %select_n3A_4093 : vector<1x128xf32> to vector<1x1x128xf32>
    %reduce_sum3A_4095 = arith.constant dense<0.000000e+00> : vector<1xf32>
    %reduce_sum3A_4096 = vector.multi_reduction <add>, %reduce_sum3A_4094, %reduce_sum3A_4095 [1, 2] : vector<1x1x128xf32> to vector<1xf32>
    %reduce_sum3A_4097 = vector.shape_cast %reduce_sum3A_4096 : vector<1xf32> to vector<1x1x1xf32>
    %reduce_sum3A_4098 = vector.extract %reduce_sum3A_4097[0, 0, 0] : f32 from vector<1x1x1xf32>
    %jit3A_4099 = arith.constant 0.000000e+00 : f32
    %broadcast_in_dim3A_4100 = vector.broadcast %reduce_sum3A_4098 : f32 to vector<1x128xf32>
    %broadcast_in_dim3A_4101 = vector.broadcast %jit3A_4099 : f32 to vector<1x128xf32>
    %select_n3A_4102 = arith.select %eq3A_4085, %broadcast_in_dim3A_4100, %broadcast_in_dim3A_4101 : vector<1x128xi1>, vector<1x128xf32>
    %add3A_4103 = arith.addf %add3A_4082, %select_n3A_4102 : vector<1x128xf32>
    %swap3A_4104 = arith.constant 28 : index
    %swap3A_4105 = arith.constant 0 : index
    %swap3A_4106 = vector.load %arg13[%swap3A_4104, %swap3A_4105] : memref<30x128xf32, #tpu.memory_space<vmem>>, vector<1x128xf32>
    tpu.vector_store %arg13[%swap3A_4104, %swap3A_4105], %add3A_4103 {strides = array<i32>} : memref<30x128xf32, #tpu.memory_space<vmem>>, vector<1x128xf32>,
    %get3A_4107 = arith.constant 0 : index
    %get3A_4108 = arith.constant 0 : index
    %get3A_4109 = vector.load %arg16[%get3A_4107, %get3A_4108] : memref<8x128xi32, #tpu.memory_space<vmem>>, vector<1x128xi32>
    %broadcast_in_dim3A_4110 = arith.constant 0 : i32
    %broadcast_in_dim3A_4111 = vector.broadcast %broadcast_in_dim3A_4110 : i32 to vector<1x128xi32>
    %eq3A_4112 = arith.constant 14 : i32
    %eq3A_4113 = vector.broadcast %eq3A_4112 : i32 to vector<1x128xi32>
    %eq3A_4114 = arith.cmpi eq, %iota3A, %eq3A_4113 : vector<1x128xi32>
    %select_n3A_4115 = arith.select %eq3A_4114, %get3A_4109, %broadcast_in_dim3A_4111 : vector<1x128xi1>, vector<1x128xi32>
    %reduce_sum3A_4116 = vector.shape_cast %select_n3A_4115 : vector<1x128xi32> to vector<1x1x128xi32>
    %reduce_sum3A_4117 = arith.constant dense<0> : vector<1xi32>
    %reduce_sum3A_4118 = vector.multi_reduction <add>, %reduce_sum3A_4116, %reduce_sum3A_4117 [1, 2] : vector<1x1x128xi32> to vector<1xi32>
    %reduce_sum3A_4119 = vector.shape_cast %reduce_sum3A_4118 : vector<1xi32> to vector<1x1x1xi32>
    %reduce_sum3A_4120 = vector.extract %reduce_sum3A_4119[0, 0, 0] : i32 from vector<1x1x1xi32>
    %shift_right_logical3A_4121 = arith.constant 7 : i32
    %shift_right_logical3A_4122 = arith.shrui %reduce_sum3A_4120, %shift_right_logical3A_4121 : i32
    %and3A_4123 = arith.constant 127 : i32
    %and3A_4124 = arith.andi %reduce_sum3A_4120, %and3A_4123 : i32
    %get3A_4125 = arith.index_cast %shift_right_logical3A_4122 : i32 to index
    %get3A_4126 = arith.constant 0 : index
    %get3A_4127 = vector.load %arg12[%get3A_4125, %get3A_4126] : memref<40x128xf32, #tpu.memory_space<vmem>>, vector<1x128xf32>
    %broadcast_in_dim3A_4128 = arith.constant 0.000000e+00 : f32
    %broadcast_in_dim3A_4129 = vector.broadcast %broadcast_in_dim3A_4128 : f32 to vector<1x128xf32>
    %eq3A_4130 = vector.broadcast %and3A_4124 : i32 to vector<1x128xi32>
    %eq3A_4131 = arith.cmpi eq, %iota3A, %eq3A_4130 : vector<1x128xi32>
    %select_n3A_4132 = arith.select %eq3A_4131, %get3A_4127, %broadcast_in_dim3A_4129 : vector<1x128xi1>, vector<1x128xf32>
    %reduce_sum3A_4133 = vector.shape_cast %select_n3A_4132 : vector<1x128xf32> to vector<1x1x128xf32>
    %reduce_sum3A_4134 = arith.constant dense<0.000000e+00> : vector<1xf32>
    %reduce_sum3A_4135 = vector.multi_reduction <add>, %reduce_sum3A_4133, %reduce_sum3A_4134 [1, 2] : vector<1x1x128xf32> to vector<1xf32>
    %reduce_sum3A_4136 = vector.shape_cast %reduce_sum3A_4135 : vector<1xf32> to vector<1x1x1xf32>
    %reduce_sum3A_4137 = vector.extract %reduce_sum3A_4136[0, 0, 0] : f32 from vector<1x1x1xf32>
    %neg3A_4138 = arith.constant 0.000000e+00 : f32
    %neg3A_4139 = arith.subf %neg3A_4138, %reduce_sum3A_4137 : f32
    %exp3A_4140 = math.exp %neg3A_4139 : f32
    %add3A_4141 = arith.constant 1.000000e+00 : f32
    %add3A_4142 = arith.addf %add3A_4141, %exp3A_4140 : f32
    %div3A_4143 = arith.constant 1.000000e+00 : f32
    %div3A_4144 = arith.divf %div3A_4143, %add3A_4142 : f32
    %eq3A_4145 = arith.constant 0 : i32
    %eq3A_4146 = vector.broadcast %eq3A_4145 : i32 to vector<1x128xi32>
    %eq3A_4147 = arith.cmpi eq, %iota3A, %eq3A_4146 : vector<1x128xi32>
    %convert_element_type3A_4148 = arith.sitofp %reduce_sum3A_4120 : i32 to f32
    %jit3A_4149 = arith.constant 0.000000e+00 : f32
    %broadcast_in_dim3A_4150 = vector.broadcast %convert_element_type3A_4148 : f32 to vector<1x128xf32>
    %broadcast_in_dim3A_4151 = vector.broadcast %jit3A_4149 : f32 to vector<1x128xf32>
    %select_n3A_4152 = arith.select %eq3A_4147, %broadcast_in_dim3A_4150, %broadcast_in_dim3A_4151 : vector<1x128xi1>, vector<1x128xf32>
    %eq3A_4153 = arith.constant 1 : i32
    %eq3A_4154 = vector.broadcast %eq3A_4153 : i32 to vector<1x128xi32>
    %eq3A_4155 = arith.cmpi eq, %iota3A, %eq3A_4154 : vector<1x128xi32>
    %jit3A_4156 = arith.constant 0.000000e+00 : f32
    %broadcast_in_dim3A_4157 = vector.broadcast %div3A_4144 : f32 to vector<1x128xf32>
    %broadcast_in_dim3A_4158 = vector.broadcast %jit3A_4156 : f32 to vector<1x128xf32>
    %select_n3A_4159 = arith.select %eq3A_4155, %broadcast_in_dim3A_4157, %broadcast_in_dim3A_4158 : vector<1x128xi1>, vector<1x128xf32>
    %add3A_4160 = arith.addf %select_n3A_4152, %select_n3A_4159 : vector<1x128xf32>
    %eq3A_4161 = arith.constant 2 : i32
    %eq3A_4162 = vector.broadcast %eq3A_4161 : i32 to vector<1x128xi32>
    %eq3A_4163 = arith.cmpi eq, %iota3A, %eq3A_4162 : vector<1x128xi32>
    %get3A_4164 = arith.index_cast %shift_right_logical3A_4122 : i32 to index
    %get3A_4165 = arith.constant 0 : index
    %get3A_4166 = vector.load %arg8[%get3A_4164, %get3A_4165] : memref<40x128xf32, #tpu.memory_space<vmem>>, vector<1x128xf32>
    %broadcast_in_dim3A_4167 = arith.constant 0.000000e+00 : f32
    %broadcast_in_dim3A_4168 = vector.broadcast %broadcast_in_dim3A_4167 : f32 to vector<1x128xf32>
    %eq3A_4169 = vector.broadcast %and3A_4124 : i32 to vector<1x128xi32>
    %eq3A_4170 = arith.cmpi eq, %iota3A, %eq3A_4169 : vector<1x128xi32>
    %select_n3A_4171 = arith.select %eq3A_4170, %get3A_4166, %broadcast_in_dim3A_4168 : vector<1x128xi1>, vector<1x128xf32>
    %reduce_sum3A_4172 = vector.shape_cast %select_n3A_4171 : vector<1x128xf32> to vector<1x1x128xf32>
    %reduce_sum3A_4173 = arith.constant dense<0.000000e+00> : vector<1xf32>
    %reduce_sum3A_4174 = vector.multi_reduction <add>, %reduce_sum3A_4172, %reduce_sum3A_4173 [1, 2] : vector<1x1x128xf32> to vector<1xf32>
    %reduce_sum3A_4175 = vector.shape_cast %reduce_sum3A_4174 : vector<1xf32> to vector<1x1x1xf32>
    %reduce_sum3A_4176 = vector.extract %reduce_sum3A_4175[0, 0, 0] : f32 from vector<1x1x1xf32>
    %jit3A_4177 = arith.constant 0.000000e+00 : f32
    %broadcast_in_dim3A_4178 = vector.broadcast %reduce_sum3A_4176 : f32 to vector<1x128xf32>
    %broadcast_in_dim3A_4179 = vector.broadcast %jit3A_4177 : f32 to vector<1x128xf32>
    %select_n3A_4180 = arith.select %eq3A_4163, %broadcast_in_dim3A_4178, %broadcast_in_dim3A_4179 : vector<1x128xi1>, vector<1x128xf32>
    %add3A_4181 = arith.addf %add3A_4160, %select_n3A_4180 : vector<1x128xf32>
    %eq3A_4182 = arith.constant 3 : i32
    %eq3A_4183 = vector.broadcast %eq3A_4182 : i32 to vector<1x128xi32>
    %eq3A_4184 = arith.cmpi eq, %iota3A, %eq3A_4183 : vector<1x128xi32>
    %get3A_4185 = arith.index_cast %shift_right_logical3A_4122 : i32 to index
    %get3A_4186 = arith.constant 0 : index
    %get3A_4187 = vector.load %arg9[%get3A_4185, %get3A_4186] : memref<40x128xf32, #tpu.memory_space<vmem>>, vector<1x128xf32>
    %broadcast_in_dim3A_4188 = arith.constant 0.000000e+00 : f32
    %broadcast_in_dim3A_4189 = vector.broadcast %broadcast_in_dim3A_4188 : f32 to vector<1x128xf32>
    %eq3A_4190 = vector.broadcast %and3A_4124 : i32 to vector<1x128xi32>
    %eq3A_4191 = arith.cmpi eq, %iota3A, %eq3A_4190 : vector<1x128xi32>
    %select_n3A_4192 = arith.select %eq3A_4191, %get3A_4187, %broadcast_in_dim3A_4189 : vector<1x128xi1>, vector<1x128xf32>
    %reduce_sum3A_4193 = vector.shape_cast %select_n3A_4192 : vector<1x128xf32> to vector<1x1x128xf32>
    %reduce_sum3A_4194 = arith.constant dense<0.000000e+00> : vector<1xf32>
    %reduce_sum3A_4195 = vector.multi_reduction <add>, %reduce_sum3A_4193, %reduce_sum3A_4194 [1, 2] : vector<1x1x128xf32> to vector<1xf32>
    %reduce_sum3A_4196 = vector.shape_cast %reduce_sum3A_4195 : vector<1xf32> to vector<1x1x1xf32>
    %reduce_sum3A_4197 = vector.extract %reduce_sum3A_4196[0, 0, 0] : f32 from vector<1x1x1xf32>
    %jit3A_4198 = arith.constant 0.000000e+00 : f32
    %broadcast_in_dim3A_4199 = vector.broadcast %reduce_sum3A_4197 : f32 to vector<1x128xf32>
    %broadcast_in_dim3A_4200 = vector.broadcast %jit3A_4198 : f32 to vector<1x128xf32>
    %select_n3A_4201 = arith.select %eq3A_4184, %broadcast_in_dim3A_4199, %broadcast_in_dim3A_4200 : vector<1x128xi1>, vector<1x128xf32>
    %add3A_4202 = arith.addf %add3A_4181, %select_n3A_4201 : vector<1x128xf32>
    %eq3A_4203 = arith.constant 4 : i32
    %eq3A_4204 = vector.broadcast %eq3A_4203 : i32 to vector<1x128xi32>
    %eq3A_4205 = arith.cmpi eq, %iota3A, %eq3A_4204 : vector<1x128xi32>
    %get3A_4206 = arith.index_cast %shift_right_logical3A_4122 : i32 to index
    %get3A_4207 = arith.constant 0 : index
    %get3A_4208 = vector.load %arg10[%get3A_4206, %get3A_4207] : memref<40x128xf32, #tpu.memory_space<vmem>>, vector<1x128xf32>
    %broadcast_in_dim3A_4209 = arith.constant 0.000000e+00 : f32
    %broadcast_in_dim3A_4210 = vector.broadcast %broadcast_in_dim3A_4209 : f32 to vector<1x128xf32>
    %eq3A_4211 = vector.broadcast %and3A_4124 : i32 to vector<1x128xi32>
    %eq3A_4212 = arith.cmpi eq, %iota3A, %eq3A_4211 : vector<1x128xi32>
    %select_n3A_4213 = arith.select %eq3A_4212, %get3A_4208, %broadcast_in_dim3A_4210 : vector<1x128xi1>, vector<1x128xf32>
    %reduce_sum3A_4214 = vector.shape_cast %select_n3A_4213 : vector<1x128xf32> to vector<1x1x128xf32>
    %reduce_sum3A_4215 = arith.constant dense<0.000000e+00> : vector<1xf32>
    %reduce_sum3A_4216 = vector.multi_reduction <add>, %reduce_sum3A_4214, %reduce_sum3A_4215 [1, 2] : vector<1x1x128xf32> to vector<1xf32>
    %reduce_sum3A_4217 = vector.shape_cast %reduce_sum3A_4216 : vector<1xf32> to vector<1x1x1xf32>
    %reduce_sum3A_4218 = vector.extract %reduce_sum3A_4217[0, 0, 0] : f32 from vector<1x1x1xf32>
    %jit3A_4219 = arith.constant 0.000000e+00 : f32
    %broadcast_in_dim3A_4220 = vector.broadcast %reduce_sum3A_4218 : f32 to vector<1x128xf32>
    %broadcast_in_dim3A_4221 = vector.broadcast %jit3A_4219 : f32 to vector<1x128xf32>
    %select_n3A_4222 = arith.select %eq3A_4205, %broadcast_in_dim3A_4220, %broadcast_in_dim3A_4221 : vector<1x128xi1>, vector<1x128xf32>
    %add3A_4223 = arith.addf %add3A_4202, %select_n3A_4222 : vector<1x128xf32>
    %eq3A_4224 = arith.constant 5 : i32
    %eq3A_4225 = vector.broadcast %eq3A_4224 : i32 to vector<1x128xi32>
    %eq3A_4226 = arith.cmpi eq, %iota3A, %eq3A_4225 : vector<1x128xi32>
    %get3A_4227 = arith.index_cast %shift_right_logical3A_4122 : i32 to index
    %get3A_4228 = arith.constant 0 : index
    %get3A_4229 = vector.load %arg11[%get3A_4227, %get3A_4228] : memref<40x128xf32, #tpu.memory_space<vmem>>, vector<1x128xf32>
    %broadcast_in_dim3A_4230 = arith.constant 0.000000e+00 : f32
    %broadcast_in_dim3A_4231 = vector.broadcast %broadcast_in_dim3A_4230 : f32 to vector<1x128xf32>
    %eq3A_4232 = vector.broadcast %and3A_4124 : i32 to vector<1x128xi32>
    %eq3A_4233 = arith.cmpi eq, %iota3A, %eq3A_4232 : vector<1x128xi32>
    %select_n3A_4234 = arith.select %eq3A_4233, %get3A_4229, %broadcast_in_dim3A_4231 : vector<1x128xi1>, vector<1x128xf32>
    %reduce_sum3A_4235 = vector.shape_cast %select_n3A_4234 : vector<1x128xf32> to vector<1x1x128xf32>
    %reduce_sum3A_4236 = arith.constant dense<0.000000e+00> : vector<1xf32>
    %reduce_sum3A_4237 = vector.multi_reduction <add>, %reduce_sum3A_4235, %reduce_sum3A_4236 [1, 2] : vector<1x1x128xf32> to vector<1xf32>
    %reduce_sum3A_4238 = vector.shape_cast %reduce_sum3A_4237 : vector<1xf32> to vector<1x1x1xf32>
    %reduce_sum3A_4239 = vector.extract %reduce_sum3A_4238[0, 0, 0] : f32 from vector<1x1x1xf32>
    %jit3A_4240 = arith.constant 0.000000e+00 : f32
    %broadcast_in_dim3A_4241 = vector.broadcast %reduce_sum3A_4239 : f32 to vector<1x128xf32>
    %broadcast_in_dim3A_4242 = vector.broadcast %jit3A_4240 : f32 to vector<1x128xf32>
    %select_n3A_4243 = arith.select %eq3A_4226, %broadcast_in_dim3A_4241, %broadcast_in_dim3A_4242 : vector<1x128xi1>, vector<1x128xf32>
    %add3A_4244 = arith.addf %add3A_4223, %select_n3A_4243 : vector<1x128xf32>
    %swap3A_4245 = arith.constant 29 : index
    %swap3A_4246 = arith.constant 0 : index
    %swap3A_4247 = vector.load %arg13[%swap3A_4245, %swap3A_4246] : memref<30x128xf32, #tpu.memory_space<vmem>>, vector<1x128xf32>
    tpu.vector_store %arg13[%swap3A_4245, %swap3A_4246], %add3A_4244 {strides = array<i32>} : memref<30x128xf32, #tpu.memory_space<vmem>>, vector<1x128xf32>,
    return
  }
}

</mosaic_0001>

<sc_bundles>
// kernel: gather_offload_async_start.1
scs
__scs_entry_jumppad:
0x0: {  	(pc) =	sbr.rel $0x88, $3  }
0x1: {  	(tag) =	ssettag $0x0;
	lr =	simm.s32 $0x1  }
0x2: {  	[smem:$0x3F9D] =	sst lr;
	_ =	strace $0xD0000000  }
0x3: {  	_ = 	snop  }
0x4: {  	_ = 	snop  }
0x5: {  	_ = 	snop  }
0x6: {  	_ = 	snop  }
0x7: {  	_ = 	snop  }
__scs_overlays_trampoline_lowered:
0x8: {  	[smem:$0x3FAC] =	sst s0  }
0x9: {  	[smem:$0x3FAD] =	sst s1  }
0xa: {  	[smem:$0x3FAE] =	sst s2  }
0xb: {  	[smem:$0x3FAF] =	sst s3  }
0xc: {  	[smem:$0x3FB0] =	sst s4  }
0xd: {  	[smem:$0x3FB1] =	sst s5  }
0xe: {  	[smem:$0x3FB2] =	sst s6  }
0xf: {  	[smem:$0x3FB3] =	sst s7  }
0x10: {  	[smem:$0x3FB4] =	sst s8  }
0x11: {  	[smem:$0x3FB5] =	sst s9;
	s0 =	simm.s32 @!p0 $0x0  }
0x12: {  	s1 =	sld [smem:$0x3F9B];
	s0 =	simm.s32 @p0 $0x1  }
0x13: {  	[smem:$0x3FB6] =	sst s0;
	s0 =	simm.s32 @!p1 $0x0  }
0x14: {  	s2 =	sld [smem:$0x3F9A];
	s0 =	simm.s32 @p1 $0x1  }
0x15: {  	[smem:$0x3FB7] =	sst s0;
	s0 =	simm.s32 @!p2 $0x0  }
0x16: {  	s3 =	sld [smem:$0x3FDB];
	s0 =	simm.s32 @p2 $0x1  }
0x17: {  	s4 =	simm.s32 $0x1BF5;
	[smem:$0x3FB9] =	sst s0  }
0x18: {  	s0 =	sld [smem:$0x3F9C];
	_ =	swait.ge [sflag:s4], $0x0  }
0x19: {  	s7 =	sld [smem:$0x3F9D]  }
0x1a: {  	s8 =	sadd.s32 $0xFFFFE003, lr  }
0x1b: {  	s9 =	sadd.s32 $0xFFFFFEF7, lr;
	s5 =	simm.s32 $0xFFFFFFFF;
	p2 =	slt.u32 s8, $0xFFFFF086  }
0x1c: {  	p1 =	slt.u32 s9, $0xF7A;
	s5 =	simm.s32 @!p2 $0x0  }
0x1d: {  	s5 =	simm.s32 @p1 $0x1;
	p0 =	seq.s32 s7, s2  }
0x1e: {  	s7 =	smul.u32 @!p0 $0xF7A, s2;
	p2 =	seq.s32 @!p0 s5, $0x0  }
0x1f: {  	s9 =	smul.u32 $0xF7A, s1;
	s8 =	simm.s32 @!p0 $0x1BF5;
	p2 =	por !p2, p0  }
0x20: {  	[sflag:s8] =	ssyncset.s32 @!p0 $0xFFFFF086;
	s6 =	sadd.s32 @!p0 s3, s7;
	s7 =	simm.s32 @!p0 $0x108  }
0x21: {  	s3 =	sadd.s32 s3, s9;
	s6 =	sadd.s32 @!p0 $0x88, s6;
	s7 =	simm.s32 @p2 $0x1082  }
0x22: {  	[simem:s7], [sflag:s8] =	dma.local @!p0 [hbm:s6], $0xF7A  }
0x23: {  	s9 =	sor.u32 $0xD0000000, s2;
	s6 =	simm.s32 $0x108;
	_ =	swait.ge @!p0 [sflag:s8], $0x0  }
0x24: {  	s3 =	sadd.s32 $0x88, s3;
	s6 =	simm.s32 @!p1 $0x1082;
	[sflag:s4] =	ssyncset.s32 $0xFFFFF086  }
0x25: {  	[simem:s6], [sflag:s4] =	dma.local [hbm:s3], $0xF7A  }
0x26: {  	[smem:$0x3F9D] =	sst s1;
	(tag) =	ssettag s2;
	_ =	strace s9  }
0x27: {  	s1 =	sld [smem:$0x3FAD]  }
0x28: {  	s2 =	sld [smem:$0x3FAE]  }
0x29: {  	s4 =	sld [smem:$0x3FB0]  }
0x2a: {  	p0 =	seq.s32 s5, $0x0;
	s5 =	sld [smem:$0x3FB1]  }
0x2b: {  	s6 =	sld [smem:$0x3FB2]  }
0x2c: {  	s7 =	sld [smem:$0x3FB3]  }
0x2d: {  	s3 =	simm.s32 $0x108;
	s8 =	sld [smem:$0x3FB4]  }
0x2e: {  	s3 =	simm.s32 @!p0 $0x1082;
	s9 =	sld [smem:$0x3FB5]  }
0x2f: {  	lr =	sadd.s32 s0, s3;
	s0 =	sld [smem:$0x3FAC]  }
0x30: {  	s3 =	sld [smem:$0x3FAF]  }
0x31: {  	[smem:$0x3FB8] =	sst s10  }
0x32: {  	s10 =	sld [smem:$0x3FB6];
	_ =	sdelay $0x3  }
0x33: {  	p0 =	seq.s32 s10, $0x1;
	s10 =	sld [smem:$0x3FB8];
	_ =	sdelay $0x3  }
0x34: {  	[smem:$0x3FB8] =	sst s10  }
0x35: {  	s10 =	sld [smem:$0x3FB7];
	_ =	sdelay $0x3  }
0x36: {  	p1 =	seq.s32 s10, $0x1;
	s10 =	sld [smem:$0x3FB8];
	_ =	sdelay $0x3  }
0x37: {  	[smem:$0x3FB8] =	sst s10  }
0x38: {  	s10 =	sld [smem:$0x3FB9]  }
0x39: {  	_ = 	snop;
	(pc) =	sbr.ind lr, $3  }
0x3a: {  	_ = 	snop  }
0x3b: {  	_ = 	snop  }
0x3c: {  	p2 =	seq.s32 s10, $0x1;
	s10 =	sld [smem:$0x3FB8]  }
0x3d: {  	_ =	shalt  }
0x3e: {  	_ =	shalt  }
0x3f: {  	_ =	shalt  }
0x40: {  	_ =	shalt  }
0x41: {  	_ =	shalt  }
0x42: {  	_ =	shalt  }
0x43: {  	_ =	shalt  }
0x44: {  	_ =	shalt  }
0x45: {  	_ =	shalt  }
0x46: {  	_ =	shalt  }
0x47: {  	_ =	shalt  }
0x48: {  	_ =	shalt  }
0x49: {  	_ =	shalt  }
0x4a: {  	_ =	shalt  }
0x4b: {  	_ =	shalt  }
0x4c: {  	_ =	shalt  }
0x4d: {  	_ =	shalt  }
0x4e: {  	_ =	shalt  }
0x4f: {  	_ =	shalt  }
0x50: {  	_ =	shalt  }
0x51: {  	_ =	shalt  }
0x52: {  	_ =	shalt  }
0x53: {  	_ =	shalt  }
0x54: {  	_ =	shalt  }
0x55: {  	_ =	shalt  }
0x56: {  	_ =	shalt  }
0x57: {  	_ =	shalt  }
0x58: {  	_ =	shalt  }
0x59: {  	_ =	shalt  }
0x5a: {  	_ =	shalt  }
0x5b: {  	_ =	shalt  }
0x5c: {  	_ =	shalt  }
0x5d: {  	_ =	shalt  }
0x5e: {  	_ =	shalt  }
0x5f: {  	_ =	shalt  }
0x60: {  	_ =	shalt  }
0x61: {  	_ =	shalt  }
0x62: {  	_ =	shalt  }
0x63: {  	_ =	shalt  }
0x64: {  	_ =	shalt  }
0x65: {  	_ =	shalt  }
0x66: {  	_ =	shalt  }
0x67: {  	_ =	shalt  }
0x68: {  	_ =	shalt  }
0x69: {  	_ =	shalt  }
0x6a: {  	_ =	shalt  }
0x6b: {  	_ =	shalt  }
0x6c: {  	_ =	shalt  }
0x6d: {  	_ =	shalt  }
0x6e: {  	_ =	shalt  }
0x6f: {  	_ =	shalt  }
0x70: {  	_ =	shalt  }
0x71: {  	_ =	shalt  }
0x72: {  	_ =	shalt  }
0x73: {  	_ =	shalt  }
0x74: {  	_ =	shalt  }
0x75: {  	_ =	shalt  }
0x76: {  	_ =	shalt  }
0x77: {  	_ =	shalt  }
0x78: {  	_ =	shalt  }
0x79: {  	_ =	shalt  }
0x7a: {  	_ =	shalt  }
0x7b: {  	_ =	shalt  }
0x7c: {  	_ =	shalt  }
0x7d: {  	_ =	shalt  }
0x7e: {  	_ =	shalt  }
0x7f: {  	_ =	shalt  }
0x80: {  	_ =	shalt  }
0x81: {  	_ =	shalt  }
0x82: {  	_ =	shalt  }
0x83: {  	_ =	shalt  }
0x84: {  	_ =	shalt  }
0x85: {  	_ =	shalt  }
0x86: {  	_ =	shalt  }
0x87: {  	_ =	shalt  }
.Lfunc_end0:
.L_simem_size_0:
called_computation.1_lowered:
.L_overlay_start_0:
0x88: {  	s0 =	sld [smem:$0x3FD9]  }
0x89: {  	s1 =	sld [smem:$0x3FFE];
	_ =	sdelay $0x3  }
0x8a: {  	s0 =	sadd.s32 s1, s0  }
0x8b: {  	[smem:$0x3FC4] =	sst s0  }
0x8c: {  	_ = 	snop  }
0x8d: {  	s0 =	sld [smem:$0x3FC8]  }
0x8e: {  	s16 =	sld [smem:$0x3FD0];
	(tm) =	ssettm $0x1  }
0x8f: {  	s2 =	sld [smem:$0x3FFB];
	_ =	sdelay $0x3  }
0x90: {  	_ =	strace s2  }
0x91: {  	s2 =	sld [smem:$0x3FFC];
	_ =	sdelay $0x3  }
0x92: {  	_ =	strace s2  }
0x93: {  	s2 =	sld [smem:$0x3FFD];
	_ =	sdelay $0x3  }
0x94: {  	_ =	strace s2  }
0x95: {  	_ =	strace $0x8FFFFFFF  }
0x96: {  	s17 =	sld [smem:$0x3FDB];
	_ =	sdelay $0x1  }
0x97: {  	s3 =	simm.s32 $_scs_section_size  }
0x98: {  	s4 =	simm.s32 $_size__tile_overlayer_lowered;
	s5 =	simm.s32 $_tile_overlayer_lowered  }
0x99: {  	s20 =	simm.s32 $0x1BFF;
	s19 =	sshll.u32 s5, $0x1;
	s2 =	sadd.s32 s3, s17  }
0x9a: {  	s6 =	simm.s32 $0x0;
	s18 =	sshll.u32 s4, $0x1;
	s4 =	sadd.s32 s19, s2  }
0x9b: {  	[timem:s6], [sflag:s20] =	dma.local [hbm:s4], s18  }
0x9c: {  	_ =	swait.ge [sflag:s20], s18  }
0x9d: {  	s3 =	ssub.s32 $0x0, s18;
	[sflag:s20] =	ssyncset.done $0x0  }
0x9e: {  	[sflag:s20] =	ssyncadd.s32 s3;
	_ =	sdelay $0x1  }
0x9f: {  	s21 =	simm.s32 $0x1B8B  }
0xa0: {  	_ =	swait.ge [sflag:s21], $0x1  }
0xa1: {  	[sflag:s21] =	ssyncset.done $0x0  }
0xa2: {  	s23 =	simm.s32 $0x1B8E;
	s22 =	sld [smem:$0x3FFE];
	[sflag:s21] =	ssyncadd.s32 $0xFFFFFFFF  }
0xa3: {  	s24 =	simm.s32 $execute0_lowered;
	[smem:$0x3FD2] =	sst s23  }
0xa4: {  	s4 =	sshll.u32 s24, $0x1;
	_ =	strace $0x80000049;
	[dreg:$0x1] =	wrdreg $0xFFFFFFFF  }
0xa5: {  	s25 =	simm.s32 $_size_execute0_lowered;
	s2 =	sadd.s32 s2, s4;
	[dreg:$0x0] =	wrdreg $0x0  }
0xa6: {  	s4 =	sshll.u32 s25, $0x1;
	[dreg:$0x2] =	wrdreg s2  }
0xa7: {  	[dreg:$0x3] =	wrdreg s4  }
0xa8: {  	[dreg:$0x4] =	wrdreg $0xC0  }
0xa9: {  	_ =	task [dreg:s6], $0x5FFFF  }
0xaa: {  	[dreg:$0x1] =	wrdreg $0xFFFFFFFF  }
0xab: {  	[dreg:$0x0] =	wrdreg $0x60  }
0xac: {  	[dreg:$0x2] =	wrdreg s0  }
0xad: {  	[dreg:$0x3] =	wrdreg s16  }
0xae: {  	[dreg:$0x4] =	wrdreg s22  }
0xaf: {  	[dreg:$0x5] =	wrdreg $0x9  }
0xb0: {  	_ =	task.clear_ibuf [dreg:s6], $0x6FFFF;
	_ =	strace $0x90000049  }
0xb1: {  	s26 =	simm.s32 $0x9;
	_ =	strace $0x8000004B  }
0xb2: {  	_ =	swait.ge [sflag:s26], $0x1  }
0xb3: {  	[sflag:s26] =	ssyncadd.s32 $0xFFFFFFFF  }
0xb4: {  	_ =	strace $0x9000004B  }
0xb5: {  	_ =	sfence  }
0xb6: {  	s28 =	sld [smem:$0x0];
	_ =	sdelay $0x1  }
0xb7: {  	s29 =	srdreg.scid  }
0xb8: {  	s30 =	sshll.u32 s29, $0xD;
	s31 =	sshrl.u32 s29, $0x2  }
0xb9: {  	s1 =	sand.u32 $0x1, s29;
	s2 =	sand.u32 $0x4000, s30;
	s0 =	sadd.s32 s31, s28  }
0xba: {  	s1 =	sor.u32 s2, s1;
	s0 =	sshll.u32 s0, $0x11  }
0xbb: {  	s0 =	sor.u32 s0, s1  }
0xbc: {  	s0 =	sadd.s32 $0x8F2B, s0  }
0xbd: {  	[sflag:s0] =	ssyncadd.remote.s32 $0x1  }
0xbe: {  	_ =	sfence.sel $0xFFFF  }
0xbf: {  	[dreg:$0x0] =	wrdreg $0xFFFFFFFF;
	(pc) =	sbr.abs _section_cstart, $3  }
0xc0: {  	[dreg:$0x1] =	wrdreg $0xFFFFFFFF  }
0xc1: {  	_ =	task.clear_ibuf [dreg:s6], $0x2FFFF;
	_ =	strace $0x9FFFFFFF  }
0xc2: {  	(tm) =	ssettm $0x7FFFFFFF  }
0xc3: {  	_ =	shalt  }
tec
execute0_lowered:
.L_overlay_start_1:
0x0: {  	(tag) =	ssettag $0x1  }
0x1: {  	s2 =	rddreg [dreg:$0x0]  }
0x2: {  	s3 =	rddreg [dreg:$0x1]  }
0x3: {  	s5 =	rddreg [dreg:$0x2]  }
0x4: {  	s0 =	rddreg [dreg:$0x3];
	s1 =	stileid.u32  }
0x5: {  	_ =	strace $0x8000004A;
	s6 =	simm.s32 $0x1;
	s8 =	simm.s32 $0x2  }
0x6: {  	s30 =	simm.s32 $0x3;
	s12 =	simm.s32 $0x0;
	s4 =	sshll.u32 s1, $0x4  }
0x7: {  	s9 =	simm.s32 $0x0;
	s10 =	simm.s32 $0x0;
	s7 =	ssub.s32 $0x1380, s4  }
0x8: {  	s5 =	sadd.s32 $0x13E00, s5;
	[sflag:s6] =	ssyncpa.u1 $0x0;
	s6 =	sshrl.u32 s7, $0x8  }
0x9: {  	[sflag:s8] =	ssyncpa.u1 $0x0;
	s11 =	smov.u32 s4;
	s31 =	sshll.u32 s6, $0x4  }
0xa: {  	[sflag:s30] =	ssyncpa.u1 $0x0;
	s7 =	sadd.s32 $0x2, s6;
	s8 =	sadd.s32 $0x30, s31  }
.LBB2_1:
0xb: {  	p0 =	sgt.u32 s10, s6  }
0xc: {  	s13 =	sxor.u32 @!p0 $0xFFFFFFFF, s9;
	s14 =	sshrl.u32 @!p0 s11, $0x3  }
0xd: {  	s15 =	sand.u32 @!p0 $0x7, s11;
	s13 =	sand.u32 @!p0 $0x10, s13;
	s14 =	sadd.s32 @!p0 s3, s14  }
0xe: {  	[tilespmem:s13], [sflag:$0x2] =	stream.linear.gather @!p0 [hbm4b:s14+s15], $0x10, $0x38;
	[tilespmem:$0x40] =	vst v63  }
0xf: {  	p0 =	seq.s32 s9, $0x0  }
0x10: {  	p1 =	sge.u32 @!p0 s10, s7  }
0x11: {  	p0 =	por p1, p0  }
0x12: {  	s13 =	simm.s32 @!p0 $0x2  }
0x13: {  	_ =	swait.ge @!p0 [sflag:s13], $0x10  }
0x14: {  	[sflag:s13] =	ssyncset.done @!p0 $0x0  }
0x15: {  	[sflag:s13] =	ssyncadd.s32 @!p0 $0xFFFFFFF0;
	s13 =	sand.u32 @!p0 $0x10, s9  }
0x16: {  	(ifvalue) =	ssetifvalue @!p0 $0x7FFFFFFF;
	v0 =	vld.msk @!p0 [tilespmem:s13+$0x0 ss:$0x1], $0xffff;
	_ =	sdelay $0x4  }
0x17: {  	vm0 =	vgt.s32 @!p0 v0, $0x0  }
0x18: {  	v0 =	vnsel @!p0 vm0, $0x0, v0  }
0x19: {  	v0 =	vmin.u32 @!p0 v0, $0x1387;
	_ =	sdelay $0x3  }
0x1a: {  	s14 =	simm.s32 @!p0 $0x0;
	s13 =	sor.u32 @!p0 $0x20, s13;
	(ifvalue) =	ssetifvalue @!p0 $0x7FFFFFFF;
	vm0 =	vmmov @!p0 $0xffff  }
0x1b: {  	[tilespmem:s13], [sflag:$0x1] =	stream.indirect_vreg.gather @!p0 [hbm4b:s2+s14], $0x1, v0, vm0, $0x4038;
	[tilespmem:$0x40] =	vst v63  }
0x1c: {  	s14 =	simm.s32 @!p0 $0x1  }
0x1d: {  	_ =	swait.ge @!p0 [sflag:s14], $0x10  }
0x1e: {  	s15 =	sshrl.u32 @!p0 s12, $0x3;
	[sflag:s14] =	ssyncset.done @!p0 $0x0  }
0x1f: {  	s12 =	sand.u32 @!p0 $0x7, s12;
	[sflag:s14] =	ssyncadd.s32 @!p0 $0xFFFFFFF0;
	s14 =	sadd.s32 @!p0 s5, s15  }
0x20: {  	[hbm4b:s14+s12] =	stream.linear.scatter @!p0 [tilespmem:s13], [sflag:$0x3], $0x10, $0x38;
	[tilespmem:$0x40] =	vst v63  }
0x21: {  	s14 =	sadd.s32 $0x100, s11  }
0x22: {  	s9 =	sadd.s32 $0x10, s9;
	p1 =	sgt.s32 s14, $0x1387  }
0x23: {  	s14 =	smov.u32 @p1 s4;
	p1 =	sne.s32 s8, s9  }
.Ltmp0:
0x24: {  	p0 =	slt.u32 s10, $0x2;
	(pc) =	sbr.rel @p1 .LBB2_1-.Ltmp0, $4  }
0x25: {  	s13 =	simm.s32 @!p0 $0x3  }
0x26: {  	_ =	swait.ge @!p0 [sflag:s13], $0x10  }
0x27: {  	s12 =	smov.u32 s11;
	[sflag:s13] =	ssyncset.done @!p0 $0x0  }
0x28: {  	s10 =	sadd.s32 $0x1, s10;
	s11 =	smov.u32 s14;
	[sflag:s13] =	ssyncadd.s32 @!p0 $0xFFFFFFF0  }
0x29: {  	_ =	sfence.sel $0x180000  }
0x2a: {  	s2 =	simm.s32 $0x2;
	[bflag:$0x0] =	sbarrier.arrive $0xFFFF  }
0x2b: {  	s30 =	simm.s32 $0x3;
	[sflag:s2] =	ssyncpa.u1 $0x1  }
0x2c: {  	s31 =	simm.s32 $0x1;
	[sflag:s30] =	ssyncpa.u1 $0x1  }
0x2d: {  	[sflag:s31] =	ssyncpa.u1 $0x1  }
0x2e: {  	p0 =	sne.s32 s1, $0x0;
	_ =	strace $0x9000004A  }
0x2f: {  	s0 =	sadd.s32 @!p0 $0x100000, s0;
	[bflag:$0x2] =	sbarrier.arrive $0xFFFF  }
0x30: {  	[sflag:s0] =	ssyncadd.tile.s32 @!p0 $0x1;
	_ =	shalt  }
.Lfunc_end2:
_tile_overlayer_lowered:
.L_overlay_start_2:
0x31: {  	(tag) =	ssettag $0x2  }
0x32: {  	s0 =	rddreg [dreg:$0x0];
	s2 =	stileid.u32  }
0x33: {  	s1 =	rddreg [dreg:$0x1];
	p0 =	sne.s32 s2, $0x0  }
0x34: {  	s3 =	rddreg [dreg:$0x2];
	[bflag:$0x3] =	sbarrier.arrive $0xFFFF;
	s2 =	simm.s32 @!p0 $0x1C01  }
0x35: {  	[timem:s3], [sflag:s2] =	dma.local @!p0 [hbm:s0], s1  }
0x36: {  	s0 =	simm.s32 @!p0 $0x1  }
0x37: {  	_ =	swait.ge @!p0 [sflag:s0], s1  }
0x38: {  	s1 =	ssub.s32 @!p0 $0x0, s1;
	[sflag:s0] =	ssyncset.done @!p0 $0x0  }
0x39: {  	[sflag:s0] =	ssyncadd.s32 @!p0 s1  }
0x3a: {  	[bflag:$0x3] =	sbarrier.arrive $0xFFFF  }
0x3b: {  	_ =	shalt  }

// kernel: gather_offload_async_start.2
scs
__scs_entry_jumppad:
0x0: {  	(pc) =	sbr.rel $0x88, $3  }
0x1: {  	(tag) =	ssettag $0x0;
	lr =	simm.s32 $0x1  }
0x2: {  	[smem:$0x3F9D] =	sst lr;
	_ =	strace $0xD0000000  }
0x3: {  	_ = 	snop  }
0x4: {  	_ = 	snop  }
0x5: {  	_ = 	snop  }
0x6: {  	_ = 	snop  }
0x7: {  	_ = 	snop  }
__scs_overlays_trampoline_lowered:
0x8: {  	[smem:$0x3FAC] =	sst s0  }
0x9: {  	[smem:$0x3FAD] =	sst s1  }
0xa: {  	[smem:$0x3FAE] =	sst s2  }
0xb: {  	[smem:$0x3FAF] =	sst s3  }
0xc: {  	[smem:$0x3FB0] =	sst s4  }
0xd: {  	[smem:$0x3FB1] =	sst s5  }
0xe: {  	[smem:$0x3FB2] =	sst s6  }
0xf: {  	[smem:$0x3FB3] =	sst s7  }
0x10: {  	[smem:$0x3FB4] =	sst s8  }
0x11: {  	[smem:$0x3FB5] =	sst s9;
	s0 =	simm.s32 @!p0 $0x0  }
0x12: {  	s1 =	sld [smem:$0x3F9B];
	s0 =	simm.s32 @p0 $0x1  }
0x13: {  	[smem:$0x3FB6] =	sst s0;
	s0 =	simm.s32 @!p1 $0x0  }
0x14: {  	s2 =	sld [smem:$0x3F9A];
	s0 =	simm.s32 @p1 $0x1  }
0x15: {  	[smem:$0x3FB7] =	sst s0;
	s0 =	simm.s32 @!p2 $0x0  }
0x16: {  	s3 =	sld [smem:$0x3FDB];
	s0 =	simm.s32 @p2 $0x1  }
0x17: {  	s4 =	simm.s32 $0x1BF5;
	[smem:$0x3FB9] =	sst s0  }
0x18: {  	s0 =	sld [smem:$0x3F9C];
	_ =	swait.ge [sflag:s4], $0x0  }
0x19: {  	s7 =	sld [smem:$0x3F9D]  }
0x1a: {  	s8 =	sadd.s32 $0xFFFFE003, lr  }
0x1b: {  	s9 =	sadd.s32 $0xFFFFFEF7, lr;
	s5 =	simm.s32 $0xFFFFFFFF;
	p2 =	slt.u32 s8, $0xFFFFF086  }
0x1c: {  	p1 =	slt.u32 s9, $0xF7A;
	s5 =	simm.s32 @!p2 $0x0  }
0x1d: {  	s5 =	simm.s32 @p1 $0x1;
	p0 =	seq.s32 s7, s2  }
0x1e: {  	s7 =	smul.u32 @!p0 $0xF7A, s2;
	p2 =	seq.s32 @!p0 s5, $0x0  }
0x1f: {  	s9 =	smul.u32 $0xF7A, s1;
	s8 =	simm.s32 @!p0 $0x1BF5;
	p2 =	por !p2, p0  }
0x20: {  	[sflag:s8] =	ssyncset.s32 @!p0 $0xFFFFF086;
	s6 =	sadd.s32 @!p0 s3, s7;
	s7 =	simm.s32 @!p0 $0x108  }
0x21: {  	s3 =	sadd.s32 s3, s9;
	s6 =	sadd.s32 @!p0 $0x88, s6;
	s7 =	simm.s32 @p2 $0x1082  }
0x22: {  	[simem:s7], [sflag:s8] =	dma.local @!p0 [hbm:s6], $0xF7A  }
0x23: {  	s9 =	sor.u32 $0xD0000000, s2;
	s6 =	simm.s32 $0x108;
	_ =	swait.ge @!p0 [sflag:s8], $0x0  }
0x24: {  	s3 =	sadd.s32 $0x88, s3;
	s6 =	simm.s32 @!p1 $0x1082;
	[sflag:s4] =	ssyncset.s32 $0xFFFFF086  }
0x25: {  	[simem:s6], [sflag:s4] =	dma.local [hbm:s3], $0xF7A  }
0x26: {  	[smem:$0x3F9D] =	sst s1;
	(tag) =	ssettag s2;
	_ =	strace s9  }
0x27: {  	s1 =	sld [smem:$0x3FAD]  }
0x28: {  	s2 =	sld [smem:$0x3FAE]  }
0x29: {  	s4 =	sld [smem:$0x3FB0]  }
0x2a: {  	p0 =	seq.s32 s5, $0x0;
	s5 =	sld [smem:$0x3FB1]  }
0x2b: {  	s6 =	sld [smem:$0x3FB2]  }
0x2c: {  	s7 =	sld [smem:$0x3FB3]  }
0x2d: {  	s3 =	simm.s32 $0x108;
	s8 =	sld [smem:$0x3FB4]  }
0x2e: {  	s3 =	simm.s32 @!p0 $0x1082;
	s9 =	sld [smem:$0x3FB5]  }
0x2f: {  	lr =	sadd.s32 s0, s3;
	s0 =	sld [smem:$0x3FAC]  }
0x30: {  	s3 =	sld [smem:$0x3FAF]  }
0x31: {  	[smem:$0x3FB8] =	sst s10  }
0x32: {  	s10 =	sld [smem:$0x3FB6];
	_ =	sdelay $0x3  }
0x33: {  	p0 =	seq.s32 s10, $0x1;
	s10 =	sld [smem:$0x3FB8];
	_ =	sdelay $0x3  }
0x34: {  	[smem:$0x3FB8] =	sst s10  }
0x35: {  	s10 =	sld [smem:$0x3FB7];
	_ =	sdelay $0x3  }
0x36: {  	p1 =	seq.s32 s10, $0x1;
	s10 =	sld [smem:$0x3FB8];
	_ =	sdelay $0x3  }
0x37: {  	[smem:$0x3FB8] =	sst s10  }
0x38: {  	s10 =	sld [smem:$0x3FB9]  }
0x39: {  	_ = 	snop;
	(pc) =	sbr.ind lr, $3  }
0x3a: {  	_ = 	snop  }
0x3b: {  	_ = 	snop  }
0x3c: {  	p2 =	seq.s32 s10, $0x1;
	s10 =	sld [smem:$0x3FB8]  }
0x3d: {  	_ =	shalt  }
0x3e: {  	_ =	shalt  }
0x3f: {  	_ =	shalt  }
0x40: {  	_ =	shalt  }
0x41: {  	_ =	shalt  }
0x42: {  	_ =	shalt  }
0x43: {  	_ =	shalt  }
0x44: {  	_ =	shalt  }
0x45: {  	_ =	shalt  }
0x46: {  	_ =	shalt  }
0x47: {  	_ =	shalt  }
0x48: {  	_ =	shalt  }
0x49: {  	_ =	shalt  }
0x4a: {  	_ =	shalt  }
0x4b: {  	_ =	shalt  }
0x4c: {  	_ =	shalt  }
0x4d: {  	_ =	shalt  }
0x4e: {  	_ =	shalt  }
0x4f: {  	_ =	shalt  }
0x50: {  	_ =	shalt  }
0x51: {  	_ =	shalt  }
0x52: {  	_ =	shalt  }
0x53: {  	_ =	shalt  }
0x54: {  	_ =	shalt  }
0x55: {  	_ =	shalt  }
0x56: {  	_ =	shalt  }
0x57: {  	_ =	shalt  }
0x58: {  	_ =	shalt  }
0x59: {  	_ =	shalt  }
0x5a: {  	_ =	shalt  }
0x5b: {  	_ =	shalt  }
0x5c: {  	_ =	shalt  }
0x5d: {  	_ =	shalt  }
0x5e: {  	_ =	shalt  }
0x5f: {  	_ =	shalt  }
0x60: {  	_ =	shalt  }
0x61: {  	_ =	shalt  }
0x62: {  	_ =	shalt  }
0x63: {  	_ =	shalt  }
0x64: {  	_ =	shalt  }
0x65: {  	_ =	shalt  }
0x66: {  	_ =	shalt  }
0x67: {  	_ =	shalt  }
0x68: {  	_ =	shalt  }
0x69: {  	_ =	shalt  }
0x6a: {  	_ =	shalt  }
0x6b: {  	_ =	shalt  }
0x6c: {  	_ =	shalt  }
0x6d: {  	_ =	shalt  }
0x6e: {  	_ =	shalt  }
0x6f: {  	_ =	shalt  }
0x70: {  	_ =	shalt  }
0x71: {  	_ =	shalt  }
0x72: {  	_ =	shalt  }
0x73: {  	_ =	shalt  }
0x74: {  	_ =	shalt  }
0x75: {  	_ =	shalt  }
0x76: {  	_ =	shalt  }
0x77: {  	_ =	shalt  }
0x78: {  	_ =	shalt  }
0x79: {  	_ =	shalt  }
0x7a: {  	_ =	shalt  }
0x7b: {  	_ =	shalt  }
0x7c: {  	_ =	shalt  }
0x7d: {  	_ =	shalt  }
0x7e: {  	_ =	shalt  }
0x7f: {  	_ =	shalt  }
0x80: {  	_ =	shalt  }
0x81: {  	_ =	shalt  }
0x82: {  	_ =	shalt  }
0x83: {  	_ =	shalt  }
0x84: {  	_ =	shalt  }
0x85: {  	_ =	shalt  }
0x86: {  	_ =	shalt  }
0x87: {  	_ =	shalt  }
.Lfunc_end0:
.L_simem_size_0:
called_computation.2_lowered:
.L_overlay_start_0:
0x88: {  	s0 =	sld [smem:$0x3FD9]  }
0x89: {  	s1 =	sld [smem:$0x3FFE];
	_ =	sdelay $0x3  }
0x8a: {  	s0 =	sadd.s32 s1, s0  }
0x8b: {  	[smem:$0x3FC4] =	sst s0  }
0x8c: {  	_ = 	snop  }
0x8d: {  	s0 =	sld [smem:$0x3FC6]  }
0x8e: {  	s16 =	sld [smem:$0x3FD0];
	(tm) =	ssettm $0x1  }
0x8f: {  	s2 =	sld [smem:$0x3FFB];
	_ =	sdelay $0x3  }
0x90: {  	_ =	strace s2  }
0x91: {  	s2 =	sld [smem:$0x3FFC];
	_ =	sdelay $0x3  }
0x92: {  	_ =	strace s2  }
0x93: {  	s2 =	sld [smem:$0x3FFD];
	_ =	sdelay $0x3  }
0x94: {  	_ =	strace s2  }
0x95: {  	_ =	strace $0x8FFFFFFF  }
0x96: {  	s17 =	sld [smem:$0x3FDB];
	_ =	sdelay $0x1  }
0x97: {  	s3 =	simm.s32 $_scs_section_size  }
0x98: {  	s4 =	simm.s32 $_size__tile_overlayer_lowered;
	s5 =	simm.s32 $_tile_overlayer_lowered  }
0x99: {  	s20 =	simm.s32 $0x1BFF;
	s19 =	sshll.u32 s5, $0x1;
	s2 =	sadd.s32 s3, s17  }
0x9a: {  	s6 =	simm.s32 $0x0;
	s18 =	sshll.u32 s4, $0x1;
	s4 =	sadd.s32 s19, s2  }
0x9b: {  	[timem:s6], [sflag:s20] =	dma.local [hbm:s4], s18  }
0x9c: {  	_ =	swait.ge [sflag:s20], s18  }
0x9d: {  	s3 =	ssub.s32 $0x0, s18;
	[sflag:s20] =	ssyncset.done $0x0  }
0x9e: {  	[sflag:s20] =	ssyncadd.s32 s3;
	_ =	sdelay $0x1  }
0x9f: {  	s21 =	simm.s32 $0x1B8B  }
0xa0: {  	_ =	swait.ge [sflag:s21], $0x1  }
0xa1: {  	[sflag:s21] =	ssyncset.done $0x0  }
0xa2: {  	s23 =	simm.s32 $0x1B8E;
	s22 =	sld [smem:$0x3FFE];
	[sflag:s21] =	ssyncadd.s32 $0xFFFFFFFF  }
0xa3: {  	s24 =	simm.s32 $execute0_lowered;
	[smem:$0x3FD2] =	sst s23  }
0xa4: {  	s4 =	sshll.u32 s24, $0x1;
	_ =	strace $0x80000046;
	[dreg:$0x1] =	wrdreg $0xFFFFFFFF  }
0xa5: {  	s25 =	simm.s32 $_size_execute0_lowered;
	s2 =	sadd.s32 s2, s4;
	[dreg:$0x0] =	wrdreg $0x0  }
0xa6: {  	s4 =	sshll.u32 s25, $0x1;
	[dreg:$0x2] =	wrdreg s2  }
0xa7: {  	[dreg:$0x3] =	wrdreg s4  }
0xa8: {  	[dreg:$0x4] =	wrdreg $0xC0  }
0xa9: {  	_ =	task [dreg:s6], $0x5FFFF  }
0xaa: {  	[dreg:$0x1] =	wrdreg $0xFFFFFFFF  }
0xab: {  	[dreg:$0x0] =	wrdreg $0x60  }
0xac: {  	[dreg:$0x2] =	wrdreg s0  }
0xad: {  	[dreg:$0x3] =	wrdreg s16  }
0xae: {  	[dreg:$0x4] =	wrdreg s22  }
0xaf: {  	[dreg:$0x5] =	wrdreg $0xA  }
0xb0: {  	_ =	task.clear_ibuf [dreg:s6], $0x6FFFF;
	_ =	strace $0x90000046  }
0xb1: {  	s26 =	simm.s32 $0xA;
	_ =	strace $0x80000048  }
0xb2: {  	_ =	swait.ge [sflag:s26], $0x1  }
0xb3: {  	[sflag:s26] =	ssyncadd.s32 $0xFFFFFFFF  }
0xb4: {  	_ =	strace $0x90000048  }
0xb5: {  	_ =	sfence  }
0xb6: {  	s28 =	sld [smem:$0x0];
	_ =	sdelay $0x1  }
0xb7: {  	s29 =	srdreg.scid  }
0xb8: {  	s30 =	sshll.u32 s29, $0xD;
	s31 =	sshrl.u32 s29, $0x2  }
0xb9: {  	s1 =	sand.u32 $0x1, s29;
	s2 =	sand.u32 $0x4000, s30;
	s0 =	sadd.s32 s31, s28  }
0xba: {  	s1 =	sor.u32 s2, s1;
	s0 =	sshll.u32 s0, $0x11  }
0xbb: {  	s0 =	sor.u32 s0, s1  }
0xbc: {  	s0 =	sadd.s32 $0x8F2B, s0  }
0xbd: {  	[sflag:s0] =	ssyncadd.remote.s32 $0x1  }
0xbe: {  	_ =	sfence.sel $0xFFFF  }
0xbf: {  	[dreg:$0x0] =	wrdreg $0xFFFFFFFF;
	(pc) =	sbr.abs _section_cstart, $3  }
0xc0: {  	[dreg:$0x1] =	wrdreg $0xFFFFFFFF  }
0xc1: {  	_ =	task.clear_ibuf [dreg:s6], $0x2FFFF;
	_ =	strace $0x9FFFFFFF  }
0xc2: {  	(tm) =	ssettm $0x7FFFFFFF  }
0xc3: {  	_ =	shalt  }
tec
execute0_lowered:
.L_overlay_start_1:
0x0: {  	(tag) =	ssettag $0x1  }
0x1: {  	s2 =	rddreg [dreg:$0x0]  }
0x2: {  	s3 =	rddreg [dreg:$0x1]  }
0x3: {  	s5 =	rddreg [dreg:$0x2]  }
0x4: {  	s0 =	rddreg [dreg:$0x3];
	s1 =	stileid.u32  }
0x5: {  	_ =	strace $0x80000047;
	s6 =	simm.s32 $0x1;
	s8 =	simm.s32 $0x2  }
0x6: {  	s30 =	simm.s32 $0x3;
	s12 =	simm.s32 $0x0;
	s4 =	sshll.u32 s1, $0x4  }
0x7: {  	s9 =	simm.s32 $0x0;
	s10 =	simm.s32 $0x0;
	s7 =	ssub.s32 $0x1380, s4  }
0x8: {  	s5 =	sadd.s32 $0x13A00, s5;
	[sflag:s6] =	ssyncpa.u1 $0x0;
	s6 =	sshrl.u32 s7, $0x8  }
0x9: {  	[sflag:s8] =	ssyncpa.u1 $0x0;
	s11 =	smov.u32 s4;
	s31 =	sshll.u32 s6, $0x4  }
0xa: {  	[sflag:s30] =	ssyncpa.u1 $0x0;
	s7 =	sadd.s32 $0x2, s6;
	s8 =	sadd.s32 $0x30, s31  }
.LBB2_1:
0xb: {  	p0 =	sgt.u32 s10, s6  }
0xc: {  	s13 =	sxor.u32 @!p0 $0xFFFFFFFF, s9;
	s14 =	sshrl.u32 @!p0 s11, $0x3  }
0xd: {  	s15 =	sand.u32 @!p0 $0x7, s11;
	s13 =	sand.u32 @!p0 $0x10, s13;
	s14 =	sadd.s32 @!p0 s3, s14  }
0xe: {  	[tilespmem:s13], [sflag:$0x2] =	stream.linear.gather @!p0 [hbm4b:s14+s15], $0x10, $0x38;
	[tilespmem:$0x40] =	vst v63  }
0xf: {  	p0 =	seq.s32 s9, $0x0  }
0x10: {  	p1 =	sge.u32 @!p0 s10, s7  }
0x11: {  	p0 =	por p1, p0  }
0x12: {  	s13 =	simm.s32 @!p0 $0x2  }
0x13: {  	_ =	swait.ge @!p0 [sflag:s13], $0x10  }
0x14: {  	[sflag:s13] =	ssyncset.done @!p0 $0x0  }
0x15: {  	[sflag:s13] =	ssyncadd.s32 @!p0 $0xFFFFFFF0;
	s13 =	sand.u32 @!p0 $0x10, s9  }
0x16: {  	(ifvalue) =	ssetifvalue @!p0 $0x7FFFFFFF;
	v0 =	vld.msk @!p0 [tilespmem:s13+$0x0 ss:$0x1], $0xffff;
	_ =	sdelay $0x4  }
0x17: {  	vm0 =	vgt.s32 @!p0 v0, $0x0  }
0x18: {  	v0 =	vnsel @!p0 vm0, $0x0, v0  }
0x19: {  	v0 =	vmin.u32 @!p0 v0, $0x1387;
	_ =	sdelay $0x3  }
0x1a: {  	s14 =	simm.s32 @!p0 $0x0;
	s13 =	sor.u32 @!p0 $0x20, s13;
	(ifvalue) =	ssetifvalue @!p0 $0x7FFFFFFF;
	vm0 =	vmmov @!p0 $0xffff  }
0x1b: {  	[tilespmem:s13], [sflag:$0x1] =	stream.indirect_vreg.gather @!p0 [hbm4b:s2+s14], $0x1, v0, vm0, $0x4038;
	[tilespmem:$0x40] =	vst v63  }
0x1c: {  	s14 =	simm.s32 @!p0 $0x1  }
0x1d: {  	_ =	swait.ge @!p0 [sflag:s14], $0x10  }
0x1e: {  	s15 =	sshrl.u32 @!p0 s12, $0x3;
	[sflag:s14] =	ssyncset.done @!p0 $0x0  }
0x1f: {  	s12 =	sand.u32 @!p0 $0x7, s12;
	[sflag:s14] =	ssyncadd.s32 @!p0 $0xFFFFFFF0;
	s14 =	sadd.s32 @!p0 s5, s15  }
0x20: {  	[hbm4b:s14+s12] =	stream.linear.scatter @!p0 [tilespmem:s13], [sflag:$0x3], $0x10, $0x38;
	[tilespmem:$0x40] =	vst v63  }
0x21: {  	s14 =	sadd.s32 $0x100, s11  }
0x22: {  	s9 =	sadd.s32 $0x10, s9;
	p1 =	sgt.s32 s14, $0x1387  }
0x23: {  	s14 =	smov.u32 @p1 s4;
	p1 =	sne.s32 s8, s9  }
.Ltmp0:
0x24: {  	p0 =	slt.u32 s10, $0x2;
	(pc) =	sbr.rel @p1 .LBB2_1-.Ltmp0, $4  }
0x25: {  	s13 =	simm.s32 @!p0 $0x3  }
0x26: {  	_ =	swait.ge @!p0 [sflag:s13], $0x10  }
0x27: {  	s12 =	smov.u32 s11;
	[sflag:s13] =	ssyncset.done @!p0 $0x0  }
0x28: {  	s10 =	sadd.s32 $0x1, s10;
	s11 =	smov.u32 s14;
	[sflag:s13] =	ssyncadd.s32 @!p0 $0xFFFFFFF0  }
0x29: {  	_ =	sfence.sel $0x180000  }
0x2a: {  	s2 =	simm.s32 $0x2;
	[bflag:$0x0] =	sbarrier.arrive $0xFFFF  }
0x2b: {  	s30 =	simm.s32 $0x3;
	[sflag:s2] =	ssyncpa.u1 $0x1  }
0x2c: {  	s31 =	simm.s32 $0x1;
	[sflag:s30] =	ssyncpa.u1 $0x1  }
0x2d: {  	[sflag:s31] =	ssyncpa.u1 $0x1  }
0x2e: {  	p0 =	sne.s32 s1, $0x0;
	_ =	strace $0x90000047  }
0x2f: {  	s0 =	sadd.s32 @!p0 $0x100000, s0;
	[bflag:$0x2] =	sbarrier.arrive $0xFFFF  }
0x30: {  	[sflag:s0] =	ssyncadd.tile.s32 @!p0 $0x1;
	_ =	shalt  }
.Lfunc_end2:
_tile_overlayer_lowered:
.L_overlay_start_2:
0x31: {  	(tag) =	ssettag $0x2  }
0x32: {  	s0 =	rddreg [dreg:$0x0];
	s2 =	stileid.u32  }
0x33: {  	s1 =	rddreg [dreg:$0x1];
	p0 =	sne.s32 s2, $0x0  }
0x34: {  	s3 =	rddreg [dreg:$0x2];
	[bflag:$0x3] =	sbarrier.arrive $0xFFFF;
	s2 =	simm.s32 @!p0 $0x1C01  }
0x35: {  	[timem:s3], [sflag:s2] =	dma.local @!p0 [hbm:s0], s1  }
0x36: {  	s0 =	simm.s32 @!p0 $0x1  }
0x37: {  	_ =	swait.ge @!p0 [sflag:s0], s1  }
0x38: {  	s1 =	ssub.s32 @!p0 $0x0, s1;
	[sflag:s0] =	ssyncset.done @!p0 $0x0  }
0x39: {  	[sflag:s0] =	ssyncadd.s32 @!p0 s1  }
0x3a: {  	[bflag:$0x3] =	sbarrier.arrive $0xFFFF  }
0x3b: {  	_ =	shalt  }

// kernel: gather_offload_async_start
scs
__scs_entry_jumppad:
0x0: {  	(pc) =	sbr.rel $0x88, $3  }
0x1: {  	(tag) =	ssettag $0x0;
	lr =	simm.s32 $0x1  }
0x2: {  	[smem:$0x3F9D] =	sst lr;
	_ =	strace $0xD0000000  }
0x3: {  	_ = 	snop  }
0x4: {  	_ = 	snop  }
0x5: {  	_ = 	snop  }
0x6: {  	_ = 	snop  }
0x7: {  	_ = 	snop  }
__scs_overlays_trampoline_lowered:
0x8: {  	[smem:$0x3FAC] =	sst s0  }
0x9: {  	[smem:$0x3FAD] =	sst s1  }
0xa: {  	[smem:$0x3FAE] =	sst s2  }
0xb: {  	[smem:$0x3FAF] =	sst s3  }
0xc: {  	[smem:$0x3FB0] =	sst s4  }
0xd: {  	[smem:$0x3FB1] =	sst s5  }
0xe: {  	[smem:$0x3FB2] =	sst s6  }
0xf: {  	[smem:$0x3FB3] =	sst s7  }
0x10: {  	[smem:$0x3FB4] =	sst s8  }
0x11: {  	[smem:$0x3FB5] =	sst s9;
	s0 =	simm.s32 @!p0 $0x0  }
0x12: {  	s1 =	sld [smem:$0x3F9B];
	s0 =	simm.s32 @p0 $0x1  }
0x13: {  	[smem:$0x3FB6] =	sst s0;
	s0 =	simm.s32 @!p1 $0x0  }
0x14: {  	s2 =	sld [smem:$0x3F9A];
	s0 =	simm.s32 @p1 $0x1  }
0x15: {  	[smem:$0x3FB7] =	sst s0;
	s0 =	simm.s32 @!p2 $0x0  }
0x16: {  	s3 =	sld [smem:$0x3FDB];
	s0 =	simm.s32 @p2 $0x1  }
0x17: {  	s4 =	simm.s32 $0x1BF5;
	[smem:$0x3FB9] =	sst s0  }
0x18: {  	s0 =	sld [smem:$0x3F9C];
	_ =	swait.ge [sflag:s4], $0x0  }
0x19: {  	s7 =	sld [smem:$0x3F9D]  }
0x1a: {  	s8 =	sadd.s32 $0xFFFFE003, lr  }
0x1b: {  	s9 =	sadd.s32 $0xFFFFFEF7, lr;
	s5 =	simm.s32 $0xFFFFFFFF;
	p2 =	slt.u32 s8, $0xFFFFF086  }
0x1c: {  	p1 =	slt.u32 s9, $0xF7A;
	s5 =	simm.s32 @!p2 $0x0  }
0x1d: {  	s5 =	simm.s32 @p1 $0x1;
	p0 =	seq.s32 s7, s2  }
0x1e: {  	s7 =	smul.u32 @!p0 $0xF7A, s2;
	p2 =	seq.s32 @!p0 s5, $0x0  }
0x1f: {  	s9 =	smul.u32 $0xF7A, s1;
	s8 =	simm.s32 @!p0 $0x1BF5;
	p2 =	por !p2, p0  }
0x20: {  	[sflag:s8] =	ssyncset.s32 @!p0 $0xFFFFF086;
	s6 =	sadd.s32 @!p0 s3, s7;
	s7 =	simm.s32 @!p0 $0x108  }
0x21: {  	s3 =	sadd.s32 s3, s9;
	s6 =	sadd.s32 @!p0 $0x88, s6;
	s7 =	simm.s32 @p2 $0x1082  }
0x22: {  	[simem:s7], [sflag:s8] =	dma.local @!p0 [hbm:s6], $0xF7A  }
0x23: {  	s9 =	sor.u32 $0xD0000000, s2;
	s6 =	simm.s32 $0x108;
	_ =	swait.ge @!p0 [sflag:s8], $0x0  }
0x24: {  	s3 =	sadd.s32 $0x88, s3;
	s6 =	simm.s32 @!p1 $0x1082;
	[sflag:s4] =	ssyncset.s32 $0xFFFFF086  }
0x25: {  	[simem:s6], [sflag:s4] =	dma.local [hbm:s3], $0xF7A  }
0x26: {  	[smem:$0x3F9D] =	sst s1;
	(tag) =	ssettag s2;
	_ =	strace s9  }
0x27: {  	s1 =	sld [smem:$0x3FAD]  }
0x28: {  	s2 =	sld [smem:$0x3FAE]  }
0x29: {  	s4 =	sld [smem:$0x3FB0]  }
0x2a: {  	p0 =	seq.s32 s5, $0x0;
	s5 =	sld [smem:$0x3FB1]  }
0x2b: {  	s6 =	sld [smem:$0x3FB2]  }
0x2c: {  	s7 =	sld [smem:$0x3FB3]  }
0x2d: {  	s3 =	simm.s32 $0x108;
	s8 =	sld [smem:$0x3FB4]  }
0x2e: {  	s3 =	simm.s32 @!p0 $0x1082;
	s9 =	sld [smem:$0x3FB5]  }
0x2f: {  	lr =	sadd.s32 s0, s3;
	s0 =	sld [smem:$0x3FAC]  }
0x30: {  	s3 =	sld [smem:$0x3FAF]  }
0x31: {  	[smem:$0x3FB8] =	sst s10  }
0x32: {  	s10 =	sld [smem:$0x3FB6];
	_ =	sdelay $0x3  }
0x33: {  	p0 =	seq.s32 s10, $0x1;
	s10 =	sld [smem:$0x3FB8];
	_ =	sdelay $0x3  }
0x34: {  	[smem:$0x3FB8] =	sst s10  }
0x35: {  	s10 =	sld [smem:$0x3FB7];
	_ =	sdelay $0x3  }
0x36: {  	p1 =	seq.s32 s10, $0x1;
	s10 =	sld [smem:$0x3FB8];
	_ =	sdelay $0x3  }
0x37: {  	[smem:$0x3FB8] =	sst s10  }
0x38: {  	s10 =	sld [smem:$0x3FB9]  }
0x39: {  	_ = 	snop;
	(pc) =	sbr.ind lr, $3  }
0x3a: {  	_ = 	snop  }
0x3b: {  	_ = 	snop  }
0x3c: {  	p2 =	seq.s32 s10, $0x1;
	s10 =	sld [smem:$0x3FB8]  }
0x3d: {  	_ =	shalt  }
0x3e: {  	_ =	shalt  }
0x3f: {  	_ =	shalt  }
0x40: {  	_ =	shalt  }
0x41: {  	_ =	shalt  }
0x42: {  	_ =	shalt  }
0x43: {  	_ =	shalt  }
0x44: {  	_ =	shalt  }
0x45: {  	_ =	shalt  }
0x46: {  	_ =	shalt  }
0x47: {  	_ =	shalt  }
0x48: {  	_ =	shalt  }
0x49: {  	_ =	shalt  }
0x4a: {  	_ =	shalt  }
0x4b: {  	_ =	shalt  }
0x4c: {  	_ =	shalt  }
0x4d: {  	_ =	shalt  }
0x4e: {  	_ =	shalt  }
0x4f: {  	_ =	shalt  }
0x50: {  	_ =	shalt  }
0x51: {  	_ =	shalt  }
0x52: {  	_ =	shalt  }
0x53: {  	_ =	shalt  }
0x54: {  	_ =	shalt  }
0x55: {  	_ =	shalt  }
0x56: {  	_ =	shalt  }
0x57: {  	_ =	shalt  }
0x58: {  	_ =	shalt  }
0x59: {  	_ =	shalt  }
0x5a: {  	_ =	shalt  }
0x5b: {  	_ =	shalt  }
0x5c: {  	_ =	shalt  }
0x5d: {  	_ =	shalt  }
0x5e: {  	_ =	shalt  }
0x5f: {  	_ =	shalt  }
0x60: {  	_ =	shalt  }
0x61: {  	_ =	shalt  }
0x62: {  	_ =	shalt  }
0x63: {  	_ =	shalt  }
0x64: {  	_ =	shalt  }
0x65: {  	_ =	shalt  }
0x66: {  	_ =	shalt  }
0x67: {  	_ =	shalt  }
0x68: {  	_ =	shalt  }
0x69: {  	_ =	shalt  }
0x6a: {  	_ =	shalt  }
0x6b: {  	_ =	shalt  }
0x6c: {  	_ =	shalt  }
0x6d: {  	_ =	shalt  }
0x6e: {  	_ =	shalt  }
0x6f: {  	_ =	shalt  }
0x70: {  	_ =	shalt  }
0x71: {  	_ =	shalt  }
0x72: {  	_ =	shalt  }
0x73: {  	_ =	shalt  }
0x74: {  	_ =	shalt  }
0x75: {  	_ =	shalt  }
0x76: {  	_ =	shalt  }
0x77: {  	_ =	shalt  }
0x78: {  	_ =	shalt  }
0x79: {  	_ =	shalt  }
0x7a: {  	_ =	shalt  }
0x7b: {  	_ =	shalt  }
0x7c: {  	_ =	shalt  }
0x7d: {  	_ =	shalt  }
0x7e: {  	_ =	shalt  }
0x7f: {  	_ =	shalt  }
0x80: {  	_ =	shalt  }
0x81: {  	_ =	shalt  }
0x82: {  	_ =	shalt  }
0x83: {  	_ =	shalt  }
0x84: {  	_ =	shalt  }
0x85: {  	_ =	shalt  }
0x86: {  	_ =	shalt  }
0x87: {  	_ =	shalt  }
.Lfunc_end0:
.L_simem_size_0:
called_computation_lowered:
.L_overlay_start_0:
0x88: {  	s0 =	sld [smem:$0x3FD9]  }
0x89: {  	s1 =	sld [smem:$0x3FFE];
	_ =	sdelay $0x3  }
0x8a: {  	s0 =	sadd.s32 s1, s0  }
0x8b: {  	[smem:$0x3FC4] =	sst s0  }
0x8c: {  	_ = 	snop  }
0x8d: {  	s0 =	sld [smem:$0x3FD0];
	(tm) =	ssettm $0x1  }
0x8e: {  	s16 =	sld [smem:$0x3FFB];
	_ =	sdelay $0x3  }
0x8f: {  	_ =	strace s16  }
0x90: {  	s1 =	sld [smem:$0x3FFC];
	_ =	sdelay $0x3  }
0x91: {  	_ =	strace s1  }
0x92: {  	s1 =	sld [smem:$0x3FFD];
	_ =	sdelay $0x3  }
0x93: {  	_ =	strace s1  }
0x94: {  	_ =	strace $0x8FFFFFFF  }
0x95: {  	s17 =	sld [smem:$0x3FDB];
	_ =	sdelay $0x1  }
0x96: {  	s2 =	simm.s32 $_scs_section_size  }
0x97: {  	s3 =	simm.s32 $_size__tile_overlayer_lowered;
	s4 =	simm.s32 $_tile_overlayer_lowered  }
0x98: {  	s20 =	simm.s32 $0x1BFF;
	s19 =	sshll.u32 s4, $0x1;
	s1 =	sadd.s32 s2, s17  }
0x99: {  	s5 =	simm.s32 $0x0;
	s18 =	sshll.u32 s3, $0x1;
	s3 =	sadd.s32 s19, s1  }
0x9a: {  	[timem:s5], [sflag:s20] =	dma.local [hbm:s3], s18  }
0x9b: {  	_ =	swait.ge [sflag:s20], s18  }
0x9c: {  	s2 =	ssub.s32 $0x0, s18;
	[sflag:s20] =	ssyncset.done $0x0  }
0x9d: {  	[sflag:s20] =	ssyncadd.s32 s2;
	_ =	sdelay $0x1  }
0x9e: {  	s21 =	simm.s32 $0x1B8B  }
0x9f: {  	_ =	swait.ge [sflag:s21], $0x1  }
0xa0: {  	[sflag:s21] =	ssyncset.done $0x0  }
0xa1: {  	s23 =	simm.s32 $0x1B8E;
	s22 =	sld [smem:$0x3FFE];
	[sflag:s21] =	ssyncadd.s32 $0xFFFFFFFF  }
0xa2: {  	s24 =	simm.s32 $execute0_lowered;
	[smem:$0x3FD2] =	sst s23  }
0xa3: {  	s3 =	sshll.u32 s24, $0x1;
	_ =	strace $0x8000004C;
	[dreg:$0x1] =	wrdreg $0xFFFFFFFF  }
0xa4: {  	s25 =	simm.s32 $_size_execute0_lowered;
	s1 =	sadd.s32 s1, s3;
	[dreg:$0x0] =	wrdreg $0x0  }
0xa5: {  	s3 =	sshll.u32 s25, $0x1;
	[dreg:$0x2] =	wrdreg s1  }
0xa6: {  	[dreg:$0x3] =	wrdreg s3  }
0xa7: {  	[dreg:$0x4] =	wrdreg $0xC0  }
0xa8: {  	_ =	task [dreg:s5], $0x5FFFF  }
0xa9: {  	[dreg:$0x1] =	wrdreg $0xFFFFFFFF  }
0xaa: {  	[dreg:$0x0] =	wrdreg $0x60  }
0xab: {  	[dreg:$0x2] =	wrdreg s22  }
0xac: {  	[dreg:$0x3] =	wrdreg s0  }
0xad: {  	[dreg:$0x4] =	wrdreg $0x9  }
0xae: {  	_ =	task.clear_ibuf [dreg:s5], $0x5FFFF;
	_ =	strace $0x9000004C  }
0xaf: {  	s26 =	simm.s32 $0x9;
	_ =	strace $0x8000004E  }
0xb0: {  	_ =	swait.ge [sflag:s26], $0x1  }
0xb1: {  	[sflag:s26] =	ssyncadd.s32 $0xFFFFFFFF  }
0xb2: {  	_ =	strace $0x9000004E  }
0xb3: {  	_ =	sfence  }
0xb4: {  	s28 =	sld [smem:$0x0];
	_ =	sdelay $0x1  }
0xb5: {  	s29 =	srdreg.scid  }
0xb6: {  	s30 =	sshll.u32 s29, $0xD;
	s31 =	sshrl.u32 s29, $0x2  }
0xb7: {  	s2 =	sand.u32 $0x4000, s30;
	s1 =	sand.u32 $0x1, s29;
	s0 =	sadd.s32 s31, s28  }
0xb8: {  	s1 =	sor.u32 s2, s1;
	s0 =	sshll.u32 s0, $0x11  }
0xb9: {  	s0 =	sor.u32 s0, s1  }
0xba: {  	s0 =	sadd.s32 $0x8F2B, s0  }
0xbb: {  	[sflag:s0] =	ssyncadd.remote.s32 $0x1  }
0xbc: {  	_ =	sfence.sel $0xFFFF  }
0xbd: {  	[dreg:$0x0] =	wrdreg $0xFFFFFFFF;
	(pc) =	sbr.abs _section_cstart, $3  }
0xbe: {  	[dreg:$0x1] =	wrdreg $0xFFFFFFFF  }
0xbf: {  	_ =	task.clear_ibuf [dreg:s5], $0x2FFFF;
	_ =	strace $0x9FFFFFFF  }
0xc0: {  	(tm) =	ssettm $0x7FFFFFFF  }
0xc1: {  	_ =	shalt  }
tec
execute0_lowered:
.L_overlay_start_1:
0x0: {  	(tag) =	ssettag $0x1  }
0x1: {  	s0 =	stileid.u32  }
0x2: {  	s1 =	smin.u32 s0, $0x9  }
0x3: {  	s1 =	sadd.s32 s0, s1  }
0x4: {  	s2 =	simm.s32 $0x190;
	p0 =	slt.u32 s0, $0x9;
	s1 =	smul.u32 $0xC8, s1  }
0x5: {  	s2 =	simm.s32 @!p0 $0xC8  }
0x6: {  	s2 =	sadd.s32 s2, s1  }
0x7: {  	s3 =	smin.u32 s2, $0x1388  }
0x8: {  	s7 =	ssub.s32 s3, s1  }
0x9: {  	p0 =	sgt.s32 s7, $0x0  }
0xa: {  	s7 =	simm.s32 @!p0 $0x0  }
0xb: {  	s31 =	sand.u32 $0xFFF8, s7  }
0xc: {  	s2 =	sshrl.u32 s31, $0x3  }
0xd: {  	s4 =	rddreg [dreg:$0x0];
	s2 =	smul.u32 $0x147B, s2  }
0xe: {  	s5 =	rddreg [dreg:$0x1]  }
0xf: {  	s6 =	simm.s32 $0x1;
	s10 =	simm.s32 $0x3;
	s8 =	sshrl.u32 s2, $0x11  }
0x10: {  	s13 =	simm.s32 $0x0;
	s12 =	simm.s32 $0x0;
	s9 =	smul.u32 $0xC8, s8  }
.Ltmp0:
0x11: {  	s11 =	smov.u32 s1;
	s2 =	rddreg [dreg:$0x2];
	(pc) =	sbr.rel .LBB2_1-.Ltmp0, $4  }
0x12: {  	_ =	strace $0x8000004D;
	p0 =	sne.s32 s7, s9;
	s9 =	simm.s32 $0x1  }
0x13: {  	[sflag:s6] =	ssyncpa.u1 $0x0;
	s7 =	simm.s32 $0x2;
	s9 =	simm.s32 @!p0 $0x0  }
0x14: {  	[sflag:s7] =	ssyncpa.u1 $0x0;
	p0 =	por $0x0, $0x0;
	s8 =	sadd.s32 s8, s9  }
0x15: {  	vm0 =	vmmov $0xff;
	vm1 =	vcmask $0x3F20;
	s9 =	sadd.s32 $0x13A00, s4;
	[sflag:s10] =	ssyncpa.u1 $0x0;
	s10 =	sadd.s32 $0x1, s8  }
.LBB2_6:
0x16: {  	[hbm:s17] =	stream.linear.scatter [tilespmem:s14], [sflag:$0x3], $0x400, $0x38;
	[tilespmem:$0xC990] =	vst v63  }
.LBB2_7:
0x17: {  	s13 =	sadd.s32 $0xC8, s11  }
0x18: {  	s15 =	smov.u32 s1;
	p2 =	slt.s32 s13, s3  }
0x19: {  	s15 =	smov.u32 @p2 s13;
	p2 =	sne.s32 s12, s10  }
.Ltmp1:
0x1a: {  	p1 =	slt.u32 s12, $0x2;
	(pc) =	sbr.rel @!p2 .LBB2_8-.Ltmp1, $4  }
0x1b: {  	s14 =	simm.s32 @!p1 $0x3  }
0x1c: {  	s16 =	sadd.s32 $0x1, s12;
	_ =	swait.ge @!p1 [sflag:s14], $0x6400  }
0x1d: {  	p0 =	por !p0, !p0;
	s13 =	smov.u32 s11;
	[sflag:s14] =	ssyncset.done @!p1 $0x0  }
0x1e: {  	s12 =	smov.u32 s16;
	s11 =	smov.u32 s15;
	[sflag:s14] =	ssyncadd.s32 @!p1 $0xFFFF9C00  }
.LBB2_1:
0x1f: {  	p1 =	sge.u32 s12, s8  }
0x20: {  	s14 =	sxor.u32 @!p1 $0xFFFFFFFF, s12  }
0x21: {  	s14 =	sand.u32 @!p1 $0x1, s14  }
0x22: {  	s14 =	smul.u32 @!p1 $0x320, s14  }
0x23: {  	s31 =	sadd.s32 $0xFFFFFFFF, s12;
	s15 =	sshrl.u32 @!p1 s11, $0x3  }
0x24: {  	s16 =	sand.u32 @!p1 $0x7, s11;
	s15 =	sadd.s32 @!p1 s5, s15;
	s14 =	sshrl.u32 @!p1 s14, $0x2  }
0x25: {  	[tilespmem:s14], [sflag:$0x2] =	stream.linear.gather @!p1 [hbm4b:s15+s16], $0xC8, $0x38;
	[tilespmem:$0xC990] =	vst v63  }
0x26: {  	p1 =	sge.u32 s31, s8  }
.Ltmp2:
0x27: {  	_ = 	snop;
	(pc) =	sbr.rel @p1 .LBB2_7-.Ltmp2, $1  }
0x28: {  	_ =	sdelay $0x3  }
0x29: {  	s14 =	simm.s32 $0x1  }
0x2a: {  	s14 =	simm.s32 @!p0 $0x0  }
0x2b: {  	s15 =	smul.u32 $0x320, s14  }
0x2c: {  	_ =	swait.ge [sflag:s7], $0xC8  }
0x2d: {  	[sflag:s7] =	ssyncset.done $0x0;
	s16 =	sshrl.u32 s15, $0x2  }
0x2e: {  	[sflag:s7] =	ssyncadd.s32 $0xFFFFFF38;
	s15 =	sadd.s32 $0x0, s16  }
0x2f: {  	v0 =	vld.msk [tilespmem:s15+$0x0 ss:$0x1], $0xffff;
	_ =	sdelay $0x4  }
0x30: {  	vm2 =	vgt.s32 v0, $0x0  }
0x31: {  	v0 =	vnsel vm2, $0x0, v0  }
0x32: {  	v0 =	vmin.u32 v0, $0x1387  }
0x33: {  	v0 =	vshll.u32 v0, $0x4  }
0x34: {  	s14 =	smul.u32 $0x19000, s14  }
0x35: {  	s31 =	sand.u32 $0x1, s12  }
0x36: {  	s17 =	smul.u32 $0x320, s31;
	s14 =	sshrl.u32 s14, $0x2  }
0x37: {  	s19 =	smul.u32 $0x19000, s31;
	s14 =	sor.u32 $0x190, s14  }
0x38: {  	[tilespmem:s14], [sflag:$0x1] =	stream.indirect_vreg.gather [hbm:s4], $0x80, v0, vm0, $0x38;
	[tilespmem:$0xC990] =	vst v63  }
0x39: {  	s18 =	sshrl.u32 s17, $0x2;
	s20 =	sadd.s32 $0x10, s16;
	s15 =	sadd.s32 $0x400, s14  }
0x3a: {  	[tilespmem:s15], [sflag:$0x1] =	stream.indirect_vreg.gather [hbm:s4], $0x80, v0, vm1, $0x38;
	[tilespmem:$0xC990] =	vst v63  }
0x3b: {  	s17 =	sshrl.u32 s19, $0x2;
	s19 =	smov.u32 s14;
	v0 =	vld.msk [tilespmem:s20+$0x0 ss:$0x1], $0xffff;
	s20 =	simm.s32 $0x80  }
.LBB2_3:
0x3c: {  	p1 =	sne.s32 s20, $0x2C0;
	_ =	sdelay $0x4  }
0x3d: {  	vm2 =	vgt.s32 v0, $0x0  }
0x3e: {  	v0 =	vnsel vm2, $0x0, v0  }
0x3f: {  	v0 =	vmin.u32 v0, $0x1387  }
0x40: {  	v0 =	vshll.u32 v0, $0x4;
	_ =	sdelay $0x3  }
.Ltmp3:
0x41: {  	s21 =	sshra.s32 s20, $0x2;
	s19 =	sadd.s32 $0x800, s19;
	(pc) =	sbr.rel @p1 .LBB2_3-.Ltmp3, $4  }
0x42: {  	[tilespmem:s19], [sflag:$0x1] =	stream.indirect_vreg.gather [hbm:s4], $0x80, v0, vm0, $0x38;
	[tilespmem:$0xC990] =	vst v63  }
0x43: {  	s21 =	sadd.s32 s21, s16;
	s22 =	sadd.s32 $0x400, s19  }
0x44: {  	[tilespmem:s22], [sflag:$0x1] =	stream.indirect_vreg.gather [hbm:s4], $0x80, v0, vm1, $0x38;
	[tilespmem:$0xC990] =	vst v63  }
0x45: {  	s20 =	sadd.s32 $0x40, s20;
	v0 =	vld.msk [tilespmem:s21+$0x0 ss:$0x1], $0xffff  }
0x46: {  	_ =	sdelay $0x3  }
0x47: {  	vm2 =	vgt.s32 v0, $0x0  }
0x48: {  	v0 =	vnsel vm2, $0x0, v0  }
0x49: {  	v0 =	vmin.u32 v0, $0x1387  }
0x4a: {  	v0 =	vshll.u32 v0, $0x4;
	_ =	sdelay $0x3  }
0x4b: {  	s16 =	sadd.s32 $0x800, s19  }
0x4c: {  	[tilespmem:s16], [sflag:$0x1] =	stream.indirect_vreg.gather [hbm:s4], $0x80, v0, vm0, $0x38;
	[tilespmem:$0xC990] =	vst v63  }
0x4d: {  	s16 =	sadd.s32 $0x400, s16  }
0x4e: {  	[tilespmem:s16], [sflag:$0x1] =	stream.indirect_vreg.gather [hbm:s4], $0x80, v0, vm1, $0x38;
	[tilespmem:$0xC990] =	vst v63  }
0x4f: {  	v0 =	vld.msk [tilespmem:s18+$0xC0 ss:$0x1], $0xff;
	_ =	sdelay $0x4  }
0x50: {  	vm2 =	vgt.s32 v0, $0x0  }
0x51: {  	v0 =	vnsel vm2, $0x0, v0  }
0x52: {  	v0 =	vmin.u32 v0, $0x1387  }
0x53: {  	v0 =	vshll.u32 v0, $0x4;
	_ =	sdelay $0x3  }
0x54: {  	s31 =	sadd.s32 $0x6190, s17  }
0x55: {  	[tilespmem:s31], [sflag:$0x1] =	stream.indirect_vreg.gather [hbm:s4], $0x80, v0, vm0, $0x38;
	[tilespmem:$0xC990] =	vst v63  }
0x56: {  	s13 =	sshll.u32 s13, $0x4;
	_ =	swait.ge [sflag:s6], $0x6400  }
0x57: {  	s13 =	sadd.s32 s13, s9;
	[sflag:s6] =	ssyncset.done $0x0  }
0x58: {  	s17 =	sadd.s32 $0x0, s13;
	s16 =	simm.s32 $0x80;
	[sflag:s6] =	ssyncadd.s32 $0xFFFF9C00  }
.LBB2_5:
0x59: {  	[hbm:s17] =	stream.linear.scatter [tilespmem:s14], [sflag:$0x3], $0x400, $0x38;
	[tilespmem:$0xC990] =	vst v63  }
0x5a: {  	s17 =	smov.u32 s16;
	s14 =	smov.u32 s15;
	p1 =	sne.s32 s16, $0xC00  }
.Ltmp4:
0x5b: {  	s16 =	sadd.s32 $0x80, s16;
	(pc) =	sbr.rel @p1 .LBB2_5-.Ltmp4, $2  }
0x5c: {  	_ =	sdelay $0x2  }
0x5d: {  	s15 =	sadd.s32 $0x400, s15;
	s17 =	sadd.s32 s17, s13  }
.Ltmp5:
0x5e: {  	_ = 	snop;
	(pc) =	sbr.rel .LBB2_6-.Ltmp5, $1  }
0x5f: {  	_ =	sdelay $0x3  }
.LBB2_8:
0x60: {  	_ =	sfence.sel $0x180000  }
0x61: {  	s1 =	simm.s32 $0x2;
	[bflag:$0x0] =	sbarrier.arrive $0xFFFF  }
0x62: {  	s30 =	simm.s32 $0x3;
	[sflag:s1] =	ssyncpa.u1 $0x1  }
0x63: {  	s31 =	simm.s32 $0x1;
	[sflag:s30] =	ssyncpa.u1 $0x1  }
0x64: {  	[sflag:s31] =	ssyncpa.u1 $0x1  }
0x65: {  	p0 =	sne.s32 s0, $0x0;
	_ =	strace $0x9000004D  }
0x66: {  	s0 =	sadd.s32 @!p0 $0x100000, s2;
	[bflag:$0x2] =	sbarrier.arrive $0xFFFF  }
0x67: {  	[sflag:s0] =	ssyncadd.tile.s32 @!p0 $0x1;
	_ =	shalt  }
.Lfunc_end2:
_tile_overlayer_lowered:
.L_overlay_start_2:
0x68: {  	(tag) =	ssettag $0x2  }
0x69: {  	s0 =	rddreg [dreg:$0x0];
	s2 =	stileid.u32  }
0x6a: {  	s1 =	rddreg [dreg:$0x1];
	p0 =	sne.s32 s2, $0x0  }
0x6b: {  	s3 =	rddreg [dreg:$0x2];
	[bflag:$0x3] =	sbarrier.arrive $0xFFFF;
	s2 =	simm.s32 @!p0 $0x1C01  }
0x6c: {  	[timem:s3], [sflag:s2] =	dma.local @!p0 [hbm:s0], s1  }
0x6d: {  	s0 =	simm.s32 @!p0 $0x1  }
0x6e: {  	_ =	swait.ge @!p0 [sflag:s0], s1  }
0x6f: {  	s1 =	ssub.s32 @!p0 $0x0, s1;
	[sflag:s0] =	ssyncset.done @!p0 $0x0  }
0x70: {  	[sflag:s0] =	ssyncadd.s32 @!p0 s1  }
0x71: {  	[bflag:$0x3] =	sbarrier.arrive $0xFFFF  }
0x72: {  	_ =	shalt  }

</sc_bundles>
